<compile_context>
chip_gen: v7x
topology: tpu7x:2x2x1
jax: 0.10.2.dev20260603
libtpu: 0.0.44.dev20260713+nightly
codegen_flags: <defaults>
</compile_context>

<pallas_src>
import functools

import jax
import jax.numpy as jnp
from jax import lax
from jax.experimental import pallas as pl
from jax.experimental.pallas import tpu as pltpu
from jax.experimental.pallas import tpu_sc as plsc

NC = 2
NS = 16
NW = NC * NS


def _mesh():
    return plsc.VectorSubcoreMesh(
        core_axis_name="c", subcore_axis_name="s", num_cores=NC, num_subcores=NS
    )



def _make_sc_degree(n, ch, b, ring):
    rows = n // NS

    @functools.partial(
        pl.kernel,
        out_type=jax.ShapeDtypeStruct((NC, n, 8), jnp.float32),
        mesh=_mesh(),
        scratch_types=[
            pltpu.VMEM((ch, b), jnp.int32),
            pltpu.VMEM((b, 8), jnp.float32),
            pltpu.VMEM_SHARED((n, 8), jnp.float32),
            pltpu.SemaphoreType.DMA,
        ],
        compiler_params=pltpu.CompilerParams(use_tc_tiling_on_sc=False),
    )
    def deg_kernel(dst_hbm, ones_hbm, zeros_hbm, out_hbm, idx_v, ones_v, table,
                   ssem):
        c = lax.axis_index("c")
        s = lax.axis_index("s")
        w = c * NS + s
        pltpu.sync_copy(zeros_hbm, table.at[pl.ds(s * rows, rows)])
        pltpu.sync_copy(ones_hbm, ones_v)
        pltpu.sync_copy(dst_hbm.at[w], idx_v)
        plsc.subcore_barrier()

        def body(t, carry):
            base = t * ring
            ds_ = [pltpu.async_copy(ones_v, table.at[idx_v.at[base + r]],
                                    ssem, add=True)
                   for r in range(ring)]
            for d in ds_:
                d.wait()
            return carry

        lax.fori_loop(0, ch // ring, body, 0)
        plsc.subcore_barrier()
        pltpu.sync_copy(table.at[pl.ds(s * rows, rows)],
                        out_hbm.at[c, pl.ds(s * rows, rows)])

    return deg_kernel


def _make_sc_scatter(n, hw, ch, b, ring):
    rows = n // NS

    @functools.partial(
        pl.kernel,
        out_type=jax.ShapeDtypeStruct((NC, n, hw), jnp.float32),
        mesh=_mesh(),
        scratch_types=[
            pltpu.VMEM((ch, b), jnp.int32),
            pltpu.VMEM((ch, b), jnp.int32),
            pltpu.VMEM((ring, b, hw), jnp.float32),
            pltpu.VMEM_SHARED((n, hw), jnp.float32),
        ] + [pltpu.SemaphoreType.DMA] * 9,
        compiler_params=pltpu.CompilerParams(use_tc_tiling_on_sc=False),
    )
    def scat_kernel(src_hbm, dst_hbm, xs_hbm, zeros_hbm, out_hbm,
                    si, di, rowbuf, table, *sems):
        gsems, ssem = sems[:8], sems[8]
        c = lax.axis_index("c")
        s = lax.axis_index("s")
        w = c * NS + s
        pltpu.sync_copy(zeros_hbm, table.at[pl.ds(s * rows, rows)])
        pltpu.sync_copy(src_hbm.at[w], si)
        pltpu.sync_copy(dst_hbm.at[w], di)
        plsc.subcore_barrier()

        def body(t, carry):
            base = t * ring
            gds = [pltpu.async_copy(xs_hbm.at[si.at[base + r]], rowbuf.at[r],
                                    gsems[r])
                   for r in range(ring)]
            for r in range(ring):
                gds[r].wait()
                pltpu.sync_copy(rowbuf.at[r], table.at[di.at[base + r]],
                                add=True)
            return carry

        lax.fori_loop(0, ch // ring, body, 0)
        plsc.subcore_barrier()
        pltpu.sync_copy(table.at[pl.ds(s * rows, rows)],
                        out_hbm.at[c, pl.ds(s * rows, rows)])

    return scat_kernel


def _make_sc_edge(e, h2, ch, b, ew, ring):

    @functools.partial(
        pl.kernel,
        out_type=jax.ShapeDtypeStruct((e, h2), jnp.float32),
        mesh=_mesh(),
        scratch_types=[
            pltpu.VMEM((ch, b), jnp.int32),
            pltpu.VMEM((ch, b), jnp.int32),
            pltpu.VMEM((ring, b, h2), jnp.float32),
            pltpu.SemaphoreType.DMA((8,)),
            pltpu.SemaphoreType.DMA((8,)),
            pltpu.SemaphoreType.DMA,
        ],
    )
    def edge_kernel(src_hbm, dst_hbm, p_hbm, q_hbm, out_hbm, si, di, tbuf,
                    gsem, qsem, wsem):
        c = lax.axis_index("c")
        s = lax.axis_index("s")
        w = c * NS + s
        pltpu.sync_copy(src_hbm.at[w], si)
        pltpu.sync_copy(dst_hbm.at[w], di)

        def body(t, carry):
            base = t * ring
            pds = [pltpu.async_copy(p_hbm.at[si.at[base + r]], tbuf.at[r],
                                    gsem.at[r])
                   for r in range(ring)]
            qds = []
            for r in range(ring):
                pds[r].wait()
                qds.append(pltpu.async_copy(q_hbm.at[di.at[base + r]],
                                            tbuf.at[r], qsem.at[r], add=True))
            wds = []
            for r in range(ring):
                qds[r].wait()
                j = base + r
                wds.append(pltpu.async_copy(
                    tbuf.at[r], out_hbm.at[pl.ds(w * ew + j * b, b)], wsem))
            for d in wds:
                d.wait()
            return carry

        lax.fori_loop(0, ch // ring, body, 0)

    return edge_kernel



def _tc_pre(x, w1, degp):
    n, d = x.shape
    h = w1.shape[1]

    def body(x_ref, w1_ref, degp_ref, xs_ref, dinv_ref):
        deg = degp_ref[0, :, 0:1] + degp_ref[1, :, 0:1] + 1.0
        dinv = 1.0 / jnp.sqrt(deg)
        xw = jnp.dot(x_ref[...], w1_ref[...], preferred_element_type=jnp.float32)
        xs_ref[...] = xw * dinv
        dinv_ref[...] = dinv

    return pl.pallas_call(
        body,
        out_shape=[
            jax.ShapeDtypeStruct((n, h), jnp.float32),
            jax.ShapeDtypeStruct((n, 1), jnp.float32),
        ],
    )(x, w1, degp)


def _tc_mid(acc1, xs1, dinv, b1r, w2):
    n = xs1.shape[0]
    h = w2.shape[0]

    def body(acc_ref, xs_ref, dinv_ref, b1_ref, w2_ref, xs2_ref):
        dinv = dinv_ref[...]
        t = acc_ref[0] + acc_ref[1] + xs_ref[...]
        h1 = jnp.maximum(dinv * t + b1_ref[...], 0.0)
        xw2 = jnp.dot(h1, w2_ref[...], preferred_element_type=jnp.float32)
        xs2_ref[...] = xw2 * dinv

    return pl.pallas_call(
        body,
        out_shape=jax.ShapeDtypeStruct((n, h), jnp.float32),
    )(acc1, xs1, dinv, b1r, w2)


def _tc_post(acc2, xs2, dinv, b2r, wtop, wbot, btop):
    n = xs2.shape[0]
    h = wtop.shape[0]
    h2 = wtop.shape[1]

    def body(acc_ref, xs_ref, dinv_ref, b2_ref, wt_ref, wb_ref, bt_ref,
             p_ref, q_ref):
        dinv = dinv_ref[...]
        t = acc_ref[0] + acc_ref[1] + xs_ref[...]
        hh = dinv * t + b2_ref[...]
        p_ref[...] = jnp.dot(hh, wt_ref[...],
                             preferred_element_type=jnp.float32) + bt_ref[...]
        q_ref[...] = jnp.dot(hh, wb_ref[...],
                             preferred_element_type=jnp.float32)

    return pl.pallas_call(
        body,
        out_shape=[
            jax.ShapeDtypeStruct((n, h2), jnp.float32),
            jax.ShapeDtypeStruct((n, h2), jnp.float32),
        ],
    )(acc2, xs2, dinv, b2r, wtop, wbot, btop)


def _tc_final(t, wcat, bcat, rb):
    e, h2 = t.shape
    co = wcat.shape[1]

    def body(t_ref, w_ref, b_ref, lo_ref, w_out_ref):
        i = pl.program_id(0)
        u = jnp.maximum(t_ref[...], 0.0)
        cat = jnp.dot(u, w_ref[...], preferred_element_type=jnp.float32)
        cat = cat + b_ref[...]
        lo_ref[...] = cat[:, :10]
        z = cat[:, 10]
        w_out_ref[pl.ds(i * rb, rb)] = 1.0 / (1.0 + jnp.exp(-z))

    grid = (e // rb,)
    return pl.pallas_call(
        body,
        grid=grid,
        in_specs=[
            pl.BlockSpec((rb, h2), lambda i: (i, 0)),
            pl.BlockSpec((h2, co), lambda i: (0, 0)),
            pl.BlockSpec((1, co), lambda i: (0, 0)),
        ],
        out_specs=[
            pl.BlockSpec((rb, 10), lambda i: (i, 0)),
            pl.BlockSpec((e,), lambda i: (0,)),
        ],
        out_shape=[
            jax.ShapeDtypeStruct((e, 10), jnp.float32),
            jax.ShapeDtypeStruct((e,), jnp.float32),
        ],
    )(t, wcat, bcat)



def kernel(fact_embeddings, edge_index, W1, b1, W2, b2, Wc1, bc1, Wc2, bc2,
           Ws1, bs1, Ws2, bs2):
    x = fact_embeddings
    n, d = x.shape
    h = W1.shape[1]
    e = edge_index.shape[1]
    h2 = 2 * h

    npad = -(-n // (NS * 8)) * (NS * 8)
    xp = jnp.pad(x, ((0, npad - n), (0, 0)))

    ew = e // NW
    bc = 100
    chc = ew // bc
    be = 80
    che = ew // be

    srcC = edge_index[0].reshape(NW, chc, bc)
    dstC = edge_index[1].reshape(NW, chc, bc)
    ea = (e * 3) // 5
    eb = e - ea
    cha = (ea // NW) // be
    chb = (eb // NW) // be
    srcE1 = edge_index[0, :ea].reshape(NW, cha, be)
    dstE1 = edge_index[1, :ea].reshape(NW, cha, be)
    srcE2 = edge_index[0, ea:].reshape(NW, chb, be)
    dstE2 = edge_index[1, ea:].reshape(NW, chb, be)

    ones_bw = jnp.ones((bc, 8), jnp.float32)
    zeros_n8 = jnp.zeros((npad // NS, 8), jnp.float32)
    zeros_nh = jnp.zeros((npad // NS, h), jnp.float32)

    b1r = b1.reshape(1, h)
    b2r = b2.reshape(1, h)
    wtop = jnp.concatenate([Wc1[:h], Ws1[:h]], axis=1)
    wbot = jnp.concatenate([Wc1[h:], Ws1[h:]], axis=1)
    btop = jnp.concatenate([bc1, bs1]).reshape(1, h2)
    nc2 = Wc2.shape[1]
    z1 = jnp.zeros((h, 16 - nc2 - 1), jnp.float32)
    z2 = jnp.zeros((h, nc2), jnp.float32)
    wcat = jnp.concatenate([
        jnp.concatenate([Wc2, Ws2 * 0.0, z1], axis=1),
        jnp.concatenate([z2, Ws2, z1], axis=1),
    ], axis=0)
    bcat = jnp.concatenate([bc2, bs2, jnp.zeros((16 - nc2 - 1,), jnp.float32)])
    bcat = bcat.reshape(1, 16)

    degp = _make_sc_degree(npad, chc, bc, 4)(dstC, ones_bw, zeros_n8)
    xs1, dinv = _tc_pre(xp, W1, degp)
    acc1 = _make_sc_scatter(npad, h, chc, bc, 5)(srcC, dstC, xs1, zeros_nh)
    xs2 = _tc_mid(acc1, xs1, dinv, b1r, W2)
    acc2 = _make_sc_scatter(npad, h, chc, bc, 5)(srcC, dstC, xs2, zeros_nh)
    p, q = _tc_post(acc2, xs2, dinv, b2r, wtop, wbot, btop)
    t1 = _make_sc_edge(ea, h2, cha, be, ea // NW, 5)(srcE1, dstE1, p, q)
    t2 = _make_sc_edge(eb, h2, chb, be, eb // NW, 5)(srcE2, dstE2, p, q)
    lo1, wr1 = _tc_final(t1, wcat, bcat, rb=6400)
    lo2, wr2 = _tc_final(t2, wcat, bcat, rb=6400)
    logits = jnp.concatenate([lo1, lo2], axis=0)
    w2 = jnp.concatenate([wr1, wr2], axis=0)
    return (logits, w2)

# --- scband reference (transcript-rebuilt; emitter-appended) ---
"""Pipeline reference for scband-relation-network-76209899700916 (READ-ONLY COPY).

The authoritative reference and input builder live on the scoring server;
editing this copy changes nothing except your own understanding.
"""

import jax, jax.numpy as jnp
import numpy as np

N = 10000
E = 320000
D = 128
H = 64
C = 10

def setup_inputs(seed: int = 0):
    key = jax.random.key(seed)
    ks = jax.random.split(key, 8)
    s = 0.05
    return {
        "fact_embeddings": jax.random.normal(ks[0], (N, D), dtype=jnp.float32),
        "edge_index": jax.random.randint(ks[1], (2, E), 0, N, dtype=jnp.int32),
        "W1": jax.random.normal(ks[2], (D, H), dtype=jnp.float32) * s,
        "b1": jnp.zeros((H,), dtype=jnp.float32),
        "W2": jax.random.normal(ks[3], (H, H), dtype=jnp.float32) * s,
        "b2": jnp.zeros((H,), dtype=jnp.float32),
        "Wc1": jax.random.normal(ks[4], (2 * H, H), dtype=jnp.float32) * s,
        "bc1": jnp.zeros((H,), dtype=jnp.float32),
        "Wc2": jax.random.normal(ks[5], (H, C), dtype=jnp.float32) * s,
        "bc2": jnp.zeros((C,), dtype=jnp.float32),
        "Ws1": jax.random.normal(ks[6], (2 * H, H), dtype=jnp.float32) * s,
        "bs1": jnp.zeros((H,), dtype=jnp.float32),
        "Ws2": jax.random.normal(ks[7], (H, 1), dtype=jnp.float32) * s,
        "bs2": jnp.zeros((1,), dtype=jnp.float32),
    }

def _gcn_conv(x, W, b, src, dst, n):
    # PyG GCNConv: linear transform, add self-loops, symmetric normalization, scatter-add, bias
    x = x @ W
    loop = jnp.arange(n, dtype=src.dtype)
    s2 = jnp.concatenate([src, loop])
    d2 = jnp.concatenate([dst, loop])
    deg = jax.ops.segment_sum(jnp.ones(s2.shape[0], dtype=x.dtype), d2, num_segments=n)
    dinv = jnp.where(deg > 0, 1.0 / jnp.sqrt(deg), 0.0)
    norm = dinv[s2] * dinv[d2]
    out = jax.ops.segment_sum(x[s2] * norm[:, None], d2, num_segments=n)
    return out + b

def reference(fact_embeddings, edge_index, W1, b1, W2, b2, Wc1, bc1, Wc2, bc2, Ws1, bs1, Ws2, bs2):
    n = fact_embeddings.shape[0]
    src, dst = edge_index[0], edge_index[1]
    h = _gcn_conv(fact_embeddings, W1, b1, src, dst, n)
    h = jax.nn.relu(h)  # dropout = identity in eval mode
    h = _gcn_conv(h, W2, b2, src, dst, n)
    ef = jnp.concatenate([h[src], h[dst]], axis=-1)
    predicate_logits = jax.nn.relu(ef @ Wc1 + bc1) @ Wc2 + bc2
    relation_weights = jax.nn.sigmoid(jax.nn.relu(ef @ Ws1 + bs1) @ Ws2 + bs2)[:, 0]
    return (predicate_logits, relation_weights)

if __name__ == "__main__":
    import jax
    _d = setup_inputs()
    print(jax.jit(kernel)(*tuple(_d.values())))

</pallas_src>

<mosaic_0001>
#map = affine_map<(d0, d1) -> (0, 0, 0)>
#map1 = affine_map<(d0, d1) -> (0, 0)>
module attributes {stable_mosaic.version = 14 : i64} {
  func.func @scat_kernel(%arg0: i32, %arg1: i32, %arg2: memref<32x100x100xi32, #tpu.memory_space<hbm>>, %arg3: memref<32x100x100xi32, #tpu.memory_space<hbm>>, %arg4: memref<10112x64xf32, #tpu.memory_space<hbm>>, %arg5: memref<632x64xf32, #tpu.memory_space<hbm>>, %arg6: memref<2x10112x64xf32, #tpu.memory_space<hbm>>, %arg7: memref<100x100xi32, #tpu.memory_space<vmem>>, %arg8: memref<100x100xi32, #tpu.memory_space<vmem>>, %arg9: memref<5x100x64xf32, #tpu.memory_space<vmem>>, %arg10: memref<10112x64xf32, #tpu.memory_space<vmem_shared>>, %arg11: memref<!tpu.dma_semaphore, #tpu.memory_space<semaphore_mem>>, %arg12: memref<!tpu.dma_semaphore, #tpu.memory_space<semaphore_mem>>, %arg13: memref<!tpu.dma_semaphore, #tpu.memory_space<semaphore_mem>>, %arg14: memref<!tpu.dma_semaphore, #tpu.memory_space<semaphore_mem>>, %arg15: memref<!tpu.dma_semaphore, #tpu.memory_space<semaphore_mem>>, %arg16: memref<!tpu.dma_semaphore, #tpu.memory_space<semaphore_mem>>, %arg17: memref<!tpu.dma_semaphore, #tpu.memory_space<semaphore_mem>>, %arg18: memref<!tpu.dma_semaphore, #tpu.memory_space<semaphore_mem>>, %arg19: memref<!tpu.dma_semaphore, #tpu.memory_space<semaphore_mem>>) attributes {dimension_semantics = [#tpu.dimension_semantics<core_parallel>, #tpu.dimension_semantics<subcore_parallel>], iteration_bounds = array<i64: 2, 16>, scalar_prefetch = 0 : i64, scratch_operands = 13 : i64, tpu.core_type = #tpu.core_type<sc_vector_subcore>, window_params = [{transform_indices = #map}, {transform_indices = #map}, {transform_indices = #map1}, {transform_indices = #map1}, {transform_indices = #map}]} {
    %mul3A = arith.constant 16 : i32
    %mul3A_0 = arith.muli %arg0, %mul3A : i32
    %add3A = arith.addi %mul3A_0, %arg1 : i32
    %mul3A_1 = arith.constant 632 : i32
    %mul3A_2 = arith.muli %arg1, %mul3A_1 : i32
    "tpu.region"() ({
      %run_scoped3A = tpu.sem_alloc : memref<!tpu.dma_semaphore, #tpu.memory_space<semaphore_mem>>
      %dma_start3A = arith.constant 0 : i32
      %dma_start3A_13 = tpu.memref_slice %arg10[%mul3A_2, %dma_start3A] : memref<10112x64xf32, #tpu.memory_space<vmem_shared>> -> memref<632x64xf32, #tpu.memory_space<vmem_shared>>
      tpu.enqueue_dma source(%arg5 : memref<632x64xf32, #tpu.memory_space<hbm>>) target(%dma_start3A_13 : memref<632x64xf32, #tpu.memory_space<vmem_shared>>) target_semaphore(%run_scoped3A : memref<!tpu.dma_semaphore, #tpu.memory_space<semaphore_mem>>)
      %dma_wait3A = arith.constant 0 : i32
      %dma_wait3A_14 = tpu.memref_slice %arg10[%mul3A_2, %dma_wait3A] : memref<10112x64xf32, #tpu.memory_space<vmem_shared>> -> memref<632x64xf32, #tpu.memory_space<vmem_shared>>
      tpu.wait_dma2 semaphore(%run_scoped3A : memref<!tpu.dma_semaphore, #tpu.memory_space<semaphore_mem>>) src(%arg5 : memref<632x64xf32, #tpu.memory_space<hbm>>) dst(%dma_wait3A_14 : memref<632x64xf32, #tpu.memory_space<vmem_shared>>)
      tpu.yield
    }) : () -> ()
    "tpu.region"() ({
      %run_scoped3A = tpu.sem_alloc : memref<!tpu.dma_semaphore, #tpu.memory_space<semaphore_mem>>
      %dma_start3A = arith.constant 0 : i32
      %dma_start3A_13 = arith.constant 0 : i32
      %dma_start3A_14 = tpu.memref_slice %arg2[%add3A, %dma_start3A, %dma_start3A_13] : memref<32x100x100xi32, #tpu.memory_space<hbm>> -> memref<1x100x100xi32, #tpu.memory_space<hbm>>
      %dma_start3A_15 = tpu.memref_squeeze %dma_start3A_14 : memref<1x100x100xi32, #tpu.memory_space<hbm>> -> memref<100x100xi32, #tpu.memory_space<hbm>>
      %dma_start3A_16 = arith.constant 0 : i32
      %dma_start3A_17 = arith.constant 0 : i32
      %dma_start3A_18 = tpu.memref_slice %arg2[%add3A, %dma_start3A_16, %dma_start3A_17] : memref<32x100x100xi32, #tpu.memory_space<hbm>> -> memref<1x100x100xi32, #tpu.memory_space<hbm>>
      %dma_start3A_19 = tpu.memref_squeeze %dma_start3A_18 : memref<1x100x100xi32, #tpu.memory_space<hbm>> -> memref<100x100xi32, #tpu.memory_space<hbm>>
      tpu.enqueue_dma source(%dma_start3A_19 : memref<100x100xi32, #tpu.memory_space<hbm>>) target(%arg7 : memref<100x100xi32, #tpu.memory_space<vmem>>) target_semaphore(%run_scoped3A : memref<!tpu.dma_semaphore, #tpu.memory_space<semaphore_mem>>)
      %dma_wait3A = arith.constant 0 : i32
      %dma_wait3A_20 = arith.constant 0 : i32
      %dma_wait3A_21 = tpu.memref_slice %arg2[%add3A, %dma_wait3A, %dma_wait3A_20] : memref<32x100x100xi32, #tpu.memory_space<hbm>> -> memref<1x100x100xi32, #tpu.memory_space<hbm>>
      %dma_wait3A_22 = tpu.memref_squeeze %dma_wait3A_21 : memref<1x100x100xi32, #tpu.memory_space<hbm>> -> memref<100x100xi32, #tpu.memory_space<hbm>>
      %dma_wait3A_23 = arith.constant 0 : i32
      %dma_wait3A_24 = arith.constant 0 : i32
      %dma_wait3A_25 = tpu.memref_slice %arg2[%add3A, %dma_wait3A_23, %dma_wait3A_24] : memref<32x100x100xi32, #tpu.memory_space<hbm>> -> memref<1x100x100xi32, #tpu.memory_space<hbm>>
      %dma_wait3A_26 = tpu.memref_squeeze %dma_wait3A_25 : memref<1x100x100xi32, #tpu.memory_space<hbm>> -> memref<100x100xi32, #tpu.memory_space<hbm>>
      tpu.wait_dma2 semaphore(%run_scoped3A : memref<!tpu.dma_semaphore, #tpu.memory_space<semaphore_mem>>) src(%dma_wait3A_26 : memref<100x100xi32, #tpu.memory_space<hbm>>) dst(%arg7 : memref<100x100xi32, #tpu.memory_space<vmem>>)
      tpu.yield
    }) : () -> ()
    "tpu.region"() ({
      %run_scoped3A = tpu.sem_alloc : memref<!tpu.dma_semaphore, #tpu.memory_space<semaphore_mem>>
      %dma_start3A = arith.constant 0 : i32
      %dma_start3A_13 = arith.constant 0 : i32
      %dma_start3A_14 = tpu.memref_slice %arg3[%add3A, %dma_start3A, %dma_start3A_13] : memref<32x100x100xi32, #tpu.memory_space<hbm>> -> memref<1x100x100xi32, #tpu.memory_space<hbm>>
      %dma_start3A_15 = tpu.memref_squeeze %dma_start3A_14 : memref<1x100x100xi32, #tpu.memory_space<hbm>> -> memref<100x100xi32, #tpu.memory_space<hbm>>
      %dma_start3A_16 = arith.constant 0 : i32
      %dma_start3A_17 = arith.constant 0 : i32
      %dma_start3A_18 = tpu.memref_slice %arg3[%add3A, %dma_start3A_16, %dma_start3A_17] : memref<32x100x100xi32, #tpu.memory_space<hbm>> -> memref<1x100x100xi32, #tpu.memory_space<hbm>>
      %dma_start3A_19 = tpu.memref_squeeze %dma_start3A_18 : memref<1x100x100xi32, #tpu.memory_space<hbm>> -> memref<100x100xi32, #tpu.memory_space<hbm>>
      tpu.enqueue_dma source(%dma_start3A_19 : memref<100x100xi32, #tpu.memory_space<hbm>>) target(%arg8 : memref<100x100xi32, #tpu.memory_space<vmem>>) target_semaphore(%run_scoped3A : memref<!tpu.dma_semaphore, #tpu.memory_space<semaphore_mem>>)
      %dma_wait3A = arith.constant 0 : i32
      %dma_wait3A_20 = arith.constant 0 : i32
      %dma_wait3A_21 = tpu.memref_slice %arg3[%add3A, %dma_wait3A, %dma_wait3A_20] : memref<32x100x100xi32, #tpu.memory_space<hbm>> -> memref<1x100x100xi32, #tpu.memory_space<hbm>>
      %dma_wait3A_22 = tpu.memref_squeeze %dma_wait3A_21 : memref<1x100x100xi32, #tpu.memory_space<hbm>> -> memref<100x100xi32, #tpu.memory_space<hbm>>
      %dma_wait3A_23 = arith.constant 0 : i32
      %dma_wait3A_24 = arith.constant 0 : i32
      %dma_wait3A_25 = tpu.memref_slice %arg3[%add3A, %dma_wait3A_23, %dma_wait3A_24] : memref<32x100x100xi32, #tpu.memory_space<hbm>> -> memref<1x100x100xi32, #tpu.memory_space<hbm>>
      %dma_wait3A_26 = tpu.memref_squeeze %dma_wait3A_25 : memref<1x100x100xi32, #tpu.memory_space<hbm>> -> memref<100x100xi32, #tpu.memory_space<hbm>>
      tpu.wait_dma2 semaphore(%run_scoped3A : memref<!tpu.dma_semaphore, #tpu.memory_space<semaphore_mem>>) src(%dma_wait3A_26 : memref<100x100xi32, #tpu.memory_space<hbm>>) dst(%arg8 : memref<100x100xi32, #tpu.memory_space<vmem>>)
      tpu.yield
    }) : () -> ()
    %barrier3A = arith.constant 0 : index
    tpu.barrier barrier_id(%barrier3A)
    %scan3A = arith.constant 0 : i32
    %scan3A_3 = arith.constant 0 : i32
    %scan3A_4 = arith.constant 20 : i32
    %scan3A_5 = arith.addi %scan3A_3, %scan3A_4 : i32
    %scan3A_6 = arith.constant 1 : i32
    scf.for %scan3A_13 = %scan3A_3 to %scan3A_5 step %scan3A_6  : i32 {
      %mul3A_14 = arith.constant 5 : i32
      %mul3A_15 = arith.muli %scan3A_13, %mul3A_14 : i32
      %add3A_16 = arith.constant 0 : i32
      %add3A_17 = arith.addi %mul3A_15, %add3A_16 : i32
      %dma_start3A = arith.constant 0 : i32
      %dma_start3A_18 = arith.constant 0 : i32
      %dma_start3A_19 = arith.constant 0 : i32
      %dma_start3A_20 = tpu.memref_slice %arg9[%dma_start3A, %dma_start3A_18, %dma_start3A_19] : memref<5x100x64xf32, #tpu.memory_space<vmem>> -> memref<1x100x64xf32, #tpu.memory_space<vmem>>
      %dma_start3A_21 = tpu.memref_squeeze %dma_start3A_20 : memref<1x100x64xf32, #tpu.memory_space<vmem>> -> memref<100x64xf32, #tpu.memory_space<vmem>>
      %dma_start3A_22 = arith.constant 0 : i32
      %dma_start3A_23 = tpu.memref_slice %arg7[%add3A_17, %dma_start3A_22] : memref<100x100xi32, #tpu.memory_space<vmem>> -> memref<1x100xi32, #tpu.memory_space<vmem>>
      %dma_start3A_24 = tpu.memref_squeeze %dma_start3A_23 : memref<1x100xi32, #tpu.memory_space<vmem>> -> memref<100xi32, #tpu.memory_space<vmem>>
      %dma_start3A_25 = arith.constant 0 : i32
      %dma_start3A_26 = arith.constant 0 : i32
      %dma_start3A_27 = tpu.memref_slice %arg4[%dma_start3A_25, %dma_start3A_26] : memref<10112x64xf32, #tpu.memory_space<hbm>> -> memref<10112x64xf32, #tpu.memory_space<hbm>>
      tpu.enqueue_indirect_dma source(%dma_start3A_27 : memref<10112x64xf32, #tpu.memory_space<hbm>>) target(%dma_start3A_21 : memref<100x64xf32, #tpu.memory_space<vmem>>) offsets(%dma_start3A_24 : memref<100xi32, #tpu.memory_space<vmem>>) semaphore(%arg11 : memref<!tpu.dma_semaphore, #tpu.memory_space<semaphore_mem>>)
      %add3A_28 = arith.constant 1 : i32
      %add3A_29 = arith.addi %mul3A_15, %add3A_28 : i32
      %dma_start3A_30 = arith.constant 1 : i32
      %dma_start3A_31 = arith.constant 0 : i32
      %dma_start3A_32 = arith.constant 0 : i32
      %dma_start3A_33 = tpu.memref_slice %arg9[%dma_start3A_30, %dma_start3A_31, %dma_start3A_32] : memref<5x100x64xf32, #tpu.memory_space<vmem>> -> memref<1x100x64xf32, #tpu.memory_space<vmem>>
      %dma_start3A_34 = tpu.memref_squeeze %dma_start3A_33 : memref<1x100x64xf32, #tpu.memory_space<vmem>> -> memref<100x64xf32, #tpu.memory_space<vmem>>
      %dma_start3A_35 = arith.constant 0 : i32
      %dma_start3A_36 = tpu.memref_slice %arg7[%add3A_29, %dma_start3A_35] : memref<100x100xi32, #tpu.memory_space<vmem>> -> memref<1x100xi32, #tpu.memory_space<vmem>>
      %dma_start3A_37 = tpu.memref_squeeze %dma_start3A_36 : memref<1x100xi32, #tpu.memory_space<vmem>> -> memref<100xi32, #tpu.memory_space<vmem>>
      %dma_start3A_38 = arith.constant 0 : i32
      %dma_start3A_39 = arith.constant 0 : i32
      %dma_start3A_40 = tpu.memref_slice %arg4[%dma_start3A_38, %dma_start3A_39] : memref<10112x64xf32, #tpu.memory_space<hbm>> -> memref<10112x64xf32, #tpu.memory_space<hbm>>
      tpu.enqueue_indirect_dma source(%dma_start3A_40 : memref<10112x64xf32, #tpu.memory_space<hbm>>) target(%dma_start3A_34 : memref<100x64xf32, #tpu.memory_space<vmem>>) offsets(%dma_start3A_37 : memref<100xi32, #tpu.memory_space<vmem>>) semaphore(%arg12 : memref<!tpu.dma_semaphore, #tpu.memory_space<semaphore_mem>>)
      %add3A_41 = arith.constant 2 : i32
      %add3A_42 = arith.addi %mul3A_15, %add3A_41 : i32
      %dma_start3A_43 = arith.constant 2 : i32
      %dma_start3A_44 = arith.constant 0 : i32
      %dma_start3A_45 = arith.constant 0 : i32
      %dma_start3A_46 = tpu.memref_slice %arg9[%dma_start3A_43, %dma_start3A_44, %dma_start3A_45] : memref<5x100x64xf32, #tpu.memory_space<vmem>> -> memref<1x100x64xf32, #tpu.memory_space<vmem>>
      %dma_start3A_47 = tpu.memref_squeeze %dma_start3A_46 : memref<1x100x64xf32, #tpu.memory_space<vmem>> -> memref<100x64xf32, #tpu.memory_space<vmem>>
      %dma_start3A_48 = arith.constant 0 : i32
      %dma_start3A_49 = tpu.memref_slice %arg7[%add3A_42, %dma_start3A_48] : memref<100x100xi32, #tpu.memory_space<vmem>> -> memref<1x100xi32, #tpu.memory_space<vmem>>
      %dma_start3A_50 = tpu.memref_squeeze %dma_start3A_49 : memref<1x100xi32, #tpu.memory_space<vmem>> -> memref<100xi32, #tpu.memory_space<vmem>>
      %dma_start3A_51 = arith.constant 0 : i32
      %dma_start3A_52 = arith.constant 0 : i32
      %dma_start3A_53 = tpu.memref_slice %arg4[%dma_start3A_51, %dma_start3A_52] : memref<10112x64xf32, #tpu.memory_space<hbm>> -> memref<10112x64xf32, #tpu.memory_space<hbm>>
      tpu.enqueue_indirect_dma source(%dma_start3A_53 : memref<10112x64xf32, #tpu.memory_space<hbm>>) target(%dma_start3A_47 : memref<100x64xf32, #tpu.memory_space<vmem>>) offsets(%dma_start3A_50 : memref<100xi32, #tpu.memory_space<vmem>>) semaphore(%arg13 : memref<!tpu.dma_semaphore, #tpu.memory_space<semaphore_mem>>)
      %add3A_54 = arith.constant 3 : i32
      %add3A_55 = arith.addi %mul3A_15, %add3A_54 : i32
      %dma_start3A_56 = arith.constant 3 : i32
      %dma_start3A_57 = arith.constant 0 : i32
      %dma_start3A_58 = arith.constant 0 : i32
      %dma_start3A_59 = tpu.memref_slice %arg9[%dma_start3A_56, %dma_start3A_57, %dma_start3A_58] : memref<5x100x64xf32, #tpu.memory_space<vmem>> -> memref<1x100x64xf32, #tpu.memory_space<vmem>>
      %dma_start3A_60 = tpu.memref_squeeze %dma_start3A_59 : memref<1x100x64xf32, #tpu.memory_space<vmem>> -> memref<100x64xf32, #tpu.memory_space<vmem>>
      %dma_start3A_61 = arith.constant 0 : i32
      %dma_start3A_62 = tpu.memref_slice %arg7[%add3A_55, %dma_start3A_61] : memref<100x100xi32, #tpu.memory_space<vmem>> -> memref<1x100xi32, #tpu.memory_space<vmem>>
      %dma_start3A_63 = tpu.memref_squeeze %dma_start3A_62 : memref<1x100xi32, #tpu.memory_space<vmem>> -> memref<100xi32, #tpu.memory_space<vmem>>
      %dma_start3A_64 = arith.constant 0 : i32
      %dma_start3A_65 = arith.constant 0 : i32
      %dma_start3A_66 = tpu.memref_slice %arg4[%dma_start3A_64, %dma_start3A_65] : memref<10112x64xf32, #tpu.memory_space<hbm>> -> memref<10112x64xf32, #tpu.memory_space<hbm>>
      tpu.enqueue_indirect_dma source(%dma_start3A_66 : memref<10112x64xf32, #tpu.memory_space<hbm>>) target(%dma_start3A_60 : memref<100x64xf32, #tpu.memory_space<vmem>>) offsets(%dma_start3A_63 : memref<100xi32, #tpu.memory_space<vmem>>) semaphore(%arg14 : memref<!tpu.dma_semaphore, #tpu.memory_space<semaphore_mem>>)
      %add3A_67 = arith.constant 4 : i32
      %add3A_68 = arith.addi %mul3A_15, %add3A_67 : i32
      %dma_start3A_69 = arith.constant 4 : i32
      %dma_start3A_70 = arith.constant 0 : i32
      %dma_start3A_71 = arith.constant 0 : i32
      %dma_start3A_72 = tpu.memref_slice %arg9[%dma_start3A_69, %dma_start3A_70, %dma_start3A_71] : memref<5x100x64xf32, #tpu.memory_space<vmem>> -> memref<1x100x64xf32, #tpu.memory_space<vmem>>
      %dma_start3A_73 = tpu.memref_squeeze %dma_start3A_72 : memref<1x100x64xf32, #tpu.memory_space<vmem>> -> memref<100x64xf32, #tpu.memory_space<vmem>>
      %dma_start3A_74 = arith.constant 0 : i32
      %dma_start3A_75 = tpu.memref_slice %arg7[%add3A_68, %dma_start3A_74] : memref<100x100xi32, #tpu.memory_space<vmem>> -> memref<1x100xi32, #tpu.memory_space<vmem>>
      %dma_start3A_76 = tpu.memref_squeeze %dma_start3A_75 : memref<1x100xi32, #tpu.memory_space<vmem>> -> memref<100xi32, #tpu.memory_space<vmem>>
      %dma_start3A_77 = arith.constant 0 : i32
      %dma_start3A_78 = arith.constant 0 : i32
      %dma_start3A_79 = tpu.memref_slice %arg4[%dma_start3A_77, %dma_start3A_78] : memref<10112x64xf32, #tpu.memory_space<hbm>> -> memref<10112x64xf32, #tpu.memory_space<hbm>>
      tpu.enqueue_indirect_dma source(%dma_start3A_79 : memref<10112x64xf32, #tpu.memory_space<hbm>>) target(%dma_start3A_73 : memref<100x64xf32, #tpu.memory_space<vmem>>) offsets(%dma_start3A_76 : memref<100xi32, #tpu.memory_space<vmem>>) semaphore(%arg15 : memref<!tpu.dma_semaphore, #tpu.memory_space<semaphore_mem>>)
      %dma_wait3A = arith.constant 0 : i32
      %dma_wait3A_80 = arith.constant 0 : i32
      %dma_wait3A_81 = arith.constant 0 : i32
      %dma_wait3A_82 = tpu.memref_slice %arg9[%dma_wait3A, %dma_wait3A_80, %dma_wait3A_81] : memref<5x100x64xf32, #tpu.memory_space<vmem>> -> memref<1x100x64xf32, #tpu.memory_space<vmem>>
      %dma_wait3A_83 = tpu.memref_squeeze %dma_wait3A_82 : memref<1x100x64xf32, #tpu.memory_space<vmem>> -> memref<100x64xf32, #tpu.memory_space<vmem>>
      %dma_wait3A_84 = arith.constant 0 : i32
      %dma_wait3A_85 = tpu.memref_slice %arg7[%add3A_17, %dma_wait3A_84] : memref<100x100xi32, #tpu.memory_space<vmem>> -> memref<1x100xi32, #tpu.memory_space<vmem>>
      %dma_wait3A_86 = tpu.memref_squeeze %dma_wait3A_85 : memref<1x100xi32, #tpu.memory_space<vmem>> -> memref<100xi32, #tpu.memory_space<vmem>>
      %dma_wait3A_87 = arith.constant 0 : i32
      %dma_wait3A_88 = arith.constant 0 : i32
      %dma_wait3A_89 = tpu.memref_slice %arg4[%dma_wait3A_87, %dma_wait3A_88] : memref<10112x64xf32, #tpu.memory_space<hbm>> -> memref<10112x64xf32, #tpu.memory_space<hbm>>
      tpu.wait_indirect_dma semaphore(%arg11 : memref<!tpu.dma_semaphore, #tpu.memory_space<semaphore_mem>>) src(%dma_wait3A_89 : memref<10112x64xf32, #tpu.memory_space<hbm>>) dst(%dma_wait3A_83 : memref<100x64xf32, #tpu.memory_space<vmem>>)
      %add3A_90 = arith.constant 0 : i32
      %add3A_91 = arith.addi %mul3A_15, %add3A_90 : i32
      %run_scoped3A = arith.constant 0 : i32
      "tpu.region"() ({
        %run_scoped3A_148 = tpu.sem_alloc : memref<!tpu.dma_semaphore, #tpu.memory_space<semaphore_mem>>
        %dma_start3A_149 = arith.constant 0 : i32
        %dma_start3A_150 = arith.constant 0 : i32
        %dma_start3A_151 = tpu.memref_slice %arg9[%run_scoped3A, %dma_start3A_149, %dma_start3A_150] : memref<5x100x64xf32, #tpu.memory_space<vmem>> -> memref<1x100x64xf32, #tpu.memory_space<vmem>>
        %dma_start3A_152 = tpu.memref_squeeze %dma_start3A_151 : memref<1x100x64xf32, #tpu.memory_space<vmem>> -> memref<100x64xf32, #tpu.memory_space<vmem>>
        %dma_start3A_153 = arith.constant 0 : i32
        %dma_start3A_154 = tpu.memref_slice %arg8[%add3A_91, %dma_start3A_153] : memref<100x100xi32, #tpu.memory_space<vmem>> -> memref<1x100xi32, #tpu.memory_space<vmem>>
        %dma_start3A_155 = tpu.memref_squeeze %dma_start3A_154 : memref<1x100xi32, #tpu.memory_space<vmem>> -> memref<100xi32, #tpu.memory_space<vmem>>
        %dma_start3A_156 = arith.constant 0 : i32
        %dma_start3A_157 = arith.constant 0 : i32
        %dma_start3A_158 = tpu.memref_slice %arg10[%dma_start3A_156, %dma_start3A_157] : memref<10112x64xf32, #tpu.memory_space<vmem_shared>> -> memref<10112x64xf32, #tpu.memory_space<vmem_shared>>
        tpu.enqueue_indirect_dma source(%dma_start3A_152 : memref<100x64xf32, #tpu.memory_space<vmem>>) target(%dma_start3A_158 : memref<10112x64xf32, #tpu.memory_space<vmem_shared>>) offsets(%dma_start3A_155 : memref<100xi32, #tpu.memory_space<vmem>>) semaphore(%run_scoped3A_148 : memref<!tpu.dma_semaphore, #tpu.memory_space<semaphore_mem>>) {add = true}
        %dma_wait3A_159 = arith.constant 0 : i32
        %dma_wait3A_160 = arith.constant 0 : i32
        %dma_wait3A_161 = tpu.memref_slice %arg9[%run_scoped3A, %dma_wait3A_159, %dma_wait3A_160] : memref<5x100x64xf32, #tpu.memory_space<vmem>> -> memref<1x100x64xf32, #tpu.memory_space<vmem>>
        %dma_wait3A_162 = tpu.memref_squeeze %dma_wait3A_161 : memref<1x100x64xf32, #tpu.memory_space<vmem>> -> memref<100x64xf32, #tpu.memory_space<vmem>>
        %dma_wait3A_163 = arith.constant 0 : i32
        %dma_wait3A_164 = tpu.memref_slice %arg8[%add3A_91, %dma_wait3A_163] : memref<100x100xi32, #tpu.memory_space<vmem>> -> memref<1x100xi32, #tpu.memory_space<vmem>>
        %dma_wait3A_165 = tpu.memref_squeeze %dma_wait3A_164 : memref<1x100xi32, #tpu.memory_space<vmem>> -> memref<100xi32, #tpu.memory_space<vmem>>
        %dma_wait3A_166 = arith.constant 0 : i32
        %dma_wait3A_167 = arith.constant 0 : i32
        %dma_wait3A_168 = tpu.memref_slice %arg10[%dma_wait3A_166, %dma_wait3A_167] : memref<10112x64xf32, #tpu.memory_space<vmem_shared>> -> memref<10112x64xf32, #tpu.memory_space<vmem_shared>>
        tpu.wait_indirect_dma semaphore(%run_scoped3A_148 : memref<!tpu.dma_semaphore, #tpu.memory_space<semaphore_mem>>) src(%dma_wait3A_162 : memref<100x64xf32, #tpu.memory_space<vmem>>) dst(%dma_wait3A_168 : memref<10112x64xf32, #tpu.memory_space<vmem_shared>>)
        tpu.yield
      }) : () -> ()
      %dma_wait3A_92 = arith.constant 1 : i32
      %dma_wait3A_93 = arith.constant 0 : i32
      %dma_wait3A_94 = arith.constant 0 : i32
      %dma_wait3A_95 = tpu.memref_slice %arg9[%dma_wait3A_92, %dma_wait3A_93, %dma_wait3A_94] : memref<5x100x64xf32, #tpu.memory_space<vmem>> -> memref<1x100x64xf32, #tpu.memory_space<vmem>>
      %dma_wait3A_96 = tpu.memref_squeeze %dma_wait3A_95 : memref<1x100x64xf32, #tpu.memory_space<vmem>> -> memref<100x64xf32, #tpu.memory_space<vmem>>
      %dma_wait3A_97 = arith.constant 0 : i32
      %dma_wait3A_98 = tpu.memref_slice %arg7[%add3A_29, %dma_wait3A_97] : memref<100x100xi32, #tpu.memory_space<vmem>> -> memref<1x100xi32, #tpu.memory_space<vmem>>
      %dma_wait3A_99 = tpu.memref_squeeze %dma_wait3A_98 : memref<1x100xi32, #tpu.memory_space<vmem>> -> memref<100xi32, #tpu.memory_space<vmem>>
      %dma_wait3A_100 = arith.constant 0 : i32
      %dma_wait3A_101 = arith.constant 0 : i32
      %dma_wait3A_102 = tpu.memref_slice %arg4[%dma_wait3A_100, %dma_wait3A_101] : memref<10112x64xf32, #tpu.memory_space<hbm>> -> memref<10112x64xf32, #tpu.memory_space<hbm>>
      tpu.wait_indirect_dma semaphore(%arg12 : memref<!tpu.dma_semaphore, #tpu.memory_space<semaphore_mem>>) src(%dma_wait3A_102 : memref<10112x64xf32, #tpu.memory_space<hbm>>) dst(%dma_wait3A_96 : memref<100x64xf32, #tpu.memory_space<vmem>>)
      %add3A_103 = arith.constant 1 : i32
      %add3A_104 = arith.addi %mul3A_15, %add3A_103 : i32
      %run_scoped3A_105 = arith.constant 1 : i32
      "tpu.region"() ({
        %run_scoped3A_148 = tpu.sem_alloc : memref<!tpu.dma_semaphore, #tpu.memory_space<semaphore_mem>>
        %dma_start3A_149 = arith.constant 0 : i32
        %dma_start3A_150 = arith.constant 0 : i32
        %dma_start3A_151 = tpu.memref_slice %arg9[%run_scoped3A_105, %dma_start3A_149, %dma_start3A_150] : memref<5x100x64xf32, #tpu.memory_space<vmem>> -> memref<1x100x64xf32, #tpu.memory_space<vmem>>
        %dma_start3A_152 = tpu.memref_squeeze %dma_start3A_151 : memref<1x100x64xf32, #tpu.memory_space<vmem>> -> memref<100x64xf32, #tpu.memory_space<vmem>>
        %dma_start3A_153 = arith.constant 0 : i32
        %dma_start3A_154 = tpu.memref_slice %arg8[%add3A_104, %dma_start3A_153] : memref<100x100xi32, #tpu.memory_space<vmem>> -> memref<1x100xi32, #tpu.memory_space<vmem>>
        %dma_start3A_155 = tpu.memref_squeeze %dma_start3A_154 : memref<1x100xi32, #tpu.memory_space<vmem>> -> memref<100xi32, #tpu.memory_space<vmem>>
        %dma_start3A_156 = arith.constant 0 : i32
        %dma_start3A_157 = arith.constant 0 : i32
        %dma_start3A_158 = tpu.memref_slice %arg10[%dma_start3A_156, %dma_start3A_157] : memref<10112x64xf32, #tpu.memory_space<vmem_shared>> -> memref<10112x64xf32, #tpu.memory_space<vmem_shared>>
        tpu.enqueue_indirect_dma source(%dma_start3A_152 : memref<100x64xf32, #tpu.memory_space<vmem>>) target(%dma_start3A_158 : memref<10112x64xf32, #tpu.memory_space<vmem_shared>>) offsets(%dma_start3A_155 : memref<100xi32, #tpu.memory_space<vmem>>) semaphore(%run_scoped3A_148 : memref<!tpu.dma_semaphore, #tpu.memory_space<semaphore_mem>>) {add = true}
        %dma_wait3A_159 = arith.constant 0 : i32
        %dma_wait3A_160 = arith.constant 0 : i32
        %dma_wait3A_161 = tpu.memref_slice %arg9[%run_scoped3A_105, %dma_wait3A_159, %dma_wait3A_160] : memref<5x100x64xf32, #tpu.memory_space<vmem>> -> memref<1x100x64xf32, #tpu.memory_space<vmem>>
        %dma_wait3A_162 = tpu.memref_squeeze %dma_wait3A_161 : memref<1x100x64xf32, #tpu.memory_space<vmem>> -> memref<100x64xf32, #tpu.memory_space<vmem>>
        %dma_wait3A_163 = arith.constant 0 : i32
        %dma_wait3A_164 = tpu.memref_slice %arg8[%add3A_104, %dma_wait3A_163] : memref<100x100xi32, #tpu.memory_space<vmem>> -> memref<1x100xi32, #tpu.memory_space<vmem>>
        %dma_wait3A_165 = tpu.memref_squeeze %dma_wait3A_164 : memref<1x100xi32, #tpu.memory_space<vmem>> -> memref<100xi32, #tpu.memory_space<vmem>>
        %dma_wait3A_166 = arith.constant 0 : i32
        %dma_wait3A_167 = arith.constant 0 : i32
        %dma_wait3A_168 = tpu.memref_slice %arg10[%dma_wait3A_166, %dma_wait3A_167] : memref<10112x64xf32, #tpu.memory_space<vmem_shared>> -> memref<10112x64xf32, #tpu.memory_space<vmem_shared>>
        tpu.wait_indirect_dma semaphore(%run_scoped3A_148 : memref<!tpu.dma_semaphore, #tpu.memory_space<semaphore_mem>>) src(%dma_wait3A_162 : memref<100x64xf32, #tpu.memory_space<vmem>>) dst(%dma_wait3A_168 : memref<10112x64xf32, #tpu.memory_space<vmem_shared>>)
        tpu.yield
      }) : () -> ()
      %dma_wait3A_106 = arith.constant 2 : i32
      %dma_wait3A_107 = arith.constant 0 : i32
      %dma_wait3A_108 = arith.constant 0 : i32
      %dma_wait3A_109 = tpu.memref_slice %arg9[%dma_wait3A_106, %dma_wait3A_107, %dma_wait3A_108] : memref<5x100x64xf32, #tpu.memory_space<vmem>> -> memref<1x100x64xf32, #tpu.memory_space<vmem>>
      %dma_wait3A_110 = tpu.memref_squeeze %dma_wait3A_109 : memref<1x100x64xf32, #tpu.memory_space<vmem>> -> memref<100x64xf32, #tpu.memory_space<vmem>>
      %dma_wait3A_111 = arith.constant 0 : i32
      %dma_wait3A_112 = tpu.memref_slice %arg7[%add3A_42, %dma_wait3A_111] : memref<100x100xi32, #tpu.memory_space<vmem>> -> memref<1x100xi32, #tpu.memory_space<vmem>>
      %dma_wait3A_113 = tpu.memref_squeeze %dma_wait3A_112 : memref<1x100xi32, #tpu.memory_space<vmem>> -> memref<100xi32, #tpu.memory_space<vmem>>
      %dma_wait3A_114 = arith.constant 0 : i32
      %dma_wait3A_115 = arith.constant 0 : i32
      %dma_wait3A_116 = tpu.memref_slice %arg4[%dma_wait3A_114, %dma_wait3A_115] : memref<10112x64xf32, #tpu.memory_space<hbm>> -> memref<10112x64xf32, #tpu.memory_space<hbm>>
      tpu.wait_indirect_dma semaphore(%arg13 : memref<!tpu.dma_semaphore, #tpu.memory_space<semaphore_mem>>) src(%dma_wait3A_116 : memref<10112x64xf32, #tpu.memory_space<hbm>>) dst(%dma_wait3A_110 : memref<100x64xf32, #tpu.memory_space<vmem>>)
      %add3A_117 = arith.constant 2 : i32
      %add3A_118 = arith.addi %mul3A_15, %add3A_117 : i32
      %run_scoped3A_119 = arith.constant 2 : i32
      "tpu.region"() ({
        %run_scoped3A_148 = tpu.sem_alloc : memref<!tpu.dma_semaphore, #tpu.memory_space<semaphore_mem>>
        %dma_start3A_149 = arith.constant 0 : i32
        %dma_start3A_150 = arith.constant 0 : i32
        %dma_start3A_151 = tpu.memref_slice %arg9[%run_scoped3A_119, %dma_start3A_149, %dma_start3A_150] : memref<5x100x64xf32, #tpu.memory_space<vmem>> -> memref<1x100x64xf32, #tpu.memory_space<vmem>>
        %dma_start3A_152 = tpu.memref_squeeze %dma_start3A_151 : memref<1x100x64xf32, #tpu.memory_space<vmem>> -> memref<100x64xf32, #tpu.memory_space<vmem>>
        %dma_start3A_153 = arith.constant 0 : i32
        %dma_start3A_154 = tpu.memref_slice %arg8[%add3A_118, %dma_start3A_153] : memref<100x100xi32, #tpu.memory_space<vmem>> -> memref<1x100xi32, #tpu.memory_space<vmem>>
        %dma_start3A_155 = tpu.memref_squeeze %dma_start3A_154 : memref<1x100xi32, #tpu.memory_space<vmem>> -> memref<100xi32, #tpu.memory_space<vmem>>
        %dma_start3A_156 = arith.constant 0 : i32
        %dma_start3A_157 = arith.constant 0 : i32
        %dma_start3A_158 = tpu.memref_slice %arg10[%dma_start3A_156, %dma_start3A_157] : memref<10112x64xf32, #tpu.memory_space<vmem_shared>> -> memref<10112x64xf32, #tpu.memory_space<vmem_shared>>
        tpu.enqueue_indirect_dma source(%dma_start3A_152 : memref<100x64xf32, #tpu.memory_space<vmem>>) target(%dma_start3A_158 : memref<10112x64xf32, #tpu.memory_space<vmem_shared>>) offsets(%dma_start3A_155 : memref<100xi32, #tpu.memory_space<vmem>>) semaphore(%run_scoped3A_148 : memref<!tpu.dma_semaphore, #tpu.memory_space<semaphore_mem>>) {add = true}
        %dma_wait3A_159 = arith.constant 0 : i32
        %dma_wait3A_160 = arith.constant 0 : i32
        %dma_wait3A_161 = tpu.memref_slice %arg9[%run_scoped3A_119, %dma_wait3A_159, %dma_wait3A_160] : memref<5x100x64xf32, #tpu.memory_space<vmem>> -> memref<1x100x64xf32, #tpu.memory_space<vmem>>
        %dma_wait3A_162 = tpu.memref_squeeze %dma_wait3A_161 : memref<1x100x64xf32, #tpu.memory_space<vmem>> -> memref<100x64xf32, #tpu.memory_space<vmem>>
        %dma_wait3A_163 = arith.constant 0 : i32
        %dma_wait3A_164 = tpu.memref_slice %arg8[%add3A_118, %dma_wait3A_163] : memref<100x100xi32, #tpu.memory_space<vmem>> -> memref<1x100xi32, #tpu.memory_space<vmem>>
        %dma_wait3A_165 = tpu.memref_squeeze %dma_wait3A_164 : memref<1x100xi32, #tpu.memory_space<vmem>> -> memref<100xi32, #tpu.memory_space<vmem>>
        %dma_wait3A_166 = arith.constant 0 : i32
        %dma_wait3A_167 = arith.constant 0 : i32
        %dma_wait3A_168 = tpu.memref_slice %arg10[%dma_wait3A_166, %dma_wait3A_167] : memref<10112x64xf32, #tpu.memory_space<vmem_shared>> -> memref<10112x64xf32, #tpu.memory_space<vmem_shared>>
        tpu.wait_indirect_dma semaphore(%run_scoped3A_148 : memref<!tpu.dma_semaphore, #tpu.memory_space<semaphore_mem>>) src(%dma_wait3A_162 : memref<100x64xf32, #tpu.memory_space<vmem>>) dst(%dma_wait3A_168 : memref<10112x64xf32, #tpu.memory_space<vmem_shared>>)
        tpu.yield
      }) : () -> ()
      %dma_wait3A_120 = arith.constant 3 : i32
      %dma_wait3A_121 = arith.constant 0 : i32
      %dma_wait3A_122 = arith.constant 0 : i32
      %dma_wait3A_123 = tpu.memref_slice %arg9[%dma_wait3A_120, %dma_wait3A_121, %dma_wait3A_122] : memref<5x100x64xf32, #tpu.memory_space<vmem>> -> memref<1x100x64xf32, #tpu.memory_space<vmem>>
      %dma_wait3A_124 = tpu.memref_squeeze %dma_wait3A_123 : memref<1x100x64xf32, #tpu.memory_space<vmem>> -> memref<100x64xf32, #tpu.memory_space<vmem>>
      %dma_wait3A_125 = arith.constant 0 : i32
      %dma_wait3A_126 = tpu.memref_slice %arg7[%add3A_55, %dma_wait3A_125] : memref<100x100xi32, #tpu.memory_space<vmem>> -> memref<1x100xi32, #tpu.memory_space<vmem>>
      %dma_wait3A_127 = tpu.memref_squeeze %dma_wait3A_126 : memref<1x100xi32, #tpu.memory_space<vmem>> -> memref<100xi32, #tpu.memory_space<vmem>>
      %dma_wait3A_128 = arith.constant 0 : i32
      %dma_wait3A_129 = arith.constant 0 : i32
      %dma_wait3A_130 = tpu.memref_slice %arg4[%dma_wait3A_128, %dma_wait3A_129] : memref<10112x64xf32, #tpu.memory_space<hbm>> -> memref<10112x64xf32, #tpu.memory_space<hbm>>
      tpu.wait_indirect_dma semaphore(%arg14 : memref<!tpu.dma_semaphore, #tpu.memory_space<semaphore_mem>>) src(%dma_wait3A_130 : memref<10112x64xf32, #tpu.memory_space<hbm>>) dst(%dma_wait3A_124 : memref<100x64xf32, #tpu.memory_space<vmem>>)
      %add3A_131 = arith.constant 3 : i32
      %add3A_132 = arith.addi %mul3A_15, %add3A_131 : i32
      %run_scoped3A_133 = arith.constant 3 : i32
      "tpu.region"() ({
        %run_scoped3A_148 = tpu.sem_alloc : memref<!tpu.dma_semaphore, #tpu.memory_space<semaphore_mem>>
        %dma_start3A_149 = arith.constant 0 : i32
        %dma_start3A_150 = arith.constant 0 : i32
        %dma_start3A_151 = tpu.memref_slice %arg9[%run_scoped3A_133, %dma_start3A_149, %dma_start3A_150] : memref<5x100x64xf32, #tpu.memory_space<vmem>> -> memref<1x100x64xf32, #tpu.memory_space<vmem>>
        %dma_start3A_152 = tpu.memref_squeeze %dma_start3A_151 : memref<1x100x64xf32, #tpu.memory_space<vmem>> -> memref<100x64xf32, #tpu.memory_space<vmem>>
        %dma_start3A_153 = arith.constant 0 : i32
        %dma_start3A_154 = tpu.memref_slice %arg8[%add3A_132, %dma_start3A_153] : memref<100x100xi32, #tpu.memory_space<vmem>> -> memref<1x100xi32, #tpu.memory_space<vmem>>
        %dma_start3A_155 = tpu.memref_squeeze %dma_start3A_154 : memref<1x100xi32, #tpu.memory_space<vmem>> -> memref<100xi32, #tpu.memory_space<vmem>>
        %dma_start3A_156 = arith.constant 0 : i32
        %dma_start3A_157 = arith.constant 0 : i32
        %dma_start3A_158 = tpu.memref_slice %arg10[%dma_start3A_156, %dma_start3A_157] : memref<10112x64xf32, #tpu.memory_space<vmem_shared>> -> memref<10112x64xf32, #tpu.memory_space<vmem_shared>>
        tpu.enqueue_indirect_dma source(%dma_start3A_152 : memref<100x64xf32, #tpu.memory_space<vmem>>) target(%dma_start3A_158 : memref<10112x64xf32, #tpu.memory_space<vmem_shared>>) offsets(%dma_start3A_155 : memref<100xi32, #tpu.memory_space<vmem>>) semaphore(%run_scoped3A_148 : memref<!tpu.dma_semaphore, #tpu.memory_space<semaphore_mem>>) {add = true}
        %dma_wait3A_159 = arith.constant 0 : i32
        %dma_wait3A_160 = arith.constant 0 : i32
        %dma_wait3A_161 = tpu.memref_slice %arg9[%run_scoped3A_133, %dma_wait3A_159, %dma_wait3A_160] : memref<5x100x64xf32, #tpu.memory_space<vmem>> -> memref<1x100x64xf32, #tpu.memory_space<vmem>>
        %dma_wait3A_162 = tpu.memref_squeeze %dma_wait3A_161 : memref<1x100x64xf32, #tpu.memory_space<vmem>> -> memref<100x64xf32, #tpu.memory_space<vmem>>
        %dma_wait3A_163 = arith.constant 0 : i32
        %dma_wait3A_164 = tpu.memref_slice %arg8[%add3A_132, %dma_wait3A_163] : memref<100x100xi32, #tpu.memory_space<vmem>> -> memref<1x100xi32, #tpu.memory_space<vmem>>
        %dma_wait3A_165 = tpu.memref_squeeze %dma_wait3A_164 : memref<1x100xi32, #tpu.memory_space<vmem>> -> memref<100xi32, #tpu.memory_space<vmem>>
        %dma_wait3A_166 = arith.constant 0 : i32
        %dma_wait3A_167 = arith.constant 0 : i32
        %dma_wait3A_168 = tpu.memref_slice %arg10[%dma_wait3A_166, %dma_wait3A_167] : memref<10112x64xf32, #tpu.memory_space<vmem_shared>> -> memref<10112x64xf32, #tpu.memory_space<vmem_shared>>
        tpu.wait_indirect_dma semaphore(%run_scoped3A_148 : memref<!tpu.dma_semaphore, #tpu.memory_space<semaphore_mem>>) src(%dma_wait3A_162 : memref<100x64xf32, #tpu.memory_space<vmem>>) dst(%dma_wait3A_168 : memref<10112x64xf32, #tpu.memory_space<vmem_shared>>)
        tpu.yield
      }) : () -> ()
      %dma_wait3A_134 = arith.constant 4 : i32
      %dma_wait3A_135 = arith.constant 0 : i32
      %dma_wait3A_136 = arith.constant 0 : i32
      %dma_wait3A_137 = tpu.memref_slice %arg9[%dma_wait3A_134, %dma_wait3A_135, %dma_wait3A_136] : memref<5x100x64xf32, #tpu.memory_space<vmem>> -> memref<1x100x64xf32, #tpu.memory_space<vmem>>
      %dma_wait3A_138 = tpu.memref_squeeze %dma_wait3A_137 : memref<1x100x64xf32, #tpu.memory_space<vmem>> -> memref<100x64xf32, #tpu.memory_space<vmem>>
      %dma_wait3A_139 = arith.constant 0 : i32
      %dma_wait3A_140 = tpu.memref_slice %arg7[%add3A_68, %dma_wait3A_139] : memref<100x100xi32, #tpu.memory_space<vmem>> -> memref<1x100xi32, #tpu.memory_space<vmem>>
      %dma_wait3A_141 = tpu.memref_squeeze %dma_wait3A_140 : memref<1x100xi32, #tpu.memory_space<vmem>> -> memref<100xi32, #tpu.memory_space<vmem>>
      %dma_wait3A_142 = arith.constant 0 : i32
      %dma_wait3A_143 = arith.constant 0 : i32
      %dma_wait3A_144 = tpu.memref_slice %arg4[%dma_wait3A_142, %dma_wait3A_143] : memref<10112x64xf32, #tpu.memory_space<hbm>> -> memref<10112x64xf32, #tpu.memory_space<hbm>>
      tpu.wait_indirect_dma semaphore(%arg15 : memref<!tpu.dma_semaphore, #tpu.memory_space<semaphore_mem>>) src(%dma_wait3A_144 : memref<10112x64xf32, #tpu.memory_space<hbm>>) dst(%dma_wait3A_138 : memref<100x64xf32, #tpu.memory_space<vmem>>)
      %add3A_145 = arith.constant 4 : i32
      %add3A_146 = arith.addi %mul3A_15, %add3A_145 : i32
      %run_scoped3A_147 = arith.constant 4 : i32
      "tpu.region"() ({
        %run_scoped3A_148 = tpu.sem_alloc : memref<!tpu.dma_semaphore, #tpu.memory_space<semaphore_mem>>
        %dma_start3A_149 = arith.constant 0 : i32
        %dma_start3A_150 = arith.constant 0 : i32
        %dma_start3A_151 = tpu.memref_slice %arg9[%run_scoped3A_147, %dma_start3A_149, %dma_start3A_150] : memref<5x100x64xf32, #tpu.memory_space<vmem>> -> memref<1x100x64xf32, #tpu.memory_space<vmem>>
        %dma_start3A_152 = tpu.memref_squeeze %dma_start3A_151 : memref<1x100x64xf32, #tpu.memory_space<vmem>> -> memref<100x64xf32, #tpu.memory_space<vmem>>
        %dma_start3A_153 = arith.constant 0 : i32
        %dma_start3A_154 = tpu.memref_slice %arg8[%add3A_146, %dma_start3A_153] : memref<100x100xi32, #tpu.memory_space<vmem>> -> memref<1x100xi32, #tpu.memory_space<vmem>>
        %dma_start3A_155 = tpu.memref_squeeze %dma_start3A_154 : memref<1x100xi32, #tpu.memory_space<vmem>> -> memref<100xi32, #tpu.memory_space<vmem>>
        %dma_start3A_156 = arith.constant 0 : i32
        %dma_start3A_157 = arith.constant 0 : i32
        %dma_start3A_158 = tpu.memref_slice %arg10[%dma_start3A_156, %dma_start3A_157] : memref<10112x64xf32, #tpu.memory_space<vmem_shared>> -> memref<10112x64xf32, #tpu.memory_space<vmem_shared>>
        tpu.enqueue_indirect_dma source(%dma_start3A_152 : memref<100x64xf32, #tpu.memory_space<vmem>>) target(%dma_start3A_158 : memref<10112x64xf32, #tpu.memory_space<vmem_shared>>) offsets(%dma_start3A_155 : memref<100xi32, #tpu.memory_space<vmem>>) semaphore(%run_scoped3A_148 : memref<!tpu.dma_semaphore, #tpu.memory_space<semaphore_mem>>) {add = true}
        %dma_wait3A_159 = arith.constant 0 : i32
        %dma_wait3A_160 = arith.constant 0 : i32
        %dma_wait3A_161 = tpu.memref_slice %arg9[%run_scoped3A_147, %dma_wait3A_159, %dma_wait3A_160] : memref<5x100x64xf32, #tpu.memory_space<vmem>> -> memref<1x100x64xf32, #tpu.memory_space<vmem>>
        %dma_wait3A_162 = tpu.memref_squeeze %dma_wait3A_161 : memref<1x100x64xf32, #tpu.memory_space<vmem>> -> memref<100x64xf32, #tpu.memory_space<vmem>>
        %dma_wait3A_163 = arith.constant 0 : i32
        %dma_wait3A_164 = tpu.memref_slice %arg8[%add3A_146, %dma_wait3A_163] : memref<100x100xi32, #tpu.memory_space<vmem>> -> memref<1x100xi32, #tpu.memory_space<vmem>>
        %dma_wait3A_165 = tpu.memref_squeeze %dma_wait3A_164 : memref<1x100xi32, #tpu.memory_space<vmem>> -> memref<100xi32, #tpu.memory_space<vmem>>
        %dma_wait3A_166 = arith.constant 0 : i32
        %dma_wait3A_167 = arith.constant 0 : i32
        %dma_wait3A_168 = tpu.memref_slice %arg10[%dma_wait3A_166, %dma_wait3A_167] : memref<10112x64xf32, #tpu.memory_space<vmem_shared>> -> memref<10112x64xf32, #tpu.memory_space<vmem_shared>>
        tpu.wait_indirect_dma semaphore(%run_scoped3A_148 : memref<!tpu.dma_semaphore, #tpu.memory_space<semaphore_mem>>) src(%dma_wait3A_162 : memref<100x64xf32, #tpu.memory_space<vmem>>) dst(%dma_wait3A_168 : memref<10112x64xf32, #tpu.memory_space<vmem_shared>>)
        tpu.yield
      }) : () -> ()
    }
    %scan3A_7 = arith.constant 20 : i32
    %barrier3A_8 = arith.constant 0 : index
    tpu.barrier barrier_id(%barrier3A_8)
    %mul3A_9 = arith.constant 632 : i32
    %mul3A_10 = arith.muli %arg1, %mul3A_9 : i32
    %mul3A_11 = arith.constant 632 : i32
    %mul3A_12 = arith.muli %arg1, %mul3A_11 : i32
    "tpu.region"() ({
      %run_scoped3A = tpu.sem_alloc : memref<!tpu.dma_semaphore, #tpu.memory_space<semaphore_mem>>
      %dma_start3A = arith.constant 0 : i32
      %dma_start3A_13 = tpu.memref_slice %arg6[%arg0, %mul3A_12, %dma_start3A] : memref<2x10112x64xf32, #tpu.memory_space<hbm>> -> memref<1x632x64xf32, #tpu.memory_space<hbm>>
      %dma_start3A_14 = tpu.memref_squeeze %dma_start3A_13 : memref<1x632x64xf32, #tpu.memory_space<hbm>> -> memref<632x64xf32, #tpu.memory_space<hbm>>
      %dma_start3A_15 = arith.constant 0 : i32
      %dma_start3A_16 = tpu.memref_slice %arg10[%mul3A_10, %dma_start3A_15] : memref<10112x64xf32, #tpu.memory_space<vmem_shared>> -> memref<632x64xf32, #tpu.memory_space<vmem_shared>>
      tpu.enqueue_dma source(%dma_start3A_16 : memref<632x64xf32, #tpu.memory_space<vmem_shared>>) target(%dma_start3A_14 : memref<632x64xf32, #tpu.memory_space<hbm>>) target_semaphore(%run_scoped3A : memref<!tpu.dma_semaphore, #tpu.memory_space<semaphore_mem>>)
      %dma_wait3A = arith.constant 0 : i32
      %dma_wait3A_17 = tpu.memref_slice %arg6[%arg0, %mul3A_12, %dma_wait3A] : memref<2x10112x64xf32, #tpu.memory_space<hbm>> -> memref<1x632x64xf32, #tpu.memory_space<hbm>>
      %dma_wait3A_18 = tpu.memref_squeeze %dma_wait3A_17 : memref<1x632x64xf32, #tpu.memory_space<hbm>> -> memref<632x64xf32, #tpu.memory_space<hbm>>
      %dma_wait3A_19 = arith.constant 0 : i32
      %dma_wait3A_20 = tpu.memref_slice %arg10[%mul3A_10, %dma_wait3A_19] : memref<10112x64xf32, #tpu.memory_space<vmem_shared>> -> memref<632x64xf32, #tpu.memory_space<vmem_shared>>
      tpu.wait_dma2 semaphore(%run_scoped3A : memref<!tpu.dma_semaphore, #tpu.memory_space<semaphore_mem>>) src(%dma_wait3A_20 : memref<632x64xf32, #tpu.memory_space<vmem_shared>>) dst(%dma_wait3A_18 : memref<632x64xf32, #tpu.memory_space<hbm>>)
      tpu.yield
    }) : () -> ()
    return
  }
}

#map = affine_map<(d0, d1) -> (0, 0, 0)>
#map1 = affine_map<(d0, d1) -> (0, 0)>
module attributes {stable_mosaic.version = 14 : i64} {
  func.func @deg_kernel(%arg0: i32, %arg1: i32, %arg2: memref<32x100x100xi32, #tpu.memory_space<hbm>>, %arg3: memref<100x8xf32, #tpu.memory_space<hbm>>, %arg4: memref<632x8xf32, #tpu.memory_space<hbm>>, %arg5: memref<2x10112x8xf32, #tpu.memory_space<hbm>>, %arg6: memref<100x100xi32, #tpu.memory_space<vmem>>, %arg7: memref<100x8xf32, #tpu.memory_space<vmem>>, %arg8: memref<10112x8xf32, #tpu.memory_space<vmem_shared>>, %arg9: memref<!tpu.dma_semaphore, #tpu.memory_space<semaphore_mem>>) attributes {dimension_semantics = [#tpu.dimension_semantics<core_parallel>, #tpu.dimension_semantics<subcore_parallel>], iteration_bounds = array<i64: 2, 16>, scalar_prefetch = 0 : i64, scratch_operands = 4 : i64, tpu.core_type = #tpu.core_type<sc_vector_subcore>, window_params = [{transform_indices = #map}, {transform_indices = #map1}, {transform_indices = #map1}, {transform_indices = #map}]} {
    %mul3A = arith.constant 16 : i32
    %mul3A_0 = arith.muli %arg0, %mul3A : i32
    %add3A = arith.addi %mul3A_0, %arg1 : i32
    %mul3A_1 = arith.constant 632 : i32
    %mul3A_2 = arith.muli %arg1, %mul3A_1 : i32
    "tpu.region"() ({
      %run_scoped3A = tpu.sem_alloc : memref<!tpu.dma_semaphore, #tpu.memory_space<semaphore_mem>>
      %dma_start3A = arith.constant 0 : i32
      %dma_start3A_13 = tpu.memref_slice %arg8[%mul3A_2, %dma_start3A] : memref<10112x8xf32, #tpu.memory_space<vmem_shared>> -> memref<632x8xf32, #tpu.memory_space<vmem_shared>>
      tpu.enqueue_dma source(%arg4 : memref<632x8xf32, #tpu.memory_space<hbm>>) target(%dma_start3A_13 : memref<632x8xf32, #tpu.memory_space<vmem_shared>>) target_semaphore(%run_scoped3A : memref<!tpu.dma_semaphore, #tpu.memory_space<semaphore_mem>>)
      %dma_wait3A = arith.constant 0 : i32
      %dma_wait3A_14 = tpu.memref_slice %arg8[%mul3A_2, %dma_wait3A] : memref<10112x8xf32, #tpu.memory_space<vmem_shared>> -> memref<632x8xf32, #tpu.memory_space<vmem_shared>>
      tpu.wait_dma2 semaphore(%run_scoped3A : memref<!tpu.dma_semaphore, #tpu.memory_space<semaphore_mem>>) src(%arg4 : memref<632x8xf32, #tpu.memory_space<hbm>>) dst(%dma_wait3A_14 : memref<632x8xf32, #tpu.memory_space<vmem_shared>>)
      tpu.yield
    }) : () -> ()
    "tpu.region"() ({
      %run_scoped3A = tpu.sem_alloc : memref<!tpu.dma_semaphore, #tpu.memory_space<semaphore_mem>>
      tpu.enqueue_dma source(%arg3 : memref<100x8xf32, #tpu.memory_space<hbm>>) target(%arg7 : memref<100x8xf32, #tpu.memory_space<vmem>>) target_semaphore(%run_scoped3A : memref<!tpu.dma_semaphore, #tpu.memory_space<semaphore_mem>>)
      tpu.wait_dma2 semaphore(%run_scoped3A : memref<!tpu.dma_semaphore, #tpu.memory_space<semaphore_mem>>) src(%arg3 : memref<100x8xf32, #tpu.memory_space<hbm>>) dst(%arg7 : memref<100x8xf32, #tpu.memory_space<vmem>>)
      tpu.yield
    }) : () -> ()
    "tpu.region"() ({
      %run_scoped3A = tpu.sem_alloc : memref<!tpu.dma_semaphore, #tpu.memory_space<semaphore_mem>>
      %dma_start3A = arith.constant 0 : i32
      %dma_start3A_13 = arith.constant 0 : i32
      %dma_start3A_14 = tpu.memref_slice %arg2[%add3A, %dma_start3A, %dma_start3A_13] : memref<32x100x100xi32, #tpu.memory_space<hbm>> -> memref<1x100x100xi32, #tpu.memory_space<hbm>>
      %dma_start3A_15 = tpu.memref_squeeze %dma_start3A_14 : memref<1x100x100xi32, #tpu.memory_space<hbm>> -> memref<100x100xi32, #tpu.memory_space<hbm>>
      %dma_start3A_16 = arith.constant 0 : i32
      %dma_start3A_17 = arith.constant 0 : i32
      %dma_start3A_18 = tpu.memref_slice %arg2[%add3A, %dma_start3A_16, %dma_start3A_17] : memref<32x100x100xi32, #tpu.memory_space<hbm>> -> memref<1x100x100xi32, #tpu.memory_space<hbm>>
      %dma_start3A_19 = tpu.memref_squeeze %dma_start3A_18 : memref<1x100x100xi32, #tpu.memory_space<hbm>> -> memref<100x100xi32, #tpu.memory_space<hbm>>
      tpu.enqueue_dma source(%dma_start3A_19 : memref<100x100xi32, #tpu.memory_space<hbm>>) target(%arg6 : memref<100x100xi32, #tpu.memory_space<vmem>>) target_semaphore(%run_scoped3A : memref<!tpu.dma_semaphore, #tpu.memory_space<semaphore_mem>>)
      %dma_wait3A = arith.constant 0 : i32
      %dma_wait3A_20 = arith.constant 0 : i32
      %dma_wait3A_21 = tpu.memref_slice %arg2[%add3A, %dma_wait3A, %dma_wait3A_20] : memref<32x100x100xi32, #tpu.memory_space<hbm>> -> memref<1x100x100xi32, #tpu.memory_space<hbm>>
      %dma_wait3A_22 = tpu.memref_squeeze %dma_wait3A_21 : memref<1x100x100xi32, #tpu.memory_space<hbm>> -> memref<100x100xi32, #tpu.memory_space<hbm>>
      %dma_wait3A_23 = arith.constant 0 : i32
      %dma_wait3A_24 = arith.constant 0 : i32
      %dma_wait3A_25 = tpu.memref_slice %arg2[%add3A, %dma_wait3A_23, %dma_wait3A_24] : memref<32x100x100xi32, #tpu.memory_space<hbm>> -> memref<1x100x100xi32, #tpu.memory_space<hbm>>
      %dma_wait3A_26 = tpu.memref_squeeze %dma_wait3A_25 : memref<1x100x100xi32, #tpu.memory_space<hbm>> -> memref<100x100xi32, #tpu.memory_space<hbm>>
      tpu.wait_dma2 semaphore(%run_scoped3A : memref<!tpu.dma_semaphore, #tpu.memory_space<semaphore_mem>>) src(%dma_wait3A_26 : memref<100x100xi32, #tpu.memory_space<hbm>>) dst(%arg6 : memref<100x100xi32, #tpu.memory_space<vmem>>)
      tpu.yield
    }) : () -> ()
    %barrier3A = arith.constant 0 : index
    tpu.barrier barrier_id(%barrier3A)
    %scan3A = arith.constant 0 : i32
    %scan3A_3 = arith.constant 0 : i32
    %scan3A_4 = arith.constant 25 : i32
    %scan3A_5 = arith.addi %scan3A_3, %scan3A_4 : i32
    %scan3A_6 = arith.constant 1 : i32
    scf.for %scan3A_13 = %scan3A_3 to %scan3A_5 step %scan3A_6  : i32 {
      %mul3A_14 = arith.constant 4 : i32
      %mul3A_15 = arith.muli %scan3A_13, %mul3A_14 : i32
      %add3A_16 = arith.constant 0 : i32
      %add3A_17 = arith.addi %mul3A_15, %add3A_16 : i32
      %dma_start3A = arith.constant 0 : i32
      %dma_start3A_18 = tpu.memref_slice %arg6[%add3A_17, %dma_start3A] : memref<100x100xi32, #tpu.memory_space<vmem>> -> memref<1x100xi32, #tpu.memory_space<vmem>>
      %dma_start3A_19 = tpu.memref_squeeze %dma_start3A_18 : memref<1x100xi32, #tpu.memory_space<vmem>> -> memref<100xi32, #tpu.memory_space<vmem>>
      %dma_start3A_20 = arith.constant 0 : i32
      %dma_start3A_21 = arith.constant 0 : i32
      %dma_start3A_22 = tpu.memref_slice %arg8[%dma_start3A_20, %dma_start3A_21] : memref<10112x8xf32, #tpu.memory_space<vmem_shared>> -> memref<10112x8xf32, #tpu.memory_space<vmem_shared>>
      tpu.enqueue_indirect_dma source(%arg7 : memref<100x8xf32, #tpu.memory_space<vmem>>) target(%dma_start3A_22 : memref<10112x8xf32, #tpu.memory_space<vmem_shared>>) offsets(%dma_start3A_19 : memref<100xi32, #tpu.memory_space<vmem>>) semaphore(%arg9 : memref<!tpu.dma_semaphore, #tpu.memory_space<semaphore_mem>>) {add = true}
      %add3A_23 = arith.constant 1 : i32
      %add3A_24 = arith.addi %mul3A_15, %add3A_23 : i32
      %dma_start3A_25 = arith.constant 0 : i32
      %dma_start3A_26 = tpu.memref_slice %arg6[%add3A_24, %dma_start3A_25] : memref<100x100xi32, #tpu.memory_space<vmem>> -> memref<1x100xi32, #tpu.memory_space<vmem>>
      %dma_start3A_27 = tpu.memref_squeeze %dma_start3A_26 : memref<1x100xi32, #tpu.memory_space<vmem>> -> memref<100xi32, #tpu.memory_space<vmem>>
      %dma_start3A_28 = arith.constant 0 : i32
      %dma_start3A_29 = arith.constant 0 : i32
      %dma_start3A_30 = tpu.memref_slice %arg8[%dma_start3A_28, %dma_start3A_29] : memref<10112x8xf32, #tpu.memory_space<vmem_shared>> -> memref<10112x8xf32, #tpu.memory_space<vmem_shared>>
      tpu.enqueue_indirect_dma source(%arg7 : memref<100x8xf32, #tpu.memory_space<vmem>>) target(%dma_start3A_30 : memref<10112x8xf32, #tpu.memory_space<vmem_shared>>) offsets(%dma_start3A_27 : memref<100xi32, #tpu.memory_space<vmem>>) semaphore(%arg9 : memref<!tpu.dma_semaphore, #tpu.memory_space<semaphore_mem>>) {add = true}
      %add3A_31 = arith.constant 2 : i32
      %add3A_32 = arith.addi %mul3A_15, %add3A_31 : i32
      %dma_start3A_33 = arith.constant 0 : i32
      %dma_start3A_34 = tpu.memref_slice %arg6[%add3A_32, %dma_start3A_33] : memref<100x100xi32, #tpu.memory_space<vmem>> -> memref<1x100xi32, #tpu.memory_space<vmem>>
      %dma_start3A_35 = tpu.memref_squeeze %dma_start3A_34 : memref<1x100xi32, #tpu.memory_space<vmem>> -> memref<100xi32, #tpu.memory_space<vmem>>
      %dma_start3A_36 = arith.constant 0 : i32
      %dma_start3A_37 = arith.constant 0 : i32
      %dma_start3A_38 = tpu.memref_slice %arg8[%dma_start3A_36, %dma_start3A_37] : memref<10112x8xf32, #tpu.memory_space<vmem_shared>> -> memref<10112x8xf32, #tpu.memory_space<vmem_shared>>
      tpu.enqueue_indirect_dma source(%arg7 : memref<100x8xf32, #tpu.memory_space<vmem>>) target(%dma_start3A_38 : memref<10112x8xf32, #tpu.memory_space<vmem_shared>>) offsets(%dma_start3A_35 : memref<100xi32, #tpu.memory_space<vmem>>) semaphore(%arg9 : memref<!tpu.dma_semaphore, #tpu.memory_space<semaphore_mem>>) {add = true}
      %add3A_39 = arith.constant 3 : i32
      %add3A_40 = arith.addi %mul3A_15, %add3A_39 : i32
      %dma_start3A_41 = arith.constant 0 : i32
      %dma_start3A_42 = tpu.memref_slice %arg6[%add3A_40, %dma_start3A_41] : memref<100x100xi32, #tpu.memory_space<vmem>> -> memref<1x100xi32, #tpu.memory_space<vmem>>
      %dma_start3A_43 = tpu.memref_squeeze %dma_start3A_42 : memref<1x100xi32, #tpu.memory_space<vmem>> -> memref<100xi32, #tpu.memory_space<vmem>>
      %dma_start3A_44 = arith.constant 0 : i32
      %dma_start3A_45 = arith.constant 0 : i32
      %dma_start3A_46 = tpu.memref_slice %arg8[%dma_start3A_44, %dma_start3A_45] : memref<10112x8xf32, #tpu.memory_space<vmem_shared>> -> memref<10112x8xf32, #tpu.memory_space<vmem_shared>>
      tpu.enqueue_indirect_dma source(%arg7 : memref<100x8xf32, #tpu.memory_space<vmem>>) target(%dma_start3A_46 : memref<10112x8xf32, #tpu.memory_space<vmem_shared>>) offsets(%dma_start3A_43 : memref<100xi32, #tpu.memory_space<vmem>>) semaphore(%arg9 : memref<!tpu.dma_semaphore, #tpu.memory_space<semaphore_mem>>) {add = true}
      %dma_wait3A = arith.constant 0 : i32
      %dma_wait3A_47 = tpu.memref_slice %arg6[%add3A_17, %dma_wait3A] : memref<100x100xi32, #tpu.memory_space<vmem>> -> memref<1x100xi32, #tpu.memory_space<vmem>>
      %dma_wait3A_48 = tpu.memref_squeeze %dma_wait3A_47 : memref<1x100xi32, #tpu.memory_space<vmem>> -> memref<100xi32, #tpu.memory_space<vmem>>
      %dma_wait3A_49 = arith.constant 0 : i32
      %dma_wait3A_50 = arith.constant 0 : i32
      %dma_wait3A_51 = tpu.memref_slice %arg8[%dma_wait3A_49, %dma_wait3A_50] : memref<10112x8xf32, #tpu.memory_space<vmem_shared>> -> memref<10112x8xf32, #tpu.memory_space<vmem_shared>>
      tpu.wait_indirect_dma semaphore(%arg9 : memref<!tpu.dma_semaphore, #tpu.memory_space<semaphore_mem>>) src(%arg7 : memref<100x8xf32, #tpu.memory_space<vmem>>) dst(%dma_wait3A_51 : memref<10112x8xf32, #tpu.memory_space<vmem_shared>>)
      %dma_wait3A_52 = arith.constant 0 : i32
      %dma_wait3A_53 = tpu.memref_slice %arg6[%add3A_24, %dma_wait3A_52] : memref<100x100xi32, #tpu.memory_space<vmem>> -> memref<1x100xi32, #tpu.memory_space<vmem>>
      %dma_wait3A_54 = tpu.memref_squeeze %dma_wait3A_53 : memref<1x100xi32, #tpu.memory_space<vmem>> -> memref<100xi32, #tpu.memory_space<vmem>>
      %dma_wait3A_55 = arith.constant 0 : i32
      %dma_wait3A_56 = arith.constant 0 : i32
      %dma_wait3A_57 = tpu.memref_slice %arg8[%dma_wait3A_55, %dma_wait3A_56] : memref<10112x8xf32, #tpu.memory_space<vmem_shared>> -> memref<10112x8xf32, #tpu.memory_space<vmem_shared>>
      tpu.wait_indirect_dma semaphore(%arg9 : memref<!tpu.dma_semaphore, #tpu.memory_space<semaphore_mem>>) src(%arg7 : memref<100x8xf32, #tpu.memory_space<vmem>>) dst(%dma_wait3A_57 : memref<10112x8xf32, #tpu.memory_space<vmem_shared>>)
      %dma_wait3A_58 = arith.constant 0 : i32
      %dma_wait3A_59 = tpu.memref_slice %arg6[%add3A_32, %dma_wait3A_58] : memref<100x100xi32, #tpu.memory_space<vmem>> -> memref<1x100xi32, #tpu.memory_space<vmem>>
      %dma_wait3A_60 = tpu.memref_squeeze %dma_wait3A_59 : memref<1x100xi32, #tpu.memory_space<vmem>> -> memref<100xi32, #tpu.memory_space<vmem>>
      %dma_wait3A_61 = arith.constant 0 : i32
      %dma_wait3A_62 = arith.constant 0 : i32
      %dma_wait3A_63 = tpu.memref_slice %arg8[%dma_wait3A_61, %dma_wait3A_62] : memref<10112x8xf32, #tpu.memory_space<vmem_shared>> -> memref<10112x8xf32, #tpu.memory_space<vmem_shared>>
      tpu.wait_indirect_dma semaphore(%arg9 : memref<!tpu.dma_semaphore, #tpu.memory_space<semaphore_mem>>) src(%arg7 : memref<100x8xf32, #tpu.memory_space<vmem>>) dst(%dma_wait3A_63 : memref<10112x8xf32, #tpu.memory_space<vmem_shared>>)
      %dma_wait3A_64 = arith.constant 0 : i32
      %dma_wait3A_65 = tpu.memref_slice %arg6[%add3A_40, %dma_wait3A_64] : memref<100x100xi32, #tpu.memory_space<vmem>> -> memref<1x100xi32, #tpu.memory_space<vmem>>
      %dma_wait3A_66 = tpu.memref_squeeze %dma_wait3A_65 : memref<1x100xi32, #tpu.memory_space<vmem>> -> memref<100xi32, #tpu.memory_space<vmem>>
      %dma_wait3A_67 = arith.constant 0 : i32
      %dma_wait3A_68 = arith.constant 0 : i32
      %dma_wait3A_69 = tpu.memref_slice %arg8[%dma_wait3A_67, %dma_wait3A_68] : memref<10112x8xf32, #tpu.memory_space<vmem_shared>> -> memref<10112x8xf32, #tpu.memory_space<vmem_shared>>
      tpu.wait_indirect_dma semaphore(%arg9 : memref<!tpu.dma_semaphore, #tpu.memory_space<semaphore_mem>>) src(%arg7 : memref<100x8xf32, #tpu.memory_space<vmem>>) dst(%dma_wait3A_69 : memref<10112x8xf32, #tpu.memory_space<vmem_shared>>)
    }
    %scan3A_7 = arith.constant 25 : i32
    %barrier3A_8 = arith.constant 0 : index
    tpu.barrier barrier_id(%barrier3A_8)
    %mul3A_9 = arith.constant 632 : i32
    %mul3A_10 = arith.muli %arg1, %mul3A_9 : i32
    %mul3A_11 = arith.constant 632 : i32
    %mul3A_12 = arith.muli %arg1, %mul3A_11 : i32
    "tpu.region"() ({
      %run_scoped3A = tpu.sem_alloc : memref<!tpu.dma_semaphore, #tpu.memory_space<semaphore_mem>>
      %dma_start3A = arith.constant 0 : i32
      %dma_start3A_13 = tpu.memref_slice %arg5[%arg0, %mul3A_12, %dma_start3A] : memref<2x10112x8xf32, #tpu.memory_space<hbm>> -> memref<1x632x8xf32, #tpu.memory_space<hbm>>
      %dma_start3A_14 = tpu.memref_squeeze %dma_start3A_13 : memref<1x632x8xf32, #tpu.memory_space<hbm>> -> memref<632x8xf32, #tpu.memory_space<hbm>>
      %dma_start3A_15 = arith.constant 0 : i32
      %dma_start3A_16 = tpu.memref_slice %arg8[%mul3A_10, %dma_start3A_15] : memref<10112x8xf32, #tpu.memory_space<vmem_shared>> -> memref<632x8xf32, #tpu.memory_space<vmem_shared>>
      tpu.enqueue_dma source(%dma_start3A_16 : memref<632x8xf32, #tpu.memory_space<vmem_shared>>) target(%dma_start3A_14 : memref<632x8xf32, #tpu.memory_space<hbm>>) target_semaphore(%run_scoped3A : memref<!tpu.dma_semaphore, #tpu.memory_space<semaphore_mem>>)
      %dma_wait3A = arith.constant 0 : i32
      %dma_wait3A_17 = tpu.memref_slice %arg5[%arg0, %mul3A_12, %dma_wait3A] : memref<2x10112x8xf32, #tpu.memory_space<hbm>> -> memref<1x632x8xf32, #tpu.memory_space<hbm>>
      %dma_wait3A_18 = tpu.memref_squeeze %dma_wait3A_17 : memref<1x632x8xf32, #tpu.memory_space<hbm>> -> memref<632x8xf32, #tpu.memory_space<hbm>>
      %dma_wait3A_19 = arith.constant 0 : i32
      %dma_wait3A_20 = tpu.memref_slice %arg8[%mul3A_10, %dma_wait3A_19] : memref<10112x8xf32, #tpu.memory_space<vmem_shared>> -> memref<632x8xf32, #tpu.memory_space<vmem_shared>>
      tpu.wait_dma2 semaphore(%run_scoped3A : memref<!tpu.dma_semaphore, #tpu.memory_space<semaphore_mem>>) src(%dma_wait3A_20 : memref<632x8xf32, #tpu.memory_space<vmem_shared>>) dst(%dma_wait3A_18 : memref<632x8xf32, #tpu.memory_space<hbm>>)
      tpu.yield
    }) : () -> ()
    return
  }
}

#map = affine_map<(d0, d1) -> (0, 0, 0)>
#map1 = affine_map<(d0, d1) -> (0, 0)>
module attributes {stable_mosaic.version = 14 : i64} {
  func.func @edge_kernel(%arg0: i32, %arg1: i32, %arg2: memref<32x50x80xi32, #tpu.memory_space<hbm>>, %arg3: memref<32x50x80xi32, #tpu.memory_space<hbm>>, %arg4: memref<10112x128xf32, #tpu.memory_space<hbm>>, %arg5: memref<10112x128xf32, #tpu.memory_space<hbm>>, %arg6: memref<128000x128xf32, #tpu.memory_space<hbm>>, %arg7: memref<50x80xi32, #tpu.memory_space<vmem>>, %arg8: memref<50x80xi32, #tpu.memory_space<vmem>>, %arg9: memref<5x80x128xf32, #tpu.memory_space<vmem>>, %arg10: memref<8x!tpu.dma_semaphore, #tpu.memory_space<semaphore_mem>>, %arg11: memref<8x!tpu.dma_semaphore, #tpu.memory_space<semaphore_mem>>, %arg12: memref<!tpu.dma_semaphore, #tpu.memory_space<semaphore_mem>>) attributes {dimension_semantics = [#tpu.dimension_semantics<core_parallel>, #tpu.dimension_semantics<subcore_parallel>], iteration_bounds = array<i64: 2, 16>, scalar_prefetch = 0 : i64, scratch_operands = 6 : i64, tpu.core_type = #tpu.core_type<sc_vector_subcore>, window_params = [{transform_indices = #map}, {transform_indices = #map}, {transform_indices = #map1}, {transform_indices = #map1}, {transform_indices = #map1}]} {
    %mul3A = arith.constant 16 : i32
    %mul3A_0 = arith.muli %arg0, %mul3A : i32
    %add3A = arith.addi %mul3A_0, %arg1 : i32
    "tpu.region"() ({
      %run_scoped3A = tpu.sem_alloc : memref<!tpu.dma_semaphore, #tpu.memory_space<semaphore_mem>>
      %dma_start3A = arith.constant 0 : i32
      %dma_start3A_6 = arith.constant 0 : i32
      %dma_start3A_7 = tpu.memref_slice %arg2[%add3A, %dma_start3A, %dma_start3A_6] : memref<32x50x80xi32, #tpu.memory_space<hbm>> -> memref<1x50x80xi32, #tpu.memory_space<hbm>>
      %dma_start3A_8 = tpu.memref_squeeze %dma_start3A_7 : memref<1x50x80xi32, #tpu.memory_space<hbm>> -> memref<50x80xi32, #tpu.memory_space<hbm>>
      %dma_start3A_9 = arith.constant 0 : i32
      %dma_start3A_10 = arith.constant 0 : i32
      %dma_start3A_11 = tpu.memref_slice %arg2[%add3A, %dma_start3A_9, %dma_start3A_10] : memref<32x50x80xi32, #tpu.memory_space<hbm>> -> memref<1x50x80xi32, #tpu.memory_space<hbm>>
      %dma_start3A_12 = tpu.memref_squeeze %dma_start3A_11 : memref<1x50x80xi32, #tpu.memory_space<hbm>> -> memref<50x80xi32, #tpu.memory_space<hbm>>
      tpu.enqueue_dma source(%dma_start3A_12 : memref<50x80xi32, #tpu.memory_space<hbm>>) target(%arg7 : memref<50x80xi32, #tpu.memory_space<vmem>>) target_semaphore(%run_scoped3A : memref<!tpu.dma_semaphore, #tpu.memory_space<semaphore_mem>>)
      %dma_wait3A = arith.constant 0 : i32
      %dma_wait3A_13 = arith.constant 0 : i32
      %dma_wait3A_14 = tpu.memref_slice %arg2[%add3A, %dma_wait3A, %dma_wait3A_13] : memref<32x50x80xi32, #tpu.memory_space<hbm>> -> memref<1x50x80xi32, #tpu.memory_space<hbm>>
      %dma_wait3A_15 = tpu.memref_squeeze %dma_wait3A_14 : memref<1x50x80xi32, #tpu.memory_space<hbm>> -> memref<50x80xi32, #tpu.memory_space<hbm>>
      %dma_wait3A_16 = arith.constant 0 : i32
      %dma_wait3A_17 = arith.constant 0 : i32
      %dma_wait3A_18 = tpu.memref_slice %arg2[%add3A, %dma_wait3A_16, %dma_wait3A_17] : memref<32x50x80xi32, #tpu.memory_space<hbm>> -> memref<1x50x80xi32, #tpu.memory_space<hbm>>
      %dma_wait3A_19 = tpu.memref_squeeze %dma_wait3A_18 : memref<1x50x80xi32, #tpu.memory_space<hbm>> -> memref<50x80xi32, #tpu.memory_space<hbm>>
      tpu.wait_dma2 semaphore(%run_scoped3A : memref<!tpu.dma_semaphore, #tpu.memory_space<semaphore_mem>>) src(%dma_wait3A_19 : memref<50x80xi32, #tpu.memory_space<hbm>>) dst(%arg7 : memref<50x80xi32, #tpu.memory_space<vmem>>)
      tpu.yield
    }) : () -> ()
    "tpu.region"() ({
      %run_scoped3A = tpu.sem_alloc : memref<!tpu.dma_semaphore, #tpu.memory_space<semaphore_mem>>
      %dma_start3A = arith.constant 0 : i32
      %dma_start3A_6 = arith.constant 0 : i32
      %dma_start3A_7 = tpu.memref_slice %arg3[%add3A, %dma_start3A, %dma_start3A_6] : memref<32x50x80xi32, #tpu.memory_space<hbm>> -> memref<1x50x80xi32, #tpu.memory_space<hbm>>
      %dma_start3A_8 = tpu.memref_squeeze %dma_start3A_7 : memref<1x50x80xi32, #tpu.memory_space<hbm>> -> memref<50x80xi32, #tpu.memory_space<hbm>>
      %dma_start3A_9 = arith.constant 0 : i32
      %dma_start3A_10 = arith.constant 0 : i32
      %dma_start3A_11 = tpu.memref_slice %arg3[%add3A, %dma_start3A_9, %dma_start3A_10] : memref<32x50x80xi32, #tpu.memory_space<hbm>> -> memref<1x50x80xi32, #tpu.memory_space<hbm>>
      %dma_start3A_12 = tpu.memref_squeeze %dma_start3A_11 : memref<1x50x80xi32, #tpu.memory_space<hbm>> -> memref<50x80xi32, #tpu.memory_space<hbm>>
      tpu.enqueue_dma source(%dma_start3A_12 : memref<50x80xi32, #tpu.memory_space<hbm>>) target(%arg8 : memref<50x80xi32, #tpu.memory_space<vmem>>) target_semaphore(%run_scoped3A : memref<!tpu.dma_semaphore, #tpu.memory_space<semaphore_mem>>)
      %dma_wait3A = arith.constant 0 : i32
      %dma_wait3A_13 = arith.constant 0 : i32
      %dma_wait3A_14 = tpu.memref_slice %arg3[%add3A, %dma_wait3A, %dma_wait3A_13] : memref<32x50x80xi32, #tpu.memory_space<hbm>> -> memref<1x50x80xi32, #tpu.memory_space<hbm>>
      %dma_wait3A_15 = tpu.memref_squeeze %dma_wait3A_14 : memref<1x50x80xi32, #tpu.memory_space<hbm>> -> memref<50x80xi32, #tpu.memory_space<hbm>>
      %dma_wait3A_16 = arith.constant 0 : i32
      %dma_wait3A_17 = arith.constant 0 : i32
      %dma_wait3A_18 = tpu.memref_slice %arg3[%add3A, %dma_wait3A_16, %dma_wait3A_17] : memref<32x50x80xi32, #tpu.memory_space<hbm>> -> memref<1x50x80xi32, #tpu.memory_space<hbm>>
      %dma_wait3A_19 = tpu.memref_squeeze %dma_wait3A_18 : memref<1x50x80xi32, #tpu.memory_space<hbm>> -> memref<50x80xi32, #tpu.memory_space<hbm>>
      tpu.wait_dma2 semaphore(%run_scoped3A : memref<!tpu.dma_semaphore, #tpu.memory_space<semaphore_mem>>) src(%dma_wait3A_19 : memref<50x80xi32, #tpu.memory_space<hbm>>) dst(%arg8 : memref<50x80xi32, #tpu.memory_space<vmem>>)
      tpu.yield
    }) : () -> ()
    %scan3A = arith.constant 0 : i32
    %scan3A_1 = arith.constant 0 : i32
    %scan3A_2 = arith.constant 10 : i32
    %scan3A_3 = arith.addi %scan3A_1, %scan3A_2 : i32
    %scan3A_4 = arith.constant 1 : i32
    scf.for %scan3A_6 = %scan3A_1 to %scan3A_3 step %scan3A_4  : i32 {
      %mul3A_7 = arith.constant 5 : i32
      %mul3A_8 = arith.muli %scan3A_6, %mul3A_7 : i32
      %add3A_9 = arith.constant 0 : i32
      %add3A_10 = arith.addi %mul3A_8, %add3A_9 : i32
      %dma_start3A = arith.constant 0 : i32
      %dma_start3A_11 = arith.constant 0 : i32
      %dma_start3A_12 = arith.constant 0 : i32
      %dma_start3A_13 = arith.constant 0 : i32
      %dma_start3A_14 = tpu.memref_slice %arg9[%dma_start3A, %dma_start3A_12, %dma_start3A_13] : memref<5x80x128xf32, #tpu.memory_space<vmem>> -> memref<1x80x128xf32, #tpu.memory_space<vmem>>
      %dma_start3A_15 = tpu.memref_squeeze %dma_start3A_14 : memref<1x80x128xf32, #tpu.memory_space<vmem>> -> memref<80x128xf32, #tpu.memory_space<vmem>>
      %dma_start3A_16 = arith.constant 0 : i32
      %dma_start3A_17 = tpu.memref_slice %arg7[%add3A_10, %dma_start3A_16] : memref<50x80xi32, #tpu.memory_space<vmem>> -> memref<1x80xi32, #tpu.memory_space<vmem>>
      %dma_start3A_18 = tpu.memref_squeeze %dma_start3A_17 : memref<1x80xi32, #tpu.memory_space<vmem>> -> memref<80xi32, #tpu.memory_space<vmem>>
      %dma_start3A_19 = arith.constant 0 : i32
      %dma_start3A_20 = arith.constant 0 : i32
      %dma_start3A_21 = tpu.memref_slice %arg4[%dma_start3A_19, %dma_start3A_20] : memref<10112x128xf32, #tpu.memory_space<hbm>> -> memref<10112x128xf32, #tpu.memory_space<hbm>>
      %dma_start3A_22 = tpu.memref_slice %arg10[%dma_start3A_11] : memref<8x!tpu.dma_semaphore, #tpu.memory_space<semaphore_mem>> -> memref<1x!tpu.dma_semaphore, #tpu.memory_space<semaphore_mem>>
      %dma_start3A_23 = tpu.memref_squeeze %dma_start3A_22 : memref<1x!tpu.dma_semaphore, #tpu.memory_space<semaphore_mem>> -> memref<!tpu.dma_semaphore, #tpu.memory_space<semaphore_mem>>
      tpu.enqueue_indirect_dma source(%dma_start3A_21 : memref<10112x128xf32, #tpu.memory_space<hbm>>) target(%dma_start3A_15 : memref<80x128xf32, #tpu.memory_space<vmem>>) offsets(%dma_start3A_18 : memref<80xi32, #tpu.memory_space<vmem>>) semaphore(%dma_start3A_23 : memref<!tpu.dma_semaphore, #tpu.memory_space<semaphore_mem>>)
      %add3A_24 = arith.constant 1 : i32
      %add3A_25 = arith.addi %mul3A_8, %add3A_24 : i32
      %dma_start3A_26 = arith.constant 1 : i32
      %dma_start3A_27 = arith.constant 1 : i32
      %dma_start3A_28 = arith.constant 0 : i32
      %dma_start3A_29 = arith.constant 0 : i32
      %dma_start3A_30 = tpu.memref_slice %arg9[%dma_start3A_26, %dma_start3A_28, %dma_start3A_29] : memref<5x80x128xf32, #tpu.memory_space<vmem>> -> memref<1x80x128xf32, #tpu.memory_space<vmem>>
      %dma_start3A_31 = tpu.memref_squeeze %dma_start3A_30 : memref<1x80x128xf32, #tpu.memory_space<vmem>> -> memref<80x128xf32, #tpu.memory_space<vmem>>
      %dma_start3A_32 = arith.constant 0 : i32
      %dma_start3A_33 = tpu.memref_slice %arg7[%add3A_25, %dma_start3A_32] : memref<50x80xi32, #tpu.memory_space<vmem>> -> memref<1x80xi32, #tpu.memory_space<vmem>>
      %dma_start3A_34 = tpu.memref_squeeze %dma_start3A_33 : memref<1x80xi32, #tpu.memory_space<vmem>> -> memref<80xi32, #tpu.memory_space<vmem>>
      %dma_start3A_35 = arith.constant 0 : i32
      %dma_start3A_36 = arith.constant 0 : i32
      %dma_start3A_37 = tpu.memref_slice %arg4[%dma_start3A_35, %dma_start3A_36] : memref<10112x128xf32, #tpu.memory_space<hbm>> -> memref<10112x128xf32, #tpu.memory_space<hbm>>
      %dma_start3A_38 = tpu.memref_slice %arg10[%dma_start3A_27] : memref<8x!tpu.dma_semaphore, #tpu.memory_space<semaphore_mem>> -> memref<1x!tpu.dma_semaphore, #tpu.memory_space<semaphore_mem>>
      %dma_start3A_39 = tpu.memref_squeeze %dma_start3A_38 : memref<1x!tpu.dma_semaphore, #tpu.memory_space<semaphore_mem>> -> memref<!tpu.dma_semaphore, #tpu.memory_space<semaphore_mem>>
      tpu.enqueue_indirect_dma source(%dma_start3A_37 : memref<10112x128xf32, #tpu.memory_space<hbm>>) target(%dma_start3A_31 : memref<80x128xf32, #tpu.memory_space<vmem>>) offsets(%dma_start3A_34 : memref<80xi32, #tpu.memory_space<vmem>>) semaphore(%dma_start3A_39 : memref<!tpu.dma_semaphore, #tpu.memory_space<semaphore_mem>>)
      %add3A_40 = arith.constant 2 : i32
      %add3A_41 = arith.addi %mul3A_8, %add3A_40 : i32
      %dma_start3A_42 = arith.constant 2 : i32
      %dma_start3A_43 = arith.constant 2 : i32
      %dma_start3A_44 = arith.constant 0 : i32
      %dma_start3A_45 = arith.constant 0 : i32
      %dma_start3A_46 = tpu.memref_slice %arg9[%dma_start3A_42, %dma_start3A_44, %dma_start3A_45] : memref<5x80x128xf32, #tpu.memory_space<vmem>> -> memref<1x80x128xf32, #tpu.memory_space<vmem>>
      %dma_start3A_47 = tpu.memref_squeeze %dma_start3A_46 : memref<1x80x128xf32, #tpu.memory_space<vmem>> -> memref<80x128xf32, #tpu.memory_space<vmem>>
      %dma_start3A_48 = arith.constant 0 : i32
      %dma_start3A_49 = tpu.memref_slice %arg7[%add3A_41, %dma_start3A_48] : memref<50x80xi32, #tpu.memory_space<vmem>> -> memref<1x80xi32, #tpu.memory_space<vmem>>
      %dma_start3A_50 = tpu.memref_squeeze %dma_start3A_49 : memref<1x80xi32, #tpu.memory_space<vmem>> -> memref<80xi32, #tpu.memory_space<vmem>>
      %dma_start3A_51 = arith.constant 0 : i32
      %dma_start3A_52 = arith.constant 0 : i32
      %dma_start3A_53 = tpu.memref_slice %arg4[%dma_start3A_51, %dma_start3A_52] : memref<10112x128xf32, #tpu.memory_space<hbm>> -> memref<10112x128xf32, #tpu.memory_space<hbm>>
      %dma_start3A_54 = tpu.memref_slice %arg10[%dma_start3A_43] : memref<8x!tpu.dma_semaphore, #tpu.memory_space<semaphore_mem>> -> memref<1x!tpu.dma_semaphore, #tpu.memory_space<semaphore_mem>>
      %dma_start3A_55 = tpu.memref_squeeze %dma_start3A_54 : memref<1x!tpu.dma_semaphore, #tpu.memory_space<semaphore_mem>> -> memref<!tpu.dma_semaphore, #tpu.memory_space<semaphore_mem>>
      tpu.enqueue_indirect_dma source(%dma_start3A_53 : memref<10112x128xf32, #tpu.memory_space<hbm>>) target(%dma_start3A_47 : memref<80x128xf32, #tpu.memory_space<vmem>>) offsets(%dma_start3A_50 : memref<80xi32, #tpu.memory_space<vmem>>) semaphore(%dma_start3A_55 : memref<!tpu.dma_semaphore, #tpu.memory_space<semaphore_mem>>)
      %add3A_56 = arith.constant 3 : i32
      %add3A_57 = arith.addi %mul3A_8, %add3A_56 : i32
      %dma_start3A_58 = arith.constant 3 : i32
      %dma_start3A_59 = arith.constant 3 : i32
      %dma_start3A_60 = arith.constant 0 : i32
      %dma_start3A_61 = arith.constant 0 : i32
      %dma_start3A_62 = tpu.memref_slice %arg9[%dma_start3A_58, %dma_start3A_60, %dma_start3A_61] : memref<5x80x128xf32, #tpu.memory_space<vmem>> -> memref<1x80x128xf32, #tpu.memory_space<vmem>>
      %dma_start3A_63 = tpu.memref_squeeze %dma_start3A_62 : memref<1x80x128xf32, #tpu.memory_space<vmem>> -> memref<80x128xf32, #tpu.memory_space<vmem>>
      %dma_start3A_64 = arith.constant 0 : i32
      %dma_start3A_65 = tpu.memref_slice %arg7[%add3A_57, %dma_start3A_64] : memref<50x80xi32, #tpu.memory_space<vmem>> -> memref<1x80xi32, #tpu.memory_space<vmem>>
      %dma_start3A_66 = tpu.memref_squeeze %dma_start3A_65 : memref<1x80xi32, #tpu.memory_space<vmem>> -> memref<80xi32, #tpu.memory_space<vmem>>
      %dma_start3A_67 = arith.constant 0 : i32
      %dma_start3A_68 = arith.constant 0 : i32
      %dma_start3A_69 = tpu.memref_slice %arg4[%dma_start3A_67, %dma_start3A_68] : memref<10112x128xf32, #tpu.memory_space<hbm>> -> memref<10112x128xf32, #tpu.memory_space<hbm>>
      %dma_start3A_70 = tpu.memref_slice %arg10[%dma_start3A_59] : memref<8x!tpu.dma_semaphore, #tpu.memory_space<semaphore_mem>> -> memref<1x!tpu.dma_semaphore, #tpu.memory_space<semaphore_mem>>
      %dma_start3A_71 = tpu.memref_squeeze %dma_start3A_70 : memref<1x!tpu.dma_semaphore, #tpu.memory_space<semaphore_mem>> -> memref<!tpu.dma_semaphore, #tpu.memory_space<semaphore_mem>>
      tpu.enqueue_indirect_dma source(%dma_start3A_69 : memref<10112x128xf32, #tpu.memory_space<hbm>>) target(%dma_start3A_63 : memref<80x128xf32, #tpu.memory_space<vmem>>) offsets(%dma_start3A_66 : memref<80xi32, #tpu.memory_space<vmem>>) semaphore(%dma_start3A_71 : memref<!tpu.dma_semaphore, #tpu.memory_space<semaphore_mem>>)
      %add3A_72 = arith.constant 4 : i32
      %add3A_73 = arith.addi %mul3A_8, %add3A_72 : i32
      %dma_start3A_74 = arith.constant 4 : i32
      %dma_start3A_75 = arith.constant 4 : i32
      %dma_start3A_76 = arith.constant 0 : i32
      %dma_start3A_77 = arith.constant 0 : i32
      %dma_start3A_78 = tpu.memref_slice %arg9[%dma_start3A_74, %dma_start3A_76, %dma_start3A_77] : memref<5x80x128xf32, #tpu.memory_space<vmem>> -> memref<1x80x128xf32, #tpu.memory_space<vmem>>
      %dma_start3A_79 = tpu.memref_squeeze %dma_start3A_78 : memref<1x80x128xf32, #tpu.memory_space<vmem>> -> memref<80x128xf32, #tpu.memory_space<vmem>>
      %dma_start3A_80 = arith.constant 0 : i32
      %dma_start3A_81 = tpu.memref_slice %arg7[%add3A_73, %dma_start3A_80] : memref<50x80xi32, #tpu.memory_space<vmem>> -> memref<1x80xi32, #tpu.memory_space<vmem>>
      %dma_start3A_82 = tpu.memref_squeeze %dma_start3A_81 : memref<1x80xi32, #tpu.memory_space<vmem>> -> memref<80xi32, #tpu.memory_space<vmem>>
      %dma_start3A_83 = arith.constant 0 : i32
      %dma_start3A_84 = arith.constant 0 : i32
      %dma_start3A_85 = tpu.memref_slice %arg4[%dma_start3A_83, %dma_start3A_84] : memref<10112x128xf32, #tpu.memory_space<hbm>> -> memref<10112x128xf32, #tpu.memory_space<hbm>>
      %dma_start3A_86 = tpu.memref_slice %arg10[%dma_start3A_75] : memref<8x!tpu.dma_semaphore, #tpu.memory_space<semaphore_mem>> -> memref<1x!tpu.dma_semaphore, #tpu.memory_space<semaphore_mem>>
      %dma_start3A_87 = tpu.memref_squeeze %dma_start3A_86 : memref<1x!tpu.dma_semaphore, #tpu.memory_space<semaphore_mem>> -> memref<!tpu.dma_semaphore, #tpu.memory_space<semaphore_mem>>
      tpu.enqueue_indirect_dma source(%dma_start3A_85 : memref<10112x128xf32, #tpu.memory_space<hbm>>) target(%dma_start3A_79 : memref<80x128xf32, #tpu.memory_space<vmem>>) offsets(%dma_start3A_82 : memref<80xi32, #tpu.memory_space<vmem>>) semaphore(%dma_start3A_87 : memref<!tpu.dma_semaphore, #tpu.memory_space<semaphore_mem>>)
      %dma_wait3A = arith.constant 0 : i32
      %dma_wait3A_88 = arith.constant 0 : i32
      %dma_wait3A_89 = arith.constant 0 : i32
      %dma_wait3A_90 = arith.constant 0 : i32
      %dma_wait3A_91 = tpu.memref_slice %arg9[%dma_wait3A, %dma_wait3A_89, %dma_wait3A_90] : memref<5x80x128xf32, #tpu.memory_space<vmem>> -> memref<1x80x128xf32, #tpu.memory_space<vmem>>
      %dma_wait3A_92 = tpu.memref_squeeze %dma_wait3A_91 : memref<1x80x128xf32, #tpu.memory_space<vmem>> -> memref<80x128xf32, #tpu.memory_space<vmem>>
      %dma_wait3A_93 = arith.constant 0 : i32
      %dma_wait3A_94 = tpu.memref_slice %arg7[%add3A_10, %dma_wait3A_93] : memref<50x80xi32, #tpu.memory_space<vmem>> -> memref<1x80xi32, #tpu.memory_space<vmem>>
      %dma_wait3A_95 = tpu.memref_squeeze %dma_wait3A_94 : memref<1x80xi32, #tpu.memory_space<vmem>> -> memref<80xi32, #tpu.memory_space<vmem>>
      %dma_wait3A_96 = arith.constant 0 : i32
      %dma_wait3A_97 = arith.constant 0 : i32
      %dma_wait3A_98 = tpu.memref_slice %arg4[%dma_wait3A_96, %dma_wait3A_97] : memref<10112x128xf32, #tpu.memory_space<hbm>> -> memref<10112x128xf32, #tpu.memory_space<hbm>>
      %dma_wait3A_99 = tpu.memref_slice %arg10[%dma_wait3A_88] : memref<8x!tpu.dma_semaphore, #tpu.memory_space<semaphore_mem>> -> memref<1x!tpu.dma_semaphore, #tpu.memory_space<semaphore_mem>>
      %dma_wait3A_100 = tpu.memref_squeeze %dma_wait3A_99 : memref<1x!tpu.dma_semaphore, #tpu.memory_space<semaphore_mem>> -> memref<!tpu.dma_semaphore, #tpu.memory_space<semaphore_mem>>
      tpu.wait_indirect_dma semaphore(%dma_wait3A_100 : memref<!tpu.dma_semaphore, #tpu.memory_space<semaphore_mem>>) src(%dma_wait3A_98 : memref<10112x128xf32, #tpu.memory_space<hbm>>) dst(%dma_wait3A_92 : memref<80x128xf32, #tpu.memory_space<vmem>>)
      %add3A_101 = arith.constant 0 : i32
      %add3A_102 = arith.addi %mul3A_8, %add3A_101 : i32
      %dma_start3A_103 = arith.constant 0 : i32
      %dma_start3A_104 = arith.constant 0 : i32
      %dma_start3A_105 = arith.constant 0 : i32
      %dma_start3A_106 = arith.constant 0 : i32
      %dma_start3A_107 = tpu.memref_slice %arg9[%dma_start3A_103, %dma_start3A_105, %dma_start3A_106] : memref<5x80x128xf32, #tpu.memory_space<vmem>> -> memref<1x80x128xf32, #tpu.memory_space<vmem>>
      %dma_start3A_108 = tpu.memref_squeeze %dma_start3A_107 : memref<1x80x128xf32, #tpu.memory_space<vmem>> -> memref<80x128xf32, #tpu.memory_space<vmem>>
      %dma_start3A_109 = arith.constant 0 : i32
      %dma_start3A_110 = tpu.memref_slice %arg8[%add3A_102, %dma_start3A_109] : memref<50x80xi32, #tpu.memory_space<vmem>> -> memref<1x80xi32, #tpu.memory_space<vmem>>
      %dma_start3A_111 = tpu.memref_squeeze %dma_start3A_110 : memref<1x80xi32, #tpu.memory_space<vmem>> -> memref<80xi32, #tpu.memory_space<vmem>>
      %dma_start3A_112 = arith.constant 0 : i32
      %dma_start3A_113 = arith.constant 0 : i32
      %dma_start3A_114 = tpu.memref_slice %arg5[%dma_start3A_112, %dma_start3A_113] : memref<10112x128xf32, #tpu.memory_space<hbm>> -> memref<10112x128xf32, #tpu.memory_space<hbm>>
      %dma_start3A_115 = tpu.memref_slice %arg11[%dma_start3A_104] : memref<8x!tpu.dma_semaphore, #tpu.memory_space<semaphore_mem>> -> memref<1x!tpu.dma_semaphore, #tpu.memory_space<semaphore_mem>>
      %dma_start3A_116 = tpu.memref_squeeze %dma_start3A_115 : memref<1x!tpu.dma_semaphore, #tpu.memory_space<semaphore_mem>> -> memref<!tpu.dma_semaphore, #tpu.memory_space<semaphore_mem>>
      tpu.enqueue_indirect_dma source(%dma_start3A_114 : memref<10112x128xf32, #tpu.memory_space<hbm>>) target(%dma_start3A_108 : memref<80x128xf32, #tpu.memory_space<vmem>>) offsets(%dma_start3A_111 : memref<80xi32, #tpu.memory_space<vmem>>) semaphore(%dma_start3A_116 : memref<!tpu.dma_semaphore, #tpu.memory_space<semaphore_mem>>) {add = true}
      %dma_wait3A_117 = arith.constant 1 : i32
      %dma_wait3A_118 = arith.constant 1 : i32
      %dma_wait3A_119 = arith.constant 0 : i32
      %dma_wait3A_120 = arith.constant 0 : i32
      %dma_wait3A_121 = tpu.memref_slice %arg9[%dma_wait3A_117, %dma_wait3A_119, %dma_wait3A_120] : memref<5x80x128xf32, #tpu.memory_space<vmem>> -> memref<1x80x128xf32, #tpu.memory_space<vmem>>
      %dma_wait3A_122 = tpu.memref_squeeze %dma_wait3A_121 : memref<1x80x128xf32, #tpu.memory_space<vmem>> -> memref<80x128xf32, #tpu.memory_space<vmem>>
      %dma_wait3A_123 = arith.constant 0 : i32
      %dma_wait3A_124 = tpu.memref_slice %arg7[%add3A_25, %dma_wait3A_123] : memref<50x80xi32, #tpu.memory_space<vmem>> -> memref<1x80xi32, #tpu.memory_space<vmem>>
      %dma_wait3A_125 = tpu.memref_squeeze %dma_wait3A_124 : memref<1x80xi32, #tpu.memory_space<vmem>> -> memref<80xi32, #tpu.memory_space<vmem>>
      %dma_wait3A_126 = arith.constant 0 : i32
      %dma_wait3A_127 = arith.constant 0 : i32
      %dma_wait3A_128 = tpu.memref_slice %arg4[%dma_wait3A_126, %dma_wait3A_127] : memref<10112x128xf32, #tpu.memory_space<hbm>> -> memref<10112x128xf32, #tpu.memory_space<hbm>>
      %dma_wait3A_129 = tpu.memref_slice %arg10[%dma_wait3A_118] : memref<8x!tpu.dma_semaphore, #tpu.memory_space<semaphore_mem>> -> memref<1x!tpu.dma_semaphore, #tpu.memory_space<semaphore_mem>>
      %dma_wait3A_130 = tpu.memref_squeeze %dma_wait3A_129 : memref<1x!tpu.dma_semaphore, #tpu.memory_space<semaphore_mem>> -> memref<!tpu.dma_semaphore, #tpu.memory_space<semaphore_mem>>
      tpu.wait_indirect_dma semaphore(%dma_wait3A_130 : memref<!tpu.dma_semaphore, #tpu.memory_space<semaphore_mem>>) src(%dma_wait3A_128 : memref<10112x128xf32, #tpu.memory_space<hbm>>) dst(%dma_wait3A_122 : memref<80x128xf32, #tpu.memory_space<vmem>>)
      %add3A_131 = arith.constant 1 : i32
      %add3A_132 = arith.addi %mul3A_8, %add3A_131 : i32
      %dma_start3A_133 = arith.constant 1 : i32
      %dma_start3A_134 = arith.constant 1 : i32
      %dma_start3A_135 = arith.constant 0 : i32
      %dma_start3A_136 = arith.constant 0 : i32
      %dma_start3A_137 = tpu.memref_slice %arg9[%dma_start3A_133, %dma_start3A_135, %dma_start3A_136] : memref<5x80x128xf32, #tpu.memory_space<vmem>> -> memref<1x80x128xf32, #tpu.memory_space<vmem>>
      %dma_start3A_138 = tpu.memref_squeeze %dma_start3A_137 : memref<1x80x128xf32, #tpu.memory_space<vmem>> -> memref<80x128xf32, #tpu.memory_space<vmem>>
      %dma_start3A_139 = arith.constant 0 : i32
      %dma_start3A_140 = tpu.memref_slice %arg8[%add3A_132, %dma_start3A_139] : memref<50x80xi32, #tpu.memory_space<vmem>> -> memref<1x80xi32, #tpu.memory_space<vmem>>
      %dma_start3A_141 = tpu.memref_squeeze %dma_start3A_140 : memref<1x80xi32, #tpu.memory_space<vmem>> -> memref<80xi32, #tpu.memory_space<vmem>>
      %dma_start3A_142 = arith.constant 0 : i32
      %dma_start3A_143 = arith.constant 0 : i32
      %dma_start3A_144 = tpu.memref_slice %arg5[%dma_start3A_142, %dma_start3A_143] : memref<10112x128xf32, #tpu.memory_space<hbm>> -> memref<10112x128xf32, #tpu.memory_space<hbm>>
      %dma_start3A_145 = tpu.memref_slice %arg11[%dma_start3A_134] : memref<8x!tpu.dma_semaphore, #tpu.memory_space<semaphore_mem>> -> memref<1x!tpu.dma_semaphore, #tpu.memory_space<semaphore_mem>>
      %dma_start3A_146 = tpu.memref_squeeze %dma_start3A_145 : memref<1x!tpu.dma_semaphore, #tpu.memory_space<semaphore_mem>> -> memref<!tpu.dma_semaphore, #tpu.memory_space<semaphore_mem>>
      tpu.enqueue_indirect_dma source(%dma_start3A_144 : memref<10112x128xf32, #tpu.memory_space<hbm>>) target(%dma_start3A_138 : memref<80x128xf32, #tpu.memory_space<vmem>>) offsets(%dma_start3A_141 : memref<80xi32, #tpu.memory_space<vmem>>) semaphore(%dma_start3A_146 : memref<!tpu.dma_semaphore, #tpu.memory_space<semaphore_mem>>) {add = true}
      %dma_wait3A_147 = arith.constant 2 : i32
      %dma_wait3A_148 = arith.constant 2 : i32
      %dma_wait3A_149 = arith.constant 0 : i32
      %dma_wait3A_150 = arith.constant 0 : i32
      %dma_wait3A_151 = tpu.memref_slice %arg9[%dma_wait3A_147, %dma_wait3A_149, %dma_wait3A_150] : memref<5x80x128xf32, #tpu.memory_space<vmem>> -> memref<1x80x128xf32, #tpu.memory_space<vmem>>
      %dma_wait3A_152 = tpu.memref_squeeze %dma_wait3A_151 : memref<1x80x128xf32, #tpu.memory_space<vmem>> -> memref<80x128xf32, #tpu.memory_space<vmem>>
      %dma_wait3A_153 = arith.constant 0 : i32
      %dma_wait3A_154 = tpu.memref_slice %arg7[%add3A_41, %dma_wait3A_153] : memref<50x80xi32, #tpu.memory_space<vmem>> -> memref<1x80xi32, #tpu.memory_space<vmem>>
      %dma_wait3A_155 = tpu.memref_squeeze %dma_wait3A_154 : memref<1x80xi32, #tpu.memory_space<vmem>> -> memref<80xi32, #tpu.memory_space<vmem>>
      %dma_wait3A_156 = arith.constant 0 : i32
      %dma_wait3A_157 = arith.constant 0 : i32
      %dma_wait3A_158 = tpu.memref_slice %arg4[%dma_wait3A_156, %dma_wait3A_157] : memref<10112x128xf32, #tpu.memory_space<hbm>> -> memref<10112x128xf32, #tpu.memory_space<hbm>>
      %dma_wait3A_159 = tpu.memref_slice %arg10[%dma_wait3A_148] : memref<8x!tpu.dma_semaphore, #tpu.memory_space<semaphore_mem>> -> memref<1x!tpu.dma_semaphore, #tpu.memory_space<semaphore_mem>>
      %dma_wait3A_160 = tpu.memref_squeeze %dma_wait3A_159 : memref<1x!tpu.dma_semaphore, #tpu.memory_space<semaphore_mem>> -> memref<!tpu.dma_semaphore, #tpu.memory_space<semaphore_mem>>
      tpu.wait_indirect_dma semaphore(%dma_wait3A_160 : memref<!tpu.dma_semaphore, #tpu.memory_space<semaphore_mem>>) src(%dma_wait3A_158 : memref<10112x128xf32, #tpu.memory_space<hbm>>) dst(%dma_wait3A_152 : memref<80x128xf32, #tpu.memory_space<vmem>>)
      %add3A_161 = arith.constant 2 : i32
      %add3A_162 = arith.addi %mul3A_8, %add3A_161 : i32
      %dma_start3A_163 = arith.constant 2 : i32
      %dma_start3A_164 = arith.constant 2 : i32
      %dma_start3A_165 = arith.constant 0 : i32
      %dma_start3A_166 = arith.constant 0 : i32
      %dma_start3A_167 = tpu.memref_slice %arg9[%dma_start3A_163, %dma_start3A_165, %dma_start3A_166] : memref<5x80x128xf32, #tpu.memory_space<vmem>> -> memref<1x80x128xf32, #tpu.memory_space<vmem>>
      %dma_start3A_168 = tpu.memref_squeeze %dma_start3A_167 : memref<1x80x128xf32, #tpu.memory_space<vmem>> -> memref<80x128xf32, #tpu.memory_space<vmem>>
      %dma_start3A_169 = arith.constant 0 : i32
      %dma_start3A_170 = tpu.memref_slice %arg8[%add3A_162, %dma_start3A_169] : memref<50x80xi32, #tpu.memory_space<vmem>> -> memref<1x80xi32, #tpu.memory_space<vmem>>
      %dma_start3A_171 = tpu.memref_squeeze %dma_start3A_170 : memref<1x80xi32, #tpu.memory_space<vmem>> -> memref<80xi32, #tpu.memory_space<vmem>>
      %dma_start3A_172 = arith.constant 0 : i32
      %dma_start3A_173 = arith.constant 0 : i32
      %dma_start3A_174 = tpu.memref_slice %arg5[%dma_start3A_172, %dma_start3A_173] : memref<10112x128xf32, #tpu.memory_space<hbm>> -> memref<10112x128xf32, #tpu.memory_space<hbm>>
      %dma_start3A_175 = tpu.memref_slice %arg11[%dma_start3A_164] : memref<8x!tpu.dma_semaphore, #tpu.memory_space<semaphore_mem>> -> memref<1x!tpu.dma_semaphore, #tpu.memory_space<semaphore_mem>>
      %dma_start3A_176 = tpu.memref_squeeze %dma_start3A_175 : memref<1x!tpu.dma_semaphore, #tpu.memory_space<semaphore_mem>> -> memref<!tpu.dma_semaphore, #tpu.memory_space<semaphore_mem>>
      tpu.enqueue_indirect_dma source(%dma_start3A_174 : memref<10112x128xf32, #tpu.memory_space<hbm>>) target(%dma_start3A_168 : memref<80x128xf32, #tpu.memory_space<vmem>>) offsets(%dma_start3A_171 : memref<80xi32, #tpu.memory_space<vmem>>) semaphore(%dma_start3A_176 : memref<!tpu.dma_semaphore, #tpu.memory_space<semaphore_mem>>) {add = true}
      %dma_wait3A_177 = arith.constant 3 : i32
      %dma_wait3A_178 = arith.constant 3 : i32
      %dma_wait3A_179 = arith.constant 0 : i32
      %dma_wait3A_180 = arith.constant 0 : i32
      %dma_wait3A_181 = tpu.memref_slice %arg9[%dma_wait3A_177, %dma_wait3A_179, %dma_wait3A_180] : memref<5x80x128xf32, #tpu.memory_space<vmem>> -> memref<1x80x128xf32, #tpu.memory_space<vmem>>
      %dma_wait3A_182 = tpu.memref_squeeze %dma_wait3A_181 : memref<1x80x128xf32, #tpu.memory_space<vmem>> -> memref<80x128xf32, #tpu.memory_space<vmem>>
      %dma_wait3A_183 = arith.constant 0 : i32
      %dma_wait3A_184 = tpu.memref_slice %arg7[%add3A_57, %dma_wait3A_183] : memref<50x80xi32, #tpu.memory_space<vmem>> -> memref<1x80xi32, #tpu.memory_space<vmem>>
      %dma_wait3A_185 = tpu.memref_squeeze %dma_wait3A_184 : memref<1x80xi32, #tpu.memory_space<vmem>> -> memref<80xi32, #tpu.memory_space<vmem>>
      %dma_wait3A_186 = arith.constant 0 : i32
      %dma_wait3A_187 = arith.constant 0 : i32
      %dma_wait3A_188 = tpu.memref_slice %arg4[%dma_wait3A_186, %dma_wait3A_187] : memref<10112x128xf32, #tpu.memory_space<hbm>> -> memref<10112x128xf32, #tpu.memory_space<hbm>>
      %dma_wait3A_189 = tpu.memref_slice %arg10[%dma_wait3A_178] : memref<8x!tpu.dma_semaphore, #tpu.memory_space<semaphore_mem>> -> memref<1x!tpu.dma_semaphore, #tpu.memory_space<semaphore_mem>>
      %dma_wait3A_190 = tpu.memref_squeeze %dma_wait3A_189 : memref<1x!tpu.dma_semaphore, #tpu.memory_space<semaphore_mem>> -> memref<!tpu.dma_semaphore, #tpu.memory_space<semaphore_mem>>
      tpu.wait_indirect_dma semaphore(%dma_wait3A_190 : memref<!tpu.dma_semaphore, #tpu.memory_space<semaphore_mem>>) src(%dma_wait3A_188 : memref<10112x128xf32, #tpu.memory_space<hbm>>) dst(%dma_wait3A_182 : memref<80x128xf32, #tpu.memory_space<vmem>>)
      %add3A_191 = arith.constant 3 : i32
      %add3A_192 = arith.addi %mul3A_8, %add3A_191 : i32
      %dma_start3A_193 = arith.constant 3 : i32
      %dma_start3A_194 = arith.constant 3 : i32
      %dma_start3A_195 = arith.constant 0 : i32
      %dma_start3A_196 = arith.constant 0 : i32
      %dma_start3A_197 = tpu.memref_slice %arg9[%dma_start3A_193, %dma_start3A_195, %dma_start3A_196] : memref<5x80x128xf32, #tpu.memory_space<vmem>> -> memref<1x80x128xf32, #tpu.memory_space<vmem>>
      %dma_start3A_198 = tpu.memref_squeeze %dma_start3A_197 : memref<1x80x128xf32, #tpu.memory_space<vmem>> -> memref<80x128xf32, #tpu.memory_space<vmem>>
      %dma_start3A_199 = arith.constant 0 : i32
      %dma_start3A_200 = tpu.memref_slice %arg8[%add3A_192, %dma_start3A_199] : memref<50x80xi32, #tpu.memory_space<vmem>> -> memref<1x80xi32, #tpu.memory_space<vmem>>
      %dma_start3A_201 = tpu.memref_squeeze %dma_start3A_200 : memref<1x80xi32, #tpu.memory_space<vmem>> -> memref<80xi32, #tpu.memory_space<vmem>>
      %dma_start3A_202 = arith.constant 0 : i32
      %dma_start3A_203 = arith.constant 0 : i32
      %dma_start3A_204 = tpu.memref_slice %arg5[%dma_start3A_202, %dma_start3A_203] : memref<10112x128xf32, #tpu.memory_space<hbm>> -> memref<10112x128xf32, #tpu.memory_space<hbm>>
      %dma_start3A_205 = tpu.memref_slice %arg11[%dma_start3A_194] : memref<8x!tpu.dma_semaphore, #tpu.memory_space<semaphore_mem>> -> memref<1x!tpu.dma_semaphore, #tpu.memory_space<semaphore_mem>>
      %dma_start3A_206 = tpu.memref_squeeze %dma_start3A_205 : memref<1x!tpu.dma_semaphore, #tpu.memory_space<semaphore_mem>> -> memref<!tpu.dma_semaphore, #tpu.memory_space<semaphore_mem>>
      tpu.enqueue_indirect_dma source(%dma_start3A_204 : memref<10112x128xf32, #tpu.memory_space<hbm>>) target(%dma_start3A_198 : memref<80x128xf32, #tpu.memory_space<vmem>>) offsets(%dma_start3A_201 : memref<80xi32, #tpu.memory_space<vmem>>) semaphore(%dma_start3A_206 : memref<!tpu.dma_semaphore, #tpu.memory_space<semaphore_mem>>) {add = true}
      %dma_wait3A_207 = arith.constant 4 : i32
      %dma_wait3A_208 = arith.constant 4 : i32
      %dma_wait3A_209 = arith.constant 0 : i32
      %dma_wait3A_210 = arith.constant 0 : i32
      %dma_wait3A_211 = tpu.memref_slice %arg9[%dma_wait3A_207, %dma_wait3A_209, %dma_wait3A_210] : memref<5x80x128xf32, #tpu.memory_space<vmem>> -> memref<1x80x128xf32, #tpu.memory_space<vmem>>
      %dma_wait3A_212 = tpu.memref_squeeze %dma_wait3A_211 : memref<1x80x128xf32, #tpu.memory_space<vmem>> -> memref<80x128xf32, #tpu.memory_space<vmem>>
      %dma_wait3A_213 = arith.constant 0 : i32
      %dma_wait3A_214 = tpu.memref_slice %arg7[%add3A_73, %dma_wait3A_213] : memref<50x80xi32, #tpu.memory_space<vmem>> -> memref<1x80xi32, #tpu.memory_space<vmem>>
      %dma_wait3A_215 = tpu.memref_squeeze %dma_wait3A_214 : memref<1x80xi32, #tpu.memory_space<vmem>> -> memref<80xi32, #tpu.memory_space<vmem>>
      %dma_wait3A_216 = arith.constant 0 : i32
      %dma_wait3A_217 = arith.constant 0 : i32
      %dma_wait3A_218 = tpu.memref_slice %arg4[%dma_wait3A_216, %dma_wait3A_217] : memref<10112x128xf32, #tpu.memory_space<hbm>> -> memref<10112x128xf32, #tpu.memory_space<hbm>>
      %dma_wait3A_219 = tpu.memref_slice %arg10[%dma_wait3A_208] : memref<8x!tpu.dma_semaphore, #tpu.memory_space<semaphore_mem>> -> memref<1x!tpu.dma_semaphore, #tpu.memory_space<semaphore_mem>>
      %dma_wait3A_220 = tpu.memref_squeeze %dma_wait3A_219 : memref<1x!tpu.dma_semaphore, #tpu.memory_space<semaphore_mem>> -> memref<!tpu.dma_semaphore, #tpu.memory_space<semaphore_mem>>
      tpu.wait_indirect_dma semaphore(%dma_wait3A_220 : memref<!tpu.dma_semaphore, #tpu.memory_space<semaphore_mem>>) src(%dma_wait3A_218 : memref<10112x128xf32, #tpu.memory_space<hbm>>) dst(%dma_wait3A_212 : memref<80x128xf32, #tpu.memory_space<vmem>>)
      %add3A_221 = arith.constant 4 : i32
      %add3A_222 = arith.addi %mul3A_8, %add3A_221 : i32
      %dma_start3A_223 = arith.constant 4 : i32
      %dma_start3A_224 = arith.constant 4 : i32
      %dma_start3A_225 = arith.constant 0 : i32
      %dma_start3A_226 = arith.constant 0 : i32
      %dma_start3A_227 = tpu.memref_slice %arg9[%dma_start3A_223, %dma_start3A_225, %dma_start3A_226] : memref<5x80x128xf32, #tpu.memory_space<vmem>> -> memref<1x80x128xf32, #tpu.memory_space<vmem>>
      %dma_start3A_228 = tpu.memref_squeeze %dma_start3A_227 : memref<1x80x128xf32, #tpu.memory_space<vmem>> -> memref<80x128xf32, #tpu.memory_space<vmem>>
      %dma_start3A_229 = arith.constant 0 : i32
      %dma_start3A_230 = tpu.memref_slice %arg8[%add3A_222, %dma_start3A_229] : memref<50x80xi32, #tpu.memory_space<vmem>> -> memref<1x80xi32, #tpu.memory_space<vmem>>
      %dma_start3A_231 = tpu.memref_squeeze %dma_start3A_230 : memref<1x80xi32, #tpu.memory_space<vmem>> -> memref<80xi32, #tpu.memory_space<vmem>>
      %dma_start3A_232 = arith.constant 0 : i32
      %dma_start3A_233 = arith.constant 0 : i32
      %dma_start3A_234 = tpu.memref_slice %arg5[%dma_start3A_232, %dma_start3A_233] : memref<10112x128xf32, #tpu.memory_space<hbm>> -> memref<10112x128xf32, #tpu.memory_space<hbm>>
      %dma_start3A_235 = tpu.memref_slice %arg11[%dma_start3A_224] : memref<8x!tpu.dma_semaphore, #tpu.memory_space<semaphore_mem>> -> memref<1x!tpu.dma_semaphore, #tpu.memory_space<semaphore_mem>>
      %dma_start3A_236 = tpu.memref_squeeze %dma_start3A_235 : memref<1x!tpu.dma_semaphore, #tpu.memory_space<semaphore_mem>> -> memref<!tpu.dma_semaphore, #tpu.memory_space<semaphore_mem>>
      tpu.enqueue_indirect_dma source(%dma_start3A_234 : memref<10112x128xf32, #tpu.memory_space<hbm>>) target(%dma_start3A_228 : memref<80x128xf32, #tpu.memory_space<vmem>>) offsets(%dma_start3A_231 : memref<80xi32, #tpu.memory_space<vmem>>) semaphore(%dma_start3A_236 : memref<!tpu.dma_semaphore, #tpu.memory_space<semaphore_mem>>) {add = true}
      %dma_wait3A_237 = arith.constant 0 : i32
      %dma_wait3A_238 = arith.constant 0 : i32
      %dma_wait3A_239 = arith.constant 0 : i32
      %dma_wait3A_240 = arith.constant 0 : i32
      %dma_wait3A_241 = tpu.memref_slice %arg9[%dma_wait3A_237, %dma_wait3A_239, %dma_wait3A_240] : memref<5x80x128xf32, #tpu.memory_space<vmem>> -> memref<1x80x128xf32, #tpu.memory_space<vmem>>
      %dma_wait3A_242 = tpu.memref_squeeze %dma_wait3A_241 : memref<1x80x128xf32, #tpu.memory_space<vmem>> -> memref<80x128xf32, #tpu.memory_space<vmem>>
      %dma_wait3A_243 = arith.constant 0 : i32
      %dma_wait3A_244 = tpu.memref_slice %arg8[%add3A_102, %dma_wait3A_243] : memref<50x80xi32, #tpu.memory_space<vmem>> -> memref<1x80xi32, #tpu.memory_space<vmem>>
      %dma_wait3A_245 = tpu.memref_squeeze %dma_wait3A_244 : memref<1x80xi32, #tpu.memory_space<vmem>> -> memref<80xi32, #tpu.memory_space<vmem>>
      %dma_wait3A_246 = arith.constant 0 : i32
      %dma_wait3A_247 = arith.constant 0 : i32
      %dma_wait3A_248 = tpu.memref_slice %arg5[%dma_wait3A_246, %dma_wait3A_247] : memref<10112x128xf32, #tpu.memory_space<hbm>> -> memref<10112x128xf32, #tpu.memory_space<hbm>>
      %dma_wait3A_249 = tpu.memref_slice %arg11[%dma_wait3A_238] : memref<8x!tpu.dma_semaphore, #tpu.memory_space<semaphore_mem>> -> memref<1x!tpu.dma_semaphore, #tpu.memory_space<semaphore_mem>>
      %dma_wait3A_250 = tpu.memref_squeeze %dma_wait3A_249 : memref<1x!tpu.dma_semaphore, #tpu.memory_space<semaphore_mem>> -> memref<!tpu.dma_semaphore, #tpu.memory_space<semaphore_mem>>
      tpu.wait_indirect_dma semaphore(%dma_wait3A_250 : memref<!tpu.dma_semaphore, #tpu.memory_space<semaphore_mem>>) src(%dma_wait3A_248 : memref<10112x128xf32, #tpu.memory_space<hbm>>) dst(%dma_wait3A_242 : memref<80x128xf32, #tpu.memory_space<vmem>>)
      %add3A_251 = arith.constant 0 : i32
      %add3A_252 = arith.addi %mul3A_8, %add3A_251 : i32
      %mul3A_253 = arith.constant 4000 : i32
      %mul3A_254 = arith.muli %add3A, %mul3A_253 : i32
      %mul3A_255 = arith.constant 80 : i32
      %mul3A_256 = arith.muli %add3A_252, %mul3A_255 : i32
      %add3A_257 = arith.addi %mul3A_254, %mul3A_256 : i32
      %dma_start3A_258 = arith.constant 0 : i32
      %dma_start3A_259 = arith.constant 0 : i32
      %dma_start3A_260 = arith.constant 0 : i32
      %dma_start3A_261 = tpu.memref_slice %arg9[%dma_start3A_258, %dma_start3A_259, %dma_start3A_260] : memref<5x80x128xf32, #tpu.memory_space<vmem>> -> memref<1x80x128xf32, #tpu.memory_space<vmem>>
      %dma_start3A_262 = tpu.memref_squeeze %dma_start3A_261 : memref<1x80x128xf32, #tpu.memory_space<vmem>> -> memref<80x128xf32, #tpu.memory_space<vmem>>
      %dma_start3A_263 = arith.constant 0 : i32
      %dma_start3A_264 = tpu.memref_slice %arg6[%add3A_257, %dma_start3A_263] : memref<128000x128xf32, #tpu.memory_space<hbm>> -> memref<80x128xf32, #tpu.memory_space<hbm>>
      %dma_start3A_265 = arith.constant 0 : i32
      %dma_start3A_266 = tpu.memref_slice %arg6[%add3A_257, %dma_start3A_265] : memref<128000x128xf32, #tpu.memory_space<hbm>> -> memref<80x128xf32, #tpu.memory_space<hbm>>
      %dma_start3A_267 = arith.constant 0 : i32
      %dma_start3A_268 = arith.constant 0 : i32
      %dma_start3A_269 = tpu.memref_slice %arg9[%dma_start3A_258, %dma_start3A_267, %dma_start3A_268] : memref<5x80x128xf32, #tpu.memory_space<vmem>> -> memref<1x80x128xf32, #tpu.memory_space<vmem>>
      %dma_start3A_270 = tpu.memref_squeeze %dma_start3A_269 : memref<1x80x128xf32, #tpu.memory_space<vmem>> -> memref<80x128xf32, #tpu.memory_space<vmem>>
      tpu.enqueue_dma source(%dma_start3A_270 : memref<80x128xf32, #tpu.memory_space<vmem>>) target(%dma_start3A_266 : memref<80x128xf32, #tpu.memory_space<hbm>>) target_semaphore(%arg12 : memref<!tpu.dma_semaphore, #tpu.memory_space<semaphore_mem>>)
      %dma_wait3A_271 = arith.constant 1 : i32
      %dma_wait3A_272 = arith.constant 1 : i32
      %dma_wait3A_273 = arith.constant 0 : i32
      %dma_wait3A_274 = arith.constant 0 : i32
      %dma_wait3A_275 = tpu.memref_slice %arg9[%dma_wait3A_271, %dma_wait3A_273, %dma_wait3A_274] : memref<5x80x128xf32, #tpu.memory_space<vmem>> -> memref<1x80x128xf32, #tpu.memory_space<vmem>>
      %dma_wait3A_276 = tpu.memref_squeeze %dma_wait3A_275 : memref<1x80x128xf32, #tpu.memory_space<vmem>> -> memref<80x128xf32, #tpu.memory_space<vmem>>
      %dma_wait3A_277 = arith.constant 0 : i32
      %dma_wait3A_278 = tpu.memref_slice %arg8[%add3A_132, %dma_wait3A_277] : memref<50x80xi32, #tpu.memory_space<vmem>> -> memref<1x80xi32, #tpu.memory_space<vmem>>
      %dma_wait3A_279 = tpu.memref_squeeze %dma_wait3A_278 : memref<1x80xi32, #tpu.memory_space<vmem>> -> memref<80xi32, #tpu.memory_space<vmem>>
      %dma_wait3A_280 = arith.constant 0 : i32
      %dma_wait3A_281 = arith.constant 0 : i32
      %dma_wait3A_282 = tpu.memref_slice %arg5[%dma_wait3A_280, %dma_wait3A_281] : memref<10112x128xf32, #tpu.memory_space<hbm>> -> memref<10112x128xf32, #tpu.memory_space<hbm>>
      %dma_wait3A_283 = tpu.memref_slice %arg11[%dma_wait3A_272] : memref<8x!tpu.dma_semaphore, #tpu.memory_space<semaphore_mem>> -> memref<1x!tpu.dma_semaphore, #tpu.memory_space<semaphore_mem>>
      %dma_wait3A_284 = tpu.memref_squeeze %dma_wait3A_283 : memref<1x!tpu.dma_semaphore, #tpu.memory_space<semaphore_mem>> -> memref<!tpu.dma_semaphore, #tpu.memory_space<semaphore_mem>>
      tpu.wait_indirect_dma semaphore(%dma_wait3A_284 : memref<!tpu.dma_semaphore, #tpu.memory_space<semaphore_mem>>) src(%dma_wait3A_282 : memref<10112x128xf32, #tpu.memory_space<hbm>>) dst(%dma_wait3A_276 : memref<80x128xf32, #tpu.memory_space<vmem>>)
      %add3A_285 = arith.constant 1 : i32
      %add3A_286 = arith.addi %mul3A_8, %add3A_285 : i32
      %mul3A_287 = arith.constant 4000 : i32
      %mul3A_288 = arith.muli %add3A, %mul3A_287 : i32
      %mul3A_289 = arith.constant 80 : i32
      %mul3A_290 = arith.muli %add3A_286, %mul3A_289 : i32
      %add3A_291 = arith.addi %mul3A_288, %mul3A_290 : i32
      %dma_start3A_292 = arith.constant 1 : i32
      %dma_start3A_293 = arith.constant 0 : i32
      %dma_start3A_294 = arith.constant 0 : i32
      %dma_start3A_295 = tpu.memref_slice %arg9[%dma_start3A_292, %dma_start3A_293, %dma_start3A_294] : memref<5x80x128xf32, #tpu.memory_space<vmem>> -> memref<1x80x128xf32, #tpu.memory_space<vmem>>
      %dma_start3A_296 = tpu.memref_squeeze %dma_start3A_295 : memref<1x80x128xf32, #tpu.memory_space<vmem>> -> memref<80x128xf32, #tpu.memory_space<vmem>>
      %dma_start3A_297 = arith.constant 0 : i32
      %dma_start3A_298 = tpu.memref_slice %arg6[%add3A_291, %dma_start3A_297] : memref<128000x128xf32, #tpu.memory_space<hbm>> -> memref<80x128xf32, #tpu.memory_space<hbm>>
      %dma_start3A_299 = arith.constant 0 : i32
      %dma_start3A_300 = tpu.memref_slice %arg6[%add3A_291, %dma_start3A_299] : memref<128000x128xf32, #tpu.memory_space<hbm>> -> memref<80x128xf32, #tpu.memory_space<hbm>>
      %dma_start3A_301 = arith.constant 0 : i32
      %dma_start3A_302 = arith.constant 0 : i32
      %dma_start3A_303 = tpu.memref_slice %arg9[%dma_start3A_292, %dma_start3A_301, %dma_start3A_302] : memref<5x80x128xf32, #tpu.memory_space<vmem>> -> memref<1x80x128xf32, #tpu.memory_space<vmem>>
      %dma_start3A_304 = tpu.memref_squeeze %dma_start3A_303 : memref<1x80x128xf32, #tpu.memory_space<vmem>> -> memref<80x128xf32, #tpu.memory_space<vmem>>
      tpu.enqueue_dma source(%dma_start3A_304 : memref<80x128xf32, #tpu.memory_space<vmem>>) target(%dma_start3A_300 : memref<80x128xf32, #tpu.memory_space<hbm>>) target_semaphore(%arg12 : memref<!tpu.dma_semaphore, #tpu.memory_space<semaphore_mem>>)
      %dma_wait3A_305 = arith.constant 2 : i32
      %dma_wait3A_306 = arith.constant 2 : i32
      %dma_wait3A_307 = arith.constant 0 : i32
      %dma_wait3A_308 = arith.constant 0 : i32
      %dma_wait3A_309 = tpu.memref_slice %arg9[%dma_wait3A_305, %dma_wait3A_307, %dma_wait3A_308] : memref<5x80x128xf32, #tpu.memory_space<vmem>> -> memref<1x80x128xf32, #tpu.memory_space<vmem>>
      %dma_wait3A_310 = tpu.memref_squeeze %dma_wait3A_309 : memref<1x80x128xf32, #tpu.memory_space<vmem>> -> memref<80x128xf32, #tpu.memory_space<vmem>>
      %dma_wait3A_311 = arith.constant 0 : i32
      %dma_wait3A_312 = tpu.memref_slice %arg8[%add3A_162, %dma_wait3A_311] : memref<50x80xi32, #tpu.memory_space<vmem>> -> memref<1x80xi32, #tpu.memory_space<vmem>>
      %dma_wait3A_313 = tpu.memref_squeeze %dma_wait3A_312 : memref<1x80xi32, #tpu.memory_space<vmem>> -> memref<80xi32, #tpu.memory_space<vmem>>
      %dma_wait3A_314 = arith.constant 0 : i32
      %dma_wait3A_315 = arith.constant 0 : i32
      %dma_wait3A_316 = tpu.memref_slice %arg5[%dma_wait3A_314, %dma_wait3A_315] : memref<10112x128xf32, #tpu.memory_space<hbm>> -> memref<10112x128xf32, #tpu.memory_space<hbm>>
      %dma_wait3A_317 = tpu.memref_slice %arg11[%dma_wait3A_306] : memref<8x!tpu.dma_semaphore, #tpu.memory_space<semaphore_mem>> -> memref<1x!tpu.dma_semaphore, #tpu.memory_space<semaphore_mem>>
      %dma_wait3A_318 = tpu.memref_squeeze %dma_wait3A_317 : memref<1x!tpu.dma_semaphore, #tpu.memory_space<semaphore_mem>> -> memref<!tpu.dma_semaphore, #tpu.memory_space<semaphore_mem>>
      tpu.wait_indirect_dma semaphore(%dma_wait3A_318 : memref<!tpu.dma_semaphore, #tpu.memory_space<semaphore_mem>>) src(%dma_wait3A_316 : memref<10112x128xf32, #tpu.memory_space<hbm>>) dst(%dma_wait3A_310 : memref<80x128xf32, #tpu.memory_space<vmem>>)
      %add3A_319 = arith.constant 2 : i32
      %add3A_320 = arith.addi %mul3A_8, %add3A_319 : i32
      %mul3A_321 = arith.constant 4000 : i32
      %mul3A_322 = arith.muli %add3A, %mul3A_321 : i32
      %mul3A_323 = arith.constant 80 : i32
      %mul3A_324 = arith.muli %add3A_320, %mul3A_323 : i32
      %add3A_325 = arith.addi %mul3A_322, %mul3A_324 : i32
      %dma_start3A_326 = arith.constant 2 : i32
      %dma_start3A_327 = arith.constant 0 : i32
      %dma_start3A_328 = arith.constant 0 : i32
      %dma_start3A_329 = tpu.memref_slice %arg9[%dma_start3A_326, %dma_start3A_327, %dma_start3A_328] : memref<5x80x128xf32, #tpu.memory_space<vmem>> -> memref<1x80x128xf32, #tpu.memory_space<vmem>>
      %dma_start3A_330 = tpu.memref_squeeze %dma_start3A_329 : memref<1x80x128xf32, #tpu.memory_space<vmem>> -> memref<80x128xf32, #tpu.memory_space<vmem>>
      %dma_start3A_331 = arith.constant 0 : i32
      %dma_start3A_332 = tpu.memref_slice %arg6[%add3A_325, %dma_start3A_331] : memref<128000x128xf32, #tpu.memory_space<hbm>> -> memref<80x128xf32, #tpu.memory_space<hbm>>
      %dma_start3A_333 = arith.constant 0 : i32
      %dma_start3A_334 = tpu.memref_slice %arg6[%add3A_325, %dma_start3A_333] : memref<128000x128xf32, #tpu.memory_space<hbm>> -> memref<80x128xf32, #tpu.memory_space<hbm>>
      %dma_start3A_335 = arith.constant 0 : i32
      %dma_start3A_336 = arith.constant 0 : i32
      %dma_start3A_337 = tpu.memref_slice %arg9[%dma_start3A_326, %dma_start3A_335, %dma_start3A_336] : memref<5x80x128xf32, #tpu.memory_space<vmem>> -> memref<1x80x128xf32, #tpu.memory_space<vmem>>
      %dma_start3A_338 = tpu.memref_squeeze %dma_start3A_337 : memref<1x80x128xf32, #tpu.memory_space<vmem>> -> memref<80x128xf32, #tpu.memory_space<vmem>>
      tpu.enqueue_dma source(%dma_start3A_338 : memref<80x128xf32, #tpu.memory_space<vmem>>) target(%dma_start3A_334 : memref<80x128xf32, #tpu.memory_space<hbm>>) target_semaphore(%arg12 : memref<!tpu.dma_semaphore, #tpu.memory_space<semaphore_mem>>)
      %dma_wait3A_339 = arith.constant 3 : i32
      %dma_wait3A_340 = arith.constant 3 : i32
      %dma_wait3A_341 = arith.constant 0 : i32
      %dma_wait3A_342 = arith.constant 0 : i32
      %dma_wait3A_343 = tpu.memref_slice %arg9[%dma_wait3A_339, %dma_wait3A_341, %dma_wait3A_342] : memref<5x80x128xf32, #tpu.memory_space<vmem>> -> memref<1x80x128xf32, #tpu.memory_space<vmem>>
      %dma_wait3A_344 = tpu.memref_squeeze %dma_wait3A_343 : memref<1x80x128xf32, #tpu.memory_space<vmem>> -> memref<80x128xf32, #tpu.memory_space<vmem>>
      %dma_wait3A_345 = arith.constant 0 : i32
      %dma_wait3A_346 = tpu.memref_slice %arg8[%add3A_192, %dma_wait3A_345] : memref<50x80xi32, #tpu.memory_space<vmem>> -> memref<1x80xi32, #tpu.memory_space<vmem>>
      %dma_wait3A_347 = tpu.memref_squeeze %dma_wait3A_346 : memref<1x80xi32, #tpu.memory_space<vmem>> -> memref<80xi32, #tpu.memory_space<vmem>>
      %dma_wait3A_348 = arith.constant 0 : i32
      %dma_wait3A_349 = arith.constant 0 : i32
      %dma_wait3A_350 = tpu.memref_slice %arg5[%dma_wait3A_348, %dma_wait3A_349] : memref<10112x128xf32, #tpu.memory_space<hbm>> -> memref<10112x128xf32, #tpu.memory_space<hbm>>
      %dma_wait3A_351 = tpu.memref_slice %arg11[%dma_wait3A_340] : memref<8x!tpu.dma_semaphore, #tpu.memory_space<semaphore_mem>> -> memref<1x!tpu.dma_semaphore, #tpu.memory_space<semaphore_mem>>
      %dma_wait3A_352 = tpu.memref_squeeze %dma_wait3A_351 : memref<1x!tpu.dma_semaphore, #tpu.memory_space<semaphore_mem>> -> memref<!tpu.dma_semaphore, #tpu.memory_space<semaphore_mem>>
      tpu.wait_indirect_dma semaphore(%dma_wait3A_352 : memref<!tpu.dma_semaphore, #tpu.memory_space<semaphore_mem>>) src(%dma_wait3A_350 : memref<10112x128xf32, #tpu.memory_space<hbm>>) dst(%dma_wait3A_344 : memref<80x128xf32, #tpu.memory_space<vmem>>)
      %add3A_353 = arith.constant 3 : i32
      %add3A_354 = arith.addi %mul3A_8, %add3A_353 : i32
      %mul3A_355 = arith.constant 4000 : i32
      %mul3A_356 = arith.muli %add3A, %mul3A_355 : i32
      %mul3A_357 = arith.constant 80 : i32
      %mul3A_358 = arith.muli %add3A_354, %mul3A_357 : i32
      %add3A_359 = arith.addi %mul3A_356, %mul3A_358 : i32
      %dma_start3A_360 = arith.constant 3 : i32
      %dma_start3A_361 = arith.constant 0 : i32
      %dma_start3A_362 = arith.constant 0 : i32
      %dma_start3A_363 = tpu.memref_slice %arg9[%dma_start3A_360, %dma_start3A_361, %dma_start3A_362] : memref<5x80x128xf32, #tpu.memory_space<vmem>> -> memref<1x80x128xf32, #tpu.memory_space<vmem>>
      %dma_start3A_364 = tpu.memref_squeeze %dma_start3A_363 : memref<1x80x128xf32, #tpu.memory_space<vmem>> -> memref<80x128xf32, #tpu.memory_space<vmem>>
      %dma_start3A_365 = arith.constant 0 : i32
      %dma_start3A_366 = tpu.memref_slice %arg6[%add3A_359, %dma_start3A_365] : memref<128000x128xf32, #tpu.memory_space<hbm>> -> memref<80x128xf32, #tpu.memory_space<hbm>>
      %dma_start3A_367 = arith.constant 0 : i32
      %dma_start3A_368 = tpu.memref_slice %arg6[%add3A_359, %dma_start3A_367] : memref<128000x128xf32, #tpu.memory_space<hbm>> -> memref<80x128xf32, #tpu.memory_space<hbm>>
      %dma_start3A_369 = arith.constant 0 : i32
      %dma_start3A_370 = arith.constant 0 : i32
      %dma_start3A_371 = tpu.memref_slice %arg9[%dma_start3A_360, %dma_start3A_369, %dma_start3A_370] : memref<5x80x128xf32, #tpu.memory_space<vmem>> -> memref<1x80x128xf32, #tpu.memory_space<vmem>>
      %dma_start3A_372 = tpu.memref_squeeze %dma_start3A_371 : memref<1x80x128xf32, #tpu.memory_space<vmem>> -> memref<80x128xf32, #tpu.memory_space<vmem>>
      tpu.enqueue_dma source(%dma_start3A_372 : memref<80x128xf32, #tpu.memory_space<vmem>>) target(%dma_start3A_368 : memref<80x128xf32, #tpu.memory_space<hbm>>) target_semaphore(%arg12 : memref<!tpu.dma_semaphore, #tpu.memory_space<semaphore_mem>>)
      %dma_wait3A_373 = arith.constant 4 : i32
      %dma_wait3A_374 = arith.constant 4 : i32
      %dma_wait3A_375 = arith.constant 0 : i32
      %dma_wait3A_376 = arith.constant 0 : i32
      %dma_wait3A_377 = tpu.memref_slice %arg9[%dma_wait3A_373, %dma_wait3A_375, %dma_wait3A_376] : memref<5x80x128xf32, #tpu.memory_space<vmem>> -> memref<1x80x128xf32, #tpu.memory_space<vmem>>
      %dma_wait3A_378 = tpu.memref_squeeze %dma_wait3A_377 : memref<1x80x128xf32, #tpu.memory_space<vmem>> -> memref<80x128xf32, #tpu.memory_space<vmem>>
      %dma_wait3A_379 = arith.constant 0 : i32
      %dma_wait3A_380 = tpu.memref_slice %arg8[%add3A_222, %dma_wait3A_379] : memref<50x80xi32, #tpu.memory_space<vmem>> -> memref<1x80xi32, #tpu.memory_space<vmem>>
      %dma_wait3A_381 = tpu.memref_squeeze %dma_wait3A_380 : memref<1x80xi32, #tpu.memory_space<vmem>> -> memref<80xi32, #tpu.memory_space<vmem>>
      %dma_wait3A_382 = arith.constant 0 : i32
      %dma_wait3A_383 = arith.constant 0 : i32
      %dma_wait3A_384 = tpu.memref_slice %arg5[%dma_wait3A_382, %dma_wait3A_383] : memref<10112x128xf32, #tpu.memory_space<hbm>> -> memref<10112x128xf32, #tpu.memory_space<hbm>>
      %dma_wait3A_385 = tpu.memref_slice %arg11[%dma_wait3A_374] : memref<8x!tpu.dma_semaphore, #tpu.memory_space<semaphore_mem>> -> memref<1x!tpu.dma_semaphore, #tpu.memory_space<semaphore_mem>>
      %dma_wait3A_386 = tpu.memref_squeeze %dma_wait3A_385 : memref<1x!tpu.dma_semaphore, #tpu.memory_space<semaphore_mem>> -> memref<!tpu.dma_semaphore, #tpu.memory_space<semaphore_mem>>
      tpu.wait_indirect_dma semaphore(%dma_wait3A_386 : memref<!tpu.dma_semaphore, #tpu.memory_space<semaphore_mem>>) src(%dma_wait3A_384 : memref<10112x128xf32, #tpu.memory_space<hbm>>) dst(%dma_wait3A_378 : memref<80x128xf32, #tpu.memory_space<vmem>>)
      %add3A_387 = arith.constant 4 : i32
      %add3A_388 = arith.addi %mul3A_8, %add3A_387 : i32
      %mul3A_389 = arith.constant 4000 : i32
      %mul3A_390 = arith.muli %add3A, %mul3A_389 : i32
      %mul3A_391 = arith.constant 80 : i32
      %mul3A_392 = arith.muli %add3A_388, %mul3A_391 : i32
      %add3A_393 = arith.addi %mul3A_390, %mul3A_392 : i32
      %dma_start3A_394 = arith.constant 4 : i32
      %dma_start3A_395 = arith.constant 0 : i32
      %dma_start3A_396 = arith.constant 0 : i32
      %dma_start3A_397 = tpu.memref_slice %arg9[%dma_start3A_394, %dma_start3A_395, %dma_start3A_396] : memref<5x80x128xf32, #tpu.memory_space<vmem>> -> memref<1x80x128xf32, #tpu.memory_space<vmem>>
      %dma_start3A_398 = tpu.memref_squeeze %dma_start3A_397 : memref<1x80x128xf32, #tpu.memory_space<vmem>> -> memref<80x128xf32, #tpu.memory_space<vmem>>
      %dma_start3A_399 = arith.constant 0 : i32
      %dma_start3A_400 = tpu.memref_slice %arg6[%add3A_393, %dma_start3A_399] : memref<128000x128xf32, #tpu.memory_space<hbm>> -> memref<80x128xf32, #tpu.memory_space<hbm>>
      %dma_start3A_401 = arith.constant 0 : i32
      %dma_start3A_402 = tpu.memref_slice %arg6[%add3A_393, %dma_start3A_401] : memref<128000x128xf32, #tpu.memory_space<hbm>> -> memref<80x128xf32, #tpu.memory_space<hbm>>
      %dma_start3A_403 = arith.constant 0 : i32
      %dma_start3A_404 = arith.constant 0 : i32
      %dma_start3A_405 = tpu.memref_slice %arg9[%dma_start3A_394, %dma_start3A_403, %dma_start3A_404] : memref<5x80x128xf32, #tpu.memory_space<vmem>> -> memref<1x80x128xf32, #tpu.memory_space<vmem>>
      %dma_start3A_406 = tpu.memref_squeeze %dma_start3A_405 : memref<1x80x128xf32, #tpu.memory_space<vmem>> -> memref<80x128xf32, #tpu.memory_space<vmem>>
      tpu.enqueue_dma source(%dma_start3A_406 : memref<80x128xf32, #tpu.memory_space<vmem>>) target(%dma_start3A_402 : memref<80x128xf32, #tpu.memory_space<hbm>>) target_semaphore(%arg12 : memref<!tpu.dma_semaphore, #tpu.memory_space<semaphore_mem>>)
      %dma_wait3A_407 = arith.constant 0 : i32
      %dma_wait3A_408 = arith.constant 0 : i32
      %dma_wait3A_409 = arith.constant 0 : i32
      %dma_wait3A_410 = tpu.memref_slice %arg9[%dma_wait3A_407, %dma_wait3A_408, %dma_wait3A_409] : memref<5x80x128xf32, #tpu.memory_space<vmem>> -> memref<1x80x128xf32, #tpu.memory_space<vmem>>
      %dma_wait3A_411 = tpu.memref_squeeze %dma_wait3A_410 : memref<1x80x128xf32, #tpu.memory_space<vmem>> -> memref<80x128xf32, #tpu.memory_space<vmem>>
      %dma_wait3A_412 = arith.constant 0 : i32
      %dma_wait3A_413 = tpu.memref_slice %arg6[%add3A_257, %dma_wait3A_412] : memref<128000x128xf32, #tpu.memory_space<hbm>> -> memref<80x128xf32, #tpu.memory_space<hbm>>
      %dma_wait3A_414 = arith.constant 0 : i32
      %dma_wait3A_415 = tpu.memref_slice %arg6[%add3A_257, %dma_wait3A_414] : memref<128000x128xf32, #tpu.memory_space<hbm>> -> memref<80x128xf32, #tpu.memory_space<hbm>>
      %dma_wait3A_416 = arith.constant 0 : i32
      %dma_wait3A_417 = arith.constant 0 : i32
      %dma_wait3A_418 = tpu.memref_slice %arg9[%dma_wait3A_407, %dma_wait3A_416, %dma_wait3A_417] : memref<5x80x128xf32, #tpu.memory_space<vmem>> -> memref<1x80x128xf32, #tpu.memory_space<vmem>>
      %dma_wait3A_419 = tpu.memref_squeeze %dma_wait3A_418 : memref<1x80x128xf32, #tpu.memory_space<vmem>> -> memref<80x128xf32, #tpu.memory_space<vmem>>
      tpu.wait_dma2 semaphore(%arg12 : memref<!tpu.dma_semaphore, #tpu.memory_space<semaphore_mem>>) src(%dma_wait3A_419 : memref<80x128xf32, #tpu.memory_space<vmem>>) dst(%dma_wait3A_415 : memref<80x128xf32, #tpu.memory_space<hbm>>)
      %dma_wait3A_420 = arith.constant 1 : i32
      %dma_wait3A_421 = arith.constant 0 : i32
      %dma_wait3A_422 = arith.constant 0 : i32
      %dma_wait3A_423 = tpu.memref_slice %arg9[%dma_wait3A_420, %dma_wait3A_421, %dma_wait3A_422] : memref<5x80x128xf32, #tpu.memory_space<vmem>> -> memref<1x80x128xf32, #tpu.memory_space<vmem>>
      %dma_wait3A_424 = tpu.memref_squeeze %dma_wait3A_423 : memref<1x80x128xf32, #tpu.memory_space<vmem>> -> memref<80x128xf32, #tpu.memory_space<vmem>>
      %dma_wait3A_425 = arith.constant 0 : i32
      %dma_wait3A_426 = tpu.memref_slice %arg6[%add3A_291, %dma_wait3A_425] : memref<128000x128xf32, #tpu.memory_space<hbm>> -> memref<80x128xf32, #tpu.memory_space<hbm>>
      %dma_wait3A_427 = arith.constant 0 : i32
      %dma_wait3A_428 = tpu.memref_slice %arg6[%add3A_291, %dma_wait3A_427] : memref<128000x128xf32, #tpu.memory_space<hbm>> -> memref<80x128xf32, #tpu.memory_space<hbm>>
      %dma_wait3A_429 = arith.constant 0 : i32
      %dma_wait3A_430 = arith.constant 0 : i32
      %dma_wait3A_431 = tpu.memref_slice %arg9[%dma_wait3A_420, %dma_wait3A_429, %dma_wait3A_430] : memref<5x80x128xf32, #tpu.memory_space<vmem>> -> memref<1x80x128xf32, #tpu.memory_space<vmem>>
      %dma_wait3A_432 = tpu.memref_squeeze %dma_wait3A_431 : memref<1x80x128xf32, #tpu.memory_space<vmem>> -> memref<80x128xf32, #tpu.memory_space<vmem>>
      tpu.wait_dma2 semaphore(%arg12 : memref<!tpu.dma_semaphore, #tpu.memory_space<semaphore_mem>>) src(%dma_wait3A_432 : memref<80x128xf32, #tpu.memory_space<vmem>>) dst(%dma_wait3A_428 : memref<80x128xf32, #tpu.memory_space<hbm>>)
      %dma_wait3A_433 = arith.constant 2 : i32
      %dma_wait3A_434 = arith.constant 0 : i32
      %dma_wait3A_435 = arith.constant 0 : i32
      %dma_wait3A_436 = tpu.memref_slice %arg9[%dma_wait3A_433, %dma_wait3A_434, %dma_wait3A_435] : memref<5x80x128xf32, #tpu.memory_space<vmem>> -> memref<1x80x128xf32, #tpu.memory_space<vmem>>
      %dma_wait3A_437 = tpu.memref_squeeze %dma_wait3A_436 : memref<1x80x128xf32, #tpu.memory_space<vmem>> -> memref<80x128xf32, #tpu.memory_space<vmem>>
      %dma_wait3A_438 = arith.constant 0 : i32
      %dma_wait3A_439 = tpu.memref_slice %arg6[%add3A_325, %dma_wait3A_438] : memref<128000x128xf32, #tpu.memory_space<hbm>> -> memref<80x128xf32, #tpu.memory_space<hbm>>
      %dma_wait3A_440 = arith.constant 0 : i32
      %dma_wait3A_441 = tpu.memref_slice %arg6[%add3A_325, %dma_wait3A_440] : memref<128000x128xf32, #tpu.memory_space<hbm>> -> memref<80x128xf32, #tpu.memory_space<hbm>>
      %dma_wait3A_442 = arith.constant 0 : i32
      %dma_wait3A_443 = arith.constant 0 : i32
      %dma_wait3A_444 = tpu.memref_slice %arg9[%dma_wait3A_433, %dma_wait3A_442, %dma_wait3A_443] : memref<5x80x128xf32, #tpu.memory_space<vmem>> -> memref<1x80x128xf32, #tpu.memory_space<vmem>>
      %dma_wait3A_445 = tpu.memref_squeeze %dma_wait3A_444 : memref<1x80x128xf32, #tpu.memory_space<vmem>> -> memref<80x128xf32, #tpu.memory_space<vmem>>
      tpu.wait_dma2 semaphore(%arg12 : memref<!tpu.dma_semaphore, #tpu.memory_space<semaphore_mem>>) src(%dma_wait3A_445 : memref<80x128xf32, #tpu.memory_space<vmem>>) dst(%dma_wait3A_441 : memref<80x128xf32, #tpu.memory_space<hbm>>)
      %dma_wait3A_446 = arith.constant 3 : i32
      %dma_wait3A_447 = arith.constant 0 : i32
      %dma_wait3A_448 = arith.constant 0 : i32
      %dma_wait3A_449 = tpu.memref_slice %arg9[%dma_wait3A_446, %dma_wait3A_447, %dma_wait3A_448] : memref<5x80x128xf32, #tpu.memory_space<vmem>> -> memref<1x80x128xf32, #tpu.memory_space<vmem>>
      %dma_wait3A_450 = tpu.memref_squeeze %dma_wait3A_449 : memref<1x80x128xf32, #tpu.memory_space<vmem>> -> memref<80x128xf32, #tpu.memory_space<vmem>>
      %dma_wait3A_451 = arith.constant 0 : i32
      %dma_wait3A_452 = tpu.memref_slice %arg6[%add3A_359, %dma_wait3A_451] : memref<128000x128xf32, #tpu.memory_space<hbm>> -> memref<80x128xf32, #tpu.memory_space<hbm>>
      %dma_wait3A_453 = arith.constant 0 : i32
      %dma_wait3A_454 = tpu.memref_slice %arg6[%add3A_359, %dma_wait3A_453] : memref<128000x128xf32, #tpu.memory_space<hbm>> -> memref<80x128xf32, #tpu.memory_space<hbm>>
      %dma_wait3A_455 = arith.constant 0 : i32
      %dma_wait3A_456 = arith.constant 0 : i32
      %dma_wait3A_457 = tpu.memref_slice %arg9[%dma_wait3A_446, %dma_wait3A_455, %dma_wait3A_456] : memref<5x80x128xf32, #tpu.memory_space<vmem>> -> memref<1x80x128xf32, #tpu.memory_space<vmem>>
      %dma_wait3A_458 = tpu.memref_squeeze %dma_wait3A_457 : memref<1x80x128xf32, #tpu.memory_space<vmem>> -> memref<80x128xf32, #tpu.memory_space<vmem>>
      tpu.wait_dma2 semaphore(%arg12 : memref<!tpu.dma_semaphore, #tpu.memory_space<semaphore_mem>>) src(%dma_wait3A_458 : memref<80x128xf32, #tpu.memory_space<vmem>>) dst(%dma_wait3A_454 : memref<80x128xf32, #tpu.memory_space<hbm>>)
      %dma_wait3A_459 = arith.constant 4 : i32
      %dma_wait3A_460 = arith.constant 0 : i32
      %dma_wait3A_461 = arith.constant 0 : i32
      %dma_wait3A_462 = tpu.memref_slice %arg9[%dma_wait3A_459, %dma_wait3A_460, %dma_wait3A_461] : memref<5x80x128xf32, #tpu.memory_space<vmem>> -> memref<1x80x128xf32, #tpu.memory_space<vmem>>
      %dma_wait3A_463 = tpu.memref_squeeze %dma_wait3A_462 : memref<1x80x128xf32, #tpu.memory_space<vmem>> -> memref<80x128xf32, #tpu.memory_space<vmem>>
      %dma_wait3A_464 = arith.constant 0 : i32
      %dma_wait3A_465 = tpu.memref_slice %arg6[%add3A_393, %dma_wait3A_464] : memref<128000x128xf32, #tpu.memory_space<hbm>> -> memref<80x128xf32, #tpu.memory_space<hbm>>
      %dma_wait3A_466 = arith.constant 0 : i32
      %dma_wait3A_467 = tpu.memref_slice %arg6[%add3A_393, %dma_wait3A_466] : memref<128000x128xf32, #tpu.memory_space<hbm>> -> memref<80x128xf32, #tpu.memory_space<hbm>>
      %dma_wait3A_468 = arith.constant 0 : i32
      %dma_wait3A_469 = arith.constant 0 : i32
      %dma_wait3A_470 = tpu.memref_slice %arg9[%dma_wait3A_459, %dma_wait3A_468, %dma_wait3A_469] : memref<5x80x128xf32, #tpu.memory_space<vmem>> -> memref<1x80x128xf32, #tpu.memory_space<vmem>>
      %dma_wait3A_471 = tpu.memref_squeeze %dma_wait3A_470 : memref<1x80x128xf32, #tpu.memory_space<vmem>> -> memref<80x128xf32, #tpu.memory_space<vmem>>
      tpu.wait_dma2 semaphore(%arg12 : memref<!tpu.dma_semaphore, #tpu.memory_space<semaphore_mem>>) src(%dma_wait3A_471 : memref<80x128xf32, #tpu.memory_space<vmem>>) dst(%dma_wait3A_467 : memref<80x128xf32, #tpu.memory_space<hbm>>)
    }
    %scan3A_5 = arith.constant 10 : i32
    return
  }
}

#map = affine_map<(d0, d1) -> (0, 0, 0)>
#map1 = affine_map<(d0, d1) -> (0, 0)>
module attributes {stable_mosaic.version = 14 : i64} {
  func.func @scat_kernel(%arg0: i32, %arg1: i32, %arg2: memref<32x100x100xi32, #tpu.memory_space<hbm>>, %arg3: memref<32x100x100xi32, #tpu.memory_space<hbm>>, %arg4: memref<10112x64xf32, #tpu.memory_space<hbm>>, %arg5: memref<632x64xf32, #tpu.memory_space<hbm>>, %arg6: memref<2x10112x64xf32, #tpu.memory_space<hbm>>, %arg7: memref<100x100xi32, #tpu.memory_space<vmem>>, %arg8: memref<100x100xi32, #tpu.memory_space<vmem>>, %arg9: memref<5x100x64xf32, #tpu.memory_space<vmem>>, %arg10: memref<10112x64xf32, #tpu.memory_space<vmem_shared>>, %arg11: memref<!tpu.dma_semaphore, #tpu.memory_space<semaphore_mem>>, %arg12: memref<!tpu.dma_semaphore, #tpu.memory_space<semaphore_mem>>, %arg13: memref<!tpu.dma_semaphore, #tpu.memory_space<semaphore_mem>>, %arg14: memref<!tpu.dma_semaphore, #tpu.memory_space<semaphore_mem>>, %arg15: memref<!tpu.dma_semaphore, #tpu.memory_space<semaphore_mem>>, %arg16: memref<!tpu.dma_semaphore, #tpu.memory_space<semaphore_mem>>, %arg17: memref<!tpu.dma_semaphore, #tpu.memory_space<semaphore_mem>>, %arg18: memref<!tpu.dma_semaphore, #tpu.memory_space<semaphore_mem>>, %arg19: memref<!tpu.dma_semaphore, #tpu.memory_space<semaphore_mem>>) attributes {dimension_semantics = [#tpu.dimension_semantics<core_parallel>, #tpu.dimension_semantics<subcore_parallel>], iteration_bounds = array<i64: 2, 16>, scalar_prefetch = 0 : i64, scratch_operands = 13 : i64, tpu.core_type = #tpu.core_type<sc_vector_subcore>, window_params = [{transform_indices = #map}, {transform_indices = #map}, {transform_indices = #map1}, {transform_indices = #map1}, {transform_indices = #map}]} {
    %mul3A = arith.constant 16 : i32
    %mul3A_0 = arith.muli %arg0, %mul3A : i32
    %add3A = arith.addi %mul3A_0, %arg1 : i32
    %mul3A_1 = arith.constant 632 : i32
    %mul3A_2 = arith.muli %arg1, %mul3A_1 : i32
    "tpu.region"() ({
      %run_scoped3A = tpu.sem_alloc : memref<!tpu.dma_semaphore, #tpu.memory_space<semaphore_mem>>
      %dma_start3A = arith.constant 0 : i32
      %dma_start3A_13 = tpu.memref_slice %arg10[%mul3A_2, %dma_start3A] : memref<10112x64xf32, #tpu.memory_space<vmem_shared>> -> memref<632x64xf32, #tpu.memory_space<vmem_shared>>
      tpu.enqueue_dma source(%arg5 : memref<632x64xf32, #tpu.memory_space<hbm>>) target(%dma_start3A_13 : memref<632x64xf32, #tpu.memory_space<vmem_shared>>) target_semaphore(%run_scoped3A : memref<!tpu.dma_semaphore, #tpu.memory_space<semaphore_mem>>)
      %dma_wait3A = arith.constant 0 : i32
      %dma_wait3A_14 = tpu.memref_slice %arg10[%mul3A_2, %dma_wait3A] : memref<10112x64xf32, #tpu.memory_space<vmem_shared>> -> memref<632x64xf32, #tpu.memory_space<vmem_shared>>
      tpu.wait_dma2 semaphore(%run_scoped3A : memref<!tpu.dma_semaphore, #tpu.memory_space<semaphore_mem>>) src(%arg5 : memref<632x64xf32, #tpu.memory_space<hbm>>) dst(%dma_wait3A_14 : memref<632x64xf32, #tpu.memory_space<vmem_shared>>)
      tpu.yield
    }) : () -> ()
    "tpu.region"() ({
      %run_scoped3A = tpu.sem_alloc : memref<!tpu.dma_semaphore, #tpu.memory_space<semaphore_mem>>
      %dma_start3A = arith.constant 0 : i32
      %dma_start3A_13 = arith.constant 0 : i32
      %dma_start3A_14 = tpu.memref_slice %arg2[%add3A, %dma_start3A, %dma_start3A_13] : memref<32x100x100xi32, #tpu.memory_space<hbm>> -> memref<1x100x100xi32, #tpu.memory_space<hbm>>
      %dma_start3A_15 = tpu.memref_squeeze %dma_start3A_14 : memref<1x100x100xi32, #tpu.memory_space<hbm>> -> memref<100x100xi32, #tpu.memory_space<hbm>>
      %dma_start3A_16 = arith.constant 0 : i32
      %dma_start3A_17 = arith.constant 0 : i32
      %dma_start3A_18 = tpu.memref_slice %arg2[%add3A, %dma_start3A_16, %dma_start3A_17] : memref<32x100x100xi32, #tpu.memory_space<hbm>> -> memref<1x100x100xi32, #tpu.memory_space<hbm>>
      %dma_start3A_19 = tpu.memref_squeeze %dma_start3A_18 : memref<1x100x100xi32, #tpu.memory_space<hbm>> -> memref<100x100xi32, #tpu.memory_space<hbm>>
      tpu.enqueue_dma source(%dma_start3A_19 : memref<100x100xi32, #tpu.memory_space<hbm>>) target(%arg7 : memref<100x100xi32, #tpu.memory_space<vmem>>) target_semaphore(%run_scoped3A : memref<!tpu.dma_semaphore, #tpu.memory_space<semaphore_mem>>)
      %dma_wait3A = arith.constant 0 : i32
      %dma_wait3A_20 = arith.constant 0 : i32
      %dma_wait3A_21 = tpu.memref_slice %arg2[%add3A, %dma_wait3A, %dma_wait3A_20] : memref<32x100x100xi32, #tpu.memory_space<hbm>> -> memref<1x100x100xi32, #tpu.memory_space<hbm>>
      %dma_wait3A_22 = tpu.memref_squeeze %dma_wait3A_21 : memref<1x100x100xi32, #tpu.memory_space<hbm>> -> memref<100x100xi32, #tpu.memory_space<hbm>>
      %dma_wait3A_23 = arith.constant 0 : i32
      %dma_wait3A_24 = arith.constant 0 : i32
      %dma_wait3A_25 = tpu.memref_slice %arg2[%add3A, %dma_wait3A_23, %dma_wait3A_24] : memref<32x100x100xi32, #tpu.memory_space<hbm>> -> memref<1x100x100xi32, #tpu.memory_space<hbm>>
      %dma_wait3A_26 = tpu.memref_squeeze %dma_wait3A_25 : memref<1x100x100xi32, #tpu.memory_space<hbm>> -> memref<100x100xi32, #tpu.memory_space<hbm>>
      tpu.wait_dma2 semaphore(%run_scoped3A : memref<!tpu.dma_semaphore, #tpu.memory_space<semaphore_mem>>) src(%dma_wait3A_26 : memref<100x100xi32, #tpu.memory_space<hbm>>) dst(%arg7 : memref<100x100xi32, #tpu.memory_space<vmem>>)
      tpu.yield
    }) : () -> ()
    "tpu.region"() ({
      %run_scoped3A = tpu.sem_alloc : memref<!tpu.dma_semaphore, #tpu.memory_space<semaphore_mem>>
      %dma_start3A = arith.constant 0 : i32
      %dma_start3A_13 = arith.constant 0 : i32
      %dma_start3A_14 = tpu.memref_slice %arg3[%add3A, %dma_start3A, %dma_start3A_13] : memref<32x100x100xi32, #tpu.memory_space<hbm>> -> memref<1x100x100xi32, #tpu.memory_space<hbm>>
      %dma_start3A_15 = tpu.memref_squeeze %dma_start3A_14 : memref<1x100x100xi32, #tpu.memory_space<hbm>> -> memref<100x100xi32, #tpu.memory_space<hbm>>
      %dma_start3A_16 = arith.constant 0 : i32
      %dma_start3A_17 = arith.constant 0 : i32
      %dma_start3A_18 = tpu.memref_slice %arg3[%add3A, %dma_start3A_16, %dma_start3A_17] : memref<32x100x100xi32, #tpu.memory_space<hbm>> -> memref<1x100x100xi32, #tpu.memory_space<hbm>>
      %dma_start3A_19 = tpu.memref_squeeze %dma_start3A_18 : memref<1x100x100xi32, #tpu.memory_space<hbm>> -> memref<100x100xi32, #tpu.memory_space<hbm>>
      tpu.enqueue_dma source(%dma_start3A_19 : memref<100x100xi32, #tpu.memory_space<hbm>>) target(%arg8 : memref<100x100xi32, #tpu.memory_space<vmem>>) target_semaphore(%run_scoped3A : memref<!tpu.dma_semaphore, #tpu.memory_space<semaphore_mem>>)
      %dma_wait3A = arith.constant 0 : i32
      %dma_wait3A_20 = arith.constant 0 : i32
      %dma_wait3A_21 = tpu.memref_slice %arg3[%add3A, %dma_wait3A, %dma_wait3A_20] : memref<32x100x100xi32, #tpu.memory_space<hbm>> -> memref<1x100x100xi32, #tpu.memory_space<hbm>>
      %dma_wait3A_22 = tpu.memref_squeeze %dma_wait3A_21 : memref<1x100x100xi32, #tpu.memory_space<hbm>> -> memref<100x100xi32, #tpu.memory_space<hbm>>
      %dma_wait3A_23 = arith.constant 0 : i32
      %dma_wait3A_24 = arith.constant 0 : i32
      %dma_wait3A_25 = tpu.memref_slice %arg3[%add3A, %dma_wait3A_23, %dma_wait3A_24] : memref<32x100x100xi32, #tpu.memory_space<hbm>> -> memref<1x100x100xi32, #tpu.memory_space<hbm>>
      %dma_wait3A_26 = tpu.memref_squeeze %dma_wait3A_25 : memref<1x100x100xi32, #tpu.memory_space<hbm>> -> memref<100x100xi32, #tpu.memory_space<hbm>>
      tpu.wait_dma2 semaphore(%run_scoped3A : memref<!tpu.dma_semaphore, #tpu.memory_space<semaphore_mem>>) src(%dma_wait3A_26 : memref<100x100xi32, #tpu.memory_space<hbm>>) dst(%arg8 : memref<100x100xi32, #tpu.memory_space<vmem>>)
      tpu.yield
    }) : () -> ()
    %barrier3A = arith.constant 0 : index
    tpu.barrier barrier_id(%barrier3A)
    %scan3A = arith.constant 0 : i32
    %scan3A_3 = arith.constant 0 : i32
    %scan3A_4 = arith.constant 20 : i32
    %scan3A_5 = arith.addi %scan3A_3, %scan3A_4 : i32
    %scan3A_6 = arith.constant 1 : i32
    scf.for %scan3A_13 = %scan3A_3 to %scan3A_5 step %scan3A_6  : i32 {
      %mul3A_14 = arith.constant 5 : i32
      %mul3A_15 = arith.muli %scan3A_13, %mul3A_14 : i32
      %add3A_16 = arith.constant 0 : i32
      %add3A_17 = arith.addi %mul3A_15, %add3A_16 : i32
      %dma_start3A = arith.constant 0 : i32
      %dma_start3A_18 = arith.constant 0 : i32
      %dma_start3A_19 = arith.constant 0 : i32
      %dma_start3A_20 = tpu.memref_slice %arg9[%dma_start3A, %dma_start3A_18, %dma_start3A_19] : memref<5x100x64xf32, #tpu.memory_space<vmem>> -> memref<1x100x64xf32, #tpu.memory_space<vmem>>
      %dma_start3A_21 = tpu.memref_squeeze %dma_start3A_20 : memref<1x100x64xf32, #tpu.memory_space<vmem>> -> memref<100x64xf32, #tpu.memory_space<vmem>>
      %dma_start3A_22 = arith.constant 0 : i32
      %dma_start3A_23 = tpu.memref_slice %arg7[%add3A_17, %dma_start3A_22] : memref<100x100xi32, #tpu.memory_space<vmem>> -> memref<1x100xi32, #tpu.memory_space<vmem>>
      %dma_start3A_24 = tpu.memref_squeeze %dma_start3A_23 : memref<1x100xi32, #tpu.memory_space<vmem>> -> memref<100xi32, #tpu.memory_space<vmem>>
      %dma_start3A_25 = arith.constant 0 : i32
      %dma_start3A_26 = arith.constant 0 : i32
      %dma_start3A_27 = tpu.memref_slice %arg4[%dma_start3A_25, %dma_start3A_26] : memref<10112x64xf32, #tpu.memory_space<hbm>> -> memref<10112x64xf32, #tpu.memory_space<hbm>>
      tpu.enqueue_indirect_dma source(%dma_start3A_27 : memref<10112x64xf32, #tpu.memory_space<hbm>>) target(%dma_start3A_21 : memref<100x64xf32, #tpu.memory_space<vmem>>) offsets(%dma_start3A_24 : memref<100xi32, #tpu.memory_space<vmem>>) semaphore(%arg11 : memref<!tpu.dma_semaphore, #tpu.memory_space<semaphore_mem>>)
      %add3A_28 = arith.constant 1 : i32
      %add3A_29 = arith.addi %mul3A_15, %add3A_28 : i32
      %dma_start3A_30 = arith.constant 1 : i32
      %dma_start3A_31 = arith.constant 0 : i32
      %dma_start3A_32 = arith.constant 0 : i32
      %dma_start3A_33 = tpu.memref_slice %arg9[%dma_start3A_30, %dma_start3A_31, %dma_start3A_32] : memref<5x100x64xf32, #tpu.memory_space<vmem>> -> memref<1x100x64xf32, #tpu.memory_space<vmem>>
      %dma_start3A_34 = tpu.memref_squeeze %dma_start3A_33 : memref<1x100x64xf32, #tpu.memory_space<vmem>> -> memref<100x64xf32, #tpu.memory_space<vmem>>
      %dma_start3A_35 = arith.constant 0 : i32
      %dma_start3A_36 = tpu.memref_slice %arg7[%add3A_29, %dma_start3A_35] : memref<100x100xi32, #tpu.memory_space<vmem>> -> memref<1x100xi32, #tpu.memory_space<vmem>>
      %dma_start3A_37 = tpu.memref_squeeze %dma_start3A_36 : memref<1x100xi32, #tpu.memory_space<vmem>> -> memref<100xi32, #tpu.memory_space<vmem>>
      %dma_start3A_38 = arith.constant 0 : i32
      %dma_start3A_39 = arith.constant 0 : i32
      %dma_start3A_40 = tpu.memref_slice %arg4[%dma_start3A_38, %dma_start3A_39] : memref<10112x64xf32, #tpu.memory_space<hbm>> -> memref<10112x64xf32, #tpu.memory_space<hbm>>
      tpu.enqueue_indirect_dma source(%dma_start3A_40 : memref<10112x64xf32, #tpu.memory_space<hbm>>) target(%dma_start3A_34 : memref<100x64xf32, #tpu.memory_space<vmem>>) offsets(%dma_start3A_37 : memref<100xi32, #tpu.memory_space<vmem>>) semaphore(%arg12 : memref<!tpu.dma_semaphore, #tpu.memory_space<semaphore_mem>>)
      %add3A_41 = arith.constant 2 : i32
      %add3A_42 = arith.addi %mul3A_15, %add3A_41 : i32
      %dma_start3A_43 = arith.constant 2 : i32
      %dma_start3A_44 = arith.constant 0 : i32
      %dma_start3A_45 = arith.constant 0 : i32
      %dma_start3A_46 = tpu.memref_slice %arg9[%dma_start3A_43, %dma_start3A_44, %dma_start3A_45] : memref<5x100x64xf32, #tpu.memory_space<vmem>> -> memref<1x100x64xf32, #tpu.memory_space<vmem>>
      %dma_start3A_47 = tpu.memref_squeeze %dma_start3A_46 : memref<1x100x64xf32, #tpu.memory_space<vmem>> -> memref<100x64xf32, #tpu.memory_space<vmem>>
      %dma_start3A_48 = arith.constant 0 : i32
      %dma_start3A_49 = tpu.memref_slice %arg7[%add3A_42, %dma_start3A_48] : memref<100x100xi32, #tpu.memory_space<vmem>> -> memref<1x100xi32, #tpu.memory_space<vmem>>
      %dma_start3A_50 = tpu.memref_squeeze %dma_start3A_49 : memref<1x100xi32, #tpu.memory_space<vmem>> -> memref<100xi32, #tpu.memory_space<vmem>>
      %dma_start3A_51 = arith.constant 0 : i32
      %dma_start3A_52 = arith.constant 0 : i32
      %dma_start3A_53 = tpu.memref_slice %arg4[%dma_start3A_51, %dma_start3A_52] : memref<10112x64xf32, #tpu.memory_space<hbm>> -> memref<10112x64xf32, #tpu.memory_space<hbm>>
      tpu.enqueue_indirect_dma source(%dma_start3A_53 : memref<10112x64xf32, #tpu.memory_space<hbm>>) target(%dma_start3A_47 : memref<100x64xf32, #tpu.memory_space<vmem>>) offsets(%dma_start3A_50 : memref<100xi32, #tpu.memory_space<vmem>>) semaphore(%arg13 : memref<!tpu.dma_semaphore, #tpu.memory_space<semaphore_mem>>)
      %add3A_54 = arith.constant 3 : i32
      %add3A_55 = arith.addi %mul3A_15, %add3A_54 : i32
      %dma_start3A_56 = arith.constant 3 : i32
      %dma_start3A_57 = arith.constant 0 : i32
      %dma_start3A_58 = arith.constant 0 : i32
      %dma_start3A_59 = tpu.memref_slice %arg9[%dma_start3A_56, %dma_start3A_57, %dma_start3A_58] : memref<5x100x64xf32, #tpu.memory_space<vmem>> -> memref<1x100x64xf32, #tpu.memory_space<vmem>>
      %dma_start3A_60 = tpu.memref_squeeze %dma_start3A_59 : memref<1x100x64xf32, #tpu.memory_space<vmem>> -> memref<100x64xf32, #tpu.memory_space<vmem>>
      %dma_start3A_61 = arith.constant 0 : i32
      %dma_start3A_62 = tpu.memref_slice %arg7[%add3A_55, %dma_start3A_61] : memref<100x100xi32, #tpu.memory_space<vmem>> -> memref<1x100xi32, #tpu.memory_space<vmem>>
      %dma_start3A_63 = tpu.memref_squeeze %dma_start3A_62 : memref<1x100xi32, #tpu.memory_space<vmem>> -> memref<100xi32, #tpu.memory_space<vmem>>
      %dma_start3A_64 = arith.constant 0 : i32
      %dma_start3A_65 = arith.constant 0 : i32
      %dma_start3A_66 = tpu.memref_slice %arg4[%dma_start3A_64, %dma_start3A_65] : memref<10112x64xf32, #tpu.memory_space<hbm>> -> memref<10112x64xf32, #tpu.memory_space<hbm>>
      tpu.enqueue_indirect_dma source(%dma_start3A_66 : memref<10112x64xf32, #tpu.memory_space<hbm>>) target(%dma_start3A_60 : memref<100x64xf32, #tpu.memory_space<vmem>>) offsets(%dma_start3A_63 : memref<100xi32, #tpu.memory_space<vmem>>) semaphore(%arg14 : memref<!tpu.dma_semaphore, #tpu.memory_space<semaphore_mem>>)
      %add3A_67 = arith.constant 4 : i32
      %add3A_68 = arith.addi %mul3A_15, %add3A_67 : i32
      %dma_start3A_69 = arith.constant 4 : i32
      %dma_start3A_70 = arith.constant 0 : i32
      %dma_start3A_71 = arith.constant 0 : i32
      %dma_start3A_72 = tpu.memref_slice %arg9[%dma_start3A_69, %dma_start3A_70, %dma_start3A_71] : memref<5x100x64xf32, #tpu.memory_space<vmem>> -> memref<1x100x64xf32, #tpu.memory_space<vmem>>
      %dma_start3A_73 = tpu.memref_squeeze %dma_start3A_72 : memref<1x100x64xf32, #tpu.memory_space<vmem>> -> memref<100x64xf32, #tpu.memory_space<vmem>>
      %dma_start3A_74 = arith.constant 0 : i32
      %dma_start3A_75 = tpu.memref_slice %arg7[%add3A_68, %dma_start3A_74] : memref<100x100xi32, #tpu.memory_space<vmem>> -> memref<1x100xi32, #tpu.memory_space<vmem>>
      %dma_start3A_76 = tpu.memref_squeeze %dma_start3A_75 : memref<1x100xi32, #tpu.memory_space<vmem>> -> memref<100xi32, #tpu.memory_space<vmem>>
      %dma_start3A_77 = arith.constant 0 : i32
      %dma_start3A_78 = arith.constant 0 : i32
      %dma_start3A_79 = tpu.memref_slice %arg4[%dma_start3A_77, %dma_start3A_78] : memref<10112x64xf32, #tpu.memory_space<hbm>> -> memref<10112x64xf32, #tpu.memory_space<hbm>>
      tpu.enqueue_indirect_dma source(%dma_start3A_79 : memref<10112x64xf32, #tpu.memory_space<hbm>>) target(%dma_start3A_73 : memref<100x64xf32, #tpu.memory_space<vmem>>) offsets(%dma_start3A_76 : memref<100xi32, #tpu.memory_space<vmem>>) semaphore(%arg15 : memref<!tpu.dma_semaphore, #tpu.memory_space<semaphore_mem>>)
      %dma_wait3A = arith.constant 0 : i32
      %dma_wait3A_80 = arith.constant 0 : i32
      %dma_wait3A_81 = arith.constant 0 : i32
      %dma_wait3A_82 = tpu.memref_slice %arg9[%dma_wait3A, %dma_wait3A_80, %dma_wait3A_81] : memref<5x100x64xf32, #tpu.memory_space<vmem>> -> memref<1x100x64xf32, #tpu.memory_space<vmem>>
      %dma_wait3A_83 = tpu.memref_squeeze %dma_wait3A_82 : memref<1x100x64xf32, #tpu.memory_space<vmem>> -> memref<100x64xf32, #tpu.memory_space<vmem>>
      %dma_wait3A_84 = arith.constant 0 : i32
      %dma_wait3A_85 = tpu.memref_slice %arg7[%add3A_17, %dma_wait3A_84] : memref<100x100xi32, #tpu.memory_space<vmem>> -> memref<1x100xi32, #tpu.memory_space<vmem>>
      %dma_wait3A_86 = tpu.memref_squeeze %dma_wait3A_85 : memref<1x100xi32, #tpu.memory_space<vmem>> -> memref<100xi32, #tpu.memory_space<vmem>>
      %dma_wait3A_87 = arith.constant 0 : i32
      %dma_wait3A_88 = arith.constant 0 : i32
      %dma_wait3A_89 = tpu.memref_slice %arg4[%dma_wait3A_87, %dma_wait3A_88] : memref<10112x64xf32, #tpu.memory_space<hbm>> -> memref<10112x64xf32, #tpu.memory_space<hbm>>
      tpu.wait_indirect_dma semaphore(%arg11 : memref<!tpu.dma_semaphore, #tpu.memory_space<semaphore_mem>>) src(%dma_wait3A_89 : memref<10112x64xf32, #tpu.memory_space<hbm>>) dst(%dma_wait3A_83 : memref<100x64xf32, #tpu.memory_space<vmem>>)
      %add3A_90 = arith.constant 0 : i32
      %add3A_91 = arith.addi %mul3A_15, %add3A_90 : i32
      %run_scoped3A = arith.constant 0 : i32
      "tpu.region"() ({
        %run_scoped3A_148 = tpu.sem_alloc : memref<!tpu.dma_semaphore, #tpu.memory_space<semaphore_mem>>
        %dma_start3A_149 = arith.constant 0 : i32
        %dma_start3A_150 = arith.constant 0 : i32
        %dma_start3A_151 = tpu.memref_slice %arg9[%run_scoped3A, %dma_start3A_149, %dma_start3A_150] : memref<5x100x64xf32, #tpu.memory_space<vmem>> -> memref<1x100x64xf32, #tpu.memory_space<vmem>>
        %dma_start3A_152 = tpu.memref_squeeze %dma_start3A_151 : memref<1x100x64xf32, #tpu.memory_space<vmem>> -> memref<100x64xf32, #tpu.memory_space<vmem>>
        %dma_start3A_153 = arith.constant 0 : i32
        %dma_start3A_154 = tpu.memref_slice %arg8[%add3A_91, %dma_start3A_153] : memref<100x100xi32, #tpu.memory_space<vmem>> -> memref<1x100xi32, #tpu.memory_space<vmem>>
        %dma_start3A_155 = tpu.memref_squeeze %dma_start3A_154 : memref<1x100xi32, #tpu.memory_space<vmem>> -> memref<100xi32, #tpu.memory_space<vmem>>
        %dma_start3A_156 = arith.constant 0 : i32
        %dma_start3A_157 = arith.constant 0 : i32
        %dma_start3A_158 = tpu.memref_slice %arg10[%dma_start3A_156, %dma_start3A_157] : memref<10112x64xf32, #tpu.memory_space<vmem_shared>> -> memref<10112x64xf32, #tpu.memory_space<vmem_shared>>
        tpu.enqueue_indirect_dma source(%dma_start3A_152 : memref<100x64xf32, #tpu.memory_space<vmem>>) target(%dma_start3A_158 : memref<10112x64xf32, #tpu.memory_space<vmem_shared>>) offsets(%dma_start3A_155 : memref<100xi32, #tpu.memory_space<vmem>>) semaphore(%run_scoped3A_148 : memref<!tpu.dma_semaphore, #tpu.memory_space<semaphore_mem>>) {add = true}
        %dma_wait3A_159 = arith.constant 0 : i32
        %dma_wait3A_160 = arith.constant 0 : i32
        %dma_wait3A_161 = tpu.memref_slice %arg9[%run_scoped3A, %dma_wait3A_159, %dma_wait3A_160] : memref<5x100x64xf32, #tpu.memory_space<vmem>> -> memref<1x100x64xf32, #tpu.memory_space<vmem>>
        %dma_wait3A_162 = tpu.memref_squeeze %dma_wait3A_161 : memref<1x100x64xf32, #tpu.memory_space<vmem>> -> memref<100x64xf32, #tpu.memory_space<vmem>>
        %dma_wait3A_163 = arith.constant 0 : i32
        %dma_wait3A_164 = tpu.memref_slice %arg8[%add3A_91, %dma_wait3A_163] : memref<100x100xi32, #tpu.memory_space<vmem>> -> memref<1x100xi32, #tpu.memory_space<vmem>>
        %dma_wait3A_165 = tpu.memref_squeeze %dma_wait3A_164 : memref<1x100xi32, #tpu.memory_space<vmem>> -> memref<100xi32, #tpu.memory_space<vmem>>
        %dma_wait3A_166 = arith.constant 0 : i32
        %dma_wait3A_167 = arith.constant 0 : i32
        %dma_wait3A_168 = tpu.memref_slice %arg10[%dma_wait3A_166, %dma_wait3A_167] : memref<10112x64xf32, #tpu.memory_space<vmem_shared>> -> memref<10112x64xf32, #tpu.memory_space<vmem_shared>>
        tpu.wait_indirect_dma semaphore(%run_scoped3A_148 : memref<!tpu.dma_semaphore, #tpu.memory_space<semaphore_mem>>) src(%dma_wait3A_162 : memref<100x64xf32, #tpu.memory_space<vmem>>) dst(%dma_wait3A_168 : memref<10112x64xf32, #tpu.memory_space<vmem_shared>>)
        tpu.yield
      }) : () -> ()
      %dma_wait3A_92 = arith.constant 1 : i32
      %dma_wait3A_93 = arith.constant 0 : i32
      %dma_wait3A_94 = arith.constant 0 : i32
      %dma_wait3A_95 = tpu.memref_slice %arg9[%dma_wait3A_92, %dma_wait3A_93, %dma_wait3A_94] : memref<5x100x64xf32, #tpu.memory_space<vmem>> -> memref<1x100x64xf32, #tpu.memory_space<vmem>>
      %dma_wait3A_96 = tpu.memref_squeeze %dma_wait3A_95 : memref<1x100x64xf32, #tpu.memory_space<vmem>> -> memref<100x64xf32, #tpu.memory_space<vmem>>
      %dma_wait3A_97 = arith.constant 0 : i32
      %dma_wait3A_98 = tpu.memref_slice %arg7[%add3A_29, %dma_wait3A_97] : memref<100x100xi32, #tpu.memory_space<vmem>> -> memref<1x100xi32, #tpu.memory_space<vmem>>
      %dma_wait3A_99 = tpu.memref_squeeze %dma_wait3A_98 : memref<1x100xi32, #tpu.memory_space<vmem>> -> memref<100xi32, #tpu.memory_space<vmem>>
      %dma_wait3A_100 = arith.constant 0 : i32
      %dma_wait3A_101 = arith.constant 0 : i32
      %dma_wait3A_102 = tpu.memref_slice %arg4[%dma_wait3A_100, %dma_wait3A_101] : memref<10112x64xf32, #tpu.memory_space<hbm>> -> memref<10112x64xf32, #tpu.memory_space<hbm>>
      tpu.wait_indirect_dma semaphore(%arg12 : memref<!tpu.dma_semaphore, #tpu.memory_space<semaphore_mem>>) src(%dma_wait3A_102 : memref<10112x64xf32, #tpu.memory_space<hbm>>) dst(%dma_wait3A_96 : memref<100x64xf32, #tpu.memory_space<vmem>>)
      %add3A_103 = arith.constant 1 : i32
      %add3A_104 = arith.addi %mul3A_15, %add3A_103 : i32
      %run_scoped3A_105 = arith.constant 1 : i32
      "tpu.region"() ({
        %run_scoped3A_148 = tpu.sem_alloc : memref<!tpu.dma_semaphore, #tpu.memory_space<semaphore_mem>>
        %dma_start3A_149 = arith.constant 0 : i32
        %dma_start3A_150 = arith.constant 0 : i32
        %dma_start3A_151 = tpu.memref_slice %arg9[%run_scoped3A_105, %dma_start3A_149, %dma_start3A_150] : memref<5x100x64xf32, #tpu.memory_space<vmem>> -> memref<1x100x64xf32, #tpu.memory_space<vmem>>
        %dma_start3A_152 = tpu.memref_squeeze %dma_start3A_151 : memref<1x100x64xf32, #tpu.memory_space<vmem>> -> memref<100x64xf32, #tpu.memory_space<vmem>>
        %dma_start3A_153 = arith.constant 0 : i32
        %dma_start3A_154 = tpu.memref_slice %arg8[%add3A_104, %dma_start3A_153] : memref<100x100xi32, #tpu.memory_space<vmem>> -> memref<1x100xi32, #tpu.memory_space<vmem>>
        %dma_start3A_155 = tpu.memref_squeeze %dma_start3A_154 : memref<1x100xi32, #tpu.memory_space<vmem>> -> memref<100xi32, #tpu.memory_space<vmem>>
        %dma_start3A_156 = arith.constant 0 : i32
        %dma_start3A_157 = arith.constant 0 : i32
        %dma_start3A_158 = tpu.memref_slice %arg10[%dma_start3A_156, %dma_start3A_157] : memref<10112x64xf32, #tpu.memory_space<vmem_shared>> -> memref<10112x64xf32, #tpu.memory_space<vmem_shared>>
        tpu.enqueue_indirect_dma source(%dma_start3A_152 : memref<100x64xf32, #tpu.memory_space<vmem>>) target(%dma_start3A_158 : memref<10112x64xf32, #tpu.memory_space<vmem_shared>>) offsets(%dma_start3A_155 : memref<100xi32, #tpu.memory_space<vmem>>) semaphore(%run_scoped3A_148 : memref<!tpu.dma_semaphore, #tpu.memory_space<semaphore_mem>>) {add = true}
        %dma_wait3A_159 = arith.constant 0 : i32
        %dma_wait3A_160 = arith.constant 0 : i32
        %dma_wait3A_161 = tpu.memref_slice %arg9[%run_scoped3A_105, %dma_wait3A_159, %dma_wait3A_160] : memref<5x100x64xf32, #tpu.memory_space<vmem>> -> memref<1x100x64xf32, #tpu.memory_space<vmem>>
        %dma_wait3A_162 = tpu.memref_squeeze %dma_wait3A_161 : memref<1x100x64xf32, #tpu.memory_space<vmem>> -> memref<100x64xf32, #tpu.memory_space<vmem>>
        %dma_wait3A_163 = arith.constant 0 : i32
        %dma_wait3A_164 = tpu.memref_slice %arg8[%add3A_104, %dma_wait3A_163] : memref<100x100xi32, #tpu.memory_space<vmem>> -> memref<1x100xi32, #tpu.memory_space<vmem>>
        %dma_wait3A_165 = tpu.memref_squeeze %dma_wait3A_164 : memref<1x100xi32, #tpu.memory_space<vmem>> -> memref<100xi32, #tpu.memory_space<vmem>>
        %dma_wait3A_166 = arith.constant 0 : i32
        %dma_wait3A_167 = arith.constant 0 : i32
        %dma_wait3A_168 = tpu.memref_slice %arg10[%dma_wait3A_166, %dma_wait3A_167] : memref<10112x64xf32, #tpu.memory_space<vmem_shared>> -> memref<10112x64xf32, #tpu.memory_space<vmem_shared>>
        tpu.wait_indirect_dma semaphore(%run_scoped3A_148 : memref<!tpu.dma_semaphore, #tpu.memory_space<semaphore_mem>>) src(%dma_wait3A_162 : memref<100x64xf32, #tpu.memory_space<vmem>>) dst(%dma_wait3A_168 : memref<10112x64xf32, #tpu.memory_space<vmem_shared>>)
        tpu.yield
      }) : () -> ()
      %dma_wait3A_106 = arith.constant 2 : i32
      %dma_wait3A_107 = arith.constant 0 : i32
      %dma_wait3A_108 = arith.constant 0 : i32
      %dma_wait3A_109 = tpu.memref_slice %arg9[%dma_wait3A_106, %dma_wait3A_107, %dma_wait3A_108] : memref<5x100x64xf32, #tpu.memory_space<vmem>> -> memref<1x100x64xf32, #tpu.memory_space<vmem>>
      %dma_wait3A_110 = tpu.memref_squeeze %dma_wait3A_109 : memref<1x100x64xf32, #tpu.memory_space<vmem>> -> memref<100x64xf32, #tpu.memory_space<vmem>>
      %dma_wait3A_111 = arith.constant 0 : i32
      %dma_wait3A_112 = tpu.memref_slice %arg7[%add3A_42, %dma_wait3A_111] : memref<100x100xi32, #tpu.memory_space<vmem>> -> memref<1x100xi32, #tpu.memory_space<vmem>>
      %dma_wait3A_113 = tpu.memref_squeeze %dma_wait3A_112 : memref<1x100xi32, #tpu.memory_space<vmem>> -> memref<100xi32, #tpu.memory_space<vmem>>
      %dma_wait3A_114 = arith.constant 0 : i32
      %dma_wait3A_115 = arith.constant 0 : i32
      %dma_wait3A_116 = tpu.memref_slice %arg4[%dma_wait3A_114, %dma_wait3A_115] : memref<10112x64xf32, #tpu.memory_space<hbm>> -> memref<10112x64xf32, #tpu.memory_space<hbm>>
      tpu.wait_indirect_dma semaphore(%arg13 : memref<!tpu.dma_semaphore, #tpu.memory_space<semaphore_mem>>) src(%dma_wait3A_116 : memref<10112x64xf32, #tpu.memory_space<hbm>>) dst(%dma_wait3A_110 : memref<100x64xf32, #tpu.memory_space<vmem>>)
      %add3A_117 = arith.constant 2 : i32
      %add3A_118 = arith.addi %mul3A_15, %add3A_117 : i32
      %run_scoped3A_119 = arith.constant 2 : i32
      "tpu.region"() ({
        %run_scoped3A_148 = tpu.sem_alloc : memref<!tpu.dma_semaphore, #tpu.memory_space<semaphore_mem>>
        %dma_start3A_149 = arith.constant 0 : i32
        %dma_start3A_150 = arith.constant 0 : i32
        %dma_start3A_151 = tpu.memref_slice %arg9[%run_scoped3A_119, %dma_start3A_149, %dma_start3A_150] : memref<5x100x64xf32, #tpu.memory_space<vmem>> -> memref<1x100x64xf32, #tpu.memory_space<vmem>>
        %dma_start3A_152 = tpu.memref_squeeze %dma_start3A_151 : memref<1x100x64xf32, #tpu.memory_space<vmem>> -> memref<100x64xf32, #tpu.memory_space<vmem>>
        %dma_start3A_153 = arith.constant 0 : i32
        %dma_start3A_154 = tpu.memref_slice %arg8[%add3A_118, %dma_start3A_153] : memref<100x100xi32, #tpu.memory_space<vmem>> -> memref<1x100xi32, #tpu.memory_space<vmem>>
        %dma_start3A_155 = tpu.memref_squeeze %dma_start3A_154 : memref<1x100xi32, #tpu.memory_space<vmem>> -> memref<100xi32, #tpu.memory_space<vmem>>
        %dma_start3A_156 = arith.constant 0 : i32
        %dma_start3A_157 = arith.constant 0 : i32
        %dma_start3A_158 = tpu.memref_slice %arg10[%dma_start3A_156, %dma_start3A_157] : memref<10112x64xf32, #tpu.memory_space<vmem_shared>> -> memref<10112x64xf32, #tpu.memory_space<vmem_shared>>
        tpu.enqueue_indirect_dma source(%dma_start3A_152 : memref<100x64xf32, #tpu.memory_space<vmem>>) target(%dma_start3A_158 : memref<10112x64xf32, #tpu.memory_space<vmem_shared>>) offsets(%dma_start3A_155 : memref<100xi32, #tpu.memory_space<vmem>>) semaphore(%run_scoped3A_148 : memref<!tpu.dma_semaphore, #tpu.memory_space<semaphore_mem>>) {add = true}
        %dma_wait3A_159 = arith.constant 0 : i32
        %dma_wait3A_160 = arith.constant 0 : i32
        %dma_wait3A_161 = tpu.memref_slice %arg9[%run_scoped3A_119, %dma_wait3A_159, %dma_wait3A_160] : memref<5x100x64xf32, #tpu.memory_space<vmem>> -> memref<1x100x64xf32, #tpu.memory_space<vmem>>
        %dma_wait3A_162 = tpu.memref_squeeze %dma_wait3A_161 : memref<1x100x64xf32, #tpu.memory_space<vmem>> -> memref<100x64xf32, #tpu.memory_space<vmem>>
        %dma_wait3A_163 = arith.constant 0 : i32
        %dma_wait3A_164 = tpu.memref_slice %arg8[%add3A_118, %dma_wait3A_163] : memref<100x100xi32, #tpu.memory_space<vmem>> -> memref<1x100xi32, #tpu.memory_space<vmem>>
        %dma_wait3A_165 = tpu.memref_squeeze %dma_wait3A_164 : memref<1x100xi32, #tpu.memory_space<vmem>> -> memref<100xi32, #tpu.memory_space<vmem>>
        %dma_wait3A_166 = arith.constant 0 : i32
        %dma_wait3A_167 = arith.constant 0 : i32
        %dma_wait3A_168 = tpu.memref_slice %arg10[%dma_wait3A_166, %dma_wait3A_167] : memref<10112x64xf32, #tpu.memory_space<vmem_shared>> -> memref<10112x64xf32, #tpu.memory_space<vmem_shared>>
        tpu.wait_indirect_dma semaphore(%run_scoped3A_148 : memref<!tpu.dma_semaphore, #tpu.memory_space<semaphore_mem>>) src(%dma_wait3A_162 : memref<100x64xf32, #tpu.memory_space<vmem>>) dst(%dma_wait3A_168 : memref<10112x64xf32, #tpu.memory_space<vmem_shared>>)
        tpu.yield
      }) : () -> ()
      %dma_wait3A_120 = arith.constant 3 : i32
      %dma_wait3A_121 = arith.constant 0 : i32
      %dma_wait3A_122 = arith.constant 0 : i32
      %dma_wait3A_123 = tpu.memref_slice %arg9[%dma_wait3A_120, %dma_wait3A_121, %dma_wait3A_122] : memref<5x100x64xf32, #tpu.memory_space<vmem>> -> memref<1x100x64xf32, #tpu.memory_space<vmem>>
      %dma_wait3A_124 = tpu.memref_squeeze %dma_wait3A_123 : memref<1x100x64xf32, #tpu.memory_space<vmem>> -> memref<100x64xf32, #tpu.memory_space<vmem>>
      %dma_wait3A_125 = arith.constant 0 : i32
      %dma_wait3A_126 = tpu.memref_slice %arg7[%add3A_55, %dma_wait3A_125] : memref<100x100xi32, #tpu.memory_space<vmem>> -> memref<1x100xi32, #tpu.memory_space<vmem>>
      %dma_wait3A_127 = tpu.memref_squeeze %dma_wait3A_126 : memref<1x100xi32, #tpu.memory_space<vmem>> -> memref<100xi32, #tpu.memory_space<vmem>>
      %dma_wait3A_128 = arith.constant 0 : i32
      %dma_wait3A_129 = arith.constant 0 : i32
      %dma_wait3A_130 = tpu.memref_slice %arg4[%dma_wait3A_128, %dma_wait3A_129] : memref<10112x64xf32, #tpu.memory_space<hbm>> -> memref<10112x64xf32, #tpu.memory_space<hbm>>
      tpu.wait_indirect_dma semaphore(%arg14 : memref<!tpu.dma_semaphore, #tpu.memory_space<semaphore_mem>>) src(%dma_wait3A_130 : memref<10112x64xf32, #tpu.memory_space<hbm>>) dst(%dma_wait3A_124 : memref<100x64xf32, #tpu.memory_space<vmem>>)
      %add3A_131 = arith.constant 3 : i32
      %add3A_132 = arith.addi %mul3A_15, %add3A_131 : i32
      %run_scoped3A_133 = arith.constant 3 : i32
      "tpu.region"() ({
        %run_scoped3A_148 = tpu.sem_alloc : memref<!tpu.dma_semaphore, #tpu.memory_space<semaphore_mem>>
        %dma_start3A_149 = arith.constant 0 : i32
        %dma_start3A_150 = arith.constant 0 : i32
        %dma_start3A_151 = tpu.memref_slice %arg9[%run_scoped3A_133, %dma_start3A_149, %dma_start3A_150] : memref<5x100x64xf32, #tpu.memory_space<vmem>> -> memref<1x100x64xf32, #tpu.memory_space<vmem>>
        %dma_start3A_152 = tpu.memref_squeeze %dma_start3A_151 : memref<1x100x64xf32, #tpu.memory_space<vmem>> -> memref<100x64xf32, #tpu.memory_space<vmem>>
        %dma_start3A_153 = arith.constant 0 : i32
        %dma_start3A_154 = tpu.memref_slice %arg8[%add3A_132, %dma_start3A_153] : memref<100x100xi32, #tpu.memory_space<vmem>> -> memref<1x100xi32, #tpu.memory_space<vmem>>
        %dma_start3A_155 = tpu.memref_squeeze %dma_start3A_154 : memref<1x100xi32, #tpu.memory_space<vmem>> -> memref<100xi32, #tpu.memory_space<vmem>>
        %dma_start3A_156 = arith.constant 0 : i32
        %dma_start3A_157 = arith.constant 0 : i32
        %dma_start3A_158 = tpu.memref_slice %arg10[%dma_start3A_156, %dma_start3A_157] : memref<10112x64xf32, #tpu.memory_space<vmem_shared>> -> memref<10112x64xf32, #tpu.memory_space<vmem_shared>>
        tpu.enqueue_indirect_dma source(%dma_start3A_152 : memref<100x64xf32, #tpu.memory_space<vmem>>) target(%dma_start3A_158 : memref<10112x64xf32, #tpu.memory_space<vmem_shared>>) offsets(%dma_start3A_155 : memref<100xi32, #tpu.memory_space<vmem>>) semaphore(%run_scoped3A_148 : memref<!tpu.dma_semaphore, #tpu.memory_space<semaphore_mem>>) {add = true}
        %dma_wait3A_159 = arith.constant 0 : i32
        %dma_wait3A_160 = arith.constant 0 : i32
        %dma_wait3A_161 = tpu.memref_slice %arg9[%run_scoped3A_133, %dma_wait3A_159, %dma_wait3A_160] : memref<5x100x64xf32, #tpu.memory_space<vmem>> -> memref<1x100x64xf32, #tpu.memory_space<vmem>>
        %dma_wait3A_162 = tpu.memref_squeeze %dma_wait3A_161 : memref<1x100x64xf32, #tpu.memory_space<vmem>> -> memref<100x64xf32, #tpu.memory_space<vmem>>
        %dma_wait3A_163 = arith.constant 0 : i32
        %dma_wait3A_164 = tpu.memref_slice %arg8[%add3A_132, %dma_wait3A_163] : memref<100x100xi32, #tpu.memory_space<vmem>> -> memref<1x100xi32, #tpu.memory_space<vmem>>
        %dma_wait3A_165 = tpu.memref_squeeze %dma_wait3A_164 : memref<1x100xi32, #tpu.memory_space<vmem>> -> memref<100xi32, #tpu.memory_space<vmem>>
        %dma_wait3A_166 = arith.constant 0 : i32
        %dma_wait3A_167 = arith.constant 0 : i32
        %dma_wait3A_168 = tpu.memref_slice %arg10[%dma_wait3A_166, %dma_wait3A_167] : memref<10112x64xf32, #tpu.memory_space<vmem_shared>> -> memref<10112x64xf32, #tpu.memory_space<vmem_shared>>
        tpu.wait_indirect_dma semaphore(%run_scoped3A_148 : memref<!tpu.dma_semaphore, #tpu.memory_space<semaphore_mem>>) src(%dma_wait3A_162 : memref<100x64xf32, #tpu.memory_space<vmem>>) dst(%dma_wait3A_168 : memref<10112x64xf32, #tpu.memory_space<vmem_shared>>)
        tpu.yield
      }) : () -> ()
      %dma_wait3A_134 = arith.constant 4 : i32
      %dma_wait3A_135 = arith.constant 0 : i32
      %dma_wait3A_136 = arith.constant 0 : i32
      %dma_wait3A_137 = tpu.memref_slice %arg9[%dma_wait3A_134, %dma_wait3A_135, %dma_wait3A_136] : memref<5x100x64xf32, #tpu.memory_space<vmem>> -> memref<1x100x64xf32, #tpu.memory_space<vmem>>
      %dma_wait3A_138 = tpu.memref_squeeze %dma_wait3A_137 : memref<1x100x64xf32, #tpu.memory_space<vmem>> -> memref<100x64xf32, #tpu.memory_space<vmem>>
      %dma_wait3A_139 = arith.constant 0 : i32
      %dma_wait3A_140 = tpu.memref_slice %arg7[%add3A_68, %dma_wait3A_139] : memref<100x100xi32, #tpu.memory_space<vmem>> -> memref<1x100xi32, #tpu.memory_space<vmem>>
      %dma_wait3A_141 = tpu.memref_squeeze %dma_wait3A_140 : memref<1x100xi32, #tpu.memory_space<vmem>> -> memref<100xi32, #tpu.memory_space<vmem>>
      %dma_wait3A_142 = arith.constant 0 : i32
      %dma_wait3A_143 = arith.constant 0 : i32
      %dma_wait3A_144 = tpu.memref_slice %arg4[%dma_wait3A_142, %dma_wait3A_143] : memref<10112x64xf32, #tpu.memory_space<hbm>> -> memref<10112x64xf32, #tpu.memory_space<hbm>>
      tpu.wait_indirect_dma semaphore(%arg15 : memref<!tpu.dma_semaphore, #tpu.memory_space<semaphore_mem>>) src(%dma_wait3A_144 : memref<10112x64xf32, #tpu.memory_space<hbm>>) dst(%dma_wait3A_138 : memref<100x64xf32, #tpu.memory_space<vmem>>)
      %add3A_145 = arith.constant 4 : i32
      %add3A_146 = arith.addi %mul3A_15, %add3A_145 : i32
      %run_scoped3A_147 = arith.constant 4 : i32
      "tpu.region"() ({
        %run_scoped3A_148 = tpu.sem_alloc : memref<!tpu.dma_semaphore, #tpu.memory_space<semaphore_mem>>
        %dma_start3A_149 = arith.constant 0 : i32
        %dma_start3A_150 = arith.constant 0 : i32
        %dma_start3A_151 = tpu.memref_slice %arg9[%run_scoped3A_147, %dma_start3A_149, %dma_start3A_150] : memref<5x100x64xf32, #tpu.memory_space<vmem>> -> memref<1x100x64xf32, #tpu.memory_space<vmem>>
        %dma_start3A_152 = tpu.memref_squeeze %dma_start3A_151 : memref<1x100x64xf32, #tpu.memory_space<vmem>> -> memref<100x64xf32, #tpu.memory_space<vmem>>
        %dma_start3A_153 = arith.constant 0 : i32
        %dma_start3A_154 = tpu.memref_slice %arg8[%add3A_146, %dma_start3A_153] : memref<100x100xi32, #tpu.memory_space<vmem>> -> memref<1x100xi32, #tpu.memory_space<vmem>>
        %dma_start3A_155 = tpu.memref_squeeze %dma_start3A_154 : memref<1x100xi32, #tpu.memory_space<vmem>> -> memref<100xi32, #tpu.memory_space<vmem>>
        %dma_start3A_156 = arith.constant 0 : i32
        %dma_start3A_157 = arith.constant 0 : i32
        %dma_start3A_158 = tpu.memref_slice %arg10[%dma_start3A_156, %dma_start3A_157] : memref<10112x64xf32, #tpu.memory_space<vmem_shared>> -> memref<10112x64xf32, #tpu.memory_space<vmem_shared>>
        tpu.enqueue_indirect_dma source(%dma_start3A_152 : memref<100x64xf32, #tpu.memory_space<vmem>>) target(%dma_start3A_158 : memref<10112x64xf32, #tpu.memory_space<vmem_shared>>) offsets(%dma_start3A_155 : memref<100xi32, #tpu.memory_space<vmem>>) semaphore(%run_scoped3A_148 : memref<!tpu.dma_semaphore, #tpu.memory_space<semaphore_mem>>) {add = true}
        %dma_wait3A_159 = arith.constant 0 : i32
        %dma_wait3A_160 = arith.constant 0 : i32
        %dma_wait3A_161 = tpu.memref_slice %arg9[%run_scoped3A_147, %dma_wait3A_159, %dma_wait3A_160] : memref<5x100x64xf32, #tpu.memory_space<vmem>> -> memref<1x100x64xf32, #tpu.memory_space<vmem>>
        %dma_wait3A_162 = tpu.memref_squeeze %dma_wait3A_161 : memref<1x100x64xf32, #tpu.memory_space<vmem>> -> memref<100x64xf32, #tpu.memory_space<vmem>>
        %dma_wait3A_163 = arith.constant 0 : i32
        %dma_wait3A_164 = tpu.memref_slice %arg8[%add3A_146, %dma_wait3A_163] : memref<100x100xi32, #tpu.memory_space<vmem>> -> memref<1x100xi32, #tpu.memory_space<vmem>>
        %dma_wait3A_165 = tpu.memref_squeeze %dma_wait3A_164 : memref<1x100xi32, #tpu.memory_space<vmem>> -> memref<100xi32, #tpu.memory_space<vmem>>
        %dma_wait3A_166 = arith.constant 0 : i32
        %dma_wait3A_167 = arith.constant 0 : i32
        %dma_wait3A_168 = tpu.memref_slice %arg10[%dma_wait3A_166, %dma_wait3A_167] : memref<10112x64xf32, #tpu.memory_space<vmem_shared>> -> memref<10112x64xf32, #tpu.memory_space<vmem_shared>>
        tpu.wait_indirect_dma semaphore(%run_scoped3A_148 : memref<!tpu.dma_semaphore, #tpu.memory_space<semaphore_mem>>) src(%dma_wait3A_162 : memref<100x64xf32, #tpu.memory_space<vmem>>) dst(%dma_wait3A_168 : memref<10112x64xf32, #tpu.memory_space<vmem_shared>>)
        tpu.yield
      }) : () -> ()
    }
    %scan3A_7 = arith.constant 20 : i32
    %barrier3A_8 = arith.constant 0 : index
    tpu.barrier barrier_id(%barrier3A_8)
    %mul3A_9 = arith.constant 632 : i32
    %mul3A_10 = arith.muli %arg1, %mul3A_9 : i32
    %mul3A_11 = arith.constant 632 : i32
    %mul3A_12 = arith.muli %arg1, %mul3A_11 : i32
    "tpu.region"() ({
      %run_scoped3A = tpu.sem_alloc : memref<!tpu.dma_semaphore, #tpu.memory_space<semaphore_mem>>
      %dma_start3A = arith.constant 0 : i32
      %dma_start3A_13 = tpu.memref_slice %arg6[%arg0, %mul3A_12, %dma_start3A] : memref<2x10112x64xf32, #tpu.memory_space<hbm>> -> memref<1x632x64xf32, #tpu.memory_space<hbm>>
      %dma_start3A_14 = tpu.memref_squeeze %dma_start3A_13 : memref<1x632x64xf32, #tpu.memory_space<hbm>> -> memref<632x64xf32, #tpu.memory_space<hbm>>
      %dma_start3A_15 = arith.constant 0 : i32
      %dma_start3A_16 = tpu.memref_slice %arg10[%mul3A_10, %dma_start3A_15] : memref<10112x64xf32, #tpu.memory_space<vmem_shared>> -> memref<632x64xf32, #tpu.memory_space<vmem_shared>>
      tpu.enqueue_dma source(%dma_start3A_16 : memref<632x64xf32, #tpu.memory_space<vmem_shared>>) target(%dma_start3A_14 : memref<632x64xf32, #tpu.memory_space<hbm>>) target_semaphore(%run_scoped3A : memref<!tpu.dma_semaphore, #tpu.memory_space<semaphore_mem>>)
      %dma_wait3A = arith.constant 0 : i32
      %dma_wait3A_17 = tpu.memref_slice %arg6[%arg0, %mul3A_12, %dma_wait3A] : memref<2x10112x64xf32, #tpu.memory_space<hbm>> -> memref<1x632x64xf32, #tpu.memory_space<hbm>>
      %dma_wait3A_18 = tpu.memref_squeeze %dma_wait3A_17 : memref<1x632x64xf32, #tpu.memory_space<hbm>> -> memref<632x64xf32, #tpu.memory_space<hbm>>
      %dma_wait3A_19 = arith.constant 0 : i32
      %dma_wait3A_20 = tpu.memref_slice %arg10[%mul3A_10, %dma_wait3A_19] : memref<10112x64xf32, #tpu.memory_space<vmem_shared>> -> memref<632x64xf32, #tpu.memory_space<vmem_shared>>
      tpu.wait_dma2 semaphore(%run_scoped3A : memref<!tpu.dma_semaphore, #tpu.memory_space<semaphore_mem>>) src(%dma_wait3A_20 : memref<632x64xf32, #tpu.memory_space<vmem_shared>>) dst(%dma_wait3A_18 : memref<632x64xf32, #tpu.memory_space<hbm>>)
      tpu.yield
    }) : () -> ()
    return
  }
}

#map = affine_map<(d0, d1) -> (0, 0, 0)>
#map1 = affine_map<(d0, d1) -> (0, 0)>
module attributes {stable_mosaic.version = 14 : i64} {
  func.func @edge_kernel(%arg0: i32, %arg1: i32, %arg2: memref<32x75x80xi32, #tpu.memory_space<hbm>>, %arg3: memref<32x75x80xi32, #tpu.memory_space<hbm>>, %arg4: memref<10112x128xf32, #tpu.memory_space<hbm>>, %arg5: memref<10112x128xf32, #tpu.memory_space<hbm>>, %arg6: memref<192000x128xf32, #tpu.memory_space<hbm>>, %arg7: memref<75x80xi32, #tpu.memory_space<vmem>>, %arg8: memref<75x80xi32, #tpu.memory_space<vmem>>, %arg9: memref<5x80x128xf32, #tpu.memory_space<vmem>>, %arg10: memref<8x!tpu.dma_semaphore, #tpu.memory_space<semaphore_mem>>, %arg11: memref<8x!tpu.dma_semaphore, #tpu.memory_space<semaphore_mem>>, %arg12: memref<!tpu.dma_semaphore, #tpu.memory_space<semaphore_mem>>) attributes {dimension_semantics = [#tpu.dimension_semantics<core_parallel>, #tpu.dimension_semantics<subcore_parallel>], iteration_bounds = array<i64: 2, 16>, scalar_prefetch = 0 : i64, scratch_operands = 6 : i64, tpu.core_type = #tpu.core_type<sc_vector_subcore>, window_params = [{transform_indices = #map}, {transform_indices = #map}, {transform_indices = #map1}, {transform_indices = #map1}, {transform_indices = #map1}]} {
    %mul3A = arith.constant 16 : i32
    %mul3A_0 = arith.muli %arg0, %mul3A : i32
    %add3A = arith.addi %mul3A_0, %arg1 : i32
    "tpu.region"() ({
      %run_scoped3A = tpu.sem_alloc : memref<!tpu.dma_semaphore, #tpu.memory_space<semaphore_mem>>
      %dma_start3A = arith.constant 0 : i32
      %dma_start3A_6 = arith.constant 0 : i32
      %dma_start3A_7 = tpu.memref_slice %arg2[%add3A, %dma_start3A, %dma_start3A_6] : memref<32x75x80xi32, #tpu.memory_space<hbm>> -> memref<1x75x80xi32, #tpu.memory_space<hbm>>
      %dma_start3A_8 = tpu.memref_squeeze %dma_start3A_7 : memref<1x75x80xi32, #tpu.memory_space<hbm>> -> memref<75x80xi32, #tpu.memory_space<hbm>>
      %dma_start3A_9 = arith.constant 0 : i32
      %dma_start3A_10 = arith.constant 0 : i32
      %dma_start3A_11 = tpu.memref_slice %arg2[%add3A, %dma_start3A_9, %dma_start3A_10] : memref<32x75x80xi32, #tpu.memory_space<hbm>> -> memref<1x75x80xi32, #tpu.memory_space<hbm>>
      %dma_start3A_12 = tpu.memref_squeeze %dma_start3A_11 : memref<1x75x80xi32, #tpu.memory_space<hbm>> -> memref<75x80xi32, #tpu.memory_space<hbm>>
      tpu.enqueue_dma source(%dma_start3A_12 : memref<75x80xi32, #tpu.memory_space<hbm>>) target(%arg7 : memref<75x80xi32, #tpu.memory_space<vmem>>) target_semaphore(%run_scoped3A : memref<!tpu.dma_semaphore, #tpu.memory_space<semaphore_mem>>)
      %dma_wait3A = arith.constant 0 : i32
      %dma_wait3A_13 = arith.constant 0 : i32
      %dma_wait3A_14 = tpu.memref_slice %arg2[%add3A, %dma_wait3A, %dma_wait3A_13] : memref<32x75x80xi32, #tpu.memory_space<hbm>> -> memref<1x75x80xi32, #tpu.memory_space<hbm>>
      %dma_wait3A_15 = tpu.memref_squeeze %dma_wait3A_14 : memref<1x75x80xi32, #tpu.memory_space<hbm>> -> memref<75x80xi32, #tpu.memory_space<hbm>>
      %dma_wait3A_16 = arith.constant 0 : i32
      %dma_wait3A_17 = arith.constant 0 : i32
      %dma_wait3A_18 = tpu.memref_slice %arg2[%add3A, %dma_wait3A_16, %dma_wait3A_17] : memref<32x75x80xi32, #tpu.memory_space<hbm>> -> memref<1x75x80xi32, #tpu.memory_space<hbm>>
      %dma_wait3A_19 = tpu.memref_squeeze %dma_wait3A_18 : memref<1x75x80xi32, #tpu.memory_space<hbm>> -> memref<75x80xi32, #tpu.memory_space<hbm>>
      tpu.wait_dma2 semaphore(%run_scoped3A : memref<!tpu.dma_semaphore, #tpu.memory_space<semaphore_mem>>) src(%dma_wait3A_19 : memref<75x80xi32, #tpu.memory_space<hbm>>) dst(%arg7 : memref<75x80xi32, #tpu.memory_space<vmem>>)
      tpu.yield
    }) : () -> ()
    "tpu.region"() ({
      %run_scoped3A = tpu.sem_alloc : memref<!tpu.dma_semaphore, #tpu.memory_space<semaphore_mem>>
      %dma_start3A = arith.constant 0 : i32
      %dma_start3A_6 = arith.constant 0 : i32
      %dma_start3A_7 = tpu.memref_slice %arg3[%add3A, %dma_start3A, %dma_start3A_6] : memref<32x75x80xi32, #tpu.memory_space<hbm>> -> memref<1x75x80xi32, #tpu.memory_space<hbm>>
      %dma_start3A_8 = tpu.memref_squeeze %dma_start3A_7 : memref<1x75x80xi32, #tpu.memory_space<hbm>> -> memref<75x80xi32, #tpu.memory_space<hbm>>
      %dma_start3A_9 = arith.constant 0 : i32
      %dma_start3A_10 = arith.constant 0 : i32
      %dma_start3A_11 = tpu.memref_slice %arg3[%add3A, %dma_start3A_9, %dma_start3A_10] : memref<32x75x80xi32, #tpu.memory_space<hbm>> -> memref<1x75x80xi32, #tpu.memory_space<hbm>>
      %dma_start3A_12 = tpu.memref_squeeze %dma_start3A_11 : memref<1x75x80xi32, #tpu.memory_space<hbm>> -> memref<75x80xi32, #tpu.memory_space<hbm>>
      tpu.enqueue_dma source(%dma_start3A_12 : memref<75x80xi32, #tpu.memory_space<hbm>>) target(%arg8 : memref<75x80xi32, #tpu.memory_space<vmem>>) target_semaphore(%run_scoped3A : memref<!tpu.dma_semaphore, #tpu.memory_space<semaphore_mem>>)
      %dma_wait3A = arith.constant 0 : i32
      %dma_wait3A_13 = arith.constant 0 : i32
      %dma_wait3A_14 = tpu.memref_slice %arg3[%add3A, %dma_wait3A, %dma_wait3A_13] : memref<32x75x80xi32, #tpu.memory_space<hbm>> -> memref<1x75x80xi32, #tpu.memory_space<hbm>>
      %dma_wait3A_15 = tpu.memref_squeeze %dma_wait3A_14 : memref<1x75x80xi32, #tpu.memory_space<hbm>> -> memref<75x80xi32, #tpu.memory_space<hbm>>
      %dma_wait3A_16 = arith.constant 0 : i32
      %dma_wait3A_17 = arith.constant 0 : i32
      %dma_wait3A_18 = tpu.memref_slice %arg3[%add3A, %dma_wait3A_16, %dma_wait3A_17] : memref<32x75x80xi32, #tpu.memory_space<hbm>> -> memref<1x75x80xi32, #tpu.memory_space<hbm>>
      %dma_wait3A_19 = tpu.memref_squeeze %dma_wait3A_18 : memref<1x75x80xi32, #tpu.memory_space<hbm>> -> memref<75x80xi32, #tpu.memory_space<hbm>>
      tpu.wait_dma2 semaphore(%run_scoped3A : memref<!tpu.dma_semaphore, #tpu.memory_space<semaphore_mem>>) src(%dma_wait3A_19 : memref<75x80xi32, #tpu.memory_space<hbm>>) dst(%arg8 : memref<75x80xi32, #tpu.memory_space<vmem>>)
      tpu.yield
    }) : () -> ()
    %scan3A = arith.constant 0 : i32
    %scan3A_1 = arith.constant 0 : i32
    %scan3A_2 = arith.constant 15 : i32
    %scan3A_3 = arith.addi %scan3A_1, %scan3A_2 : i32
    %scan3A_4 = arith.constant 1 : i32
    scf.for %scan3A_6 = %scan3A_1 to %scan3A_3 step %scan3A_4  : i32 {
      %mul3A_7 = arith.constant 5 : i32
      %mul3A_8 = arith.muli %scan3A_6, %mul3A_7 : i32
      %add3A_9 = arith.constant 0 : i32
      %add3A_10 = arith.addi %mul3A_8, %add3A_9 : i32
      %dma_start3A = arith.constant 0 : i32
      %dma_start3A_11 = arith.constant 0 : i32
      %dma_start3A_12 = arith.constant 0 : i32
      %dma_start3A_13 = arith.constant 0 : i32
      %dma_start3A_14 = tpu.memref_slice %arg9[%dma_start3A, %dma_start3A_12, %dma_start3A_13] : memref<5x80x128xf32, #tpu.memory_space<vmem>> -> memref<1x80x128xf32, #tpu.memory_space<vmem>>
      %dma_start3A_15 = tpu.memref_squeeze %dma_start3A_14 : memref<1x80x128xf32, #tpu.memory_space<vmem>> -> memref<80x128xf32, #tpu.memory_space<vmem>>
      %dma_start3A_16 = arith.constant 0 : i32
      %dma_start3A_17 = tpu.memref_slice %arg7[%add3A_10, %dma_start3A_16] : memref<75x80xi32, #tpu.memory_space<vmem>> -> memref<1x80xi32, #tpu.memory_space<vmem>>
      %dma_start3A_18 = tpu.memref_squeeze %dma_start3A_17 : memref<1x80xi32, #tpu.memory_space<vmem>> -> memref<80xi32, #tpu.memory_space<vmem>>
      %dma_start3A_19 = arith.constant 0 : i32
      %dma_start3A_20 = arith.constant 0 : i32
      %dma_start3A_21 = tpu.memref_slice %arg4[%dma_start3A_19, %dma_start3A_20] : memref<10112x128xf32, #tpu.memory_space<hbm>> -> memref<10112x128xf32, #tpu.memory_space<hbm>>
      %dma_start3A_22 = tpu.memref_slice %arg10[%dma_start3A_11] : memref<8x!tpu.dma_semaphore, #tpu.memory_space<semaphore_mem>> -> memref<1x!tpu.dma_semaphore, #tpu.memory_space<semaphore_mem>>
      %dma_start3A_23 = tpu.memref_squeeze %dma_start3A_22 : memref<1x!tpu.dma_semaphore, #tpu.memory_space<semaphore_mem>> -> memref<!tpu.dma_semaphore, #tpu.memory_space<semaphore_mem>>
      tpu.enqueue_indirect_dma source(%dma_start3A_21 : memref<10112x128xf32, #tpu.memory_space<hbm>>) target(%dma_start3A_15 : memref<80x128xf32, #tpu.memory_space<vmem>>) offsets(%dma_start3A_18 : memref<80xi32, #tpu.memory_space<vmem>>) semaphore(%dma_start3A_23 : memref<!tpu.dma_semaphore, #tpu.memory_space<semaphore_mem>>)
      %add3A_24 = arith.constant 1 : i32
      %add3A_25 = arith.addi %mul3A_8, %add3A_24 : i32
      %dma_start3A_26 = arith.constant 1 : i32
      %dma_start3A_27 = arith.constant 1 : i32
      %dma_start3A_28 = arith.constant 0 : i32
      %dma_start3A_29 = arith.constant 0 : i32
      %dma_start3A_30 = tpu.memref_slice %arg9[%dma_start3A_26, %dma_start3A_28, %dma_start3A_29] : memref<5x80x128xf32, #tpu.memory_space<vmem>> -> memref<1x80x128xf32, #tpu.memory_space<vmem>>
      %dma_start3A_31 = tpu.memref_squeeze %dma_start3A_30 : memref<1x80x128xf32, #tpu.memory_space<vmem>> -> memref<80x128xf32, #tpu.memory_space<vmem>>
      %dma_start3A_32 = arith.constant 0 : i32
      %dma_start3A_33 = tpu.memref_slice %arg7[%add3A_25, %dma_start3A_32] : memref<75x80xi32, #tpu.memory_space<vmem>> -> memref<1x80xi32, #tpu.memory_space<vmem>>
      %dma_start3A_34 = tpu.memref_squeeze %dma_start3A_33 : memref<1x80xi32, #tpu.memory_space<vmem>> -> memref<80xi32, #tpu.memory_space<vmem>>
      %dma_start3A_35 = arith.constant 0 : i32
      %dma_start3A_36 = arith.constant 0 : i32
      %dma_start3A_37 = tpu.memref_slice %arg4[%dma_start3A_35, %dma_start3A_36] : memref<10112x128xf32, #tpu.memory_space<hbm>> -> memref<10112x128xf32, #tpu.memory_space<hbm>>
      %dma_start3A_38 = tpu.memref_slice %arg10[%dma_start3A_27] : memref<8x!tpu.dma_semaphore, #tpu.memory_space<semaphore_mem>> -> memref<1x!tpu.dma_semaphore, #tpu.memory_space<semaphore_mem>>
      %dma_start3A_39 = tpu.memref_squeeze %dma_start3A_38 : memref<1x!tpu.dma_semaphore, #tpu.memory_space<semaphore_mem>> -> memref<!tpu.dma_semaphore, #tpu.memory_space<semaphore_mem>>
      tpu.enqueue_indirect_dma source(%dma_start3A_37 : memref<10112x128xf32, #tpu.memory_space<hbm>>) target(%dma_start3A_31 : memref<80x128xf32, #tpu.memory_space<vmem>>) offsets(%dma_start3A_34 : memref<80xi32, #tpu.memory_space<vmem>>) semaphore(%dma_start3A_39 : memref<!tpu.dma_semaphore, #tpu.memory_space<semaphore_mem>>)
      %add3A_40 = arith.constant 2 : i32
      %add3A_41 = arith.addi %mul3A_8, %add3A_40 : i32
      %dma_start3A_42 = arith.constant 2 : i32
      %dma_start3A_43 = arith.constant 2 : i32
      %dma_start3A_44 = arith.constant 0 : i32
      %dma_start3A_45 = arith.constant 0 : i32
      %dma_start3A_46 = tpu.memref_slice %arg9[%dma_start3A_42, %dma_start3A_44, %dma_start3A_45] : memref<5x80x128xf32, #tpu.memory_space<vmem>> -> memref<1x80x128xf32, #tpu.memory_space<vmem>>
      %dma_start3A_47 = tpu.memref_squeeze %dma_start3A_46 : memref<1x80x128xf32, #tpu.memory_space<vmem>> -> memref<80x128xf32, #tpu.memory_space<vmem>>
      %dma_start3A_48 = arith.constant 0 : i32
      %dma_start3A_49 = tpu.memref_slice %arg7[%add3A_41, %dma_start3A_48] : memref<75x80xi32, #tpu.memory_space<vmem>> -> memref<1x80xi32, #tpu.memory_space<vmem>>
      %dma_start3A_50 = tpu.memref_squeeze %dma_start3A_49 : memref<1x80xi32, #tpu.memory_space<vmem>> -> memref<80xi32, #tpu.memory_space<vmem>>
      %dma_start3A_51 = arith.constant 0 : i32
      %dma_start3A_52 = arith.constant 0 : i32
      %dma_start3A_53 = tpu.memref_slice %arg4[%dma_start3A_51, %dma_start3A_52] : memref<10112x128xf32, #tpu.memory_space<hbm>> -> memref<10112x128xf32, #tpu.memory_space<hbm>>
      %dma_start3A_54 = tpu.memref_slice %arg10[%dma_start3A_43] : memref<8x!tpu.dma_semaphore, #tpu.memory_space<semaphore_mem>> -> memref<1x!tpu.dma_semaphore, #tpu.memory_space<semaphore_mem>>
      %dma_start3A_55 = tpu.memref_squeeze %dma_start3A_54 : memref<1x!tpu.dma_semaphore, #tpu.memory_space<semaphore_mem>> -> memref<!tpu.dma_semaphore, #tpu.memory_space<semaphore_mem>>
      tpu.enqueue_indirect_dma source(%dma_start3A_53 : memref<10112x128xf32, #tpu.memory_space<hbm>>) target(%dma_start3A_47 : memref<80x128xf32, #tpu.memory_space<vmem>>) offsets(%dma_start3A_50 : memref<80xi32, #tpu.memory_space<vmem>>) semaphore(%dma_start3A_55 : memref<!tpu.dma_semaphore, #tpu.memory_space<semaphore_mem>>)
      %add3A_56 = arith.constant 3 : i32
      %add3A_57 = arith.addi %mul3A_8, %add3A_56 : i32
      %dma_start3A_58 = arith.constant 3 : i32
      %dma_start3A_59 = arith.constant 3 : i32
      %dma_start3A_60 = arith.constant 0 : i32
      %dma_start3A_61 = arith.constant 0 : i32
      %dma_start3A_62 = tpu.memref_slice %arg9[%dma_start3A_58, %dma_start3A_60, %dma_start3A_61] : memref<5x80x128xf32, #tpu.memory_space<vmem>> -> memref<1x80x128xf32, #tpu.memory_space<vmem>>
      %dma_start3A_63 = tpu.memref_squeeze %dma_start3A_62 : memref<1x80x128xf32, #tpu.memory_space<vmem>> -> memref<80x128xf32, #tpu.memory_space<vmem>>
      %dma_start3A_64 = arith.constant 0 : i32
      %dma_start3A_65 = tpu.memref_slice %arg7[%add3A_57, %dma_start3A_64] : memref<75x80xi32, #tpu.memory_space<vmem>> -> memref<1x80xi32, #tpu.memory_space<vmem>>
      %dma_start3A_66 = tpu.memref_squeeze %dma_start3A_65 : memref<1x80xi32, #tpu.memory_space<vmem>> -> memref<80xi32, #tpu.memory_space<vmem>>
      %dma_start3A_67 = arith.constant 0 : i32
      %dma_start3A_68 = arith.constant 0 : i32
      %dma_start3A_69 = tpu.memref_slice %arg4[%dma_start3A_67, %dma_start3A_68] : memref<10112x128xf32, #tpu.memory_space<hbm>> -> memref<10112x128xf32, #tpu.memory_space<hbm>>
      %dma_start3A_70 = tpu.memref_slice %arg10[%dma_start3A_59] : memref<8x!tpu.dma_semaphore, #tpu.memory_space<semaphore_mem>> -> memref<1x!tpu.dma_semaphore, #tpu.memory_space<semaphore_mem>>
      %dma_start3A_71 = tpu.memref_squeeze %dma_start3A_70 : memref<1x!tpu.dma_semaphore, #tpu.memory_space<semaphore_mem>> -> memref<!tpu.dma_semaphore, #tpu.memory_space<semaphore_mem>>
      tpu.enqueue_indirect_dma source(%dma_start3A_69 : memref<10112x128xf32, #tpu.memory_space<hbm>>) target(%dma_start3A_63 : memref<80x128xf32, #tpu.memory_space<vmem>>) offsets(%dma_start3A_66 : memref<80xi32, #tpu.memory_space<vmem>>) semaphore(%dma_start3A_71 : memref<!tpu.dma_semaphore, #tpu.memory_space<semaphore_mem>>)
      %add3A_72 = arith.constant 4 : i32
      %add3A_73 = arith.addi %mul3A_8, %add3A_72 : i32
      %dma_start3A_74 = arith.constant 4 : i32
      %dma_start3A_75 = arith.constant 4 : i32
      %dma_start3A_76 = arith.constant 0 : i32
      %dma_start3A_77 = arith.constant 0 : i32
      %dma_start3A_78 = tpu.memref_slice %arg9[%dma_start3A_74, %dma_start3A_76, %dma_start3A_77] : memref<5x80x128xf32, #tpu.memory_space<vmem>> -> memref<1x80x128xf32, #tpu.memory_space<vmem>>
      %dma_start3A_79 = tpu.memref_squeeze %dma_start3A_78 : memref<1x80x128xf32, #tpu.memory_space<vmem>> -> memref<80x128xf32, #tpu.memory_space<vmem>>
      %dma_start3A_80 = arith.constant 0 : i32
      %dma_start3A_81 = tpu.memref_slice %arg7[%add3A_73, %dma_start3A_80] : memref<75x80xi32, #tpu.memory_space<vmem>> -> memref<1x80xi32, #tpu.memory_space<vmem>>
      %dma_start3A_82 = tpu.memref_squeeze %dma_start3A_81 : memref<1x80xi32, #tpu.memory_space<vmem>> -> memref<80xi32, #tpu.memory_space<vmem>>
      %dma_start3A_83 = arith.constant 0 : i32
      %dma_start3A_84 = arith.constant 0 : i32
      %dma_start3A_85 = tpu.memref_slice %arg4[%dma_start3A_83, %dma_start3A_84] : memref<10112x128xf32, #tpu.memory_space<hbm>> -> memref<10112x128xf32, #tpu.memory_space<hbm>>
      %dma_start3A_86 = tpu.memref_slice %arg10[%dma_start3A_75] : memref<8x!tpu.dma_semaphore, #tpu.memory_space<semaphore_mem>> -> memref<1x!tpu.dma_semaphore, #tpu.memory_space<semaphore_mem>>
      %dma_start3A_87 = tpu.memref_squeeze %dma_start3A_86 : memref<1x!tpu.dma_semaphore, #tpu.memory_space<semaphore_mem>> -> memref<!tpu.dma_semaphore, #tpu.memory_space<semaphore_mem>>
      tpu.enqueue_indirect_dma source(%dma_start3A_85 : memref<10112x128xf32, #tpu.memory_space<hbm>>) target(%dma_start3A_79 : memref<80x128xf32, #tpu.memory_space<vmem>>) offsets(%dma_start3A_82 : memref<80xi32, #tpu.memory_space<vmem>>) semaphore(%dma_start3A_87 : memref<!tpu.dma_semaphore, #tpu.memory_space<semaphore_mem>>)
      %dma_wait3A = arith.constant 0 : i32
      %dma_wait3A_88 = arith.constant 0 : i32
      %dma_wait3A_89 = arith.constant 0 : i32
      %dma_wait3A_90 = arith.constant 0 : i32
      %dma_wait3A_91 = tpu.memref_slice %arg9[%dma_wait3A, %dma_wait3A_89, %dma_wait3A_90] : memref<5x80x128xf32, #tpu.memory_space<vmem>> -> memref<1x80x128xf32, #tpu.memory_space<vmem>>
      %dma_wait3A_92 = tpu.memref_squeeze %dma_wait3A_91 : memref<1x80x128xf32, #tpu.memory_space<vmem>> -> memref<80x128xf32, #tpu.memory_space<vmem>>
      %dma_wait3A_93 = arith.constant 0 : i32
      %dma_wait3A_94 = tpu.memref_slice %arg7[%add3A_10, %dma_wait3A_93] : memref<75x80xi32, #tpu.memory_space<vmem>> -> memref<1x80xi32, #tpu.memory_space<vmem>>
      %dma_wait3A_95 = tpu.memref_squeeze %dma_wait3A_94 : memref<1x80xi32, #tpu.memory_space<vmem>> -> memref<80xi32, #tpu.memory_space<vmem>>
      %dma_wait3A_96 = arith.constant 0 : i32
      %dma_wait3A_97 = arith.constant 0 : i32
      %dma_wait3A_98 = tpu.memref_slice %arg4[%dma_wait3A_96, %dma_wait3A_97] : memref<10112x128xf32, #tpu.memory_space<hbm>> -> memref<10112x128xf32, #tpu.memory_space<hbm>>
      %dma_wait3A_99 = tpu.memref_slice %arg10[%dma_wait3A_88] : memref<8x!tpu.dma_semaphore, #tpu.memory_space<semaphore_mem>> -> memref<1x!tpu.dma_semaphore, #tpu.memory_space<semaphore_mem>>
      %dma_wait3A_100 = tpu.memref_squeeze %dma_wait3A_99 : memref<1x!tpu.dma_semaphore, #tpu.memory_space<semaphore_mem>> -> memref<!tpu.dma_semaphore, #tpu.memory_space<semaphore_mem>>
      tpu.wait_indirect_dma semaphore(%dma_wait3A_100 : memref<!tpu.dma_semaphore, #tpu.memory_space<semaphore_mem>>) src(%dma_wait3A_98 : memref<10112x128xf32, #tpu.memory_space<hbm>>) dst(%dma_wait3A_92 : memref<80x128xf32, #tpu.memory_space<vmem>>)
      %add3A_101 = arith.constant 0 : i32
      %add3A_102 = arith.addi %mul3A_8, %add3A_101 : i32
      %dma_start3A_103 = arith.constant 0 : i32
      %dma_start3A_104 = arith.constant 0 : i32
      %dma_start3A_105 = arith.constant 0 : i32
      %dma_start3A_106 = arith.constant 0 : i32
      %dma_start3A_107 = tpu.memref_slice %arg9[%dma_start3A_103, %dma_start3A_105, %dma_start3A_106] : memref<5x80x128xf32, #tpu.memory_space<vmem>> -> memref<1x80x128xf32, #tpu.memory_space<vmem>>
      %dma_start3A_108 = tpu.memref_squeeze %dma_start3A_107 : memref<1x80x128xf32, #tpu.memory_space<vmem>> -> memref<80x128xf32, #tpu.memory_space<vmem>>
      %dma_start3A_109 = arith.constant 0 : i32
      %dma_start3A_110 = tpu.memref_slice %arg8[%add3A_102, %dma_start3A_109] : memref<75x80xi32, #tpu.memory_space<vmem>> -> memref<1x80xi32, #tpu.memory_space<vmem>>
      %dma_start3A_111 = tpu.memref_squeeze %dma_start3A_110 : memref<1x80xi32, #tpu.memory_space<vmem>> -> memref<80xi32, #tpu.memory_space<vmem>>
      %dma_start3A_112 = arith.constant 0 : i32
      %dma_start3A_113 = arith.constant 0 : i32
      %dma_start3A_114 = tpu.memref_slice %arg5[%dma_start3A_112, %dma_start3A_113] : memref<10112x128xf32, #tpu.memory_space<hbm>> -> memref<10112x128xf32, #tpu.memory_space<hbm>>
      %dma_start3A_115 = tpu.memref_slice %arg11[%dma_start3A_104] : memref<8x!tpu.dma_semaphore, #tpu.memory_space<semaphore_mem>> -> memref<1x!tpu.dma_semaphore, #tpu.memory_space<semaphore_mem>>
      %dma_start3A_116 = tpu.memref_squeeze %dma_start3A_115 : memref<1x!tpu.dma_semaphore, #tpu.memory_space<semaphore_mem>> -> memref<!tpu.dma_semaphore, #tpu.memory_space<semaphore_mem>>
      tpu.enqueue_indirect_dma source(%dma_start3A_114 : memref<10112x128xf32, #tpu.memory_space<hbm>>) target(%dma_start3A_108 : memref<80x128xf32, #tpu.memory_space<vmem>>) offsets(%dma_start3A_111 : memref<80xi32, #tpu.memory_space<vmem>>) semaphore(%dma_start3A_116 : memref<!tpu.dma_semaphore, #tpu.memory_space<semaphore_mem>>) {add = true}
      %dma_wait3A_117 = arith.constant 1 : i32
      %dma_wait3A_118 = arith.constant 1 : i32
      %dma_wait3A_119 = arith.constant 0 : i32
      %dma_wait3A_120 = arith.constant 0 : i32
      %dma_wait3A_121 = tpu.memref_slice %arg9[%dma_wait3A_117, %dma_wait3A_119, %dma_wait3A_120] : memref<5x80x128xf32, #tpu.memory_space<vmem>> -> memref<1x80x128xf32, #tpu.memory_space<vmem>>
      %dma_wait3A_122 = tpu.memref_squeeze %dma_wait3A_121 : memref<1x80x128xf32, #tpu.memory_space<vmem>> -> memref<80x128xf32, #tpu.memory_space<vmem>>
      %dma_wait3A_123 = arith.constant 0 : i32
      %dma_wait3A_124 = tpu.memref_slice %arg7[%add3A_25, %dma_wait3A_123] : memref<75x80xi32, #tpu.memory_space<vmem>> -> memref<1x80xi32, #tpu.memory_space<vmem>>
      %dma_wait3A_125 = tpu.memref_squeeze %dma_wait3A_124 : memref<1x80xi32, #tpu.memory_space<vmem>> -> memref<80xi32, #tpu.memory_space<vmem>>
      %dma_wait3A_126 = arith.constant 0 : i32
      %dma_wait3A_127 = arith.constant 0 : i32
      %dma_wait3A_128 = tpu.memref_slice %arg4[%dma_wait3A_126, %dma_wait3A_127] : memref<10112x128xf32, #tpu.memory_space<hbm>> -> memref<10112x128xf32, #tpu.memory_space<hbm>>
      %dma_wait3A_129 = tpu.memref_slice %arg10[%dma_wait3A_118] : memref<8x!tpu.dma_semaphore, #tpu.memory_space<semaphore_mem>> -> memref<1x!tpu.dma_semaphore, #tpu.memory_space<semaphore_mem>>
      %dma_wait3A_130 = tpu.memref_squeeze %dma_wait3A_129 : memref<1x!tpu.dma_semaphore, #tpu.memory_space<semaphore_mem>> -> memref<!tpu.dma_semaphore, #tpu.memory_space<semaphore_mem>>
      tpu.wait_indirect_dma semaphore(%dma_wait3A_130 : memref<!tpu.dma_semaphore, #tpu.memory_space<semaphore_mem>>) src(%dma_wait3A_128 : memref<10112x128xf32, #tpu.memory_space<hbm>>) dst(%dma_wait3A_122 : memref<80x128xf32, #tpu.memory_space<vmem>>)
      %add3A_131 = arith.constant 1 : i32
      %add3A_132 = arith.addi %mul3A_8, %add3A_131 : i32
      %dma_start3A_133 = arith.constant 1 : i32
      %dma_start3A_134 = arith.constant 1 : i32
      %dma_start3A_135 = arith.constant 0 : i32
      %dma_start3A_136 = arith.constant 0 : i32
      %dma_start3A_137 = tpu.memref_slice %arg9[%dma_start3A_133, %dma_start3A_135, %dma_start3A_136] : memref<5x80x128xf32, #tpu.memory_space<vmem>> -> memref<1x80x128xf32, #tpu.memory_space<vmem>>
      %dma_start3A_138 = tpu.memref_squeeze %dma_start3A_137 : memref<1x80x128xf32, #tpu.memory_space<vmem>> -> memref<80x128xf32, #tpu.memory_space<vmem>>
      %dma_start3A_139 = arith.constant 0 : i32
      %dma_start3A_140 = tpu.memref_slice %arg8[%add3A_132, %dma_start3A_139] : memref<75x80xi32, #tpu.memory_space<vmem>> -> memref<1x80xi32, #tpu.memory_space<vmem>>
      %dma_start3A_141 = tpu.memref_squeeze %dma_start3A_140 : memref<1x80xi32, #tpu.memory_space<vmem>> -> memref<80xi32, #tpu.memory_space<vmem>>
      %dma_start3A_142 = arith.constant 0 : i32
      %dma_start3A_143 = arith.constant 0 : i32
      %dma_start3A_144 = tpu.memref_slice %arg5[%dma_start3A_142, %dma_start3A_143] : memref<10112x128xf32, #tpu.memory_space<hbm>> -> memref<10112x128xf32, #tpu.memory_space<hbm>>
      %dma_start3A_145 = tpu.memref_slice %arg11[%dma_start3A_134] : memref<8x!tpu.dma_semaphore, #tpu.memory_space<semaphore_mem>> -> memref<1x!tpu.dma_semaphore, #tpu.memory_space<semaphore_mem>>
      %dma_start3A_146 = tpu.memref_squeeze %dma_start3A_145 : memref<1x!tpu.dma_semaphore, #tpu.memory_space<semaphore_mem>> -> memref<!tpu.dma_semaphore, #tpu.memory_space<semaphore_mem>>
      tpu.enqueue_indirect_dma source(%dma_start3A_144 : memref<10112x128xf32, #tpu.memory_space<hbm>>) target(%dma_start3A_138 : memref<80x128xf32, #tpu.memory_space<vmem>>) offsets(%dma_start3A_141 : memref<80xi32, #tpu.memory_space<vmem>>) semaphore(%dma_start3A_146 : memref<!tpu.dma_semaphore, #tpu.memory_space<semaphore_mem>>) {add = true}
      %dma_wait3A_147 = arith.constant 2 : i32
      %dma_wait3A_148 = arith.constant 2 : i32
      %dma_wait3A_149 = arith.constant 0 : i32
      %dma_wait3A_150 = arith.constant 0 : i32
      %dma_wait3A_151 = tpu.memref_slice %arg9[%dma_wait3A_147, %dma_wait3A_149, %dma_wait3A_150] : memref<5x80x128xf32, #tpu.memory_space<vmem>> -> memref<1x80x128xf32, #tpu.memory_space<vmem>>
      %dma_wait3A_152 = tpu.memref_squeeze %dma_wait3A_151 : memref<1x80x128xf32, #tpu.memory_space<vmem>> -> memref<80x128xf32, #tpu.memory_space<vmem>>
      %dma_wait3A_153 = arith.constant 0 : i32
      %dma_wait3A_154 = tpu.memref_slice %arg7[%add3A_41, %dma_wait3A_153] : memref<75x80xi32, #tpu.memory_space<vmem>> -> memref<1x80xi32, #tpu.memory_space<vmem>>
      %dma_wait3A_155 = tpu.memref_squeeze %dma_wait3A_154 : memref<1x80xi32, #tpu.memory_space<vmem>> -> memref<80xi32, #tpu.memory_space<vmem>>
      %dma_wait3A_156 = arith.constant 0 : i32
      %dma_wait3A_157 = arith.constant 0 : i32
      %dma_wait3A_158 = tpu.memref_slice %arg4[%dma_wait3A_156, %dma_wait3A_157] : memref<10112x128xf32, #tpu.memory_space<hbm>> -> memref<10112x128xf32, #tpu.memory_space<hbm>>
      %dma_wait3A_159 = tpu.memref_slice %arg10[%dma_wait3A_148] : memref<8x!tpu.dma_semaphore, #tpu.memory_space<semaphore_mem>> -> memref<1x!tpu.dma_semaphore, #tpu.memory_space<semaphore_mem>>
      %dma_wait3A_160 = tpu.memref_squeeze %dma_wait3A_159 : memref<1x!tpu.dma_semaphore, #tpu.memory_space<semaphore_mem>> -> memref<!tpu.dma_semaphore, #tpu.memory_space<semaphore_mem>>
      tpu.wait_indirect_dma semaphore(%dma_wait3A_160 : memref<!tpu.dma_semaphore, #tpu.memory_space<semaphore_mem>>) src(%dma_wait3A_158 : memref<10112x128xf32, #tpu.memory_space<hbm>>) dst(%dma_wait3A_152 : memref<80x128xf32, #tpu.memory_space<vmem>>)
      %add3A_161 = arith.constant 2 : i32
      %add3A_162 = arith.addi %mul3A_8, %add3A_161 : i32
      %dma_start3A_163 = arith.constant 2 : i32
      %dma_start3A_164 = arith.constant 2 : i32
      %dma_start3A_165 = arith.constant 0 : i32
      %dma_start3A_166 = arith.constant 0 : i32
      %dma_start3A_167 = tpu.memref_slice %arg9[%dma_start3A_163, %dma_start3A_165, %dma_start3A_166] : memref<5x80x128xf32, #tpu.memory_space<vmem>> -> memref<1x80x128xf32, #tpu.memory_space<vmem>>
      %dma_start3A_168 = tpu.memref_squeeze %dma_start3A_167 : memref<1x80x128xf32, #tpu.memory_space<vmem>> -> memref<80x128xf32, #tpu.memory_space<vmem>>
      %dma_start3A_169 = arith.constant 0 : i32
      %dma_start3A_170 = tpu.memref_slice %arg8[%add3A_162, %dma_start3A_169] : memref<75x80xi32, #tpu.memory_space<vmem>> -> memref<1x80xi32, #tpu.memory_space<vmem>>
      %dma_start3A_171 = tpu.memref_squeeze %dma_start3A_170 : memref<1x80xi32, #tpu.memory_space<vmem>> -> memref<80xi32, #tpu.memory_space<vmem>>
      %dma_start3A_172 = arith.constant 0 : i32
      %dma_start3A_173 = arith.constant 0 : i32
      %dma_start3A_174 = tpu.memref_slice %arg5[%dma_start3A_172, %dma_start3A_173] : memref<10112x128xf32, #tpu.memory_space<hbm>> -> memref<10112x128xf32, #tpu.memory_space<hbm>>
      %dma_start3A_175 = tpu.memref_slice %arg11[%dma_start3A_164] : memref<8x!tpu.dma_semaphore, #tpu.memory_space<semaphore_mem>> -> memref<1x!tpu.dma_semaphore, #tpu.memory_space<semaphore_mem>>
      %dma_start3A_176 = tpu.memref_squeeze %dma_start3A_175 : memref<1x!tpu.dma_semaphore, #tpu.memory_space<semaphore_mem>> -> memref<!tpu.dma_semaphore, #tpu.memory_space<semaphore_mem>>
      tpu.enqueue_indirect_dma source(%dma_start3A_174 : memref<10112x128xf32, #tpu.memory_space<hbm>>) target(%dma_start3A_168 : memref<80x128xf32, #tpu.memory_space<vmem>>) offsets(%dma_start3A_171 : memref<80xi32, #tpu.memory_space<vmem>>) semaphore(%dma_start3A_176 : memref<!tpu.dma_semaphore, #tpu.memory_space<semaphore_mem>>) {add = true}
      %dma_wait3A_177 = arith.constant 3 : i32
      %dma_wait3A_178 = arith.constant 3 : i32
      %dma_wait3A_179 = arith.constant 0 : i32
      %dma_wait3A_180 = arith.constant 0 : i32
      %dma_wait3A_181 = tpu.memref_slice %arg9[%dma_wait3A_177, %dma_wait3A_179, %dma_wait3A_180] : memref<5x80x128xf32, #tpu.memory_space<vmem>> -> memref<1x80x128xf32, #tpu.memory_space<vmem>>
      %dma_wait3A_182 = tpu.memref_squeeze %dma_wait3A_181 : memref<1x80x128xf32, #tpu.memory_space<vmem>> -> memref<80x128xf32, #tpu.memory_space<vmem>>
      %dma_wait3A_183 = arith.constant 0 : i32
      %dma_wait3A_184 = tpu.memref_slice %arg7[%add3A_57, %dma_wait3A_183] : memref<75x80xi32, #tpu.memory_space<vmem>> -> memref<1x80xi32, #tpu.memory_space<vmem>>
      %dma_wait3A_185 = tpu.memref_squeeze %dma_wait3A_184 : memref<1x80xi32, #tpu.memory_space<vmem>> -> memref<80xi32, #tpu.memory_space<vmem>>
      %dma_wait3A_186 = arith.constant 0 : i32
      %dma_wait3A_187 = arith.constant 0 : i32
      %dma_wait3A_188 = tpu.memref_slice %arg4[%dma_wait3A_186, %dma_wait3A_187] : memref<10112x128xf32, #tpu.memory_space<hbm>> -> memref<10112x128xf32, #tpu.memory_space<hbm>>
      %dma_wait3A_189 = tpu.memref_slice %arg10[%dma_wait3A_178] : memref<8x!tpu.dma_semaphore, #tpu.memory_space<semaphore_mem>> -> memref<1x!tpu.dma_semaphore, #tpu.memory_space<semaphore_mem>>
      %dma_wait3A_190 = tpu.memref_squeeze %dma_wait3A_189 : memref<1x!tpu.dma_semaphore, #tpu.memory_space<semaphore_mem>> -> memref<!tpu.dma_semaphore, #tpu.memory_space<semaphore_mem>>
      tpu.wait_indirect_dma semaphore(%dma_wait3A_190 : memref<!tpu.dma_semaphore, #tpu.memory_space<semaphore_mem>>) src(%dma_wait3A_188 : memref<10112x128xf32, #tpu.memory_space<hbm>>) dst(%dma_wait3A_182 : memref<80x128xf32, #tpu.memory_space<vmem>>)
      %add3A_191 = arith.constant 3 : i32
      %add3A_192 = arith.addi %mul3A_8, %add3A_191 : i32
      %dma_start3A_193 = arith.constant 3 : i32
      %dma_start3A_194 = arith.constant 3 : i32
      %dma_start3A_195 = arith.constant 0 : i32
      %dma_start3A_196 = arith.constant 0 : i32
      %dma_start3A_197 = tpu.memref_slice %arg9[%dma_start3A_193, %dma_start3A_195, %dma_start3A_196] : memref<5x80x128xf32, #tpu.memory_space<vmem>> -> memref<1x80x128xf32, #tpu.memory_space<vmem>>
      %dma_start3A_198 = tpu.memref_squeeze %dma_start3A_197 : memref<1x80x128xf32, #tpu.memory_space<vmem>> -> memref<80x128xf32, #tpu.memory_space<vmem>>
      %dma_start3A_199 = arith.constant 0 : i32
      %dma_start3A_200 = tpu.memref_slice %arg8[%add3A_192, %dma_start3A_199] : memref<75x80xi32, #tpu.memory_space<vmem>> -> memref<1x80xi32, #tpu.memory_space<vmem>>
      %dma_start3A_201 = tpu.memref_squeeze %dma_start3A_200 : memref<1x80xi32, #tpu.memory_space<vmem>> -> memref<80xi32, #tpu.memory_space<vmem>>
      %dma_start3A_202 = arith.constant 0 : i32
      %dma_start3A_203 = arith.constant 0 : i32
      %dma_start3A_204 = tpu.memref_slice %arg5[%dma_start3A_202, %dma_start3A_203] : memref<10112x128xf32, #tpu.memory_space<hbm>> -> memref<10112x128xf32, #tpu.memory_space<hbm>>
      %dma_start3A_205 = tpu.memref_slice %arg11[%dma_start3A_194] : memref<8x!tpu.dma_semaphore, #tpu.memory_space<semaphore_mem>> -> memref<1x!tpu.dma_semaphore, #tpu.memory_space<semaphore_mem>>
      %dma_start3A_206 = tpu.memref_squeeze %dma_start3A_205 : memref<1x!tpu.dma_semaphore, #tpu.memory_space<semaphore_mem>> -> memref<!tpu.dma_semaphore, #tpu.memory_space<semaphore_mem>>
      tpu.enqueue_indirect_dma source(%dma_start3A_204 : memref<10112x128xf32, #tpu.memory_space<hbm>>) target(%dma_start3A_198 : memref<80x128xf32, #tpu.memory_space<vmem>>) offsets(%dma_start3A_201 : memref<80xi32, #tpu.memory_space<vmem>>) semaphore(%dma_start3A_206 : memref<!tpu.dma_semaphore, #tpu.memory_space<semaphore_mem>>) {add = true}
      %dma_wait3A_207 = arith.constant 4 : i32
      %dma_wait3A_208 = arith.constant 4 : i32
      %dma_wait3A_209 = arith.constant 0 : i32
      %dma_wait3A_210 = arith.constant 0 : i32
      %dma_wait3A_211 = tpu.memref_slice %arg9[%dma_wait3A_207, %dma_wait3A_209, %dma_wait3A_210] : memref<5x80x128xf32, #tpu.memory_space<vmem>> -> memref<1x80x128xf32, #tpu.memory_space<vmem>>
      %dma_wait3A_212 = tpu.memref_squeeze %dma_wait3A_211 : memref<1x80x128xf32, #tpu.memory_space<vmem>> -> memref<80x128xf32, #tpu.memory_space<vmem>>
      %dma_wait3A_213 = arith.constant 0 : i32
      %dma_wait3A_214 = tpu.memref_slice %arg7[%add3A_73, %dma_wait3A_213] : memref<75x80xi32, #tpu.memory_space<vmem>> -> memref<1x80xi32, #tpu.memory_space<vmem>>
      %dma_wait3A_215 = tpu.memref_squeeze %dma_wait3A_214 : memref<1x80xi32, #tpu.memory_space<vmem>> -> memref<80xi32, #tpu.memory_space<vmem>>
      %dma_wait3A_216 = arith.constant 0 : i32
      %dma_wait3A_217 = arith.constant 0 : i32
      %dma_wait3A_218 = tpu.memref_slice %arg4[%dma_wait3A_216, %dma_wait3A_217] : memref<10112x128xf32, #tpu.memory_space<hbm>> -> memref<10112x128xf32, #tpu.memory_space<hbm>>
      %dma_wait3A_219 = tpu.memref_slice %arg10[%dma_wait3A_208] : memref<8x!tpu.dma_semaphore, #tpu.memory_space<semaphore_mem>> -> memref<1x!tpu.dma_semaphore, #tpu.memory_space<semaphore_mem>>
      %dma_wait3A_220 = tpu.memref_squeeze %dma_wait3A_219 : memref<1x!tpu.dma_semaphore, #tpu.memory_space<semaphore_mem>> -> memref<!tpu.dma_semaphore, #tpu.memory_space<semaphore_mem>>
      tpu.wait_indirect_dma semaphore(%dma_wait3A_220 : memref<!tpu.dma_semaphore, #tpu.memory_space<semaphore_mem>>) src(%dma_wait3A_218 : memref<10112x128xf32, #tpu.memory_space<hbm>>) dst(%dma_wait3A_212 : memref<80x128xf32, #tpu.memory_space<vmem>>)
      %add3A_221 = arith.constant 4 : i32
      %add3A_222 = arith.addi %mul3A_8, %add3A_221 : i32
      %dma_start3A_223 = arith.constant 4 : i32
      %dma_start3A_224 = arith.constant 4 : i32
      %dma_start3A_225 = arith.constant 0 : i32
      %dma_start3A_226 = arith.constant 0 : i32
      %dma_start3A_227 = tpu.memref_slice %arg9[%dma_start3A_223, %dma_start3A_225, %dma_start3A_226] : memref<5x80x128xf32, #tpu.memory_space<vmem>> -> memref<1x80x128xf32, #tpu.memory_space<vmem>>
      %dma_start3A_228 = tpu.memref_squeeze %dma_start3A_227 : memref<1x80x128xf32, #tpu.memory_space<vmem>> -> memref<80x128xf32, #tpu.memory_space<vmem>>
      %dma_start3A_229 = arith.constant 0 : i32
      %dma_start3A_230 = tpu.memref_slice %arg8[%add3A_222, %dma_start3A_229] : memref<75x80xi32, #tpu.memory_space<vmem>> -> memref<1x80xi32, #tpu.memory_space<vmem>>
      %dma_start3A_231 = tpu.memref_squeeze %dma_start3A_230 : memref<1x80xi32, #tpu.memory_space<vmem>> -> memref<80xi32, #tpu.memory_space<vmem>>
      %dma_start3A_232 = arith.constant 0 : i32
      %dma_start3A_233 = arith.constant 0 : i32
      %dma_start3A_234 = tpu.memref_slice %arg5[%dma_start3A_232, %dma_start3A_233] : memref<10112x128xf32, #tpu.memory_space<hbm>> -> memref<10112x128xf32, #tpu.memory_space<hbm>>
      %dma_start3A_235 = tpu.memref_slice %arg11[%dma_start3A_224] : memref<8x!tpu.dma_semaphore, #tpu.memory_space<semaphore_mem>> -> memref<1x!tpu.dma_semaphore, #tpu.memory_space<semaphore_mem>>
      %dma_start3A_236 = tpu.memref_squeeze %dma_start3A_235 : memref<1x!tpu.dma_semaphore, #tpu.memory_space<semaphore_mem>> -> memref<!tpu.dma_semaphore, #tpu.memory_space<semaphore_mem>>
      tpu.enqueue_indirect_dma source(%dma_start3A_234 : memref<10112x128xf32, #tpu.memory_space<hbm>>) target(%dma_start3A_228 : memref<80x128xf32, #tpu.memory_space<vmem>>) offsets(%dma_start3A_231 : memref<80xi32, #tpu.memory_space<vmem>>) semaphore(%dma_start3A_236 : memref<!tpu.dma_semaphore, #tpu.memory_space<semaphore_mem>>) {add = true}
      %dma_wait3A_237 = arith.constant 0 : i32
      %dma_wait3A_238 = arith.constant 0 : i32
      %dma_wait3A_239 = arith.constant 0 : i32
      %dma_wait3A_240 = arith.constant 0 : i32
      %dma_wait3A_241 = tpu.memref_slice %arg9[%dma_wait3A_237, %dma_wait3A_239, %dma_wait3A_240] : memref<5x80x128xf32, #tpu.memory_space<vmem>> -> memref<1x80x128xf32, #tpu.memory_space<vmem>>
      %dma_wait3A_242 = tpu.memref_squeeze %dma_wait3A_241 : memref<1x80x128xf32, #tpu.memory_space<vmem>> -> memref<80x128xf32, #tpu.memory_space<vmem>>
      %dma_wait3A_243 = arith.constant 0 : i32
      %dma_wait3A_244 = tpu.memref_slice %arg8[%add3A_102, %dma_wait3A_243] : memref<75x80xi32, #tpu.memory_space<vmem>> -> memref<1x80xi32, #tpu.memory_space<vmem>>
      %dma_wait3A_245 = tpu.memref_squeeze %dma_wait3A_244 : memref<1x80xi32, #tpu.memory_space<vmem>> -> memref<80xi32, #tpu.memory_space<vmem>>
      %dma_wait3A_246 = arith.constant 0 : i32
      %dma_wait3A_247 = arith.constant 0 : i32
      %dma_wait3A_248 = tpu.memref_slice %arg5[%dma_wait3A_246, %dma_wait3A_247] : memref<10112x128xf32, #tpu.memory_space<hbm>> -> memref<10112x128xf32, #tpu.memory_space<hbm>>
      %dma_wait3A_249 = tpu.memref_slice %arg11[%dma_wait3A_238] : memref<8x!tpu.dma_semaphore, #tpu.memory_space<semaphore_mem>> -> memref<1x!tpu.dma_semaphore, #tpu.memory_space<semaphore_mem>>
      %dma_wait3A_250 = tpu.memref_squeeze %dma_wait3A_249 : memref<1x!tpu.dma_semaphore, #tpu.memory_space<semaphore_mem>> -> memref<!tpu.dma_semaphore, #tpu.memory_space<semaphore_mem>>
      tpu.wait_indirect_dma semaphore(%dma_wait3A_250 : memref<!tpu.dma_semaphore, #tpu.memory_space<semaphore_mem>>) src(%dma_wait3A_248 : memref<10112x128xf32, #tpu.memory_space<hbm>>) dst(%dma_wait3A_242 : memref<80x128xf32, #tpu.memory_space<vmem>>)
      %add3A_251 = arith.constant 0 : i32
      %add3A_252 = arith.addi %mul3A_8, %add3A_251 : i32
      %mul3A_253 = arith.constant 6000 : i32
      %mul3A_254 = arith.muli %add3A, %mul3A_253 : i32
      %mul3A_255 = arith.constant 80 : i32
      %mul3A_256 = arith.muli %add3A_252, %mul3A_255 : i32
      %add3A_257 = arith.addi %mul3A_254, %mul3A_256 : i32
      %dma_start3A_258 = arith.constant 0 : i32
      %dma_start3A_259 = arith.constant 0 : i32
      %dma_start3A_260 = arith.constant 0 : i32
      %dma_start3A_261 = tpu.memref_slice %arg9[%dma_start3A_258, %dma_start3A_259, %dma_start3A_260] : memref<5x80x128xf32, #tpu.memory_space<vmem>> -> memref<1x80x128xf32, #tpu.memory_space<vmem>>
      %dma_start3A_262 = tpu.memref_squeeze %dma_start3A_261 : memref<1x80x128xf32, #tpu.memory_space<vmem>> -> memref<80x128xf32, #tpu.memory_space<vmem>>
      %dma_start3A_263 = arith.constant 0 : i32
      %dma_start3A_264 = tpu.memref_slice %arg6[%add3A_257, %dma_start3A_263] : memref<192000x128xf32, #tpu.memory_space<hbm>> -> memref<80x128xf32, #tpu.memory_space<hbm>>
      %dma_start3A_265 = arith.constant 0 : i32
      %dma_start3A_266 = tpu.memref_slice %arg6[%add3A_257, %dma_start3A_265] : memref<192000x128xf32, #tpu.memory_space<hbm>> -> memref<80x128xf32, #tpu.memory_space<hbm>>
      %dma_start3A_267 = arith.constant 0 : i32
      %dma_start3A_268 = arith.constant 0 : i32
      %dma_start3A_269 = tpu.memref_slice %arg9[%dma_start3A_258, %dma_start3A_267, %dma_start3A_268] : memref<5x80x128xf32, #tpu.memory_space<vmem>> -> memref<1x80x128xf32, #tpu.memory_space<vmem>>
      %dma_start3A_270 = tpu.memref_squeeze %dma_start3A_269 : memref<1x80x128xf32, #tpu.memory_space<vmem>> -> memref<80x128xf32, #tpu.memory_space<vmem>>
      tpu.enqueue_dma source(%dma_start3A_270 : memref<80x128xf32, #tpu.memory_space<vmem>>) target(%dma_start3A_266 : memref<80x128xf32, #tpu.memory_space<hbm>>) target_semaphore(%arg12 : memref<!tpu.dma_semaphore, #tpu.memory_space<semaphore_mem>>)
      %dma_wait3A_271 = arith.constant 1 : i32
      %dma_wait3A_272 = arith.constant 1 : i32
      %dma_wait3A_273 = arith.constant 0 : i32
      %dma_wait3A_274 = arith.constant 0 : i32
      %dma_wait3A_275 = tpu.memref_slice %arg9[%dma_wait3A_271, %dma_wait3A_273, %dma_wait3A_274] : memref<5x80x128xf32, #tpu.memory_space<vmem>> -> memref<1x80x128xf32, #tpu.memory_space<vmem>>
      %dma_wait3A_276 = tpu.memref_squeeze %dma_wait3A_275 : memref<1x80x128xf32, #tpu.memory_space<vmem>> -> memref<80x128xf32, #tpu.memory_space<vmem>>
      %dma_wait3A_277 = arith.constant 0 : i32
      %dma_wait3A_278 = tpu.memref_slice %arg8[%add3A_132, %dma_wait3A_277] : memref<75x80xi32, #tpu.memory_space<vmem>> -> memref<1x80xi32, #tpu.memory_space<vmem>>
      %dma_wait3A_279 = tpu.memref_squeeze %dma_wait3A_278 : memref<1x80xi32, #tpu.memory_space<vmem>> -> memref<80xi32, #tpu.memory_space<vmem>>
      %dma_wait3A_280 = arith.constant 0 : i32
      %dma_wait3A_281 = arith.constant 0 : i32
      %dma_wait3A_282 = tpu.memref_slice %arg5[%dma_wait3A_280, %dma_wait3A_281] : memref<10112x128xf32, #tpu.memory_space<hbm>> -> memref<10112x128xf32, #tpu.memory_space<hbm>>
      %dma_wait3A_283 = tpu.memref_slice %arg11[%dma_wait3A_272] : memref<8x!tpu.dma_semaphore, #tpu.memory_space<semaphore_mem>> -> memref<1x!tpu.dma_semaphore, #tpu.memory_space<semaphore_mem>>
      %dma_wait3A_284 = tpu.memref_squeeze %dma_wait3A_283 : memref<1x!tpu.dma_semaphore, #tpu.memory_space<semaphore_mem>> -> memref<!tpu.dma_semaphore, #tpu.memory_space<semaphore_mem>>
      tpu.wait_indirect_dma semaphore(%dma_wait3A_284 : memref<!tpu.dma_semaphore, #tpu.memory_space<semaphore_mem>>) src(%dma_wait3A_282 : memref<10112x128xf32, #tpu.memory_space<hbm>>) dst(%dma_wait3A_276 : memref<80x128xf32, #tpu.memory_space<vmem>>)
      %add3A_285 = arith.constant 1 : i32
      %add3A_286 = arith.addi %mul3A_8, %add3A_285 : i32
      %mul3A_287 = arith.constant 6000 : i32
      %mul3A_288 = arith.muli %add3A, %mul3A_287 : i32
      %mul3A_289 = arith.constant 80 : i32
      %mul3A_290 = arith.muli %add3A_286, %mul3A_289 : i32
      %add3A_291 = arith.addi %mul3A_288, %mul3A_290 : i32
      %dma_start3A_292 = arith.constant 1 : i32
      %dma_start3A_293 = arith.constant 0 : i32
      %dma_start3A_294 = arith.constant 0 : i32
      %dma_start3A_295 = tpu.memref_slice %arg9[%dma_start3A_292, %dma_start3A_293, %dma_start3A_294] : memref<5x80x128xf32, #tpu.memory_space<vmem>> -> memref<1x80x128xf32, #tpu.memory_space<vmem>>
      %dma_start3A_296 = tpu.memref_squeeze %dma_start3A_295 : memref<1x80x128xf32, #tpu.memory_space<vmem>> -> memref<80x128xf32, #tpu.memory_space<vmem>>
      %dma_start3A_297 = arith.constant 0 : i32
      %dma_start3A_298 = tpu.memref_slice %arg6[%add3A_291, %dma_start3A_297] : memref<192000x128xf32, #tpu.memory_space<hbm>> -> memref<80x128xf32, #tpu.memory_space<hbm>>
      %dma_start3A_299 = arith.constant 0 : i32
      %dma_start3A_300 = tpu.memref_slice %arg6[%add3A_291, %dma_start3A_299] : memref<192000x128xf32, #tpu.memory_space<hbm>> -> memref<80x128xf32, #tpu.memory_space<hbm>>
      %dma_start3A_301 = arith.constant 0 : i32
      %dma_start3A_302 = arith.constant 0 : i32
      %dma_start3A_303 = tpu.memref_slice %arg9[%dma_start3A_292, %dma_start3A_301, %dma_start3A_302] : memref<5x80x128xf32, #tpu.memory_space<vmem>> -> memref<1x80x128xf32, #tpu.memory_space<vmem>>
      %dma_start3A_304 = tpu.memref_squeeze %dma_start3A_303 : memref<1x80x128xf32, #tpu.memory_space<vmem>> -> memref<80x128xf32, #tpu.memory_space<vmem>>
      tpu.enqueue_dma source(%dma_start3A_304 : memref<80x128xf32, #tpu.memory_space<vmem>>) target(%dma_start3A_300 : memref<80x128xf32, #tpu.memory_space<hbm>>) target_semaphore(%arg12 : memref<!tpu.dma_semaphore, #tpu.memory_space<semaphore_mem>>)
      %dma_wait3A_305 = arith.constant 2 : i32
      %dma_wait3A_306 = arith.constant 2 : i32
      %dma_wait3A_307 = arith.constant 0 : i32
      %dma_wait3A_308 = arith.constant 0 : i32
      %dma_wait3A_309 = tpu.memref_slice %arg9[%dma_wait3A_305, %dma_wait3A_307, %dma_wait3A_308] : memref<5x80x128xf32, #tpu.memory_space<vmem>> -> memref<1x80x128xf32, #tpu.memory_space<vmem>>
      %dma_wait3A_310 = tpu.memref_squeeze %dma_wait3A_309 : memref<1x80x128xf32, #tpu.memory_space<vmem>> -> memref<80x128xf32, #tpu.memory_space<vmem>>
      %dma_wait3A_311 = arith.constant 0 : i32
      %dma_wait3A_312 = tpu.memref_slice %arg8[%add3A_162, %dma_wait3A_311] : memref<75x80xi32, #tpu.memory_space<vmem>> -> memref<1x80xi32, #tpu.memory_space<vmem>>
      %dma_wait3A_313 = tpu.memref_squeeze %dma_wait3A_312 : memref<1x80xi32, #tpu.memory_space<vmem>> -> memref<80xi32, #tpu.memory_space<vmem>>
      %dma_wait3A_314 = arith.constant 0 : i32
      %dma_wait3A_315 = arith.constant 0 : i32
      %dma_wait3A_316 = tpu.memref_slice %arg5[%dma_wait3A_314, %dma_wait3A_315] : memref<10112x128xf32, #tpu.memory_space<hbm>> -> memref<10112x128xf32, #tpu.memory_space<hbm>>
      %dma_wait3A_317 = tpu.memref_slice %arg11[%dma_wait3A_306] : memref<8x!tpu.dma_semaphore, #tpu.memory_space<semaphore_mem>> -> memref<1x!tpu.dma_semaphore, #tpu.memory_space<semaphore_mem>>
      %dma_wait3A_318 = tpu.memref_squeeze %dma_wait3A_317 : memref<1x!tpu.dma_semaphore, #tpu.memory_space<semaphore_mem>> -> memref<!tpu.dma_semaphore, #tpu.memory_space<semaphore_mem>>
      tpu.wait_indirect_dma semaphore(%dma_wait3A_318 : memref<!tpu.dma_semaphore, #tpu.memory_space<semaphore_mem>>) src(%dma_wait3A_316 : memref<10112x128xf32, #tpu.memory_space<hbm>>) dst(%dma_wait3A_310 : memref<80x128xf32, #tpu.memory_space<vmem>>)
      %add3A_319 = arith.constant 2 : i32
      %add3A_320 = arith.addi %mul3A_8, %add3A_319 : i32
      %mul3A_321 = arith.constant 6000 : i32
      %mul3A_322 = arith.muli %add3A, %mul3A_321 : i32
      %mul3A_323 = arith.constant 80 : i32
      %mul3A_324 = arith.muli %add3A_320, %mul3A_323 : i32
      %add3A_325 = arith.addi %mul3A_322, %mul3A_324 : i32
      %dma_start3A_326 = arith.constant 2 : i32
      %dma_start3A_327 = arith.constant 0 : i32
      %dma_start3A_328 = arith.constant 0 : i32
      %dma_start3A_329 = tpu.memref_slice %arg9[%dma_start3A_326, %dma_start3A_327, %dma_start3A_328] : memref<5x80x128xf32, #tpu.memory_space<vmem>> -> memref<1x80x128xf32, #tpu.memory_space<vmem>>
      %dma_start3A_330 = tpu.memref_squeeze %dma_start3A_329 : memref<1x80x128xf32, #tpu.memory_space<vmem>> -> memref<80x128xf32, #tpu.memory_space<vmem>>
      %dma_start3A_331 = arith.constant 0 : i32
      %dma_start3A_332 = tpu.memref_slice %arg6[%add3A_325, %dma_start3A_331] : memref<192000x128xf32, #tpu.memory_space<hbm>> -> memref<80x128xf32, #tpu.memory_space<hbm>>
      %dma_start3A_333 = arith.constant 0 : i32
      %dma_start3A_334 = tpu.memref_slice %arg6[%add3A_325, %dma_start3A_333] : memref<192000x128xf32, #tpu.memory_space<hbm>> -> memref<80x128xf32, #tpu.memory_space<hbm>>
      %dma_start3A_335 = arith.constant 0 : i32
      %dma_start3A_336 = arith.constant 0 : i32
      %dma_start3A_337 = tpu.memref_slice %arg9[%dma_start3A_326, %dma_start3A_335, %dma_start3A_336] : memref<5x80x128xf32, #tpu.memory_space<vmem>> -> memref<1x80x128xf32, #tpu.memory_space<vmem>>
      %dma_start3A_338 = tpu.memref_squeeze %dma_start3A_337 : memref<1x80x128xf32, #tpu.memory_space<vmem>> -> memref<80x128xf32, #tpu.memory_space<vmem>>
      tpu.enqueue_dma source(%dma_start3A_338 : memref<80x128xf32, #tpu.memory_space<vmem>>) target(%dma_start3A_334 : memref<80x128xf32, #tpu.memory_space<hbm>>) target_semaphore(%arg12 : memref<!tpu.dma_semaphore, #tpu.memory_space<semaphore_mem>>)
      %dma_wait3A_339 = arith.constant 3 : i32
      %dma_wait3A_340 = arith.constant 3 : i32
      %dma_wait3A_341 = arith.constant 0 : i32
      %dma_wait3A_342 = arith.constant 0 : i32
      %dma_wait3A_343 = tpu.memref_slice %arg9[%dma_wait3A_339, %dma_wait3A_341, %dma_wait3A_342] : memref<5x80x128xf32, #tpu.memory_space<vmem>> -> memref<1x80x128xf32, #tpu.memory_space<vmem>>
      %dma_wait3A_344 = tpu.memref_squeeze %dma_wait3A_343 : memref<1x80x128xf32, #tpu.memory_space<vmem>> -> memref<80x128xf32, #tpu.memory_space<vmem>>
      %dma_wait3A_345 = arith.constant 0 : i32
      %dma_wait3A_346 = tpu.memref_slice %arg8[%add3A_192, %dma_wait3A_345] : memref<75x80xi32, #tpu.memory_space<vmem>> -> memref<1x80xi32, #tpu.memory_space<vmem>>
      %dma_wait3A_347 = tpu.memref_squeeze %dma_wait3A_346 : memref<1x80xi32, #tpu.memory_space<vmem>> -> memref<80xi32, #tpu.memory_space<vmem>>
      %dma_wait3A_348 = arith.constant 0 : i32
      %dma_wait3A_349 = arith.constant 0 : i32
      %dma_wait3A_350 = tpu.memref_slice %arg5[%dma_wait3A_348, %dma_wait3A_349] : memref<10112x128xf32, #tpu.memory_space<hbm>> -> memref<10112x128xf32, #tpu.memory_space<hbm>>
      %dma_wait3A_351 = tpu.memref_slice %arg11[%dma_wait3A_340] : memref<8x!tpu.dma_semaphore, #tpu.memory_space<semaphore_mem>> -> memref<1x!tpu.dma_semaphore, #tpu.memory_space<semaphore_mem>>
      %dma_wait3A_352 = tpu.memref_squeeze %dma_wait3A_351 : memref<1x!tpu.dma_semaphore, #tpu.memory_space<semaphore_mem>> -> memref<!tpu.dma_semaphore, #tpu.memory_space<semaphore_mem>>
      tpu.wait_indirect_dma semaphore(%dma_wait3A_352 : memref<!tpu.dma_semaphore, #tpu.memory_space<semaphore_mem>>) src(%dma_wait3A_350 : memref<10112x128xf32, #tpu.memory_space<hbm>>) dst(%dma_wait3A_344 : memref<80x128xf32, #tpu.memory_space<vmem>>)
      %add3A_353 = arith.constant 3 : i32
      %add3A_354 = arith.addi %mul3A_8, %add3A_353 : i32
      %mul3A_355 = arith.constant 6000 : i32
      %mul3A_356 = arith.muli %add3A, %mul3A_355 : i32
      %mul3A_357 = arith.constant 80 : i32
      %mul3A_358 = arith.muli %add3A_354, %mul3A_357 : i32
      %add3A_359 = arith.addi %mul3A_356, %mul3A_358 : i32
      %dma_start3A_360 = arith.constant 3 : i32
      %dma_start3A_361 = arith.constant 0 : i32
      %dma_start3A_362 = arith.constant 0 : i32
      %dma_start3A_363 = tpu.memref_slice %arg9[%dma_start3A_360, %dma_start3A_361, %dma_start3A_362] : memref<5x80x128xf32, #tpu.memory_space<vmem>> -> memref<1x80x128xf32, #tpu.memory_space<vmem>>
      %dma_start3A_364 = tpu.memref_squeeze %dma_start3A_363 : memref<1x80x128xf32, #tpu.memory_space<vmem>> -> memref<80x128xf32, #tpu.memory_space<vmem>>
      %dma_start3A_365 = arith.constant 0 : i32
      %dma_start3A_366 = tpu.memref_slice %arg6[%add3A_359, %dma_start3A_365] : memref<192000x128xf32, #tpu.memory_space<hbm>> -> memref<80x128xf32, #tpu.memory_space<hbm>>
      %dma_start3A_367 = arith.constant 0 : i32
      %dma_start3A_368 = tpu.memref_slice %arg6[%add3A_359, %dma_start3A_367] : memref<192000x128xf32, #tpu.memory_space<hbm>> -> memref<80x128xf32, #tpu.memory_space<hbm>>
      %dma_start3A_369 = arith.constant 0 : i32
      %dma_start3A_370 = arith.constant 0 : i32
      %dma_start3A_371 = tpu.memref_slice %arg9[%dma_start3A_360, %dma_start3A_369, %dma_start3A_370] : memref<5x80x128xf32, #tpu.memory_space<vmem>> -> memref<1x80x128xf32, #tpu.memory_space<vmem>>
      %dma_start3A_372 = tpu.memref_squeeze %dma_start3A_371 : memref<1x80x128xf32, #tpu.memory_space<vmem>> -> memref<80x128xf32, #tpu.memory_space<vmem>>
      tpu.enqueue_dma source(%dma_start3A_372 : memref<80x128xf32, #tpu.memory_space<vmem>>) target(%dma_start3A_368 : memref<80x128xf32, #tpu.memory_space<hbm>>) target_semaphore(%arg12 : memref<!tpu.dma_semaphore, #tpu.memory_space<semaphore_mem>>)
      %dma_wait3A_373 = arith.constant 4 : i32
      %dma_wait3A_374 = arith.constant 4 : i32
      %dma_wait3A_375 = arith.constant 0 : i32
      %dma_wait3A_376 = arith.constant 0 : i32
      %dma_wait3A_377 = tpu.memref_slice %arg9[%dma_wait3A_373, %dma_wait3A_375, %dma_wait3A_376] : memref<5x80x128xf32, #tpu.memory_space<vmem>> -> memref<1x80x128xf32, #tpu.memory_space<vmem>>
      %dma_wait3A_378 = tpu.memref_squeeze %dma_wait3A_377 : memref<1x80x128xf32, #tpu.memory_space<vmem>> -> memref<80x128xf32, #tpu.memory_space<vmem>>
      %dma_wait3A_379 = arith.constant 0 : i32
      %dma_wait3A_380 = tpu.memref_slice %arg8[%add3A_222, %dma_wait3A_379] : memref<75x80xi32, #tpu.memory_space<vmem>> -> memref<1x80xi32, #tpu.memory_space<vmem>>
      %dma_wait3A_381 = tpu.memref_squeeze %dma_wait3A_380 : memref<1x80xi32, #tpu.memory_space<vmem>> -> memref<80xi32, #tpu.memory_space<vmem>>
      %dma_wait3A_382 = arith.constant 0 : i32
      %dma_wait3A_383 = arith.constant 0 : i32
      %dma_wait3A_384 = tpu.memref_slice %arg5[%dma_wait3A_382, %dma_wait3A_383] : memref<10112x128xf32, #tpu.memory_space<hbm>> -> memref<10112x128xf32, #tpu.memory_space<hbm>>
      %dma_wait3A_385 = tpu.memref_slice %arg11[%dma_wait3A_374] : memref<8x!tpu.dma_semaphore, #tpu.memory_space<semaphore_mem>> -> memref<1x!tpu.dma_semaphore, #tpu.memory_space<semaphore_mem>>
      %dma_wait3A_386 = tpu.memref_squeeze %dma_wait3A_385 : memref<1x!tpu.dma_semaphore, #tpu.memory_space<semaphore_mem>> -> memref<!tpu.dma_semaphore, #tpu.memory_space<semaphore_mem>>
      tpu.wait_indirect_dma semaphore(%dma_wait3A_386 : memref<!tpu.dma_semaphore, #tpu.memory_space<semaphore_mem>>) src(%dma_wait3A_384 : memref<10112x128xf32, #tpu.memory_space<hbm>>) dst(%dma_wait3A_378 : memref<80x128xf32, #tpu.memory_space<vmem>>)
      %add3A_387 = arith.constant 4 : i32
      %add3A_388 = arith.addi %mul3A_8, %add3A_387 : i32
      %mul3A_389 = arith.constant 6000 : i32
      %mul3A_390 = arith.muli %add3A, %mul3A_389 : i32
      %mul3A_391 = arith.constant 80 : i32
      %mul3A_392 = arith.muli %add3A_388, %mul3A_391 : i32
      %add3A_393 = arith.addi %mul3A_390, %mul3A_392 : i32
      %dma_start3A_394 = arith.constant 4 : i32
      %dma_start3A_395 = arith.constant 0 : i32
      %dma_start3A_396 = arith.constant 0 : i32
      %dma_start3A_397 = tpu.memref_slice %arg9[%dma_start3A_394, %dma_start3A_395, %dma_start3A_396] : memref<5x80x128xf32, #tpu.memory_space<vmem>> -> memref<1x80x128xf32, #tpu.memory_space<vmem>>
      %dma_start3A_398 = tpu.memref_squeeze %dma_start3A_397 : memref<1x80x128xf32, #tpu.memory_space<vmem>> -> memref<80x128xf32, #tpu.memory_space<vmem>>
      %dma_start3A_399 = arith.constant 0 : i32
      %dma_start3A_400 = tpu.memref_slice %arg6[%add3A_393, %dma_start3A_399] : memref<192000x128xf32, #tpu.memory_space<hbm>> -> memref<80x128xf32, #tpu.memory_space<hbm>>
      %dma_start3A_401 = arith.constant 0 : i32
      %dma_start3A_402 = tpu.memref_slice %arg6[%add3A_393, %dma_start3A_401] : memref<192000x128xf32, #tpu.memory_space<hbm>> -> memref<80x128xf32, #tpu.memory_space<hbm>>
      %dma_start3A_403 = arith.constant 0 : i32
      %dma_start3A_404 = arith.constant 0 : i32
      %dma_start3A_405 = tpu.memref_slice %arg9[%dma_start3A_394, %dma_start3A_403, %dma_start3A_404] : memref<5x80x128xf32, #tpu.memory_space<vmem>> -> memref<1x80x128xf32, #tpu.memory_space<vmem>>
      %dma_start3A_406 = tpu.memref_squeeze %dma_start3A_405 : memref<1x80x128xf32, #tpu.memory_space<vmem>> -> memref<80x128xf32, #tpu.memory_space<vmem>>
      tpu.enqueue_dma source(%dma_start3A_406 : memref<80x128xf32, #tpu.memory_space<vmem>>) target(%dma_start3A_402 : memref<80x128xf32, #tpu.memory_space<hbm>>) target_semaphore(%arg12 : memref<!tpu.dma_semaphore, #tpu.memory_space<semaphore_mem>>)
      %dma_wait3A_407 = arith.constant 0 : i32
      %dma_wait3A_408 = arith.constant 0 : i32
      %dma_wait3A_409 = arith.constant 0 : i32
      %dma_wait3A_410 = tpu.memref_slice %arg9[%dma_wait3A_407, %dma_wait3A_408, %dma_wait3A_409] : memref<5x80x128xf32, #tpu.memory_space<vmem>> -> memref<1x80x128xf32, #tpu.memory_space<vmem>>
      %dma_wait3A_411 = tpu.memref_squeeze %dma_wait3A_410 : memref<1x80x128xf32, #tpu.memory_space<vmem>> -> memref<80x128xf32, #tpu.memory_space<vmem>>
      %dma_wait3A_412 = arith.constant 0 : i32
      %dma_wait3A_413 = tpu.memref_slice %arg6[%add3A_257, %dma_wait3A_412] : memref<192000x128xf32, #tpu.memory_space<hbm>> -> memref<80x128xf32, #tpu.memory_space<hbm>>
      %dma_wait3A_414 = arith.constant 0 : i32
      %dma_wait3A_415 = tpu.memref_slice %arg6[%add3A_257, %dma_wait3A_414] : memref<192000x128xf32, #tpu.memory_space<hbm>> -> memref<80x128xf32, #tpu.memory_space<hbm>>
      %dma_wait3A_416 = arith.constant 0 : i32
      %dma_wait3A_417 = arith.constant 0 : i32
      %dma_wait3A_418 = tpu.memref_slice %arg9[%dma_wait3A_407, %dma_wait3A_416, %dma_wait3A_417] : memref<5x80x128xf32, #tpu.memory_space<vmem>> -> memref<1x80x128xf32, #tpu.memory_space<vmem>>
      %dma_wait3A_419 = tpu.memref_squeeze %dma_wait3A_418 : memref<1x80x128xf32, #tpu.memory_space<vmem>> -> memref<80x128xf32, #tpu.memory_space<vmem>>
      tpu.wait_dma2 semaphore(%arg12 : memref<!tpu.dma_semaphore, #tpu.memory_space<semaphore_mem>>) src(%dma_wait3A_419 : memref<80x128xf32, #tpu.memory_space<vmem>>) dst(%dma_wait3A_415 : memref<80x128xf32, #tpu.memory_space<hbm>>)
      %dma_wait3A_420 = arith.constant 1 : i32
      %dma_wait3A_421 = arith.constant 0 : i32
      %dma_wait3A_422 = arith.constant 0 : i32
      %dma_wait3A_423 = tpu.memref_slice %arg9[%dma_wait3A_420, %dma_wait3A_421, %dma_wait3A_422] : memref<5x80x128xf32, #tpu.memory_space<vmem>> -> memref<1x80x128xf32, #tpu.memory_space<vmem>>
      %dma_wait3A_424 = tpu.memref_squeeze %dma_wait3A_423 : memref<1x80x128xf32, #tpu.memory_space<vmem>> -> memref<80x128xf32, #tpu.memory_space<vmem>>
      %dma_wait3A_425 = arith.constant 0 : i32
      %dma_wait3A_426 = tpu.memref_slice %arg6[%add3A_291, %dma_wait3A_425] : memref<192000x128xf32, #tpu.memory_space<hbm>> -> memref<80x128xf32, #tpu.memory_space<hbm>>
      %dma_wait3A_427 = arith.constant 0 : i32
      %dma_wait3A_428 = tpu.memref_slice %arg6[%add3A_291, %dma_wait3A_427] : memref<192000x128xf32, #tpu.memory_space<hbm>> -> memref<80x128xf32, #tpu.memory_space<hbm>>
      %dma_wait3A_429 = arith.constant 0 : i32
      %dma_wait3A_430 = arith.constant 0 : i32
      %dma_wait3A_431 = tpu.memref_slice %arg9[%dma_wait3A_420, %dma_wait3A_429, %dma_wait3A_430] : memref<5x80x128xf32, #tpu.memory_space<vmem>> -> memref<1x80x128xf32, #tpu.memory_space<vmem>>
      %dma_wait3A_432 = tpu.memref_squeeze %dma_wait3A_431 : memref<1x80x128xf32, #tpu.memory_space<vmem>> -> memref<80x128xf32, #tpu.memory_space<vmem>>
      tpu.wait_dma2 semaphore(%arg12 : memref<!tpu.dma_semaphore, #tpu.memory_space<semaphore_mem>>) src(%dma_wait3A_432 : memref<80x128xf32, #tpu.memory_space<vmem>>) dst(%dma_wait3A_428 : memref<80x128xf32, #tpu.memory_space<hbm>>)
      %dma_wait3A_433 = arith.constant 2 : i32
      %dma_wait3A_434 = arith.constant 0 : i32
      %dma_wait3A_435 = arith.constant 0 : i32
      %dma_wait3A_436 = tpu.memref_slice %arg9[%dma_wait3A_433, %dma_wait3A_434, %dma_wait3A_435] : memref<5x80x128xf32, #tpu.memory_space<vmem>> -> memref<1x80x128xf32, #tpu.memory_space<vmem>>
      %dma_wait3A_437 = tpu.memref_squeeze %dma_wait3A_436 : memref<1x80x128xf32, #tpu.memory_space<vmem>> -> memref<80x128xf32, #tpu.memory_space<vmem>>
      %dma_wait3A_438 = arith.constant 0 : i32
      %dma_wait3A_439 = tpu.memref_slice %arg6[%add3A_325, %dma_wait3A_438] : memref<192000x128xf32, #tpu.memory_space<hbm>> -> memref<80x128xf32, #tpu.memory_space<hbm>>
      %dma_wait3A_440 = arith.constant 0 : i32
      %dma_wait3A_441 = tpu.memref_slice %arg6[%add3A_325, %dma_wait3A_440] : memref<192000x128xf32, #tpu.memory_space<hbm>> -> memref<80x128xf32, #tpu.memory_space<hbm>>
      %dma_wait3A_442 = arith.constant 0 : i32
      %dma_wait3A_443 = arith.constant 0 : i32
      %dma_wait3A_444 = tpu.memref_slice %arg9[%dma_wait3A_433, %dma_wait3A_442, %dma_wait3A_443] : memref<5x80x128xf32, #tpu.memory_space<vmem>> -> memref<1x80x128xf32, #tpu.memory_space<vmem>>
      %dma_wait3A_445 = tpu.memref_squeeze %dma_wait3A_444 : memref<1x80x128xf32, #tpu.memory_space<vmem>> -> memref<80x128xf32, #tpu.memory_space<vmem>>
      tpu.wait_dma2 semaphore(%arg12 : memref<!tpu.dma_semaphore, #tpu.memory_space<semaphore_mem>>) src(%dma_wait3A_445 : memref<80x128xf32, #tpu.memory_space<vmem>>) dst(%dma_wait3A_441 : memref<80x128xf32, #tpu.memory_space<hbm>>)
      %dma_wait3A_446 = arith.constant 3 : i32
      %dma_wait3A_447 = arith.constant 0 : i32
      %dma_wait3A_448 = arith.constant 0 : i32
      %dma_wait3A_449 = tpu.memref_slice %arg9[%dma_wait3A_446, %dma_wait3A_447, %dma_wait3A_448] : memref<5x80x128xf32, #tpu.memory_space<vmem>> -> memref<1x80x128xf32, #tpu.memory_space<vmem>>
      %dma_wait3A_450 = tpu.memref_squeeze %dma_wait3A_449 : memref<1x80x128xf32, #tpu.memory_space<vmem>> -> memref<80x128xf32, #tpu.memory_space<vmem>>
      %dma_wait3A_451 = arith.constant 0 : i32
      %dma_wait3A_452 = tpu.memref_slice %arg6[%add3A_359, %dma_wait3A_451] : memref<192000x128xf32, #tpu.memory_space<hbm>> -> memref<80x128xf32, #tpu.memory_space<hbm>>
      %dma_wait3A_453 = arith.constant 0 : i32
      %dma_wait3A_454 = tpu.memref_slice %arg6[%add3A_359, %dma_wait3A_453] : memref<192000x128xf32, #tpu.memory_space<hbm>> -> memref<80x128xf32, #tpu.memory_space<hbm>>
      %dma_wait3A_455 = arith.constant 0 : i32
      %dma_wait3A_456 = arith.constant 0 : i32
      %dma_wait3A_457 = tpu.memref_slice %arg9[%dma_wait3A_446, %dma_wait3A_455, %dma_wait3A_456] : memref<5x80x128xf32, #tpu.memory_space<vmem>> -> memref<1x80x128xf32, #tpu.memory_space<vmem>>
      %dma_wait3A_458 = tpu.memref_squeeze %dma_wait3A_457 : memref<1x80x128xf32, #tpu.memory_space<vmem>> -> memref<80x128xf32, #tpu.memory_space<vmem>>
      tpu.wait_dma2 semaphore(%arg12 : memref<!tpu.dma_semaphore, #tpu.memory_space<semaphore_mem>>) src(%dma_wait3A_458 : memref<80x128xf32, #tpu.memory_space<vmem>>) dst(%dma_wait3A_454 : memref<80x128xf32, #tpu.memory_space<hbm>>)
      %dma_wait3A_459 = arith.constant 4 : i32
      %dma_wait3A_460 = arith.constant 0 : i32
      %dma_wait3A_461 = arith.constant 0 : i32
      %dma_wait3A_462 = tpu.memref_slice %arg9[%dma_wait3A_459, %dma_wait3A_460, %dma_wait3A_461] : memref<5x80x128xf32, #tpu.memory_space<vmem>> -> memref<1x80x128xf32, #tpu.memory_space<vmem>>
      %dma_wait3A_463 = tpu.memref_squeeze %dma_wait3A_462 : memref<1x80x128xf32, #tpu.memory_space<vmem>> -> memref<80x128xf32, #tpu.memory_space<vmem>>
      %dma_wait3A_464 = arith.constant 0 : i32
      %dma_wait3A_465 = tpu.memref_slice %arg6[%add3A_393, %dma_wait3A_464] : memref<192000x128xf32, #tpu.memory_space<hbm>> -> memref<80x128xf32, #tpu.memory_space<hbm>>
      %dma_wait3A_466 = arith.constant 0 : i32
      %dma_wait3A_467 = tpu.memref_slice %arg6[%add3A_393, %dma_wait3A_466] : memref<192000x128xf32, #tpu.memory_space<hbm>> -> memref<80x128xf32, #tpu.memory_space<hbm>>
      %dma_wait3A_468 = arith.constant 0 : i32
      %dma_wait3A_469 = arith.constant 0 : i32
      %dma_wait3A_470 = tpu.memref_slice %arg9[%dma_wait3A_459, %dma_wait3A_468, %dma_wait3A_469] : memref<5x80x128xf32, #tpu.memory_space<vmem>> -> memref<1x80x128xf32, #tpu.memory_space<vmem>>
      %dma_wait3A_471 = tpu.memref_squeeze %dma_wait3A_470 : memref<1x80x128xf32, #tpu.memory_space<vmem>> -> memref<80x128xf32, #tpu.memory_space<vmem>>
      tpu.wait_dma2 semaphore(%arg12 : memref<!tpu.dma_semaphore, #tpu.memory_space<semaphore_mem>>) src(%dma_wait3A_471 : memref<80x128xf32, #tpu.memory_space<vmem>>) dst(%dma_wait3A_467 : memref<80x128xf32, #tpu.memory_space<hbm>>)
    }
    %scan3A_5 = arith.constant 15 : i32
    return
  }
}

module attributes {stable_mosaic.version = 14 : i64} {
  func.func @body(%arg0: memref<10112x128xf32, #tpu.memory_space<vmem>>, %arg1: memref<128x64xf32, #tpu.memory_space<vmem>>, %arg2: memref<2x10112x8xf32, #tpu.memory_space<vmem>>, %arg3: memref<10112x64xf32, #tpu.memory_space<vmem>>, %arg4: memref<10112x1xf32, #tpu.memory_space<vmem>>) attributes {dimension_semantics = [], scalar_prefetch = 0 : i64, scratch_operands = 0 : i64, tpu.core_type = #tpu.core_type<tc>} {
    %get3A = arith.constant 0 : index
    %get3A_0 = arith.constant 0 : index
    %get3A_1 = arith.constant 0 : index
    %get3A_2 = vector.load %arg2[%get3A, %get3A_0, %get3A_1] : memref<2x10112x8xf32, #tpu.memory_space<vmem>>, vector<1x10112x1xf32>
    %get3A_3 = vector.shape_cast %get3A_2 : vector<1x10112x1xf32> to vector<10112x1xf32>
    %get3A_4 = arith.constant 1 : index
    %get3A_5 = arith.constant 0 : index
    %get3A_6 = arith.constant 0 : index
    %get3A_7 = vector.load %arg2[%get3A_4, %get3A_5, %get3A_6] : memref<2x10112x8xf32, #tpu.memory_space<vmem>>, vector<1x10112x1xf32>
    %get3A_8 = vector.shape_cast %get3A_7 : vector<1x10112x1xf32> to vector<10112x1xf32>
    %add3A = arith.addf %get3A_3, %get3A_8 : vector<10112x1xf32>
    %add3A_9 = arith.constant 1.000000e+00 : f32
    %add3A_10 = vector.broadcast %add3A_9 : f32 to vector<10112x1xf32>
    %add3A_11 = arith.addf %add3A, %add3A_10 : vector<10112x1xf32>
    %sqrt3A = math.sqrt %add3A_11 : vector<10112x1xf32>
    %div3A = arith.constant 1.000000e+00 : f32
    %div3A_12 = vector.broadcast %div3A : f32 to vector<10112x1xf32>
    %div3A_13 = arith.divf %div3A_12, %sqrt3A : vector<10112x1xf32>
    %get3A_14 = arith.constant 0 : index
    %get3A_15 = arith.constant 0 : index
    %get3A_16 = vector.load %arg0[%get3A_14, %get3A_15] : memref<10112x128xf32, #tpu.memory_space<vmem>>, vector<10112x128xf32>
    %get3A_17 = arith.constant 0 : index
    %get3A_18 = arith.constant 0 : index
    %get3A_19 = vector.load %arg1[%get3A_17, %get3A_18] : memref<128x64xf32, #tpu.memory_space<vmem>>, vector<128x64xf32>
    %dot_general3A = arith.constant dense<0.000000e+00> : vector<10112x64xf32>
    %dot_general3A_20 = tpu.matmul %get3A_16, %get3A_19, %dot_general3A {dimension_numbers = #tpu.dot_dimension_numbers<[1], [0], [0], [1], [0, 0, 1, 1], [], []>, transpose_lhs_hint = false} : vector<10112x128xf32>, vector<128x64xf32>, vector<10112x64xf32> -> vector<10112x64xf32>
    %mul3A = vector.broadcast %div3A_13 : vector<10112x1xf32> to vector<10112x64xf32>
    %mul3A_21 = arith.mulf %dot_general3A_20, %mul3A : vector<10112x64xf32>
    %swap3A = arith.constant 0 : index
    %swap3A_22 = arith.constant 0 : index
    %swap3A_23 = vector.load %arg3[%swap3A, %swap3A_22] : memref<10112x64xf32, #tpu.memory_space<vmem>>, vector<10112x64xf32>
    tpu.vector_store %arg3[%swap3A, %swap3A_22], %mul3A_21 {strides = array<i32>} : memref<10112x64xf32, #tpu.memory_space<vmem>>, vector<10112x64xf32>,
    %swap3A_24 = arith.constant 0 : index
    %swap3A_25 = arith.constant 0 : index
    %swap3A_26 = vector.load %arg4[%swap3A_24, %swap3A_25] : memref<10112x1xf32, #tpu.memory_space<vmem>>, vector<10112x1xf32>
    tpu.vector_store %arg4[%swap3A_24, %swap3A_25], %div3A_13 {strides = array<i32>} : memref<10112x1xf32, #tpu.memory_space<vmem>>, vector<10112x1xf32>,
    return
  }
}

module attributes {stable_mosaic.version = 14 : i64} {
  func.func @body(%arg0: memref<2x10112x64xf32, #tpu.memory_space<vmem>>, %arg1: memref<10112x64xf32, #tpu.memory_space<vmem>>, %arg2: memref<10112x1xf32, #tpu.memory_space<vmem>>, %arg3: memref<1x64xf32, #tpu.memory_space<vmem>>, %arg4: memref<64x64xf32, #tpu.memory_space<vmem>>, %arg5: memref<10112x64xf32, #tpu.memory_space<vmem>>) attributes {dimension_semantics = [], scalar_prefetch = 0 : i64, scratch_operands = 0 : i64, tpu.core_type = #tpu.core_type<tc>} {
    %get3A = arith.constant 0 : index
    %get3A_0 = arith.constant 0 : index
    %get3A_1 = vector.load %arg2[%get3A, %get3A_0] : memref<10112x1xf32, #tpu.memory_space<vmem>>, vector<10112x1xf32>
    %get3A_2 = arith.constant 0 : index
    %get3A_3 = arith.constant 0 : index
    %get3A_4 = arith.constant 0 : index
    %get3A_5 = vector.load %arg0[%get3A_2, %get3A_3, %get3A_4] : memref<2x10112x64xf32, #tpu.memory_space<vmem>>, vector<1x10112x64xf32>
    %get3A_6 = vector.shape_cast %get3A_5 : vector<1x10112x64xf32> to vector<10112x64xf32>
    %get3A_7 = arith.constant 1 : index
    %get3A_8 = arith.constant 0 : index
    %get3A_9 = arith.constant 0 : index
    %get3A_10 = vector.load %arg0[%get3A_7, %get3A_8, %get3A_9] : memref<2x10112x64xf32, #tpu.memory_space<vmem>>, vector<1x10112x64xf32>
    %get3A_11 = vector.shape_cast %get3A_10 : vector<1x10112x64xf32> to vector<10112x64xf32>
    %add3A = arith.addf %get3A_6, %get3A_11 : vector<10112x64xf32>
    %get3A_12 = arith.constant 0 : index
    %get3A_13 = arith.constant 0 : index
    %get3A_14 = vector.load %arg1[%get3A_12, %get3A_13] : memref<10112x64xf32, #tpu.memory_space<vmem>>, vector<10112x64xf32>
    %add3A_15 = arith.addf %add3A, %get3A_14 : vector<10112x64xf32>
    %mul3A = vector.broadcast %get3A_1 : vector<10112x1xf32> to vector<10112x64xf32>
    %mul3A_16 = arith.mulf %mul3A, %add3A_15 : vector<10112x64xf32>
    %get3A_17 = arith.constant 0 : index
    %get3A_18 = arith.constant 0 : index
    %get3A_19 = vector.load %arg3[%get3A_17, %get3A_18] : memref<1x64xf32, #tpu.memory_space<vmem>>, vector<1x64xf32>
    %add3A_20 = vector.broadcast %get3A_19 : vector<1x64xf32> to vector<10112x64xf32>
    %add3A_21 = arith.addf %mul3A_16, %add3A_20 : vector<10112x64xf32>
    %max3A = arith.constant 0.000000e+00 : f32
    %max3A_22 = vector.broadcast %max3A : f32 to vector<10112x64xf32>
    %max3A_23 = arith.maximumf %add3A_21, %max3A_22 : vector<10112x64xf32>
    %get3A_24 = arith.constant 0 : index
    %get3A_25 = arith.constant 0 : index
    %get3A_26 = vector.load %arg4[%get3A_24, %get3A_25] : memref<64x64xf32, #tpu.memory_space<vmem>>, vector<64x64xf32>
    %dot_general3A = arith.constant dense<0.000000e+00> : vector<10112x64xf32>
    %dot_general3A_27 = tpu.matmul %max3A_23, %get3A_26, %dot_general3A {dimension_numbers = #tpu.dot_dimension_numbers<[1], [0], [0], [1], [0, 0, 1, 1], [], []>, transpose_lhs_hint = false} : vector<10112x64xf32>, vector<64x64xf32>, vector<10112x64xf32> -> vector<10112x64xf32>
    %mul3A_28 = vector.broadcast %get3A_1 : vector<10112x1xf32> to vector<10112x64xf32>
    %mul3A_29 = arith.mulf %dot_general3A_27, %mul3A_28 : vector<10112x64xf32>
    %swap3A = arith.constant 0 : index
    %swap3A_30 = arith.constant 0 : index
    %swap3A_31 = vector.load %arg5[%swap3A, %swap3A_30] : memref<10112x64xf32, #tpu.memory_space<vmem>>, vector<10112x64xf32>
    tpu.vector_store %arg5[%swap3A, %swap3A_30], %mul3A_29 {strides = array<i32>} : memref<10112x64xf32, #tpu.memory_space<vmem>>, vector<10112x64xf32>,
    return
  }
}

module attributes {stable_mosaic.version = 14 : i64} {
  func.func @body(%arg0: memref<2x10112x64xf32, #tpu.memory_space<vmem>>, %arg1: memref<10112x64xf32, #tpu.memory_space<vmem>>, %arg2: memref<10112x1xf32, #tpu.memory_space<vmem>>, %arg3: memref<1x64xf32, #tpu.memory_space<vmem>>, %arg4: memref<64x128xf32, #tpu.memory_space<vmem>>, %arg5: memref<64x128xf32, #tpu.memory_space<vmem>>, %arg6: memref<1x128xf32, #tpu.memory_space<vmem>>, %arg7: memref<10112x128xf32, #tpu.memory_space<vmem>>, %arg8: memref<10112x128xf32, #tpu.memory_space<vmem>>) attributes {dimension_semantics = [], scalar_prefetch = 0 : i64, scratch_operands = 0 : i64, tpu.core_type = #tpu.core_type<tc>} {
    %get3A = arith.constant 0 : index
    %get3A_0 = arith.constant 0 : index
    %get3A_1 = vector.load %arg2[%get3A, %get3A_0] : memref<10112x1xf32, #tpu.memory_space<vmem>>, vector<10112x1xf32>
    %get3A_2 = arith.constant 0 : index
    %get3A_3 = arith.constant 0 : index
    %get3A_4 = arith.constant 0 : index
    %get3A_5 = vector.load %arg0[%get3A_2, %get3A_3, %get3A_4] : memref<2x10112x64xf32, #tpu.memory_space<vmem>>, vector<1x10112x64xf32>
    %get3A_6 = vector.shape_cast %get3A_5 : vector<1x10112x64xf32> to vector<10112x64xf32>
    %get3A_7 = arith.constant 1 : index
    %get3A_8 = arith.constant 0 : index
    %get3A_9 = arith.constant 0 : index
    %get3A_10 = vector.load %arg0[%get3A_7, %get3A_8, %get3A_9] : memref<2x10112x64xf32, #tpu.memory_space<vmem>>, vector<1x10112x64xf32>
    %get3A_11 = vector.shape_cast %get3A_10 : vector<1x10112x64xf32> to vector<10112x64xf32>
    %add3A = arith.addf %get3A_6, %get3A_11 : vector<10112x64xf32>
    %get3A_12 = arith.constant 0 : index
    %get3A_13 = arith.constant 0 : index
    %get3A_14 = vector.load %arg1[%get3A_12, %get3A_13] : memref<10112x64xf32, #tpu.memory_space<vmem>>, vector<10112x64xf32>
    %add3A_15 = arith.addf %add3A, %get3A_14 : vector<10112x64xf32>
    %mul3A = vector.broadcast %get3A_1 : vector<10112x1xf32> to vector<10112x64xf32>
    %mul3A_16 = arith.mulf %mul3A, %add3A_15 : vector<10112x64xf32>
    %get3A_17 = arith.constant 0 : index
    %get3A_18 = arith.constant 0 : index
    %get3A_19 = vector.load %arg3[%get3A_17, %get3A_18] : memref<1x64xf32, #tpu.memory_space<vmem>>, vector<1x64xf32>
    %add3A_20 = vector.broadcast %get3A_19 : vector<1x64xf32> to vector<10112x64xf32>
    %add3A_21 = arith.addf %mul3A_16, %add3A_20 : vector<10112x64xf32>
    %get3A_22 = arith.constant 0 : index
    %get3A_23 = arith.constant 0 : index
    %get3A_24 = vector.load %arg4[%get3A_22, %get3A_23] : memref<64x128xf32, #tpu.memory_space<vmem>>, vector<64x128xf32>
    %dot_general3A = arith.constant dense<0.000000e+00> : vector<10112x128xf32>
    %dot_general3A_25 = tpu.matmul %add3A_21, %get3A_24, %dot_general3A {dimension_numbers = #tpu.dot_dimension_numbers<[1], [0], [0], [1], [0, 0, 1, 1], [], []>, transpose_lhs_hint = false} : vector<10112x64xf32>, vector<64x128xf32>, vector<10112x128xf32> -> vector<10112x128xf32>
    %get3A_26 = arith.constant 0 : index
    %get3A_27 = arith.constant 0 : index
    %get3A_28 = vector.load %arg6[%get3A_26, %get3A_27] : memref<1x128xf32, #tpu.memory_space<vmem>>, vector<1x128xf32>
    %add3A_29 = vector.broadcast %get3A_28 : vector<1x128xf32> to vector<10112x128xf32>
    %add3A_30 = arith.addf %dot_general3A_25, %add3A_29 : vector<10112x128xf32>
    %swap3A = arith.constant 0 : index
    %swap3A_31 = arith.constant 0 : index
    %swap3A_32 = vector.load %arg7[%swap3A, %swap3A_31] : memref<10112x128xf32, #tpu.memory_space<vmem>>, vector<10112x128xf32>
    tpu.vector_store %arg7[%swap3A, %swap3A_31], %add3A_30 {strides = array<i32>} : memref<10112x128xf32, #tpu.memory_space<vmem>>, vector<10112x128xf32>,
    %get3A_33 = arith.constant 0 : index
    %get3A_34 = arith.constant 0 : index
    %get3A_35 = vector.load %arg5[%get3A_33, %get3A_34] : memref<64x128xf32, #tpu.memory_space<vmem>>, vector<64x128xf32>
    %dot_general3A_36 = arith.constant dense<0.000000e+00> : vector<10112x128xf32>
    %dot_general3A_37 = tpu.matmul %add3A_21, %get3A_35, %dot_general3A_36 {dimension_numbers = #tpu.dot_dimension_numbers<[1], [0], [0], [1], [0, 0, 1, 1], [], []>, transpose_lhs_hint = false} : vector<10112x64xf32>, vector<64x128xf32>, vector<10112x128xf32> -> vector<10112x128xf32>
    %swap3A_38 = arith.constant 0 : index
    %swap3A_39 = arith.constant 0 : index
    %swap3A_40 = vector.load %arg8[%swap3A_38, %swap3A_39] : memref<10112x128xf32, #tpu.memory_space<vmem>>, vector<10112x128xf32>
    tpu.vector_store %arg8[%swap3A_38, %swap3A_39], %dot_general3A_37 {strides = array<i32>} : memref<10112x128xf32, #tpu.memory_space<vmem>>, vector<10112x128xf32>,
    return
  }
}

module attributes {stable_mosaic.version = 14 : i64} {
  func.func @body(%arg0: i32, %arg1: memref<6400x128xf32, #tpu.memory_space<vmem>>, %arg2: memref<128x16xf32, #tpu.memory_space<vmem>>, %arg3: memref<1x16xf32, #tpu.memory_space<vmem>>, %arg4: memref<6400x10xf32, #tpu.memory_space<vmem>>, %arg5: memref<128000xf32, #tpu.memory_space<vmem>>) attributes {dimension_semantics = [#tpu.dimension_semantics<arbitrary>], iteration_bounds = array<i64: 20>, scalar_prefetch = 0 : i64, scratch_operands = 0 : i64, tpu.core_type = #tpu.core_type<tc>, window_params = [{transform_indices = @transform_0, window_bounds = array<i64: 6400, 128>}, {pipeline_mode = #tpu.pipeline_mode<synchronous>, transform_indices = @transform_1, window_bounds = array<i64: 128, 16>}, {pipeline_mode = #tpu.pipeline_mode<synchronous>, transform_indices = @transform_2, window_bounds = array<i64: 1, 16>}, {transform_indices = @transform_3, window_bounds = array<i64: 6400, 10>}, {pipeline_mode = #tpu.pipeline_mode<synchronous>, transform_indices = @transform_4, window_bounds = array<i64: 128000>}]} {
    %get3A = arith.constant 0 : index
    %get3A_0 = arith.constant 0 : index
    %get3A_1 = vector.load %arg1[%get3A, %get3A_0] : memref<6400x128xf32, #tpu.memory_space<vmem>>, vector<6400x128xf32>
    %max3A = arith.constant 0.000000e+00 : f32
    %max3A_2 = vector.broadcast %max3A : f32 to vector<6400x128xf32>
    %max3A_3 = arith.maximumf %get3A_1, %max3A_2 : vector<6400x128xf32>
    %get3A_4 = arith.constant 0 : index
    %get3A_5 = arith.constant 0 : index
    %get3A_6 = vector.load %arg2[%get3A_4, %get3A_5] : memref<128x16xf32, #tpu.memory_space<vmem>>, vector<128x16xf32>
    %dot_general3A = arith.constant dense<0.000000e+00> : vector<6400x16xf32>
    %dot_general3A_7 = tpu.matmul %max3A_3, %get3A_6, %dot_general3A {dimension_numbers = #tpu.dot_dimension_numbers<[1], [0], [0], [1], [0, 0, 1, 1], [], []>, transpose_lhs_hint = false} : vector<6400x128xf32>, vector<128x16xf32>, vector<6400x16xf32> -> vector<6400x16xf32>
    %get3A_8 = arith.constant 0 : index
    %get3A_9 = arith.constant 0 : index
    %get3A_10 = vector.load %arg3[%get3A_8, %get3A_9] : memref<1x16xf32, #tpu.memory_space<vmem>>, vector<1x16xf32>
    %add3A = vector.broadcast %get3A_10 : vector<1x16xf32> to vector<6400x16xf32>
    %add3A_11 = arith.addf %dot_general3A_7, %add3A : vector<6400x16xf32>
    %slice3A = vector.extract_strided_slice %add3A_11 {offsets = [0, 0], sizes = [6400, 10], strides = [1, 1]} : vector<6400x16xf32> to vector<6400x10xf32>
    %swap3A = arith.constant 0 : index
    %swap3A_12 = arith.constant 0 : index
    %swap3A_13 = vector.load %arg4[%swap3A, %swap3A_12] : memref<6400x10xf32, #tpu.memory_space<vmem>>, vector<6400x10xf32>
    tpu.vector_store %arg4[%swap3A, %swap3A_12], %slice3A {strides = array<i32>} : memref<6400x10xf32, #tpu.memory_space<vmem>>, vector<6400x10xf32>,
    %slice3A_14 = vector.extract_strided_slice %add3A_11 {offsets = [0, 10], sizes = [6400, 1], strides = [1, 1]} : vector<6400x16xf32> to vector<6400x1xf32>
    %squeeze3A = vector.shape_cast %slice3A_14 : vector<6400x1xf32> to vector<6400xf32>
    %neg3A = arith.constant 0.000000e+00 : f32
    %neg3A_15 = vector.broadcast %neg3A : f32 to vector<6400xf32>
    %neg3A_16 = arith.subf %neg3A_15, %squeeze3A : vector<6400xf32>
    %exp3A = math.exp %neg3A_16 : vector<6400xf32>
    %add3A_17 = arith.constant 1.000000e+00 : f32
    %add3A_18 = vector.broadcast %add3A_17 : f32 to vector<6400xf32>
    %add3A_19 = arith.addf %add3A_18, %exp3A : vector<6400xf32>
    %div3A = arith.constant 1.000000e+00 : f32
    %div3A_20 = vector.broadcast %div3A : f32 to vector<6400xf32>
    %div3A_21 = arith.divf %div3A_20, %add3A_19 : vector<6400xf32>
    %mul3A = arith.constant 6400 : i32
    %mul3A_22 = arith.muli %arg0, %mul3A : i32
    %swap3A_23 = arith.index_cast %mul3A_22 : i32 to index
    %swap3A_24 = vector.load %arg5[%swap3A_23] : memref<128000xf32, #tpu.memory_space<vmem>>, vector<6400xf32>
    tpu.vector_store %arg5[%swap3A_23], %div3A_21 {strides = array<i32>} : memref<128000xf32, #tpu.memory_space<vmem>>, vector<6400xf32>,
    return
  }
  func.func @transform_0(%arg0: i32) -> (i32, i32) {
    %c0_i32 = arith.constant 0 : i32
    %c0_i32_0 = arith.constant 0 : i32
    return %arg0, %c0_i32 : i32, i32
  }
  func.func @transform_1(%arg0: i32) -> (i32, i32) {
    %c0_i32 = arith.constant 0 : i32
    %c0_i32_0 = arith.constant 0 : i32
    %c0_i32_1 = arith.constant 0 : i32
    return %c0_i32, %c0_i32_0 : i32, i32
  }
  func.func @transform_2(%arg0: i32) -> (i32, i32) {
    %c0_i32 = arith.constant 0 : i32
    %c0_i32_0 = arith.constant 0 : i32
    %c0_i32_1 = arith.constant 0 : i32
    return %c0_i32, %c0_i32_0 : i32, i32
  }
  func.func @transform_3(%arg0: i32) -> (i32, i32) {
    %c0_i32 = arith.constant 0 : i32
    %c0_i32_0 = arith.constant 0 : i32
    return %arg0, %c0_i32 : i32, i32
  }
  func.func @transform_4(%arg0: i32) -> i32 {
    %c0_i32 = arith.constant 0 : i32
    %c0_i32_0 = arith.constant 0 : i32
    return %c0_i32 : i32
  }
}

module attributes {stable_mosaic.version = 14 : i64} {
  func.func @body(%arg0: i32, %arg1: memref<6400x128xf32, #tpu.memory_space<vmem>>, %arg2: memref<128x16xf32, #tpu.memory_space<vmem>>, %arg3: memref<1x16xf32, #tpu.memory_space<vmem>>, %arg4: memref<6400x10xf32, #tpu.memory_space<vmem>>, %arg5: memref<192000xf32, #tpu.memory_space<vmem>>) attributes {dimension_semantics = [#tpu.dimension_semantics<arbitrary>], iteration_bounds = array<i64: 30>, scalar_prefetch = 0 : i64, scratch_operands = 0 : i64, tpu.core_type = #tpu.core_type<tc>, window_params = [{transform_indices = @transform_0, window_bounds = array<i64: 6400, 128>}, {pipeline_mode = #tpu.pipeline_mode<synchronous>, transform_indices = @transform_1, window_bounds = array<i64: 128, 16>}, {pipeline_mode = #tpu.pipeline_mode<synchronous>, transform_indices = @transform_2, window_bounds = array<i64: 1, 16>}, {transform_indices = @transform_3, window_bounds = array<i64: 6400, 10>}, {pipeline_mode = #tpu.pipeline_mode<synchronous>, transform_indices = @transform_4, window_bounds = array<i64: 192000>}]} {
    %get3A = arith.constant 0 : index
    %get3A_0 = arith.constant 0 : index
    %get3A_1 = vector.load %arg1[%get3A, %get3A_0] : memref<6400x128xf32, #tpu.memory_space<vmem>>, vector<6400x128xf32>
    %max3A = arith.constant 0.000000e+00 : f32
    %max3A_2 = vector.broadcast %max3A : f32 to vector<6400x128xf32>
    %max3A_3 = arith.maximumf %get3A_1, %max3A_2 : vector<6400x128xf32>
    %get3A_4 = arith.constant 0 : index
    %get3A_5 = arith.constant 0 : index
    %get3A_6 = vector.load %arg2[%get3A_4, %get3A_5] : memref<128x16xf32, #tpu.memory_space<vmem>>, vector<128x16xf32>
    %dot_general3A = arith.constant dense<0.000000e+00> : vector<6400x16xf32>
    %dot_general3A_7 = tpu.matmul %max3A_3, %get3A_6, %dot_general3A {dimension_numbers = #tpu.dot_dimension_numbers<[1], [0], [0], [1], [0, 0, 1, 1], [], []>, transpose_lhs_hint = false} : vector<6400x128xf32>, vector<128x16xf32>, vector<6400x16xf32> -> vector<6400x16xf32>
    %get3A_8 = arith.constant 0 : index
    %get3A_9 = arith.constant 0 : index
    %get3A_10 = vector.load %arg3[%get3A_8, %get3A_9] : memref<1x16xf32, #tpu.memory_space<vmem>>, vector<1x16xf32>
    %add3A = vector.broadcast %get3A_10 : vector<1x16xf32> to vector<6400x16xf32>
    %add3A_11 = arith.addf %dot_general3A_7, %add3A : vector<6400x16xf32>
    %slice3A = vector.extract_strided_slice %add3A_11 {offsets = [0, 0], sizes = [6400, 10], strides = [1, 1]} : vector<6400x16xf32> to vector<6400x10xf32>
    %swap3A = arith.constant 0 : index
    %swap3A_12 = arith.constant 0 : index
    %swap3A_13 = vector.load %arg4[%swap3A, %swap3A_12] : memref<6400x10xf32, #tpu.memory_space<vmem>>, vector<6400x10xf32>
    tpu.vector_store %arg4[%swap3A, %swap3A_12], %slice3A {strides = array<i32>} : memref<6400x10xf32, #tpu.memory_space<vmem>>, vector<6400x10xf32>,
    %slice3A_14 = vector.extract_strided_slice %add3A_11 {offsets = [0, 10], sizes = [6400, 1], strides = [1, 1]} : vector<6400x16xf32> to vector<6400x1xf32>
    %squeeze3A = vector.shape_cast %slice3A_14 : vector<6400x1xf32> to vector<6400xf32>
    %neg3A = arith.constant 0.000000e+00 : f32
    %neg3A_15 = vector.broadcast %neg3A : f32 to vector<6400xf32>
    %neg3A_16 = arith.subf %neg3A_15, %squeeze3A : vector<6400xf32>
    %exp3A = math.exp %neg3A_16 : vector<6400xf32>
    %add3A_17 = arith.constant 1.000000e+00 : f32
    %add3A_18 = vector.broadcast %add3A_17 : f32 to vector<6400xf32>
    %add3A_19 = arith.addf %add3A_18, %exp3A : vector<6400xf32>
    %div3A = arith.constant 1.000000e+00 : f32
    %div3A_20 = vector.broadcast %div3A : f32 to vector<6400xf32>
    %div3A_21 = arith.divf %div3A_20, %add3A_19 : vector<6400xf32>
    %mul3A = arith.constant 6400 : i32
    %mul3A_22 = arith.muli %arg0, %mul3A : i32
    %swap3A_23 = arith.index_cast %mul3A_22 : i32 to index
    %swap3A_24 = vector.load %arg5[%swap3A_23] : memref<192000xf32, #tpu.memory_space<vmem>>, vector<6400xf32>
    tpu.vector_store %arg5[%swap3A_23], %div3A_21 {strides = array<i32>} : memref<192000xf32, #tpu.memory_space<vmem>>, vector<6400xf32>,
    return
  }
  func.func @transform_0(%arg0: i32) -> (i32, i32) {
    %c0_i32 = arith.constant 0 : i32
    %c0_i32_0 = arith.constant 0 : i32
    return %arg0, %c0_i32 : i32, i32
  }
  func.func @transform_1(%arg0: i32) -> (i32, i32) {
    %c0_i32 = arith.constant 0 : i32
    %c0_i32_0 = arith.constant 0 : i32
    %c0_i32_1 = arith.constant 0 : i32
    return %c0_i32, %c0_i32_0 : i32, i32
  }
  func.func @transform_2(%arg0: i32) -> (i32, i32) {
    %c0_i32 = arith.constant 0 : i32
    %c0_i32_0 = arith.constant 0 : i32
    %c0_i32_1 = arith.constant 0 : i32
    return %c0_i32, %c0_i32_0 : i32, i32
  }
  func.func @transform_3(%arg0: i32) -> (i32, i32) {
    %c0_i32 = arith.constant 0 : i32
    %c0_i32_0 = arith.constant 0 : i32
    return %arg0, %c0_i32 : i32, i32
  }
  func.func @transform_4(%arg0: i32) -> i32 {
    %c0_i32 = arith.constant 0 : i32
    %c0_i32_0 = arith.constant 0 : i32
    return %c0_i32 : i32
  }
}

</mosaic_0001>

<sc_bundles>
// kernel: kernel.12.cloned.1.call-start
scs
__scs_entry_jumppad:
0x0: {  	(pc) =	sbr.rel $0x88, $3  }
0x1: {  	(tag) =	ssettag $0x0;
	lr =	simm.s32 $0x1  }
0x2: {  	[smem:$0x3F93] =	sst lr;
	_ =	strace $0xD0000000  }
0x3: {  	_ = 	snop  }
0x4: {  	_ = 	snop  }
0x5: {  	_ = 	snop  }
0x6: {  	_ = 	snop  }
0x7: {  	_ = 	snop  }
__scs_overlays_trampoline_lowered:
0x8: {  	[smem:$0x3FA2] =	sst s0  }
0x9: {  	[smem:$0x3FA3] =	sst s1  }
0xa: {  	[smem:$0x3FA4] =	sst s2  }
0xb: {  	[smem:$0x3FA5] =	sst s3  }
0xc: {  	[smem:$0x3FA6] =	sst s4  }
0xd: {  	[smem:$0x3FA7] =	sst s5  }
0xe: {  	[smem:$0x3FA8] =	sst s6  }
0xf: {  	[smem:$0x3FA9] =	sst s7  }
0x10: {  	[smem:$0x3FAA] =	sst s8  }
0x11: {  	[smem:$0x3FAB] =	sst s9;
	s0 =	simm.s32 @!p0 $0x0  }
0x12: {  	s1 =	sld [smem:$0x3F91];
	s0 =	simm.s32 @p0 $0x1  }
0x13: {  	[smem:$0x3FAC] =	sst s0;
	s0 =	simm.s32 @!p1 $0x0  }
0x14: {  	s2 =	sld [smem:$0x3F90];
	s0 =	simm.s32 @p1 $0x1  }
0x15: {  	[smem:$0x3FAD] =	sst s0;
	s0 =	simm.s32 @!p2 $0x0  }
0x16: {  	s3 =	sld [smem:$0x3FDB];
	s0 =	simm.s32 @p2 $0x1  }
0x17: {  	s4 =	simm.s32 $0x1BF5;
	[smem:$0x3FAF] =	sst s0  }
0x18: {  	s0 =	sld [smem:$0x3F92];
	_ =	swait.ge [sflag:s4], $0x0  }
0x19: {  	s7 =	sld [smem:$0x3F93]  }
0x1a: {  	s8 =	sadd.s32 $0xFFFFE003, lr  }
0x1b: {  	s9 =	sadd.s32 $0xFFFFFEF7, lr;
	s5 =	simm.s32 $0xFFFFFFFF;
	p2 =	slt.u32 s8, $0xFFFFF086  }
0x1c: {  	p1 =	slt.u32 s9, $0xF7A;
	s5 =	simm.s32 @!p2 $0x0  }
0x1d: {  	s5 =	simm.s32 @p1 $0x1;
	p0 =	seq.s32 s7, s2  }
0x1e: {  	s7 =	smul.u32 @!p0 $0xF7A, s2;
	p2 =	seq.s32 @!p0 s5, $0x0  }
0x1f: {  	s9 =	smul.u32 $0xF7A, s1;
	s8 =	simm.s32 @!p0 $0x1BF5;
	p2 =	por !p2, p0  }
0x20: {  	[sflag:s8] =	ssyncset.s32 @!p0 $0xFFFFF086;
	s6 =	sadd.s32 @!p0 s3, s7;
	s7 =	simm.s32 @!p0 $0x108  }
0x21: {  	s3 =	sadd.s32 s3, s9;
	s6 =	sadd.s32 @!p0 $0x88, s6;
	s7 =	simm.s32 @p2 $0x1082  }
0x22: {  	[simem:s7], [sflag:s8] =	dma.local @!p0 [hbm:s6], $0xF7A  }
0x23: {  	s9 =	sor.u32 $0xD0000000, s2;
	s6 =	simm.s32 $0x108;
	_ =	swait.ge @!p0 [sflag:s8], $0x0  }
0x24: {  	s3 =	sadd.s32 $0x88, s3;
	s6 =	simm.s32 @!p1 $0x1082;
	[sflag:s4] =	ssyncset.s32 $0xFFFFF086  }
0x25: {  	[simem:s6], [sflag:s4] =	dma.local [hbm:s3], $0xF7A  }
0x26: {  	[smem:$0x3F93] =	sst s1;
	(tag) =	ssettag s2;
	_ =	strace s9  }
0x27: {  	s1 =	sld [smem:$0x3FA3]  }
0x28: {  	s2 =	sld [smem:$0x3FA4]  }
0x29: {  	s4 =	sld [smem:$0x3FA6]  }
0x2a: {  	p0 =	seq.s32 s5, $0x0;
	s5 =	sld [smem:$0x3FA7]  }
0x2b: {  	s6 =	sld [smem:$0x3FA8]  }
0x2c: {  	s7 =	sld [smem:$0x3FA9]  }
0x2d: {  	s3 =	simm.s32 $0x108;
	s8 =	sld [smem:$0x3FAA]  }
0x2e: {  	s3 =	simm.s32 @!p0 $0x1082;
	s9 =	sld [smem:$0x3FAB]  }
0x2f: {  	lr =	sadd.s32 s0, s3;
	s0 =	sld [smem:$0x3FA2]  }
0x30: {  	s3 =	sld [smem:$0x3FA5]  }
0x31: {  	[smem:$0x3FAE] =	sst s10  }
0x32: {  	s10 =	sld [smem:$0x3FAC];
	_ =	sdelay $0x3  }
0x33: {  	p0 =	seq.s32 s10, $0x1;
	s10 =	sld [smem:$0x3FAE];
	_ =	sdelay $0x3  }
0x34: {  	[smem:$0x3FAE] =	sst s10  }
0x35: {  	s10 =	sld [smem:$0x3FAD];
	_ =	sdelay $0x3  }
0x36: {  	p1 =	seq.s32 s10, $0x1;
	s10 =	sld [smem:$0x3FAE];
	_ =	sdelay $0x3  }
0x37: {  	[smem:$0x3FAE] =	sst s10  }
0x38: {  	s10 =	sld [smem:$0x3FAF]  }
0x39: {  	_ = 	snop;
	(pc) =	sbr.ind lr, $3  }
0x3a: {  	_ = 	snop  }
0x3b: {  	_ = 	snop  }
0x3c: {  	p2 =	seq.s32 s10, $0x1;
	s10 =	sld [smem:$0x3FAE]  }
0x3d: {  	_ =	shalt  }
0x3e: {  	_ =	shalt  }
0x3f: {  	_ =	shalt  }
0x40: {  	_ =	shalt  }
0x41: {  	_ =	shalt  }
0x42: {  	_ =	shalt  }
0x43: {  	_ =	shalt  }
0x44: {  	_ =	shalt  }
0x45: {  	_ =	shalt  }
0x46: {  	_ =	shalt  }
0x47: {  	_ =	shalt  }
0x48: {  	_ =	shalt  }
0x49: {  	_ =	shalt  }
0x4a: {  	_ =	shalt  }
0x4b: {  	_ =	shalt  }
0x4c: {  	_ =	shalt  }
0x4d: {  	_ =	shalt  }
0x4e: {  	_ =	shalt  }
0x4f: {  	_ =	shalt  }
0x50: {  	_ =	shalt  }
0x51: {  	_ =	shalt  }
0x52: {  	_ =	shalt  }
0x53: {  	_ =	shalt  }
0x54: {  	_ =	shalt  }
0x55: {  	_ =	shalt  }
0x56: {  	_ =	shalt  }
0x57: {  	_ =	shalt  }
0x58: {  	_ =	shalt  }
0x59: {  	_ =	shalt  }
0x5a: {  	_ =	shalt  }
0x5b: {  	_ =	shalt  }
0x5c: {  	_ =	shalt  }
0x5d: {  	_ =	shalt  }
0x5e: {  	_ =	shalt  }
0x5f: {  	_ =	shalt  }
0x60: {  	_ =	shalt  }
0x61: {  	_ =	shalt  }
0x62: {  	_ =	shalt  }
0x63: {  	_ =	shalt  }
0x64: {  	_ =	shalt  }
0x65: {  	_ =	shalt  }
0x66: {  	_ =	shalt  }
0x67: {  	_ =	shalt  }
0x68: {  	_ =	shalt  }
0x69: {  	_ =	shalt  }
0x6a: {  	_ =	shalt  }
0x6b: {  	_ =	shalt  }
0x6c: {  	_ =	shalt  }
0x6d: {  	_ =	shalt  }
0x6e: {  	_ =	shalt  }
0x6f: {  	_ =	shalt  }
0x70: {  	_ =	shalt  }
0x71: {  	_ =	shalt  }
0x72: {  	_ =	shalt  }
0x73: {  	_ =	shalt  }
0x74: {  	_ =	shalt  }
0x75: {  	_ =	shalt  }
0x76: {  	_ =	shalt  }
0x77: {  	_ =	shalt  }
0x78: {  	_ =	shalt  }
0x79: {  	_ =	shalt  }
0x7a: {  	_ =	shalt  }
0x7b: {  	_ =	shalt  }
0x7c: {  	_ =	shalt  }
0x7d: {  	_ =	shalt  }
0x7e: {  	_ =	shalt  }
0x7f: {  	_ =	shalt  }
0x80: {  	_ =	shalt  }
0x81: {  	_ =	shalt  }
0x82: {  	_ =	shalt  }
0x83: {  	_ =	shalt  }
0x84: {  	_ =	shalt  }
0x85: {  	_ =	shalt  }
0x86: {  	_ =	shalt  }
0x87: {  	_ =	shalt  }
.Lfunc_end0:
.L_simem_size_0:
called_computation_lowered:
.L_overlay_start_0:
0x88: {  	s2 =	sld [smem:$0x3FD9]  }
0x89: {  	s3 =	sld [smem:$0x3FFE];
	_ =	sdelay $0x1  }
0x8a: {  	s1 =	srdreg.scid  }
0x8b: {  	s0 =	sand.u32 $0x1, s1  }
0x8c: {  	s14 =	sshll.u32 s0, $0xA;
	s2 =	sadd.s32 s3, s2  }
0x8d: {  	s2 =	sadd.s32 s2, s14  }
0x8e: {  	[smem:$0x3FBA] =	sst s2  }
0x8f: {  	_ = 	snop  }
0x90: {  	s2 =	sld [smem:$0x3FD0];
	_ =	sdelay $0x2  }
0x91: {  	s15 =	simm.s32 $0xB;
	s4 =	simm.s32 $0x10  }
0x92: {  	[smem:s4], [sflag:s15] =	dma.local [hbm:s2], $0x1  }
0x93: {  	_ =	swait.eq [sflag:s15], $0x1  }
0x94: {  	[sflag:s15] =	ssyncset.done $0x0  }
0x95: {  	s16 =	sld [smem:$0x10];
	[sflag:s15] =	ssyncadd.s32 $0xFFFFFFFF  }
0x96: {  	s17 =	sld [smem:$0x11];
	(tm) =	ssettm $0x1  }
0x97: {  	s18 =	sld [smem:$0x3FFB];
	_ =	sdelay $0x3  }
0x98: {  	_ =	strace s18  }
0x99: {  	s4 =	sld [smem:$0x3FFC];
	_ =	sdelay $0x3  }
0x9a: {  	_ =	strace s4  }
0x9b: {  	s4 =	sld [smem:$0x3FFD];
	_ =	sdelay $0x3  }
0x9c: {  	_ =	strace s4  }
0x9d: {  	_ =	strace $0x8FFFFFFF  }
0x9e: {  	s19 =	sld [smem:$0x3FDB];
	_ =	sdelay $0x1  }
0x9f: {  	s5 =	simm.s32 $_scs_section_size  }
0xa0: {  	s6 =	simm.s32 $_size__tile_overlayer_lowered;
	s7 =	simm.s32 $_tile_overlayer_lowered  }
0xa1: {  	s22 =	simm.s32 $0x1BFF;
	s21 =	sshll.u32 s7, $0x1;
	s4 =	sadd.s32 s5, s19  }
0xa2: {  	s8 =	simm.s32 $0x0;
	s20 =	sshll.u32 s6, $0x1;
	s6 =	sadd.s32 s21, s4  }
0xa3: {  	[timem:s8], [sflag:s22] =	dma.local [hbm:s6], s20  }
0xa4: {  	_ =	swait.ge [sflag:s22], s20  }
0xa5: {  	s5 =	ssub.s32 $0x0, s20;
	[sflag:s22] =	ssyncset.done $0x0  }
0xa6: {  	[sflag:s22] =	ssyncadd.s32 s5;
	_ =	sdelay $0x1  }
0xa7: {  	s23 =	simm.s32 $0x1B8B  }
0xa8: {  	_ =	swait.ge [sflag:s23], $0x1  }
0xa9: {  	[sflag:s23] =	ssyncset.done $0x0  }
0xaa: {  	s25 =	simm.s32 $0x1B8E;
	s24 =	sld [smem:$0x3FFE];
	[sflag:s23] =	ssyncadd.s32 $0xFFFFFFFF  }
0xab: {  	s26 =	simm.s32 $execute0_lowered;
	[smem:$0x3FD2] =	sst s25  }
0xac: {  	s6 =	sshll.u32 s26, $0x1;
	_ =	strace $0x80000046;
	[dreg:$0x1] =	wrdreg $0xFFFFFFFF  }
0xad: {  	s28 =	simm.s32 $_size_execute0_lowered;
	s4 =	sadd.s32 s4, s6;
	[dreg:$0x0] =	wrdreg $0x0  }
0xae: {  	s6 =	sshll.u32 s28, $0x1;
	[dreg:$0x2] =	wrdreg s4  }
0xaf: {  	[dreg:$0x3] =	wrdreg s6  }
0xb0: {  	[dreg:$0x4] =	wrdreg $0xC0  }
0xb1: {  	_ =	task [dreg:s8], $0x5FFFF  }
0xb2: {  	[dreg:$0x1] =	wrdreg $0xFFFFFFFF  }
0xb3: {  	[dreg:$0x0] =	wrdreg $0x60  }
0xb4: {  	[dreg:$0x2] =	wrdreg s24  }
0xb5: {  	[dreg:$0x3] =	wrdreg s16  }
0xb6: {  	[dreg:$0x4] =	wrdreg s17  }
0xb7: {  	[dreg:$0x5] =	wrdreg $0x2BC00  }
0xb8: {  	[dreg:$0x6] =	wrdreg $0x9  }
0xb9: {  	_ =	task.clear_ibuf [dreg:s8], $0x7FFFF;
	_ =	strace $0x90000046  }
0xba: {  	s29 =	simm.s32 $0x9;
	_ =	strace $0x80000048  }
0xbb: {  	_ =	swait.ge [sflag:s29], $0x1  }
0xbc: {  	[sflag:s29] =	ssyncadd.s32 $0xFFFFFFFF  }
0xbd: {  	_ =	strace $0x90000048  }
0xbe: {  	_ =	sfence  }
0xbf: {  	s30 =	sld [smem:$0x0];
	_ =	sdelay $0x2  }
0xc0: {  	s31 =	sshll.u32 s1, $0xD;
	s1 =	sshrl.u32 s1, $0x2  }
0xc1: {  	s3 =	sand.u32 $0x4000, s31;
	s1 =	sadd.s32 s1, s30  }
0xc2: {  	s0 =	sor.u32 s3, s0;
	s1 =	sshll.u32 s1, $0x11  }
0xc3: {  	s0 =	sor.u32 s1, s0  }
0xc4: {  	s0 =	sadd.s32 $0x8F2B, s0  }
0xc5: {  	[sflag:s0] =	ssyncadd.remote.s32 $0x1  }
0xc6: {  	_ =	sfence.sel $0xFFFF  }
0xc7: {  	[dreg:$0x0] =	wrdreg $0xFFFFFFFF;
	(pc) =	sbr.abs _section_cstart, $3  }
0xc8: {  	[dreg:$0x1] =	wrdreg $0xFFFFFFFF  }
0xc9: {  	_ =	task.clear_ibuf [dreg:s8], $0x2FFFF;
	_ =	strace $0x9FFFFFFF  }
0xca: {  	(tm) =	ssettm $0x7FFFFFFF  }
0xcb: {  	_ =	shalt  }
tec
execute0_lowered:
.L_overlay_start_1:
0x0: {  	(tag) =	ssettag $0x1  }
0x1: {  	s5 =	rddreg [dreg:$0x0]  }
0x2: {  	s1 =	rddreg [dreg:$0x1]  }
0x3: {  	s8 =	rddreg [dreg:$0x2]  }
0x4: {  	s0 =	srdreg.scid;
	s3 =	rddreg [dreg:$0x3]  }
0x5: {  	s4 =	simm.s32 $0x0;
	s14 =	simm.s32 $0x1;
	s15 =	simm.s32 $0x0  }
0x6: {  	s6 =	sand.u32 $0x1, s0;
	s0 =	stileid.u32;
	[smem:$0x7FF] =	sst s4  }
0x7: {  	s2 =	sshll.u32 s6, $0x4;
	s9 =	smul.u32 $0x13C0, s0;
	s10 =	ssub.s32 $0x2, s6  }
0x8: {  	s6 =	smul.u32 $0x13C00, s6;
	s30 =	sshll.u32 s0, $0x6;
	s7 =	sor.u32 s0, s2  }
0x9: {  	s2 =	rddreg [dreg:$0x4];
	_ =	strace $0x80000047;
	s11 =	sshrl.u32 s10, $0x1  }
0xa: {  	s7 =	smul.u32 $0x514, s7;
	s10 =	ssub.s32 s10, s11;
	s12 =	sadd.s32 s9, s6  }
0xb: {  	s13 =	sadd.s32 s9, s3;
	s6 =	sor.u32 $0x1C02, s30;
	s11 =	simm.s32 $0x2  }
0xc: {  	s31 =	sshrl.u32 s12, $0x3;
	s9 =	smax.u32 s10, $0x1;
	s10 =	sshrl.u32 s13, $0x3  }
0xd: {  	s12 =	simm.s32 $0x28A0;
	s13 =	simm.s32 $0x64;
	s7 =	sadd.s32 s7, s5  }
0xe: {  	s5 =	sadd.s32 $0xCE00, s5;
	s8 =	sadd.s32 s8, s31;
	s7 =	sadd.s32 $0x2A00, s7  }
.LBB2_1:
0xf: {  	[spmem:s10], [sflag:s6] =	dma.local [hbm:s1], $0x278  }
0x10: {  	_ =	swait.ge [sflag:s11], $0x278  }
0x11: {  	[sflag:s11] =	ssyncset.done $0x0  }
0x12: {  	[sflag:s11] =	ssyncadd.s32 $0xFFFFFD88  }
0x13: {  	[tilespmem:s12], [sflag:$0x2] =	stream.linear.gather [hbm4b:s5+s4], $0x320, $0x38;
	[tilespmem:$0x3F80] =	vst v63  }
0x14: {  	_ =	swait.ge [sflag:s11], $0x320  }
0x15: {  	[sflag:s11] =	ssyncset.done $0x0  }
0x16: {  	[sflag:s11] =	ssyncadd.s32 $0xFFFFFCE0  }
0x17: {  	[tilespmem:s4], [sflag:$0x2] =	stream.linear.gather [hbm4b:s7+s4], $0x28A0, $0x38;
	[tilespmem:$0x3F80] =	vst v63  }
0x18: {  	_ =	swait.ge [sflag:s11], $0x28A0  }
0x19: {  	[sflag:s11] =	ssyncset.done $0x0  }
0x1a: {  	[sflag:s11] =	ssyncadd.s32 $0xFFFFD760  }
0x1b: {  	s16 =	simm.s32 $0x0;
	[bflag:$0x0] =	sbarrier.arrive $0xFFFF  }
0x1c: {  	[spmem:s3] =	stream.indirect.scatter.add.f32 [tilespmem:s12], [sflag:$0x1], $0x8, s16, s13, $0xb8;
	[tilespmem:$0x3F80] =	vst v63  }
0x1d: {  	s29 =	simm.s32 $0x68  }
0x1e: {  	[spmem:s3] =	stream.indirect.scatter.add.f32 [tilespmem:s12], [sflag:$0x1], $0x8, s29, s13, $0xb8;
	[tilespmem:$0x3F80] =	vst v63  }
0x1f: {  	s30 =	simm.s32 $0xD0  }
0x20: {  	[spmem:s3] =	stream.indirect.scatter.add.f32 [tilespmem:s12], [sflag:$0x1], $0x8, s30, s13, $0xb8;
	[tilespmem:$0x3F80] =	vst v63  }
0x21: {  	s31 =	simm.s32 $0x138  }
0x22: {  	[spmem:s3] =	stream.indirect.scatter.add.f32 [tilespmem:s12], [sflag:$0x1], $0x8, s31, s13, $0xb8;
	[tilespmem:$0x3F80] =	vst v63  }
0x23: {  	_ =	swait.ge [sflag:s14], $0x320  }
0x24: {  	[sflag:s14] =	ssyncset.done $0x0  }
0x25: {  	[sflag:s14] =	ssyncadd.s32 $0xFFFFFCE0  }
0x26: {  	_ =	swait.ge [sflag:s14], $0x320  }
0x27: {  	[sflag:s14] =	ssyncset.done $0x0  }
0x28: {  	[sflag:s14] =	ssyncadd.s32 $0xFFFFFCE0  }
0x29: {  	_ =	swait.ge [sflag:s14], $0x320  }
0x2a: {  	[sflag:s14] =	ssyncset.done $0x0  }
0x2b: {  	[sflag:s14] =	ssyncadd.s32 $0xFFFFFCE0  }
0x2c: {  	_ =	swait.ge [sflag:s14], $0x320  }
0x2d: {  	s17 =	simm.s32 $0xD00;
	s16 =	simm.s32 $0x680;
	[sflag:s14] =	ssyncset.done $0x0  }
.LBB2_2:
0x2e: {  	s18 =	sshra.s32 s16, $0x2  }
0x2f: {  	[sflag:s14] =	ssyncadd.s32 $0xFFFFFCE0;
	s16 =	smov.u32 s17;
	s19 =	sadd.s32 $0x680, s17  }
0x30: {  	[spmem:s3] =	stream.indirect.scatter.add.f32 [tilespmem:s12], [sflag:$0x1], $0x8, s18, s13, $0xb8;
	[tilespmem:$0x3F80] =	vst v63  }
0x31: {  	p0 =	sne.s32 s17, $0x9C00;
	s17 =	sadd.s32 $0x68, s18  }
0x32: {  	[spmem:s3] =	stream.indirect.scatter.add.f32 [tilespmem:s12], [sflag:$0x1], $0x8, s17, s13, $0xb8;
	[tilespmem:$0x3F80] =	vst v63  }
0x33: {  	s17 =	sadd.s32 $0xD0, s18  }
0x34: {  	[spmem:s3] =	stream.indirect.scatter.add.f32 [tilespmem:s12], [sflag:$0x1], $0x8, s17, s13, $0xb8;
	[tilespmem:$0x3F80] =	vst v63  }
0x35: {  	s17 =	sadd.s32 $0x138, s18  }
0x36: {  	[spmem:s3] =	stream.indirect.scatter.add.f32 [tilespmem:s12], [sflag:$0x1], $0x8, s17, s13, $0xb8;
	[tilespmem:$0x3F80] =	vst v63  }
0x37: {  	_ =	swait.ge [sflag:s14], $0x320  }
0x38: {  	[sflag:s14] =	ssyncset.done $0x0  }
0x39: {  	[sflag:s14] =	ssyncadd.s32 $0xFFFFFCE0  }
0x3a: {  	_ =	swait.ge [sflag:s14], $0x320  }
0x3b: {  	[sflag:s14] =	ssyncset.done $0x0  }
0x3c: {  	[sflag:s14] =	ssyncadd.s32 $0xFFFFFCE0  }
.Ltmp0:
0x3d: {  	_ =	swait.ge [sflag:s14], $0x320;
	(pc) =	sbr.rel @p0 .LBB2_2-.Ltmp0, $4  }
0x3e: {  	[sflag:s14] =	ssyncset.done $0x0  }
0x3f: {  	[sflag:s14] =	ssyncadd.s32 $0xFFFFFCE0  }
0x40: {  	_ =	swait.ge [sflag:s14], $0x320  }
0x41: {  	s17 =	smov.u32 s19;
	[sflag:s14] =	ssyncset.done $0x0  }
0x42: {  	s16 =	sshra.s32 s16, $0x2;
	[sflag:s14] =	ssyncadd.s32 $0xFFFFFCE0  }
0x43: {  	[spmem:s3] =	stream.indirect.scatter.add.f32 [tilespmem:s12], [sflag:$0x1], $0x8, s16, s13, $0xb8;
	[tilespmem:$0x3F80] =	vst v63  }
0x44: {  	s17 =	sadd.s32 $0x68, s16  }
0x45: {  	[spmem:s3] =	stream.indirect.scatter.add.f32 [tilespmem:s12], [sflag:$0x1], $0x8, s17, s13, $0xb8;
	[tilespmem:$0x3F80] =	vst v63  }
0x46: {  	s31 =	sadd.s32 $0xD0, s16  }
0x47: {  	[spmem:s3] =	stream.indirect.scatter.add.f32 [tilespmem:s12], [sflag:$0x1], $0x8, s31, s13, $0xb8;
	[tilespmem:$0x3F80] =	vst v63  }
0x48: {  	s16 =	sadd.s32 $0x138, s16  }
0x49: {  	[spmem:s3] =	stream.indirect.scatter.add.f32 [tilespmem:s12], [sflag:$0x1], $0x8, s16, s13, $0xb8;
	[tilespmem:$0x3F80] =	vst v63  }
0x4a: {  	_ =	swait.ge [sflag:s14], $0x320  }
0x4b: {  	[sflag:s14] =	ssyncset.done $0x0  }
0x4c: {  	[sflag:s14] =	ssyncadd.s32 $0xFFFFFCE0  }
0x4d: {  	_ =	swait.ge [sflag:s14], $0x320  }
0x4e: {  	[sflag:s14] =	ssyncset.done $0x0  }
0x4f: {  	[sflag:s14] =	ssyncadd.s32 $0xFFFFFCE0  }
0x50: {  	_ =	swait.ge [sflag:s14], $0x320  }
0x51: {  	[sflag:s14] =	ssyncset.done $0x0  }
0x52: {  	[sflag:s14] =	ssyncadd.s32 $0xFFFFFCE0  }
0x53: {  	_ =	swait.ge [sflag:s14], $0x320  }
0x54: {  	s15 =	sadd.s32 $0x1, s15;
	[sflag:s14] =	ssyncset.done $0x0  }
0x55: {  	p0 =	sne.s32 s15, s9;
	[sflag:s14] =	ssyncadd.s32 $0xFFFFFCE0  }
.Ltmp1:
0x56: {  	[bflag:$0x0] =	sbarrier.arrive $0xFFFF;
	(pc) =	sbr.rel @p0 .LBB2_1-.Ltmp1, $4  }
0x57: {  	[hbm:s8], [sflag:s6] =	dma.local [spmem:s10], $0x278  }
0x58: {  	_ =	swait.ge [sflag:s11], $0x278  }
0x59: {  	[sflag:s11] =	ssyncset.done $0x0  }
0x5a: {  	[sflag:s11] =	ssyncadd.s32 $0xFFFFFD88  }
0x5b: {  	_ =	sfence.sel $0x180000  }
0x5c: {  	[bflag:$0x0] =	sbarrier.arrive $0xFFFF  }
0x5d: {  	p0 =	sne.s32 s0, $0x0;
	_ =	strace $0x90000047  }
0x5e: {  	s0 =	sadd.s32 @!p0 $0x100000, s2;
	[bflag:$0x2] =	sbarrier.arrive $0xFFFF  }
0x5f: {  	[sflag:s0] =	ssyncadd.tile.s32 @!p0 $0x1;
	_ =	shalt  }
.Lfunc_end2:
_tile_overlayer_lowered:
.L_overlay_start_2:
0x60: {  	(tag) =	ssettag $0x2  }
0x61: {  	s0 =	rddreg [dreg:$0x0];
	s2 =	stileid.u32  }
0x62: {  	s1 =	rddreg [dreg:$0x1];
	p0 =	sne.s32 s2, $0x0  }
0x63: {  	s3 =	rddreg [dreg:$0x2];
	[bflag:$0x3] =	sbarrier.arrive $0xFFFF;
	s2 =	simm.s32 @!p0 $0x1C02  }
0x64: {  	[timem:s3], [sflag:s2] =	dma.local @!p0 [hbm:s0], s1  }
0x65: {  	s0 =	simm.s32 @!p0 $0x2  }
0x66: {  	_ =	swait.ge @!p0 [sflag:s0], s1  }
0x67: {  	s1 =	ssub.s32 @!p0 $0x0, s1;
	[sflag:s0] =	ssyncset.done @!p0 $0x0  }
0x68: {  	[sflag:s0] =	ssyncadd.s32 @!p0 s1  }
0x69: {  	[bflag:$0x3] =	sbarrier.arrive $0xFFFF  }
0x6a: {  	_ =	shalt  }

// kernel: kernel.15.cloned.1.call-start
scs
__scs_entry_jumppad:
0x0: {  	(pc) =	sbr.rel $0x88, $3  }
0x1: {  	(tag) =	ssettag $0x0;
	lr =	simm.s32 $0x1  }
0x2: {  	[smem:$0x3F93] =	sst lr;
	_ =	strace $0xD0000000  }
0x3: {  	_ = 	snop  }
0x4: {  	_ = 	snop  }
0x5: {  	_ = 	snop  }
0x6: {  	_ = 	snop  }
0x7: {  	_ = 	snop  }
__scs_overlays_trampoline_lowered:
0x8: {  	[smem:$0x3FA2] =	sst s0  }
0x9: {  	[smem:$0x3FA3] =	sst s1  }
0xa: {  	[smem:$0x3FA4] =	sst s2  }
0xb: {  	[smem:$0x3FA5] =	sst s3  }
0xc: {  	[smem:$0x3FA6] =	sst s4  }
0xd: {  	[smem:$0x3FA7] =	sst s5  }
0xe: {  	[smem:$0x3FA8] =	sst s6  }
0xf: {  	[smem:$0x3FA9] =	sst s7  }
0x10: {  	[smem:$0x3FAA] =	sst s8  }
0x11: {  	[smem:$0x3FAB] =	sst s9;
	s0 =	simm.s32 @!p0 $0x0  }
0x12: {  	s1 =	sld [smem:$0x3F91];
	s0 =	simm.s32 @p0 $0x1  }
0x13: {  	[smem:$0x3FAC] =	sst s0;
	s0 =	simm.s32 @!p1 $0x0  }
0x14: {  	s2 =	sld [smem:$0x3F90];
	s0 =	simm.s32 @p1 $0x1  }
0x15: {  	[smem:$0x3FAD] =	sst s0;
	s0 =	simm.s32 @!p2 $0x0  }
0x16: {  	s3 =	sld [smem:$0x3FDB];
	s0 =	simm.s32 @p2 $0x1  }
0x17: {  	s4 =	simm.s32 $0x1BF5;
	[smem:$0x3FAF] =	sst s0  }
0x18: {  	s0 =	sld [smem:$0x3F92];
	_ =	swait.ge [sflag:s4], $0x0  }
0x19: {  	s7 =	sld [smem:$0x3F93]  }
0x1a: {  	s8 =	sadd.s32 $0xFFFFE003, lr  }
0x1b: {  	s9 =	sadd.s32 $0xFFFFFEF7, lr;
	s5 =	simm.s32 $0xFFFFFFFF;
	p2 =	slt.u32 s8, $0xFFFFF086  }
0x1c: {  	p1 =	slt.u32 s9, $0xF7A;
	s5 =	simm.s32 @!p2 $0x0  }
0x1d: {  	s5 =	simm.s32 @p1 $0x1;
	p0 =	seq.s32 s7, s2  }
0x1e: {  	s7 =	smul.u32 @!p0 $0xF7A, s2;
	p2 =	seq.s32 @!p0 s5, $0x0  }
0x1f: {  	s9 =	smul.u32 $0xF7A, s1;
	s8 =	simm.s32 @!p0 $0x1BF5;
	p2 =	por !p2, p0  }
0x20: {  	[sflag:s8] =	ssyncset.s32 @!p0 $0xFFFFF086;
	s6 =	sadd.s32 @!p0 s3, s7;
	s7 =	simm.s32 @!p0 $0x108  }
0x21: {  	s3 =	sadd.s32 s3, s9;
	s6 =	sadd.s32 @!p0 $0x88, s6;
	s7 =	simm.s32 @p2 $0x1082  }
0x22: {  	[simem:s7], [sflag:s8] =	dma.local @!p0 [hbm:s6], $0xF7A  }
0x23: {  	s9 =	sor.u32 $0xD0000000, s2;
	s6 =	simm.s32 $0x108;
	_ =	swait.ge @!p0 [sflag:s8], $0x0  }
0x24: {  	s3 =	sadd.s32 $0x88, s3;
	s6 =	simm.s32 @!p1 $0x1082;
	[sflag:s4] =	ssyncset.s32 $0xFFFFF086  }
0x25: {  	[simem:s6], [sflag:s4] =	dma.local [hbm:s3], $0xF7A  }
0x26: {  	[smem:$0x3F93] =	sst s1;
	(tag) =	ssettag s2;
	_ =	strace s9  }
0x27: {  	s1 =	sld [smem:$0x3FA3]  }
0x28: {  	s2 =	sld [smem:$0x3FA4]  }
0x29: {  	s4 =	sld [smem:$0x3FA6]  }
0x2a: {  	p0 =	seq.s32 s5, $0x0;
	s5 =	sld [smem:$0x3FA7]  }
0x2b: {  	s6 =	sld [smem:$0x3FA8]  }
0x2c: {  	s7 =	sld [smem:$0x3FA9]  }
0x2d: {  	s3 =	simm.s32 $0x108;
	s8 =	sld [smem:$0x3FAA]  }
0x2e: {  	s3 =	simm.s32 @!p0 $0x1082;
	s9 =	sld [smem:$0x3FAB]  }
0x2f: {  	lr =	sadd.s32 s0, s3;
	s0 =	sld [smem:$0x3FA2]  }
0x30: {  	s3 =	sld [smem:$0x3FA5]  }
0x31: {  	[smem:$0x3FAE] =	sst s10  }
0x32: {  	s10 =	sld [smem:$0x3FAC];
	_ =	sdelay $0x3  }
0x33: {  	p0 =	seq.s32 s10, $0x1;
	s10 =	sld [smem:$0x3FAE];
	_ =	sdelay $0x3  }
0x34: {  	[smem:$0x3FAE] =	sst s10  }
0x35: {  	s10 =	sld [smem:$0x3FAD];
	_ =	sdelay $0x3  }
0x36: {  	p1 =	seq.s32 s10, $0x1;
	s10 =	sld [smem:$0x3FAE];
	_ =	sdelay $0x3  }
0x37: {  	[smem:$0x3FAE] =	sst s10  }
0x38: {  	s10 =	sld [smem:$0x3FAF]  }
0x39: {  	_ = 	snop;
	(pc) =	sbr.ind lr, $3  }
0x3a: {  	_ = 	snop  }
0x3b: {  	_ = 	snop  }
0x3c: {  	p2 =	seq.s32 s10, $0x1;
	s10 =	sld [smem:$0x3FAE]  }
0x3d: {  	_ =	shalt  }
0x3e: {  	_ =	shalt  }
0x3f: {  	_ =	shalt  }
0x40: {  	_ =	shalt  }
0x41: {  	_ =	shalt  }
0x42: {  	_ =	shalt  }
0x43: {  	_ =	shalt  }
0x44: {  	_ =	shalt  }
0x45: {  	_ =	shalt  }
0x46: {  	_ =	shalt  }
0x47: {  	_ =	shalt  }
0x48: {  	_ =	shalt  }
0x49: {  	_ =	shalt  }
0x4a: {  	_ =	shalt  }
0x4b: {  	_ =	shalt  }
0x4c: {  	_ =	shalt  }
0x4d: {  	_ =	shalt  }
0x4e: {  	_ =	shalt  }
0x4f: {  	_ =	shalt  }
0x50: {  	_ =	shalt  }
0x51: {  	_ =	shalt  }
0x52: {  	_ =	shalt  }
0x53: {  	_ =	shalt  }
0x54: {  	_ =	shalt  }
0x55: {  	_ =	shalt  }
0x56: {  	_ =	shalt  }
0x57: {  	_ =	shalt  }
0x58: {  	_ =	shalt  }
0x59: {  	_ =	shalt  }
0x5a: {  	_ =	shalt  }
0x5b: {  	_ =	shalt  }
0x5c: {  	_ =	shalt  }
0x5d: {  	_ =	shalt  }
0x5e: {  	_ =	shalt  }
0x5f: {  	_ =	shalt  }
0x60: {  	_ =	shalt  }
0x61: {  	_ =	shalt  }
0x62: {  	_ =	shalt  }
0x63: {  	_ =	shalt  }
0x64: {  	_ =	shalt  }
0x65: {  	_ =	shalt  }
0x66: {  	_ =	shalt  }
0x67: {  	_ =	shalt  }
0x68: {  	_ =	shalt  }
0x69: {  	_ =	shalt  }
0x6a: {  	_ =	shalt  }
0x6b: {  	_ =	shalt  }
0x6c: {  	_ =	shalt  }
0x6d: {  	_ =	shalt  }
0x6e: {  	_ =	shalt  }
0x6f: {  	_ =	shalt  }
0x70: {  	_ =	shalt  }
0x71: {  	_ =	shalt  }
0x72: {  	_ =	shalt  }
0x73: {  	_ =	shalt  }
0x74: {  	_ =	shalt  }
0x75: {  	_ =	shalt  }
0x76: {  	_ =	shalt  }
0x77: {  	_ =	shalt  }
0x78: {  	_ =	shalt  }
0x79: {  	_ =	shalt  }
0x7a: {  	_ =	shalt  }
0x7b: {  	_ =	shalt  }
0x7c: {  	_ =	shalt  }
0x7d: {  	_ =	shalt  }
0x7e: {  	_ =	shalt  }
0x7f: {  	_ =	shalt  }
0x80: {  	_ =	shalt  }
0x81: {  	_ =	shalt  }
0x82: {  	_ =	shalt  }
0x83: {  	_ =	shalt  }
0x84: {  	_ =	shalt  }
0x85: {  	_ =	shalt  }
0x86: {  	_ =	shalt  }
0x87: {  	_ =	shalt  }
.Lfunc_end0:
.L_simem_size_0:
called_computation.1_lowered:
.L_overlay_start_0:
0x88: {  	s2 =	sld [smem:$0x3FD9]  }
0x89: {  	s3 =	sld [smem:$0x3FFE];
	_ =	sdelay $0x1  }
0x8a: {  	s1 =	srdreg.scid  }
0x8b: {  	s0 =	sand.u32 $0x1, s1  }
0x8c: {  	s14 =	sshll.u32 s0, $0xA;
	s2 =	sadd.s32 s3, s2  }
0x8d: {  	s2 =	sadd.s32 s2, s14  }
0x8e: {  	[smem:$0x3FBA] =	sst s2  }
0x8f: {  	_ = 	snop  }
0x90: {  	s2 =	sld [smem:$0x3FD0];
	_ =	sdelay $0x2  }
0x91: {  	s15 =	simm.s32 $0xB;
	s4 =	simm.s32 $0x10  }
0x92: {  	[smem:s4], [sflag:s15] =	dma.local [hbm:s2], $0x1  }
0x93: {  	_ =	swait.eq [sflag:s15], $0x1  }
0x94: {  	[sflag:s15] =	ssyncset.done $0x0  }
0x95: {  	[sflag:s15] =	ssyncadd.s32 $0xFFFFFFFF  }
0x96: {  	s16 =	sld [smem:$0x10];
	(tm) =	ssettm $0x1  }
0x97: {  	s17 =	sld [smem:$0x3FFB];
	_ =	sdelay $0x3  }
0x98: {  	_ =	strace s17  }
0x99: {  	s3 =	sld [smem:$0x3FFC];
	_ =	sdelay $0x3  }
0x9a: {  	_ =	strace s3  }
0x9b: {  	s3 =	sld [smem:$0x3FFD];
	_ =	sdelay $0x3  }
0x9c: {  	_ =	strace s3  }
0x9d: {  	_ =	strace $0x8FFFFFFF  }
0x9e: {  	s18 =	sld [smem:$0x3FDB];
	_ =	sdelay $0x1  }
0x9f: {  	s19 =	simm.s32 $_scs_section_size  }
0xa0: {  	s5 =	simm.s32 $_size__tile_overlayer_lowered;
	s6 =	simm.s32 $_tile_overlayer_lowered  }
0xa1: {  	s22 =	simm.s32 $0x1BFF;
	s21 =	sshll.u32 s6, $0x1;
	s3 =	sadd.s32 s19, s18  }
0xa2: {  	s7 =	simm.s32 $0x0;
	s20 =	sshll.u32 s5, $0x1;
	s5 =	sadd.s32 s21, s3  }
0xa3: {  	[timem:s7], [sflag:s22] =	dma.local [hbm:s5], s20  }
0xa4: {  	_ =	swait.ge [sflag:s22], s20  }
0xa5: {  	s4 =	ssub.s32 $0x0, s20;
	[sflag:s22] =	ssyncset.done $0x0  }
0xa6: {  	[sflag:s22] =	ssyncadd.s32 s4;
	_ =	sdelay $0x1  }
0xa7: {  	s23 =	simm.s32 $0x1B8B  }
0xa8: {  	_ =	swait.ge [sflag:s23], $0x1  }
0xa9: {  	[sflag:s23] =	ssyncset.done $0x0  }
0xaa: {  	s25 =	simm.s32 $0x1B8E;
	s24 =	sld [smem:$0x3FFE];
	[sflag:s23] =	ssyncadd.s32 $0xFFFFFFFF  }
0xab: {  	s26 =	simm.s32 $execute0_lowered;
	[smem:$0x3FD2] =	sst s25  }
0xac: {  	s5 =	sshll.u32 s26, $0x1;
	_ =	strace $0x80000049;
	[dreg:$0x1] =	wrdreg $0xFFFFFFFF  }
0xad: {  	s28 =	simm.s32 $_size_execute0_lowered;
	s3 =	sadd.s32 s3, s5;
	[dreg:$0x0] =	wrdreg $0x0  }
0xae: {  	s5 =	sshll.u32 s28, $0x1;
	[dreg:$0x2] =	wrdreg s3  }
0xaf: {  	[dreg:$0x3] =	wrdreg s5  }
0xb0: {  	[dreg:$0x4] =	wrdreg $0xC0  }
0xb1: {  	_ =	task [dreg:s7], $0x5FFFF  }
0xb2: {  	[dreg:$0x1] =	wrdreg $0xFFFFFFFF  }
0xb3: {  	[dreg:$0x0] =	wrdreg $0x60  }
0xb4: {  	[dreg:$0x2] =	wrdreg s24  }
0xb5: {  	[dreg:$0x3] =	wrdreg s16  }
0xb6: {  	[dreg:$0x4] =	wrdreg $0xCE400  }
0xb7: {  	[dreg:$0x5] =	wrdreg $0x9  }
0xb8: {  	_ =	task.clear_ibuf [dreg:s7], $0x6FFFF;
	_ =	strace $0x90000049  }
0xb9: {  	s29 =	simm.s32 $0x9;
	_ =	strace $0x8000004B  }
0xba: {  	_ =	swait.ge [sflag:s29], $0x1  }
0xbb: {  	[sflag:s29] =	ssyncadd.s32 $0xFFFFFFFF  }
0xbc: {  	_ =	strace $0x9000004B  }
0xbd: {  	_ =	sfence  }
0xbe: {  	s30 =	sld [smem:$0x0];
	_ =	sdelay $0x2  }
0xbf: {  	s31 =	sshll.u32 s1, $0xD;
	s1 =	sshrl.u32 s1, $0x2  }
0xc0: {  	s3 =	sand.u32 $0x4000, s31;
	s1 =	sadd.s32 s1, s30  }
0xc1: {  	s0 =	sor.u32 s3, s0;
	s1 =	sshll.u32 s1, $0x11  }
0xc2: {  	s0 =	sor.u32 s1, s0  }
0xc3: {  	s0 =	sadd.s32 $0x8F2B, s0  }
0xc4: {  	[sflag:s0] =	ssyncadd.remote.s32 $0x1  }
0xc5: {  	_ =	sfence.sel $0xFFFF  }
0xc6: {  	[dreg:$0x0] =	wrdreg $0xFFFFFFFF;
	(pc) =	sbr.abs _section_cstart, $3  }
0xc7: {  	[dreg:$0x1] =	wrdreg $0xFFFFFFFF  }
0xc8: {  	_ =	task.clear_ibuf [dreg:s7], $0x2FFFF;
	_ =	strace $0x9FFFFFFF  }
0xc9: {  	(tm) =	ssettm $0x7FFFFFFF  }
tec
execute0_lowered:
.L_overlay_start_1:
0x0: {  	(tag) =	ssettag $0x1  }
0x1: {  	s6 =	rddreg [dreg:$0x0]  }
0x2: {  	s0 =	srdreg.scid;
	s2 =	rddreg [dreg:$0x1]  }
0x3: {  	s3 =	rddreg [dreg:$0x2];
	s4 =	simm.s32 $0x0;
	s14 =	simm.s32 $0x64  }
0x4: {  	s15 =	simm.s32 $0x5140;
	s16 =	simm.s32 $0x6A40;
	s17 =	simm.s32 $0x8340  }
0x5: {  	s18 =	simm.s32 $0x9C40;
	s19 =	simm.s32 $0xB540;
	s20 =	simm.s32 $0x1  }
0x6: {  	s21 =	simm.s32 $0x2;
	s22 =	simm.s32 $0x3;
	s23 =	simm.s32 $0x4  }
0x7: {  	s24 =	simm.s32 $0x5;
	s5 =	sand.u32 $0x1, s0;
	s0 =	stileid.u32  }
0x8: {  	s25 =	simm.s32 $0x0;
	[smem:$0x7FF] =	sst s4;
	s8 =	smul.u32 $0x9E00, s0  }
0x9: {  	s1 =	sshll.u32 s5, $0x4;
	s9 =	smul.u32 $0x9E000, s5;
	s30 =	ssub.s32 $0x2, s5  }
0xa: {  	s5 =	sadd.s32 $0x17400, s6;
	s31 =	sshll.u32 s0, $0x6;
	s1 =	sor.u32 s0, s1  }
0xb: {  	s11 =	sshrl.u32 s30, $0x1;
	s7 =	smul.u32 $0x514, s1;
	s1 =	rddreg [dreg:$0x3]  }
0xc: {  	_ =	strace $0x8000004A;
	s29 =	sadd.s32 s8, s9;
	s11 =	ssub.s32 s30, s11  }
0xd: {  	s13 =	sadd.s32 s8, s3;
	s10 =	sadd.s32 s7, s6;
	s7 =	sshrl.u32 s29, $0x3  }
0xe: {  	s12 =	sadd.s32 s7, s6;
	s6 =	sor.u32 $0x1C06, s31;
	s7 =	sadd.s32 $0xD000, s10  }
0xf: {  	s8 =	sadd.s32 $0x2A00, s10;
	s10 =	smax.u32 s11, $0x1;
	s11 =	sshrl.u32 s13, $0x3  }
0x10: {  	s13 =	simm.s32 $0x28A0;
	s9 =	sadd.s32 $0x18800, s12;
	s12 =	simm.s32 $0x6  }
.LBB2_1:
0x11: {  	[spmem:s11], [sflag:s6] =	dma.local [hbm:s5], $0x13C0  }
0x12: {  	_ =	swait.ge [sflag:s12], $0x13C0  }
0x13: {  	[sflag:s12] =	ssyncset.done $0x0  }
0x14: {  	[sflag:s12] =	ssyncadd.s32 $0xFFFFEC40  }
0x15: {  	[tilespmem:s4], [sflag:$0x6] =	stream.linear.gather [hbm4b:s7+s4], $0x28A0, $0x38;
	[tilespmem:$0x16C40] =	vst v63  }
0x16: {  	_ =	swait.ge [sflag:s12], $0x28A0  }
0x17: {  	[sflag:s12] =	ssyncset.done $0x0  }
0x18: {  	[sflag:s12] =	ssyncadd.s32 $0xFFFFD760  }
0x19: {  	[tilespmem:s13], [sflag:$0x6] =	stream.linear.gather [hbm4b:s8+s4], $0x28A0, $0x38;
	[tilespmem:$0x16C40] =	vst v63  }
0x1a: {  	_ =	swait.ge [sflag:s12], $0x28A0  }
0x1b: {  	[sflag:s12] =	ssyncset.done $0x0  }
0x1c: {  	[sflag:s12] =	ssyncadd.s32 $0xFFFFD760  }
0x1d: {  	s26 =	simm.s32 $0x0;
	[bflag:$0x0] =	sbarrier.arrive $0xFFFF  }
0x1e: {  	[tilespmem:s15], [sflag:$0x1] =	stream.indirect.gather [hbm4b:s2+s14], $0x40, s26, s14, $0xb8;
	[tilespmem:$0x16C40] =	vst v63  }
0x1f: {  	s28 =	simm.s32 $0x68  }
0x20: {  	[tilespmem:s16], [sflag:$0x2] =	stream.indirect.gather [hbm4b:s2+s14], $0x40, s28, s14, $0xb8;
	[tilespmem:$0x16C40] =	vst v63  }
0x21: {  	s29 =	simm.s32 $0xD0  }
0x22: {  	[tilespmem:s17], [sflag:$0x3] =	stream.indirect.gather [hbm4b:s2+s14], $0x40, s29, s14, $0xb8;
	[tilespmem:$0x16C40] =	vst v63  }
0x23: {  	s31 =	simm.s32 $0x138  }
0x24: {  	[tilespmem:s18], [sflag:$0x4] =	stream.indirect.gather [hbm4b:s2+s14], $0x40, s31, s14, $0xb8;
	[tilespmem:$0x16C40] =	vst v63  }
0x25: {  	s28 =	simm.s32 $0x1A0  }
0x26: {  	[tilespmem:s19], [sflag:$0x5] =	stream.indirect.gather [hbm4b:s2+s14], $0x40, s28, s14, $0xb8;
	[tilespmem:$0x16C40] =	vst v63  }
0x27: {  	_ =	swait.ge [sflag:s20], $0x1900  }
0x28: {  	[sflag:s20] =	ssyncset.done $0x0  }
0x29: {  	s29 =	simm.s32 $0x28A0;
	[sflag:s20] =	ssyncadd.s32 $0xFFFFE700  }
0x2a: {  	[spmem:s3] =	stream.indirect.scatter.add.f32 [tilespmem:s15], [sflag:$0x6], $0x40, s29, s14, $0xb8;
	[tilespmem:$0x16C40] =	vst v63  }
0x2b: {  	_ =	swait.ge [sflag:s12], $0x1900  }
0x2c: {  	[sflag:s12] =	ssyncset.done $0x0  }
0x2d: {  	[sflag:s12] =	ssyncadd.s32 $0xFFFFE700  }
0x2e: {  	_ =	swait.ge [sflag:s21], $0x1900  }
0x2f: {  	[sflag:s21] =	ssyncset.done $0x0  }
0x30: {  	s31 =	simm.s32 $0x2908;
	[sflag:s21] =	ssyncadd.s32 $0xFFFFE700  }
0x31: {  	[spmem:s3] =	stream.indirect.scatter.add.f32 [tilespmem:s16], [sflag:$0x6], $0x40, s31, s14, $0xb8;
	[tilespmem:$0x16C40] =	vst v63  }
0x32: {  	_ =	swait.ge [sflag:s12], $0x1900  }
0x33: {  	[sflag:s12] =	ssyncset.done $0x0  }
0x34: {  	[sflag:s12] =	ssyncadd.s32 $0xFFFFE700  }
0x35: {  	_ =	swait.ge [sflag:s22], $0x1900  }
0x36: {  	[sflag:s22] =	ssyncset.done $0x0  }
0x37: {  	s28 =	simm.s32 $0x2970;
	[sflag:s22] =	ssyncadd.s32 $0xFFFFE700  }
0x38: {  	[spmem:s3] =	stream.indirect.scatter.add.f32 [tilespmem:s17], [sflag:$0x6], $0x40, s28, s14, $0xb8;
	[tilespmem:$0x16C40] =	vst v63  }
0x39: {  	_ =	swait.ge [sflag:s12], $0x1900  }
0x3a: {  	[sflag:s12] =	ssyncset.done $0x0  }
0x3b: {  	[sflag:s12] =	ssyncadd.s32 $0xFFFFE700  }
0x3c: {  	_ =	swait.ge [sflag:s23], $0x1900  }
0x3d: {  	[sflag:s23] =	ssyncset.done $0x0  }
0x3e: {  	s29 =	simm.s32 $0x29D8;
	[sflag:s23] =	ssyncadd.s32 $0xFFFFE700  }
0x3f: {  	[spmem:s3] =	stream.indirect.scatter.add.f32 [tilespmem:s18], [sflag:$0x6], $0x40, s29, s14, $0xb8;
	[tilespmem:$0x16C40] =	vst v63  }
0x40: {  	_ =	swait.ge [sflag:s12], $0x1900  }
0x41: {  	[sflag:s12] =	ssyncset.done $0x0  }
0x42: {  	[sflag:s12] =	ssyncadd.s32 $0xFFFFE700  }
0x43: {  	_ =	swait.ge [sflag:s24], $0x1900  }
0x44: {  	[sflag:s24] =	ssyncset.done $0x0  }
0x45: {  	s31 =	simm.s32 $0x2A40;
	[sflag:s24] =	ssyncadd.s32 $0xFFFFE700  }
0x46: {  	[spmem:s3] =	stream.indirect.scatter.add.f32 [tilespmem:s19], [sflag:$0x6], $0x40, s31, s14, $0xb8;
	[tilespmem:$0x16C40] =	vst v63  }
0x47: {  	_ =	swait.ge [sflag:s12], $0x1900  }
0x48: {  	s30 =	simm.s32 $0x1040;
	s26 =	simm.s32 $0x820;
	[sflag:s12] =	ssyncset.done $0x0  }
.LBB2_2:
0x49: {  	s29 =	sshra.s32 s26, $0x2  }
0x4a: {  	[sflag:s12] =	ssyncadd.s32 $0xFFFFE700;
	s26 =	smov.u32 s30;
	s28 =	sadd.s32 $0x820, s30  }
0x4b: {  	[tilespmem:s15], [sflag:$0x1] =	stream.indirect.gather [hbm4b:s2+s14], $0x40, s29, s14, $0xb8;
	[tilespmem:$0x16C40] =	vst v63  }
0x4c: {  	p0 =	sne.s32 s30, $0x9A60;
	s30 =	sadd.s32 $0x68, s29  }
0x4d: {  	[tilespmem:s16], [sflag:$0x2] =	stream.indirect.gather [hbm4b:s2+s14], $0x40, s30, s14, $0xb8;
	[tilespmem:$0x16C40] =	vst v63  }
0x4e: {  	s30 =	sadd.s32 $0xD0, s29  }
0x4f: {  	[tilespmem:s17], [sflag:$0x3] =	stream.indirect.gather [hbm4b:s2+s14], $0x40, s30, s14, $0xb8;
	[tilespmem:$0x16C40] =	vst v63  }
0x50: {  	s30 =	sadd.s32 $0x138, s29  }
0x51: {  	[tilespmem:s18], [sflag:$0x4] =	stream.indirect.gather [hbm4b:s2+s14], $0x40, s30, s14, $0xb8;
	[tilespmem:$0x16C40] =	vst v63  }
0x52: {  	s30 =	sadd.s32 $0x1A0, s29  }
0x53: {  	[tilespmem:s19], [sflag:$0x5] =	stream.indirect.gather [hbm4b:s2+s14], $0x40, s30, s14, $0xb8;
	[tilespmem:$0x16C40] =	vst v63  }
0x54: {  	_ =	swait.ge [sflag:s20], $0x1900  }
0x55: {  	[sflag:s20] =	ssyncset.done $0x0  }
0x56: {  	s30 =	sadd.s32 $0x28A0, s29;
	[sflag:s20] =	ssyncadd.s32 $0xFFFFE700  }
0x57: {  	[spmem:s3] =	stream.indirect.scatter.add.f32 [tilespmem:s15], [sflag:$0x6], $0x40, s30, s14, $0xb8;
	[tilespmem:$0x16C40] =	vst v63  }
0x58: {  	_ =	swait.ge [sflag:s12], $0x1900  }
0x59: {  	[sflag:s12] =	ssyncset.done $0x0  }
0x5a: {  	[sflag:s12] =	ssyncadd.s32 $0xFFFFE700  }
0x5b: {  	_ =	swait.ge [sflag:s21], $0x1900  }
0x5c: {  	[sflag:s21] =	ssyncset.done $0x0  }
0x5d: {  	s30 =	sadd.s32 $0x2908, s29;
	[sflag:s21] =	ssyncadd.s32 $0xFFFFE700  }
0x5e: {  	[spmem:s3] =	stream.indirect.scatter.add.f32 [tilespmem:s16], [sflag:$0x6], $0x40, s30, s14, $0xb8;
	[tilespmem:$0x16C40] =	vst v63  }
0x5f: {  	_ =	swait.ge [sflag:s12], $0x1900  }
0x60: {  	[sflag:s12] =	ssyncset.done $0x0  }
0x61: {  	[sflag:s12] =	ssyncadd.s32 $0xFFFFE700  }
0x62: {  	_ =	swait.ge [sflag:s22], $0x1900  }
0x63: {  	[sflag:s22] =	ssyncset.done $0x0  }
0x64: {  	s30 =	sadd.s32 $0x2970, s29;
	[sflag:s22] =	ssyncadd.s32 $0xFFFFE700  }
0x65: {  	[spmem:s3] =	stream.indirect.scatter.add.f32 [tilespmem:s17], [sflag:$0x6], $0x40, s30, s14, $0xb8;
	[tilespmem:$0x16C40] =	vst v63  }
0x66: {  	_ =	swait.ge [sflag:s12], $0x1900  }
0x67: {  	[sflag:s12] =	ssyncset.done $0x0  }
0x68: {  	[sflag:s12] =	ssyncadd.s32 $0xFFFFE700  }
0x69: {  	_ =	swait.ge [sflag:s23], $0x1900  }
0x6a: {  	[sflag:s23] =	ssyncset.done $0x0  }
0x6b: {  	s30 =	sadd.s32 $0x29D8, s29;
	[sflag:s23] =	ssyncadd.s32 $0xFFFFE700  }
0x6c: {  	[spmem:s3] =	stream.indirect.scatter.add.f32 [tilespmem:s18], [sflag:$0x6], $0x40, s30, s14, $0xb8;
	[tilespmem:$0x16C40] =	vst v63  }
0x6d: {  	_ =	swait.ge [sflag:s12], $0x1900  }
0x6e: {  	[sflag:s12] =	ssyncset.done $0x0  }
0x6f: {  	[sflag:s12] =	ssyncadd.s32 $0xFFFFE700  }
0x70: {  	_ =	swait.ge [sflag:s24], $0x1900  }
.Ltmp0:
0x71: {  	[sflag:s24] =	ssyncset.done $0x0;
	(pc) =	sbr.rel @p0 .LBB2_2-.Ltmp0, $4  }
0x72: {  	s29 =	sadd.s32 $0x2A40, s29;
	[sflag:s24] =	ssyncadd.s32 $0xFFFFE700  }
0x73: {  	[spmem:s3] =	stream.indirect.scatter.add.f32 [tilespmem:s19], [sflag:$0x6], $0x40, s29, s14, $0xb8;
	[tilespmem:$0x16C40] =	vst v63  }
0x74: {  	_ =	swait.ge [sflag:s12], $0x1900  }
0x75: {  	s30 =	smov.u32 s28;
	[sflag:s12] =	ssyncset.done $0x0  }
0x76: {  	s26 =	sshra.s32 s26, $0x2;
	[sflag:s12] =	ssyncadd.s32 $0xFFFFE700  }
0x77: {  	[tilespmem:s15], [sflag:$0x1] =	stream.indirect.gather [hbm4b:s2+s14], $0x40, s26, s14, $0xb8;
	[tilespmem:$0x16C40] =	vst v63  }
0x78: {  	s28 =	sadd.s32 $0x68, s26  }
0x79: {  	[tilespmem:s16], [sflag:$0x2] =	stream.indirect.gather [hbm4b:s2+s14], $0x40, s28, s14, $0xb8;
	[tilespmem:$0x16C40] =	vst v63  }
0x7a: {  	s31 =	sadd.s32 $0xD0, s26  }
0x7b: {  	[tilespmem:s17], [sflag:$0x3] =	stream.indirect.gather [hbm4b:s2+s14], $0x40, s31, s14, $0xb8;
	[tilespmem:$0x16C40] =	vst v63  }
0x7c: {  	s29 =	sadd.s32 $0x138, s26  }
0x7d: {  	[tilespmem:s18], [sflag:$0x4] =	stream.indirect.gather [hbm4b:s2+s14], $0x40, s29, s14, $0xb8;
	[tilespmem:$0x16C40] =	vst v63  }
0x7e: {  	s30 =	sadd.s32 $0x1A0, s26  }
0x7f: {  	[tilespmem:s19], [sflag:$0x5] =	stream.indirect.gather [hbm4b:s2+s14], $0x40, s30, s14, $0xb8;
	[tilespmem:$0x16C40] =	vst v63  }
0x80: {  	_ =	swait.ge [sflag:s20], $0x1900  }
0x81: {  	[sflag:s20] =	ssyncset.done $0x0  }
0x82: {  	s31 =	sadd.s32 $0x28A0, s26;
	[sflag:s20] =	ssyncadd.s32 $0xFFFFE700  }
0x83: {  	[spmem:s3] =	stream.indirect.scatter.add.f32 [tilespmem:s15], [sflag:$0x6], $0x40, s31, s14, $0xb8;
	[tilespmem:$0x16C40] =	vst v63  }
0x84: {  	_ =	swait.ge [sflag:s12], $0x1900  }
0x85: {  	[sflag:s12] =	ssyncset.done $0x0  }
0x86: {  	[sflag:s12] =	ssyncadd.s32 $0xFFFFE700  }
0x87: {  	_ =	swait.ge [sflag:s21], $0x1900  }
0x88: {  	[sflag:s21] =	ssyncset.done $0x0  }
0x89: {  	s29 =	sadd.s32 $0x2908, s26;
	[sflag:s21] =	ssyncadd.s32 $0xFFFFE700  }
0x8a: {  	[spmem:s3] =	stream.indirect.scatter.add.f32 [tilespmem:s16], [sflag:$0x6], $0x40, s29, s14, $0xb8;
	[tilespmem:$0x16C40] =	vst v63  }
0x8b: {  	_ =	swait.ge [sflag:s12], $0x1900  }
0x8c: {  	[sflag:s12] =	ssyncset.done $0x0  }
0x8d: {  	[sflag:s12] =	ssyncadd.s32 $0xFFFFE700  }
0x8e: {  	_ =	swait.ge [sflag:s22], $0x1900  }
0x8f: {  	[sflag:s22] =	ssyncset.done $0x0  }
0x90: {  	s30 =	sadd.s32 $0x2970, s26;
	[sflag:s22] =	ssyncadd.s32 $0xFFFFE700  }
0x91: {  	[spmem:s3] =	stream.indirect.scatter.add.f32 [tilespmem:s17], [sflag:$0x6], $0x40, s30, s14, $0xb8;
	[tilespmem:$0x16C40] =	vst v63  }
0x92: {  	_ =	swait.ge [sflag:s12], $0x1900  }
0x93: {  	[sflag:s12] =	ssyncset.done $0x0  }
0x94: {  	[sflag:s12] =	ssyncadd.s32 $0xFFFFE700  }
0x95: {  	_ =	swait.ge [sflag:s23], $0x1900  }
0x96: {  	[sflag:s23] =	ssyncset.done $0x0  }
0x97: {  	s31 =	sadd.s32 $0x29D8, s26;
	[sflag:s23] =	ssyncadd.s32 $0xFFFFE700  }
0x98: {  	[spmem:s3] =	stream.indirect.scatter.add.f32 [tilespmem:s18], [sflag:$0x6], $0x40, s31, s14, $0xb8;
	[tilespmem:$0x16C40] =	vst v63  }
0x99: {  	_ =	swait.ge [sflag:s12], $0x1900  }
0x9a: {  	[sflag:s12] =	ssyncset.done $0x0  }
0x9b: {  	[sflag:s12] =	ssyncadd.s32 $0xFFFFE700  }
0x9c: {  	_ =	swait.ge [sflag:s24], $0x1900  }
0x9d: {  	[sflag:s24] =	ssyncset.done $0x0  }
0x9e: {  	s26 =	sadd.s32 $0x2A40, s26;
	[sflag:s24] =	ssyncadd.s32 $0xFFFFE700  }
0x9f: {  	[spmem:s3] =	stream.indirect.scatter.add.f32 [tilespmem:s19], [sflag:$0x6], $0x40, s26, s14, $0xb8;
	[tilespmem:$0x16C40] =	vst v63  }
0xa0: {  	_ =	swait.ge [sflag:s12], $0x1900  }
0xa1: {  	s25 =	sadd.s32 $0x1, s25;
	[sflag:s12] =	ssyncset.done $0x0  }
0xa2: {  	p0 =	sne.s32 s25, s10;
	[sflag:s12] =	ssyncadd.s32 $0xFFFFE700  }
.Ltmp1:
0xa3: {  	[bflag:$0x0] =	sbarrier.arrive $0xFFFF;
	(pc) =	sbr.rel @p0 .LBB2_1-.Ltmp1, $4  }
0xa4: {  	[hbm:s9], [sflag:s6] =	dma.local [spmem:s11], $0x13C0  }
0xa5: {  	_ =	swait.ge [sflag:s12], $0x13C0  }
0xa6: {  	[sflag:s12] =	ssyncset.done $0x0  }
0xa7: {  	[sflag:s12] =	ssyncadd.s32 $0xFFFFEC40  }
0xa8: {  	_ =	sfence.sel $0x180000  }
0xa9: {  	[bflag:$0x0] =	sbarrier.arrive $0xFFFF  }
0xaa: {  	p0 =	sne.s32 s0, $0x0;
	_ =	strace $0x9000004A  }
0xab: {  	s0 =	sadd.s32 @!p0 $0x100000, s1;
	[bflag:$0x2] =	sbarrier.arrive $0xFFFF  }
0xac: {  	[sflag:s0] =	ssyncadd.tile.s32 @!p0 $0x1;
	_ =	shalt  }
.Lfunc_end2:
_tile_overlayer_lowered:
.L_overlay_start_2:
0xad: {  	(tag) =	ssettag $0x2  }
0xae: {  	s0 =	rddreg [dreg:$0x0];
	s2 =	stileid.u32  }
0xaf: {  	s1 =	rddreg [dreg:$0x1];
	p0 =	sne.s32 s2, $0x0  }
0xb0: {  	s3 =	rddreg [dreg:$0x2];
	[bflag:$0x3] =	sbarrier.arrive $0xFFFF;
	s2 =	simm.s32 @!p0 $0x1C06  }
0xb1: {  	[timem:s3], [sflag:s2] =	dma.local @!p0 [hbm:s0], s1  }
0xb2: {  	s0 =	simm.s32 @!p0 $0x6  }
0xb3: {  	_ =	swait.ge @!p0 [sflag:s0], s1  }
0xb4: {  	s1 =	ssub.s32 @!p0 $0x0, s1;
	[sflag:s0] =	ssyncset.done @!p0 $0x0  }
0xb5: {  	[sflag:s0] =	ssyncadd.s32 @!p0 s1  }
0xb6: {  	[bflag:$0x3] =	sbarrier.arrive $0xFFFF  }
0xb7: {  	_ =	shalt  }

// kernel: kernel.18.cloned.1.call-start
scs
__scs_entry_jumppad:
0x0: {  	(pc) =	sbr.rel $0x88, $3  }
0x1: {  	(tag) =	ssettag $0x0;
	lr =	simm.s32 $0x1  }
0x2: {  	[smem:$0x3F93] =	sst lr;
	_ =	strace $0xD0000000  }
0x3: {  	_ = 	snop  }
0x4: {  	_ = 	snop  }
0x5: {  	_ = 	snop  }
0x6: {  	_ = 	snop  }
0x7: {  	_ = 	snop  }
__scs_overlays_trampoline_lowered:
0x8: {  	[smem:$0x3FA2] =	sst s0  }
0x9: {  	[smem:$0x3FA3] =	sst s1  }
0xa: {  	[smem:$0x3FA4] =	sst s2  }
0xb: {  	[smem:$0x3FA5] =	sst s3  }
0xc: {  	[smem:$0x3FA6] =	sst s4  }
0xd: {  	[smem:$0x3FA7] =	sst s5  }
0xe: {  	[smem:$0x3FA8] =	sst s6  }
0xf: {  	[smem:$0x3FA9] =	sst s7  }
0x10: {  	[smem:$0x3FAA] =	sst s8  }
0x11: {  	[smem:$0x3FAB] =	sst s9;
	s0 =	simm.s32 @!p0 $0x0  }
0x12: {  	s1 =	sld [smem:$0x3F91];
	s0 =	simm.s32 @p0 $0x1  }
0x13: {  	[smem:$0x3FAC] =	sst s0;
	s0 =	simm.s32 @!p1 $0x0  }
0x14: {  	s2 =	sld [smem:$0x3F90];
	s0 =	simm.s32 @p1 $0x1  }
0x15: {  	[smem:$0x3FAD] =	sst s0;
	s0 =	simm.s32 @!p2 $0x0  }
0x16: {  	s3 =	sld [smem:$0x3FDB];
	s0 =	simm.s32 @p2 $0x1  }
0x17: {  	s4 =	simm.s32 $0x1BF5;
	[smem:$0x3FAF] =	sst s0  }
0x18: {  	s0 =	sld [smem:$0x3F92];
	_ =	swait.ge [sflag:s4], $0x0  }
0x19: {  	s7 =	sld [smem:$0x3F93]  }
0x1a: {  	s8 =	sadd.s32 $0xFFFFE003, lr  }
0x1b: {  	s9 =	sadd.s32 $0xFFFFFEF7, lr;
	s5 =	simm.s32 $0xFFFFFFFF;
	p2 =	slt.u32 s8, $0xFFFFF086  }
0x1c: {  	p1 =	slt.u32 s9, $0xF7A;
	s5 =	simm.s32 @!p2 $0x0  }
0x1d: {  	s5 =	simm.s32 @p1 $0x1;
	p0 =	seq.s32 s7, s2  }
0x1e: {  	s7 =	smul.u32 @!p0 $0xF7A, s2;
	p2 =	seq.s32 @!p0 s5, $0x0  }
0x1f: {  	s9 =	smul.u32 $0xF7A, s1;
	s8 =	simm.s32 @!p0 $0x1BF5;
	p2 =	por !p2, p0  }
0x20: {  	[sflag:s8] =	ssyncset.s32 @!p0 $0xFFFFF086;
	s6 =	sadd.s32 @!p0 s3, s7;
	s7 =	simm.s32 @!p0 $0x108  }
0x21: {  	s3 =	sadd.s32 s3, s9;
	s6 =	sadd.s32 @!p0 $0x88, s6;
	s7 =	simm.s32 @p2 $0x1082  }
0x22: {  	[simem:s7], [sflag:s8] =	dma.local @!p0 [hbm:s6], $0xF7A  }
0x23: {  	s9 =	sor.u32 $0xD0000000, s2;
	s6 =	simm.s32 $0x108;
	_ =	swait.ge @!p0 [sflag:s8], $0x0  }
0x24: {  	s3 =	sadd.s32 $0x88, s3;
	s6 =	simm.s32 @!p1 $0x1082;
	[sflag:s4] =	ssyncset.s32 $0xFFFFF086  }
0x25: {  	[simem:s6], [sflag:s4] =	dma.local [hbm:s3], $0xF7A  }
0x26: {  	[smem:$0x3F93] =	sst s1;
	(tag) =	ssettag s2;
	_ =	strace s9  }
0x27: {  	s1 =	sld [smem:$0x3FA3]  }
0x28: {  	s2 =	sld [smem:$0x3FA4]  }
0x29: {  	s4 =	sld [smem:$0x3FA6]  }
0x2a: {  	p0 =	seq.s32 s5, $0x0;
	s5 =	sld [smem:$0x3FA7]  }
0x2b: {  	s6 =	sld [smem:$0x3FA8]  }
0x2c: {  	s7 =	sld [smem:$0x3FA9]  }
0x2d: {  	s3 =	simm.s32 $0x108;
	s8 =	sld [smem:$0x3FAA]  }
0x2e: {  	s3 =	simm.s32 @!p0 $0x1082;
	s9 =	sld [smem:$0x3FAB]  }
0x2f: {  	lr =	sadd.s32 s0, s3;
	s0 =	sld [smem:$0x3FA2]  }
0x30: {  	s3 =	sld [smem:$0x3FA5]  }
0x31: {  	[smem:$0x3FAE] =	sst s10  }
0x32: {  	s10 =	sld [smem:$0x3FAC];
	_ =	sdelay $0x3  }
0x33: {  	p0 =	seq.s32 s10, $0x1;
	s10 =	sld [smem:$0x3FAE];
	_ =	sdelay $0x3  }
0x34: {  	[smem:$0x3FAE] =	sst s10  }
0x35: {  	s10 =	sld [smem:$0x3FAD];
	_ =	sdelay $0x3  }
0x36: {  	p1 =	seq.s32 s10, $0x1;
	s10 =	sld [smem:$0x3FAE];
	_ =	sdelay $0x3  }
0x37: {  	[smem:$0x3FAE] =	sst s10  }
0x38: {  	s10 =	sld [smem:$0x3FAF]  }
0x39: {  	_ = 	snop;
	(pc) =	sbr.ind lr, $3  }
0x3a: {  	_ = 	snop  }
0x3b: {  	_ = 	snop  }
0x3c: {  	p2 =	seq.s32 s10, $0x1;
	s10 =	sld [smem:$0x3FAE]  }
0x3d: {  	_ =	shalt  }
0x3e: {  	_ =	shalt  }
0x3f: {  	_ =	shalt  }
0x40: {  	_ =	shalt  }
0x41: {  	_ =	shalt  }
0x42: {  	_ =	shalt  }
0x43: {  	_ =	shalt  }
0x44: {  	_ =	shalt  }
0x45: {  	_ =	shalt  }
0x46: {  	_ =	shalt  }
0x47: {  	_ =	shalt  }
0x48: {  	_ =	shalt  }
0x49: {  	_ =	shalt  }
0x4a: {  	_ =	shalt  }
0x4b: {  	_ =	shalt  }
0x4c: {  	_ =	shalt  }
0x4d: {  	_ =	shalt  }
0x4e: {  	_ =	shalt  }
0x4f: {  	_ =	shalt  }
0x50: {  	_ =	shalt  }
0x51: {  	_ =	shalt  }
0x52: {  	_ =	shalt  }
0x53: {  	_ =	shalt  }
0x54: {  	_ =	shalt  }
0x55: {  	_ =	shalt  }
0x56: {  	_ =	shalt  }
0x57: {  	_ =	shalt  }
0x58: {  	_ =	shalt  }
0x59: {  	_ =	shalt  }
0x5a: {  	_ =	shalt  }
0x5b: {  	_ =	shalt  }
0x5c: {  	_ =	shalt  }
0x5d: {  	_ =	shalt  }
0x5e: {  	_ =	shalt  }
0x5f: {  	_ =	shalt  }
0x60: {  	_ =	shalt  }
0x61: {  	_ =	shalt  }
0x62: {  	_ =	shalt  }
0x63: {  	_ =	shalt  }
0x64: {  	_ =	shalt  }
0x65: {  	_ =	shalt  }
0x66: {  	_ =	shalt  }
0x67: {  	_ =	shalt  }
0x68: {  	_ =	shalt  }
0x69: {  	_ =	shalt  }
0x6a: {  	_ =	shalt  }
0x6b: {  	_ =	shalt  }
0x6c: {  	_ =	shalt  }
0x6d: {  	_ =	shalt  }
0x6e: {  	_ =	shalt  }
0x6f: {  	_ =	shalt  }
0x70: {  	_ =	shalt  }
0x71: {  	_ =	shalt  }
0x72: {  	_ =	shalt  }
0x73: {  	_ =	shalt  }
0x74: {  	_ =	shalt  }
0x75: {  	_ =	shalt  }
0x76: {  	_ =	shalt  }
0x77: {  	_ =	shalt  }
0x78: {  	_ =	shalt  }
0x79: {  	_ =	shalt  }
0x7a: {  	_ =	shalt  }
0x7b: {  	_ =	shalt  }
0x7c: {  	_ =	shalt  }
0x7d: {  	_ =	shalt  }
0x7e: {  	_ =	shalt  }
0x7f: {  	_ =	shalt  }
0x80: {  	_ =	shalt  }
0x81: {  	_ =	shalt  }
0x82: {  	_ =	shalt  }
0x83: {  	_ =	shalt  }
0x84: {  	_ =	shalt  }
0x85: {  	_ =	shalt  }
0x86: {  	_ =	shalt  }
0x87: {  	_ =	shalt  }
.Lfunc_end0:
.L_simem_size_0:
called_computation.2_lowered:
.L_overlay_start_0:
0x88: {  	s2 =	sld [smem:$0x3FD9]  }
0x89: {  	s3 =	sld [smem:$0x3FFE];
	_ =	sdelay $0x1  }
0x8a: {  	s1 =	srdreg.scid  }
0x8b: {  	s0 =	sand.u32 $0x1, s1  }
0x8c: {  	s14 =	sshll.u32 s0, $0xA;
	s2 =	sadd.s32 s3, s2  }
0x8d: {  	s2 =	sadd.s32 s2, s14  }
0x8e: {  	[smem:$0x3FBA] =	sst s2  }
0x8f: {  	_ = 	snop  }
0x90: {  	s2 =	sld [smem:$0x3FD0];
	_ =	sdelay $0x2  }
0x91: {  	s15 =	simm.s32 $0xB;
	s4 =	simm.s32 $0x10  }
0x92: {  	[smem:s4], [sflag:s15] =	dma.local [hbm:s2], $0x1  }
0x93: {  	_ =	swait.eq [sflag:s15], $0x1  }
0x94: {  	[sflag:s15] =	ssyncset.done $0x0  }
0x95: {  	[sflag:s15] =	ssyncadd.s32 $0xFFFFFFFF  }
0x96: {  	s16 =	sld [smem:$0x10];
	(tm) =	ssettm $0x1  }
0x97: {  	s17 =	sld [smem:$0x3FFB];
	_ =	sdelay $0x3  }
0x98: {  	_ =	strace s17  }
0x99: {  	s3 =	sld [smem:$0x3FFC];
	_ =	sdelay $0x3  }
0x9a: {  	_ =	strace s3  }
0x9b: {  	s3 =	sld [smem:$0x3FFD];
	_ =	sdelay $0x3  }
0x9c: {  	_ =	strace s3  }
0x9d: {  	_ =	strace $0x8FFFFFFF  }
0x9e: {  	s18 =	sld [smem:$0x3FDB];
	_ =	sdelay $0x1  }
0x9f: {  	s19 =	simm.s32 $_scs_section_size  }
0xa0: {  	s5 =	simm.s32 $_size__tile_overlayer_lowered;
	s6 =	simm.s32 $_tile_overlayer_lowered  }
0xa1: {  	s22 =	simm.s32 $0x1BFF;
	s21 =	sshll.u32 s6, $0x1;
	s3 =	sadd.s32 s19, s18  }
0xa2: {  	s7 =	simm.s32 $0x0;
	s20 =	sshll.u32 s5, $0x1;
	s5 =	sadd.s32 s21, s3  }
0xa3: {  	[timem:s7], [sflag:s22] =	dma.local [hbm:s5], s20  }
0xa4: {  	_ =	swait.ge [sflag:s22], s20  }
0xa5: {  	s4 =	ssub.s32 $0x0, s20;
	[sflag:s22] =	ssyncset.done $0x0  }
0xa6: {  	[sflag:s22] =	ssyncadd.s32 s4;
	_ =	sdelay $0x1  }
0xa7: {  	s23 =	simm.s32 $0x1B8B  }
0xa8: {  	_ =	swait.ge [sflag:s23], $0x1  }
0xa9: {  	[sflag:s23] =	ssyncset.done $0x0  }
0xaa: {  	s25 =	simm.s32 $0x1B8E;
	s24 =	sld [smem:$0x3FFE];
	[sflag:s23] =	ssyncadd.s32 $0xFFFFFFFF  }
0xab: {  	s26 =	simm.s32 $execute0_lowered;
	[smem:$0x3FD2] =	sst s25  }
0xac: {  	s5 =	sshll.u32 s26, $0x1;
	_ =	strace $0x8000004C;
	[dreg:$0x1] =	wrdreg $0xFFFFFFFF  }
0xad: {  	s28 =	simm.s32 $_size_execute0_lowered;
	s3 =	sadd.s32 s3, s5;
	[dreg:$0x0] =	wrdreg $0x0  }
0xae: {  	s5 =	sshll.u32 s28, $0x1;
	[dreg:$0x2] =	wrdreg s3  }
0xaf: {  	[dreg:$0x3] =	wrdreg s5  }
0xb0: {  	[dreg:$0x4] =	wrdreg $0xC0  }
0xb1: {  	_ =	task [dreg:s7], $0x5FFFF  }
0xb2: {  	[dreg:$0x1] =	wrdreg $0xFFFFFFFF  }
0xb3: {  	[dreg:$0x0] =	wrdreg $0x60  }
0xb4: {  	[dreg:$0x2] =	wrdreg s24  }
0xb5: {  	[dreg:$0x3] =	wrdreg s16  }
0xb6: {  	[dreg:$0x4] =	wrdreg $0xCE400  }
0xb7: {  	[dreg:$0x5] =	wrdreg $0x9  }
0xb8: {  	_ =	task.clear_ibuf [dreg:s7], $0x6FFFF;
	_ =	strace $0x9000004C  }
0xb9: {  	s29 =	simm.s32 $0x9;
	_ =	strace $0x8000004E  }
0xba: {  	_ =	swait.ge [sflag:s29], $0x1  }
0xbb: {  	[sflag:s29] =	ssyncadd.s32 $0xFFFFFFFF  }
0xbc: {  	_ =	strace $0x9000004E  }
0xbd: {  	_ =	sfence  }
0xbe: {  	s30 =	sld [smem:$0x0];
	_ =	sdelay $0x2  }
0xbf: {  	s31 =	sshll.u32 s1, $0xD;
	s1 =	sshrl.u32 s1, $0x2  }
0xc0: {  	s3 =	sand.u32 $0x4000, s31;
	s1 =	sadd.s32 s1, s30  }
0xc1: {  	s0 =	sor.u32 s3, s0;
	s1 =	sshll.u32 s1, $0x11  }
0xc2: {  	s0 =	sor.u32 s1, s0  }
0xc3: {  	s0 =	sadd.s32 $0x8F2B, s0  }
0xc4: {  	[sflag:s0] =	ssyncadd.remote.s32 $0x1  }
0xc5: {  	_ =	sfence.sel $0xFFFF  }
0xc6: {  	[dreg:$0x0] =	wrdreg $0xFFFFFFFF;
	(pc) =	sbr.abs _section_cstart, $3  }
0xc7: {  	[dreg:$0x1] =	wrdreg $0xFFFFFFFF  }
0xc8: {  	_ =	task.clear_ibuf [dreg:s7], $0x2FFFF;
	_ =	strace $0x9FFFFFFF  }
0xc9: {  	(tm) =	ssettm $0x7FFFFFFF  }
tec
execute0_lowered:
.L_overlay_start_1:
0x0: {  	(tag) =	ssettag $0x1  }
0x1: {  	s6 =	rddreg [dreg:$0x0]  }
0x2: {  	s0 =	srdreg.scid;
	s2 =	rddreg [dreg:$0x1]  }
0x3: {  	s3 =	rddreg [dreg:$0x2];
	s4 =	simm.s32 $0x0;
	s14 =	simm.s32 $0x64  }
0x4: {  	s15 =	simm.s32 $0x5140;
	s16 =	simm.s32 $0x6A40;
	s17 =	simm.s32 $0x8340  }
0x5: {  	s18 =	simm.s32 $0x9C40;
	s19 =	simm.s32 $0xB540;
	s20 =	simm.s32 $0x1  }
0x6: {  	s21 =	simm.s32 $0x2;
	s22 =	simm.s32 $0x3;
	s23 =	simm.s32 $0x4  }
0x7: {  	s24 =	simm.s32 $0x5;
	s5 =	sand.u32 $0x1, s0;
	s0 =	stileid.u32  }
0x8: {  	s25 =	simm.s32 $0x0;
	[smem:$0x7FF] =	sst s4;
	s8 =	smul.u32 $0x9E00, s0  }
0x9: {  	s1 =	sshll.u32 s5, $0x4;
	s9 =	smul.u32 $0x9E000, s5;
	s30 =	ssub.s32 $0x2, s5  }
0xa: {  	s5 =	sadd.s32 $0x17400, s6;
	s31 =	sshll.u32 s0, $0x6;
	s1 =	sor.u32 s0, s1  }
0xb: {  	s11 =	sshrl.u32 s30, $0x1;
	s7 =	smul.u32 $0x514, s1;
	s1 =	rddreg [dreg:$0x3]  }
0xc: {  	_ =	strace $0x8000004D;
	s29 =	sadd.s32 s8, s9;
	s11 =	ssub.s32 s30, s11  }
0xd: {  	s13 =	sadd.s32 s8, s3;
	s10 =	sadd.s32 s7, s6;
	s7 =	sshrl.u32 s29, $0x3  }
0xe: {  	s12 =	sadd.s32 s7, s6;
	s6 =	sor.u32 $0x1C06, s31;
	s7 =	sadd.s32 $0xD000, s10  }
0xf: {  	s8 =	sadd.s32 $0x2A00, s10;
	s10 =	smax.u32 s11, $0x1;
	s11 =	sshrl.u32 s13, $0x3  }
0x10: {  	s13 =	simm.s32 $0x28A0;
	s9 =	sadd.s32 $0x18800, s12;
	s12 =	simm.s32 $0x6  }
.LBB2_1:
0x11: {  	[spmem:s11], [sflag:s6] =	dma.local [hbm:s5], $0x13C0  }
0x12: {  	_ =	swait.ge [sflag:s12], $0x13C0  }
0x13: {  	[sflag:s12] =	ssyncset.done $0x0  }
0x14: {  	[sflag:s12] =	ssyncadd.s32 $0xFFFFEC40  }
0x15: {  	[tilespmem:s4], [sflag:$0x6] =	stream.linear.gather [hbm4b:s7+s4], $0x28A0, $0x38;
	[tilespmem:$0x16C40] =	vst v63  }
0x16: {  	_ =	swait.ge [sflag:s12], $0x28A0  }
0x17: {  	[sflag:s12] =	ssyncset.done $0x0  }
0x18: {  	[sflag:s12] =	ssyncadd.s32 $0xFFFFD760  }
0x19: {  	[tilespmem:s13], [sflag:$0x6] =	stream.linear.gather [hbm4b:s8+s4], $0x28A0, $0x38;
	[tilespmem:$0x16C40] =	vst v63  }
0x1a: {  	_ =	swait.ge [sflag:s12], $0x28A0  }
0x1b: {  	[sflag:s12] =	ssyncset.done $0x0  }
0x1c: {  	[sflag:s12] =	ssyncadd.s32 $0xFFFFD760  }
0x1d: {  	s26 =	simm.s32 $0x0;
	[bflag:$0x0] =	sbarrier.arrive $0xFFFF  }
0x1e: {  	[tilespmem:s15], [sflag:$0x1] =	stream.indirect.gather [hbm4b:s2+s14], $0x40, s26, s14, $0xb8;
	[tilespmem:$0x16C40] =	vst v63  }
0x1f: {  	s28 =	simm.s32 $0x68  }
0x20: {  	[tilespmem:s16], [sflag:$0x2] =	stream.indirect.gather [hbm4b:s2+s14], $0x40, s28, s14, $0xb8;
	[tilespmem:$0x16C40] =	vst v63  }
0x21: {  	s29 =	simm.s32 $0xD0  }
0x22: {  	[tilespmem:s17], [sflag:$0x3] =	stream.indirect.gather [hbm4b:s2+s14], $0x40, s29, s14, $0xb8;
	[tilespmem:$0x16C40] =	vst v63  }
0x23: {  	s31 =	simm.s32 $0x138  }
0x24: {  	[tilespmem:s18], [sflag:$0x4] =	stream.indirect.gather [hbm4b:s2+s14], $0x40, s31, s14, $0xb8;
	[tilespmem:$0x16C40] =	vst v63  }
0x25: {  	s28 =	simm.s32 $0x1A0  }
0x26: {  	[tilespmem:s19], [sflag:$0x5] =	stream.indirect.gather [hbm4b:s2+s14], $0x40, s28, s14, $0xb8;
	[tilespmem:$0x16C40] =	vst v63  }
0x27: {  	_ =	swait.ge [sflag:s20], $0x1900  }
0x28: {  	[sflag:s20] =	ssyncset.done $0x0  }
0x29: {  	s29 =	simm.s32 $0x28A0;
	[sflag:s20] =	ssyncadd.s32 $0xFFFFE700  }
0x2a: {  	[spmem:s3] =	stream.indirect.scatter.add.f32 [tilespmem:s15], [sflag:$0x6], $0x40, s29, s14, $0xb8;
	[tilespmem:$0x16C40] =	vst v63  }
0x2b: {  	_ =	swait.ge [sflag:s12], $0x1900  }
0x2c: {  	[sflag:s12] =	ssyncset.done $0x0  }
0x2d: {  	[sflag:s12] =	ssyncadd.s32 $0xFFFFE700  }
0x2e: {  	_ =	swait.ge [sflag:s21], $0x1900  }
0x2f: {  	[sflag:s21] =	ssyncset.done $0x0  }
0x30: {  	s31 =	simm.s32 $0x2908;
	[sflag:s21] =	ssyncadd.s32 $0xFFFFE700  }
0x31: {  	[spmem:s3] =	stream.indirect.scatter.add.f32 [tilespmem:s16], [sflag:$0x6], $0x40, s31, s14, $0xb8;
	[tilespmem:$0x16C40] =	vst v63  }
0x32: {  	_ =	swait.ge [sflag:s12], $0x1900  }
0x33: {  	[sflag:s12] =	ssyncset.done $0x0  }
0x34: {  	[sflag:s12] =	ssyncadd.s32 $0xFFFFE700  }
0x35: {  	_ =	swait.ge [sflag:s22], $0x1900  }
0x36: {  	[sflag:s22] =	ssyncset.done $0x0  }
0x37: {  	s28 =	simm.s32 $0x2970;
	[sflag:s22] =	ssyncadd.s32 $0xFFFFE700  }
0x38: {  	[spmem:s3] =	stream.indirect.scatter.add.f32 [tilespmem:s17], [sflag:$0x6], $0x40, s28, s14, $0xb8;
	[tilespmem:$0x16C40] =	vst v63  }
0x39: {  	_ =	swait.ge [sflag:s12], $0x1900  }
0x3a: {  	[sflag:s12] =	ssyncset.done $0x0  }
0x3b: {  	[sflag:s12] =	ssyncadd.s32 $0xFFFFE700  }
0x3c: {  	_ =	swait.ge [sflag:s23], $0x1900  }
0x3d: {  	[sflag:s23] =	ssyncset.done $0x0  }
0x3e: {  	s29 =	simm.s32 $0x29D8;
	[sflag:s23] =	ssyncadd.s32 $0xFFFFE700  }
0x3f: {  	[spmem:s3] =	stream.indirect.scatter.add.f32 [tilespmem:s18], [sflag:$0x6], $0x40, s29, s14, $0xb8;
	[tilespmem:$0x16C40] =	vst v63  }
0x40: {  	_ =	swait.ge [sflag:s12], $0x1900  }
0x41: {  	[sflag:s12] =	ssyncset.done $0x0  }
0x42: {  	[sflag:s12] =	ssyncadd.s32 $0xFFFFE700  }
0x43: {  	_ =	swait.ge [sflag:s24], $0x1900  }
0x44: {  	[sflag:s24] =	ssyncset.done $0x0  }
0x45: {  	s31 =	simm.s32 $0x2A40;
	[sflag:s24] =	ssyncadd.s32 $0xFFFFE700  }
0x46: {  	[spmem:s3] =	stream.indirect.scatter.add.f32 [tilespmem:s19], [sflag:$0x6], $0x40, s31, s14, $0xb8;
	[tilespmem:$0x16C40] =	vst v63  }
0x47: {  	_ =	swait.ge [sflag:s12], $0x1900  }
0x48: {  	s30 =	simm.s32 $0x1040;
	s26 =	simm.s32 $0x820;
	[sflag:s12] =	ssyncset.done $0x0  }
.LBB2_2:
0x49: {  	s29 =	sshra.s32 s26, $0x2  }
0x4a: {  	[sflag:s12] =	ssyncadd.s32 $0xFFFFE700;
	s26 =	smov.u32 s30;
	s28 =	sadd.s32 $0x820, s30  }
0x4b: {  	[tilespmem:s15], [sflag:$0x1] =	stream.indirect.gather [hbm4b:s2+s14], $0x40, s29, s14, $0xb8;
	[tilespmem:$0x16C40] =	vst v63  }
0x4c: {  	p0 =	sne.s32 s30, $0x9A60;
	s30 =	sadd.s32 $0x68, s29  }
0x4d: {  	[tilespmem:s16], [sflag:$0x2] =	stream.indirect.gather [hbm4b:s2+s14], $0x40, s30, s14, $0xb8;
	[tilespmem:$0x16C40] =	vst v63  }
0x4e: {  	s30 =	sadd.s32 $0xD0, s29  }
0x4f: {  	[tilespmem:s17], [sflag:$0x3] =	stream.indirect.gather [hbm4b:s2+s14], $0x40, s30, s14, $0xb8;
	[tilespmem:$0x16C40] =	vst v63  }
0x50: {  	s30 =	sadd.s32 $0x138, s29  }
0x51: {  	[tilespmem:s18], [sflag:$0x4] =	stream.indirect.gather [hbm4b:s2+s14], $0x40, s30, s14, $0xb8;
	[tilespmem:$0x16C40] =	vst v63  }
0x52: {  	s30 =	sadd.s32 $0x1A0, s29  }
0x53: {  	[tilespmem:s19], [sflag:$0x5] =	stream.indirect.gather [hbm4b:s2+s14], $0x40, s30, s14, $0xb8;
	[tilespmem:$0x16C40] =	vst v63  }
0x54: {  	_ =	swait.ge [sflag:s20], $0x1900  }
0x55: {  	[sflag:s20] =	ssyncset.done $0x0  }
0x56: {  	s30 =	sadd.s32 $0x28A0, s29;
	[sflag:s20] =	ssyncadd.s32 $0xFFFFE700  }
0x57: {  	[spmem:s3] =	stream.indirect.scatter.add.f32 [tilespmem:s15], [sflag:$0x6], $0x40, s30, s14, $0xb8;
	[tilespmem:$0x16C40] =	vst v63  }
0x58: {  	_ =	swait.ge [sflag:s12], $0x1900  }
0x59: {  	[sflag:s12] =	ssyncset.done $0x0  }
0x5a: {  	[sflag:s12] =	ssyncadd.s32 $0xFFFFE700  }
0x5b: {  	_ =	swait.ge [sflag:s21], $0x1900  }
0x5c: {  	[sflag:s21] =	ssyncset.done $0x0  }
0x5d: {  	s30 =	sadd.s32 $0x2908, s29;
	[sflag:s21] =	ssyncadd.s32 $0xFFFFE700  }
0x5e: {  	[spmem:s3] =	stream.indirect.scatter.add.f32 [tilespmem:s16], [sflag:$0x6], $0x40, s30, s14, $0xb8;
	[tilespmem:$0x16C40] =	vst v63  }
0x5f: {  	_ =	swait.ge [sflag:s12], $0x1900  }
0x60: {  	[sflag:s12] =	ssyncset.done $0x0  }
0x61: {  	[sflag:s12] =	ssyncadd.s32 $0xFFFFE700  }
0x62: {  	_ =	swait.ge [sflag:s22], $0x1900  }
0x63: {  	[sflag:s22] =	ssyncset.done $0x0  }
0x64: {  	s30 =	sadd.s32 $0x2970, s29;
	[sflag:s22] =	ssyncadd.s32 $0xFFFFE700  }
0x65: {  	[spmem:s3] =	stream.indirect.scatter.add.f32 [tilespmem:s17], [sflag:$0x6], $0x40, s30, s14, $0xb8;
	[tilespmem:$0x16C40] =	vst v63  }
0x66: {  	_ =	swait.ge [sflag:s12], $0x1900  }
0x67: {  	[sflag:s12] =	ssyncset.done $0x0  }
0x68: {  	[sflag:s12] =	ssyncadd.s32 $0xFFFFE700  }
0x69: {  	_ =	swait.ge [sflag:s23], $0x1900  }
0x6a: {  	[sflag:s23] =	ssyncset.done $0x0  }
0x6b: {  	s30 =	sadd.s32 $0x29D8, s29;
	[sflag:s23] =	ssyncadd.s32 $0xFFFFE700  }
0x6c: {  	[spmem:s3] =	stream.indirect.scatter.add.f32 [tilespmem:s18], [sflag:$0x6], $0x40, s30, s14, $0xb8;
	[tilespmem:$0x16C40] =	vst v63  }
0x6d: {  	_ =	swait.ge [sflag:s12], $0x1900  }
0x6e: {  	[sflag:s12] =	ssyncset.done $0x0  }
0x6f: {  	[sflag:s12] =	ssyncadd.s32 $0xFFFFE700  }
0x70: {  	_ =	swait.ge [sflag:s24], $0x1900  }
.Ltmp0:
0x71: {  	[sflag:s24] =	ssyncset.done $0x0;
	(pc) =	sbr.rel @p0 .LBB2_2-.Ltmp0, $4  }
0x72: {  	s29 =	sadd.s32 $0x2A40, s29;
	[sflag:s24] =	ssyncadd.s32 $0xFFFFE700  }
0x73: {  	[spmem:s3] =	stream.indirect.scatter.add.f32 [tilespmem:s19], [sflag:$0x6], $0x40, s29, s14, $0xb8;
	[tilespmem:$0x16C40] =	vst v63  }
0x74: {  	_ =	swait.ge [sflag:s12], $0x1900  }
0x75: {  	s30 =	smov.u32 s28;
	[sflag:s12] =	ssyncset.done $0x0  }
0x76: {  	s26 =	sshra.s32 s26, $0x2;
	[sflag:s12] =	ssyncadd.s32 $0xFFFFE700  }
0x77: {  	[tilespmem:s15], [sflag:$0x1] =	stream.indirect.gather [hbm4b:s2+s14], $0x40, s26, s14, $0xb8;
	[tilespmem:$0x16C40] =	vst v63  }
0x78: {  	s28 =	sadd.s32 $0x68, s26  }
0x79: {  	[tilespmem:s16], [sflag:$0x2] =	stream.indirect.gather [hbm4b:s2+s14], $0x40, s28, s14, $0xb8;
	[tilespmem:$0x16C40] =	vst v63  }
0x7a: {  	s31 =	sadd.s32 $0xD0, s26  }
0x7b: {  	[tilespmem:s17], [sflag:$0x3] =	stream.indirect.gather [hbm4b:s2+s14], $0x40, s31, s14, $0xb8;
	[tilespmem:$0x16C40] =	vst v63  }
0x7c: {  	s29 =	sadd.s32 $0x138, s26  }
0x7d: {  	[tilespmem:s18], [sflag:$0x4] =	stream.indirect.gather [hbm4b:s2+s14], $0x40, s29, s14, $0xb8;
	[tilespmem:$0x16C40] =	vst v63  }
0x7e: {  	s30 =	sadd.s32 $0x1A0, s26  }
0x7f: {  	[tilespmem:s19], [sflag:$0x5] =	stream.indirect.gather [hbm4b:s2+s14], $0x40, s30, s14, $0xb8;
	[tilespmem:$0x16C40] =	vst v63  }
0x80: {  	_ =	swait.ge [sflag:s20], $0x1900  }
0x81: {  	[sflag:s20] =	ssyncset.done $0x0  }
0x82: {  	s31 =	sadd.s32 $0x28A0, s26;
	[sflag:s20] =	ssyncadd.s32 $0xFFFFE700  }
0x83: {  	[spmem:s3] =	stream.indirect.scatter.add.f32 [tilespmem:s15], [sflag:$0x6], $0x40, s31, s14, $0xb8;
	[tilespmem:$0x16C40] =	vst v63  }
0x84: {  	_ =	swait.ge [sflag:s12], $0x1900  }
0x85: {  	[sflag:s12] =	ssyncset.done $0x0  }
0x86: {  	[sflag:s12] =	ssyncadd.s32 $0xFFFFE700  }
0x87: {  	_ =	swait.ge [sflag:s21], $0x1900  }
0x88: {  	[sflag:s21] =	ssyncset.done $0x0  }
0x89: {  	s29 =	sadd.s32 $0x2908, s26;
	[sflag:s21] =	ssyncadd.s32 $0xFFFFE700  }
0x8a: {  	[spmem:s3] =	stream.indirect.scatter.add.f32 [tilespmem:s16], [sflag:$0x6], $0x40, s29, s14, $0xb8;
	[tilespmem:$0x16C40] =	vst v63  }
0x8b: {  	_ =	swait.ge [sflag:s12], $0x1900  }
0x8c: {  	[sflag:s12] =	ssyncset.done $0x0  }
0x8d: {  	[sflag:s12] =	ssyncadd.s32 $0xFFFFE700  }
0x8e: {  	_ =	swait.ge [sflag:s22], $0x1900  }
0x8f: {  	[sflag:s22] =	ssyncset.done $0x0  }
0x90: {  	s30 =	sadd.s32 $0x2970, s26;
	[sflag:s22] =	ssyncadd.s32 $0xFFFFE700  }
0x91: {  	[spmem:s3] =	stream.indirect.scatter.add.f32 [tilespmem:s17], [sflag:$0x6], $0x40, s30, s14, $0xb8;
	[tilespmem:$0x16C40] =	vst v63  }
0x92: {  	_ =	swait.ge [sflag:s12], $0x1900  }
0x93: {  	[sflag:s12] =	ssyncset.done $0x0  }
0x94: {  	[sflag:s12] =	ssyncadd.s32 $0xFFFFE700  }
0x95: {  	_ =	swait.ge [sflag:s23], $0x1900  }
0x96: {  	[sflag:s23] =	ssyncset.done $0x0  }
0x97: {  	s31 =	sadd.s32 $0x29D8, s26;
	[sflag:s23] =	ssyncadd.s32 $0xFFFFE700  }
0x98: {  	[spmem:s3] =	stream.indirect.scatter.add.f32 [tilespmem:s18], [sflag:$0x6], $0x40, s31, s14, $0xb8;
	[tilespmem:$0x16C40] =	vst v63  }
0x99: {  	_ =	swait.ge [sflag:s12], $0x1900  }
0x9a: {  	[sflag:s12] =	ssyncset.done $0x0  }
0x9b: {  	[sflag:s12] =	ssyncadd.s32 $0xFFFFE700  }
0x9c: {  	_ =	swait.ge [sflag:s24], $0x1900  }
0x9d: {  	[sflag:s24] =	ssyncset.done $0x0  }
0x9e: {  	s26 =	sadd.s32 $0x2A40, s26;
	[sflag:s24] =	ssyncadd.s32 $0xFFFFE700  }
0x9f: {  	[spmem:s3] =	stream.indirect.scatter.add.f32 [tilespmem:s19], [sflag:$0x6], $0x40, s26, s14, $0xb8;
	[tilespmem:$0x16C40] =	vst v63  }
0xa0: {  	_ =	swait.ge [sflag:s12], $0x1900  }
0xa1: {  	s25 =	sadd.s32 $0x1, s25;
	[sflag:s12] =	ssyncset.done $0x0  }
0xa2: {  	p0 =	sne.s32 s25, s10;
	[sflag:s12] =	ssyncadd.s32 $0xFFFFE700  }
.Ltmp1:
0xa3: {  	[bflag:$0x0] =	sbarrier.arrive $0xFFFF;
	(pc) =	sbr.rel @p0 .LBB2_1-.Ltmp1, $4  }
0xa4: {  	[hbm:s9], [sflag:s6] =	dma.local [spmem:s11], $0x13C0  }
0xa5: {  	_ =	swait.ge [sflag:s12], $0x13C0  }
0xa6: {  	[sflag:s12] =	ssyncset.done $0x0  }
0xa7: {  	[sflag:s12] =	ssyncadd.s32 $0xFFFFEC40  }
0xa8: {  	_ =	sfence.sel $0x180000  }
0xa9: {  	[bflag:$0x0] =	sbarrier.arrive $0xFFFF  }
0xaa: {  	p0 =	sne.s32 s0, $0x0;
	_ =	strace $0x9000004D  }
0xab: {  	s0 =	sadd.s32 @!p0 $0x100000, s1;
	[bflag:$0x2] =	sbarrier.arrive $0xFFFF  }
0xac: {  	[sflag:s0] =	ssyncadd.tile.s32 @!p0 $0x1;
	_ =	shalt  }
.Lfunc_end2:
_tile_overlayer_lowered:
.L_overlay_start_2:
0xad: {  	(tag) =	ssettag $0x2  }
0xae: {  	s0 =	rddreg [dreg:$0x0];
	s2 =	stileid.u32  }
0xaf: {  	s1 =	rddreg [dreg:$0x1];
	p0 =	sne.s32 s2, $0x0  }
0xb0: {  	s3 =	rddreg [dreg:$0x2];
	[bflag:$0x3] =	sbarrier.arrive $0xFFFF;
	s2 =	simm.s32 @!p0 $0x1C06  }
0xb1: {  	[timem:s3], [sflag:s2] =	dma.local @!p0 [hbm:s0], s1  }
0xb2: {  	s0 =	simm.s32 @!p0 $0x6  }
0xb3: {  	_ =	swait.ge @!p0 [sflag:s0], s1  }
0xb4: {  	s1 =	ssub.s32 @!p0 $0x0, s1;
	[sflag:s0] =	ssyncset.done @!p0 $0x0  }
0xb5: {  	[sflag:s0] =	ssyncadd.s32 @!p0 s1  }
0xb6: {  	[bflag:$0x3] =	sbarrier.arrive $0xFFFF  }
0xb7: {  	_ =	shalt  }

// kernel: kernel.21.cloned.1.call-start
scs
__scs_entry_jumppad:
0x0: {  	(pc) =	sbr.rel $0x88, $3  }
0x1: {  	(tag) =	ssettag $0x0;
	lr =	simm.s32 $0x1  }
0x2: {  	[smem:$0x3F93] =	sst lr;
	_ =	strace $0xD0000000  }
0x3: {  	_ = 	snop  }
0x4: {  	_ = 	snop  }
0x5: {  	_ = 	snop  }
0x6: {  	_ = 	snop  }
0x7: {  	_ = 	snop  }
__scs_overlays_trampoline_lowered:
0x8: {  	[smem:$0x3FA2] =	sst s0  }
0x9: {  	[smem:$0x3FA3] =	sst s1  }
0xa: {  	[smem:$0x3FA4] =	sst s2  }
0xb: {  	[smem:$0x3FA5] =	sst s3  }
0xc: {  	[smem:$0x3FA6] =	sst s4  }
0xd: {  	[smem:$0x3FA7] =	sst s5  }
0xe: {  	[smem:$0x3FA8] =	sst s6  }
0xf: {  	[smem:$0x3FA9] =	sst s7  }
0x10: {  	[smem:$0x3FAA] =	sst s8  }
0x11: {  	[smem:$0x3FAB] =	sst s9;
	s0 =	simm.s32 @!p0 $0x0  }
0x12: {  	s1 =	sld [smem:$0x3F91];
	s0 =	simm.s32 @p0 $0x1  }
0x13: {  	[smem:$0x3FAC] =	sst s0;
	s0 =	simm.s32 @!p1 $0x0  }
0x14: {  	s2 =	sld [smem:$0x3F90];
	s0 =	simm.s32 @p1 $0x1  }
0x15: {  	[smem:$0x3FAD] =	sst s0;
	s0 =	simm.s32 @!p2 $0x0  }
0x16: {  	s3 =	sld [smem:$0x3FDB];
	s0 =	simm.s32 @p2 $0x1  }
0x17: {  	s4 =	simm.s32 $0x1BF5;
	[smem:$0x3FAF] =	sst s0  }
0x18: {  	s0 =	sld [smem:$0x3F92];
	_ =	swait.ge [sflag:s4], $0x0  }
0x19: {  	s7 =	sld [smem:$0x3F93]  }
0x1a: {  	s8 =	sadd.s32 $0xFFFFE003, lr  }
0x1b: {  	s9 =	sadd.s32 $0xFFFFFEF7, lr;
	s5 =	simm.s32 $0xFFFFFFFF;
	p2 =	slt.u32 s8, $0xFFFFF086  }
0x1c: {  	p1 =	slt.u32 s9, $0xF7A;
	s5 =	simm.s32 @!p2 $0x0  }
0x1d: {  	s5 =	simm.s32 @p1 $0x1;
	p0 =	seq.s32 s7, s2  }
0x1e: {  	s7 =	smul.u32 @!p0 $0xF7A, s2;
	p2 =	seq.s32 @!p0 s5, $0x0  }
0x1f: {  	s9 =	smul.u32 $0xF7A, s1;
	s8 =	simm.s32 @!p0 $0x1BF5;
	p2 =	por !p2, p0  }
0x20: {  	[sflag:s8] =	ssyncset.s32 @!p0 $0xFFFFF086;
	s6 =	sadd.s32 @!p0 s3, s7;
	s7 =	simm.s32 @!p0 $0x108  }
0x21: {  	s3 =	sadd.s32 s3, s9;
	s6 =	sadd.s32 @!p0 $0x88, s6;
	s7 =	simm.s32 @p2 $0x1082  }
0x22: {  	[simem:s7], [sflag:s8] =	dma.local @!p0 [hbm:s6], $0xF7A  }
0x23: {  	s9 =	sor.u32 $0xD0000000, s2;
	s6 =	simm.s32 $0x108;
	_ =	swait.ge @!p0 [sflag:s8], $0x0  }
0x24: {  	s3 =	sadd.s32 $0x88, s3;
	s6 =	simm.s32 @!p1 $0x1082;
	[sflag:s4] =	ssyncset.s32 $0xFFFFF086  }
0x25: {  	[simem:s6], [sflag:s4] =	dma.local [hbm:s3], $0xF7A  }
0x26: {  	[smem:$0x3F93] =	sst s1;
	(tag) =	ssettag s2;
	_ =	strace s9  }
0x27: {  	s1 =	sld [smem:$0x3FA3]  }
0x28: {  	s2 =	sld [smem:$0x3FA4]  }
0x29: {  	s4 =	sld [smem:$0x3FA6]  }
0x2a: {  	p0 =	seq.s32 s5, $0x0;
	s5 =	sld [smem:$0x3FA7]  }
0x2b: {  	s6 =	sld [smem:$0x3FA8]  }
0x2c: {  	s7 =	sld [smem:$0x3FA9]  }
0x2d: {  	s3 =	simm.s32 $0x108;
	s8 =	sld [smem:$0x3FAA]  }
0x2e: {  	s3 =	simm.s32 @!p0 $0x1082;
	s9 =	sld [smem:$0x3FAB]  }
0x2f: {  	lr =	sadd.s32 s0, s3;
	s0 =	sld [smem:$0x3FA2]  }
0x30: {  	s3 =	sld [smem:$0x3FA5]  }
0x31: {  	[smem:$0x3FAE] =	sst s10  }
0x32: {  	s10 =	sld [smem:$0x3FAC];
	_ =	sdelay $0x3  }
0x33: {  	p0 =	seq.s32 s10, $0x1;
	s10 =	sld [smem:$0x3FAE];
	_ =	sdelay $0x3  }
0x34: {  	[smem:$0x3FAE] =	sst s10  }
0x35: {  	s10 =	sld [smem:$0x3FAD];
	_ =	sdelay $0x3  }
0x36: {  	p1 =	seq.s32 s10, $0x1;
	s10 =	sld [smem:$0x3FAE];
	_ =	sdelay $0x3  }
0x37: {  	[smem:$0x3FAE] =	sst s10  }
0x38: {  	s10 =	sld [smem:$0x3FAF]  }
0x39: {  	_ = 	snop;
	(pc) =	sbr.ind lr, $3  }
0x3a: {  	_ = 	snop  }
0x3b: {  	_ = 	snop  }
0x3c: {  	p2 =	seq.s32 s10, $0x1;
	s10 =	sld [smem:$0x3FAE]  }
0x3d: {  	_ =	shalt  }
0x3e: {  	_ =	shalt  }
0x3f: {  	_ =	shalt  }
0x40: {  	_ =	shalt  }
0x41: {  	_ =	shalt  }
0x42: {  	_ =	shalt  }
0x43: {  	_ =	shalt  }
0x44: {  	_ =	shalt  }
0x45: {  	_ =	shalt  }
0x46: {  	_ =	shalt  }
0x47: {  	_ =	shalt  }
0x48: {  	_ =	shalt  }
0x49: {  	_ =	shalt  }
0x4a: {  	_ =	shalt  }
0x4b: {  	_ =	shalt  }
0x4c: {  	_ =	shalt  }
0x4d: {  	_ =	shalt  }
0x4e: {  	_ =	shalt  }
0x4f: {  	_ =	shalt  }
0x50: {  	_ =	shalt  }
0x51: {  	_ =	shalt  }
0x52: {  	_ =	shalt  }
0x53: {  	_ =	shalt  }
0x54: {  	_ =	shalt  }
0x55: {  	_ =	shalt  }
0x56: {  	_ =	shalt  }
0x57: {  	_ =	shalt  }
0x58: {  	_ =	shalt  }
0x59: {  	_ =	shalt  }
0x5a: {  	_ =	shalt  }
0x5b: {  	_ =	shalt  }
0x5c: {  	_ =	shalt  }
0x5d: {  	_ =	shalt  }
0x5e: {  	_ =	shalt  }
0x5f: {  	_ =	shalt  }
0x60: {  	_ =	shalt  }
0x61: {  	_ =	shalt  }
0x62: {  	_ =	shalt  }
0x63: {  	_ =	shalt  }
0x64: {  	_ =	shalt  }
0x65: {  	_ =	shalt  }
0x66: {  	_ =	shalt  }
0x67: {  	_ =	shalt  }
0x68: {  	_ =	shalt  }
0x69: {  	_ =	shalt  }
0x6a: {  	_ =	shalt  }
0x6b: {  	_ =	shalt  }
0x6c: {  	_ =	shalt  }
0x6d: {  	_ =	shalt  }
0x6e: {  	_ =	shalt  }
0x6f: {  	_ =	shalt  }
0x70: {  	_ =	shalt  }
0x71: {  	_ =	shalt  }
0x72: {  	_ =	shalt  }
0x73: {  	_ =	shalt  }
0x74: {  	_ =	shalt  }
0x75: {  	_ =	shalt  }
0x76: {  	_ =	shalt  }
0x77: {  	_ =	shalt  }
0x78: {  	_ =	shalt  }
0x79: {  	_ =	shalt  }
0x7a: {  	_ =	shalt  }
0x7b: {  	_ =	shalt  }
0x7c: {  	_ =	shalt  }
0x7d: {  	_ =	shalt  }
0x7e: {  	_ =	shalt  }
0x7f: {  	_ =	shalt  }
0x80: {  	_ =	shalt  }
0x81: {  	_ =	shalt  }
0x82: {  	_ =	shalt  }
0x83: {  	_ =	shalt  }
0x84: {  	_ =	shalt  }
0x85: {  	_ =	shalt  }
0x86: {  	_ =	shalt  }
0x87: {  	_ =	shalt  }
.Lfunc_end0:
.L_simem_size_0:
called_computation.3_lowered:
.L_overlay_start_0:
0x88: {  	s2 =	sld [smem:$0x3FD9]  }
0x89: {  	s3 =	sld [smem:$0x3FFE];
	_ =	sdelay $0x1  }
0x8a: {  	s1 =	srdreg.scid  }
0x8b: {  	s0 =	sand.u32 $0x1, s1  }
0x8c: {  	s15 =	sshll.u32 s0, $0xA;
	s2 =	sadd.s32 s3, s2  }
0x8d: {  	s2 =	sadd.s32 s2, s15  }
0x8e: {  	[smem:$0x3FBA] =	sst s2  }
0x8f: {  	_ = 	snop  }
0x90: {  	s2 =	sld [smem:$0x3FD0];
	_ =	sdelay $0x2  }
0x91: {  	s16 =	simm.s32 $0xB;
	s4 =	simm.s32 $0x10  }
0x92: {  	[smem:s4], [sflag:s16] =	dma.local [hbm:s2], $0x1  }
0x93: {  	_ =	swait.eq [sflag:s16], $0x1  }
0x94: {  	[sflag:s16] =	ssyncset.done $0x0  }
0x95: {  	[sflag:s16] =	ssyncadd.s32 $0xFFFFFFFF  }
0x96: {  	s17 =	sld [smem:$0x10];
	(tm) =	ssettm $0x1  }
0x97: {  	s18 =	sld [smem:$0x3FFB];
	_ =	sdelay $0x3  }
0x98: {  	_ =	strace s18  }
0x99: {  	s2 =	sld [smem:$0x3FFC];
	_ =	sdelay $0x3  }
0x9a: {  	_ =	strace s2  }
0x9b: {  	s2 =	sld [smem:$0x3FFD];
	_ =	sdelay $0x3  }
0x9c: {  	_ =	strace s2  }
0x9d: {  	_ =	strace $0x8FFFFFFF  }
0x9e: {  	s19 =	sld [smem:$0x3FDB];
	_ =	sdelay $0x1  }
0x9f: {  	s20 =	simm.s32 $_scs_section_size  }
0xa0: {  	s5 =	simm.s32 $_size__tile_overlayer_lowered;
	s6 =	simm.s32 $_tile_overlayer_lowered  }
0xa1: {  	s7 =	simm.s32 $0x1BFF;
	s21 =	sshll.u32 s6, $0x1;
	s4 =	sadd.s32 s20, s19  }
0xa2: {  	s22 =	simm.s32 $0x0;
	s5 =	sshll.u32 s5, $0x1;
	s6 =	sadd.s32 s21, s4  }
0xa3: {  	[timem:s22], [sflag:s7] =	dma.local [hbm:s6], s5  }
0xa4: {  	_ =	swait.ge [sflag:s7], s5  }
0xa5: {  	s5 =	ssub.s32 $0x0, s5;
	[sflag:s7] =	ssyncset.done $0x0  }
0xa6: {  	[sflag:s7] =	ssyncadd.s32 s5;
	_ =	sdelay $0x1  }
0xa7: {  	s23 =	simm.s32 $0x1B8B  }
0xa8: {  	_ =	swait.ge [sflag:s23], $0x1  }
0xa9: {  	[sflag:s23] =	ssyncset.done $0x0  }
0xaa: {  	[sflag:s23] =	ssyncadd.s32 $0xFFFFFFFF  }
0xab: {  	s5 =	sld [smem:$0x0]  }
0xac: {  	s6 =	sand.u32 $0xFFFFFFFE, s1  }
0xad: {  	p0 =	sne.s32 s1, s6  }
0xae: {  	s6 =	sshll.u32 @p0 s6, $0xE  }
0xaf: {  	s6 =	sadd.s32 @p0 $0x11B8D, s6;
	s7 =	sshll.u32 @p0 s5, $0x11  }
0xb0: {  	s6 =	sor.u32 @p0 s7, s6  }
0xb1: {  	[sflag:s6] =	ssyncadd.remote.s32 @p0 $0x1;
	_ =	sdelay $0x1  }
0xb2: {  	s6 =	simm.s32 @p0 $0x1B8D  }
0xb3: {  	_ =	swait.eq @p0 [sflag:s6], $0x1  }
0xb4: {  	[sflag:s6] =	ssyncadd.s32 @p0 $0xFFFFFFFF  }
0xb5: {  	s7 =	sshll.u32 @!p0 s1, $0xE  }
0xb6: {  	s7 =	sor.u32 @!p0 $0x4000, s7;
	s6 =	simm.s32 @!p0 $0x1B8D  }
0xb7: {  	s5 =	sshll.u32 @!p0 s5, $0x11;
	s7 =	sadd.s32 @!p0 $0x11B8D, s7;
	_ =	swait.eq @!p0 [sflag:s6], $0x1  }
0xb8: {  	s5 =	sor.u32 @!p0 s5, s7;
	[sflag:s6] =	ssyncadd.s32 @!p0 $0xFFFFFFFF  }
0xb9: {  	s25 =	simm.s32 $0x1B8E;
	s24 =	sld [smem:$0x3FFE];
	[sflag:s5] =	ssyncadd.remote.s32 @!p0 $0x1  }
0xba: {  	s26 =	simm.s32 $execute0_lowered;
	[smem:$0x3FD2] =	sst s25  }
0xbb: {  	s6 =	sshll.u32 s26, $0x1;
	_ =	strace $0x80000052;
	[dreg:$0x1] =	wrdreg $0xFFFFFFFF  }
0xbc: {  	s28 =	simm.s32 $_size_execute0_lowered;
	s4 =	sadd.s32 s4, s6;
	[dreg:$0x0] =	wrdreg $0x0  }
0xbd: {  	s6 =	sshll.u32 s28, $0x1;
	[dreg:$0x2] =	wrdreg s4  }
0xbe: {  	[dreg:$0x3] =	wrdreg s6  }
0xbf: {  	[dreg:$0x4] =	wrdreg $0xC0  }
0xc0: {  	_ =	task [dreg:s22], $0x5FFFF  }
0xc1: {  	[dreg:$0x1] =	wrdreg $0xFFFFFFFF  }
0xc2: {  	[dreg:$0x0] =	wrdreg $0x60  }
0xc3: {  	[dreg:$0x2] =	wrdreg s24  }
0xc4: {  	[dreg:$0x3] =	wrdreg s17  }
0xc5: {  	[dreg:$0x4] =	wrdreg $0x9  }
0xc6: {  	_ =	task.clear_ibuf [dreg:s22], $0x5FFFF;
	_ =	strace $0x90000052  }
0xc7: {  	s29 =	simm.s32 $0x9;
	_ =	strace $0x80000054  }
0xc8: {  	_ =	swait.ge [sflag:s29], $0x1  }
0xc9: {  	[sflag:s29] =	ssyncadd.s32 $0xFFFFFFFF  }
0xca: {  	_ =	strace $0x90000054  }
0xcb: {  	_ =	sfence  }
0xcc: {  	s30 =	sld [smem:$0x0];
	_ =	sdelay $0x2  }
0xcd: {  	s31 =	sshll.u32 s1, $0xD;
	s1 =	sshrl.u32 s1, $0x2  }
0xce: {  	s4 =	sand.u32 $0x4000, s31;
	s1 =	sadd.s32 s1, s30  }
0xcf: {  	s0 =	sor.u32 s4, s0;
	s1 =	sshll.u32 s1, $0x11  }
0xd0: {  	s0 =	sor.u32 s1, s0  }
0xd1: {  	s0 =	sadd.s32 $0x8F2B, s0  }
0xd2: {  	[sflag:s0] =	ssyncadd.remote.s32 $0x1  }
0xd3: {  	_ =	sfence.sel $0xFFFF  }
0xd4: {  	[dreg:$0x0] =	wrdreg $0xFFFFFFFF;
	(pc) =	sbr.abs _section_cstart, $3  }
0xd5: {  	[dreg:$0x1] =	wrdreg $0xFFFFFFFF  }
0xd6: {  	_ =	task.clear_ibuf [dreg:s22], $0x2FFFF;
	_ =	strace $0x9FFFFFFF  }
0xd7: {  	(tm) =	ssettm $0x7FFFFFFF  }
tec
execute0_lowered:
.L_overlay_start_1:
0x0: {  	(tag) =	ssettag $0x1  }
0x1: {  	s0 =	srdreg.scid;
	s1 =	rddreg [dreg:$0x0]  }
0x2: {  	s2 =	rddreg [dreg:$0x1];
	s8 =	stileid.u32  }
0x3: {  	s3 =	simm.s32 $0x0;
	s9 =	simm.s32 $0x12;
	s11 =	simm.s32 $0x50  }
0x4: {  	s12 =	simm.s32 $0x5000;
	s13 =	simm.s32 $0x7800;
	s14 =	simm.s32 $0xA000  }
0x5: {  	s15 =	simm.s32 $0xC800;
	s16 =	simm.s32 $0xF000;
	s17 =	simm.s32 $0x1  }
0x6: {  	s18 =	simm.s32 $0x2;
	s19 =	simm.s32 $0x3;
	s20 =	simm.s32 $0x4  }
0x7: {  	s21 =	simm.s32 $0x5;
	s22 =	simm.s32 $0x9;
	s23 =	simm.s32 $0xA  }
0x8: {  	s24 =	simm.s32 $0xB;
	s25 =	simm.s32 $0xC;
	s0 =	sand.u32 $0x1, s0  }
0x9: {  	s26 =	simm.s32 $0xD;
	s28 =	simm.s32 $0x11;
	s4 =	sshll.u32 s0, $0x4  }
0xa: {  	s5 =	smul.u32 $0x177000, s0;
	s0 =	ssub.s32 $0x2, s0;
	s4 =	sor.u32 s8, s4  }
0xb: {  	s29 =	simm.s32 $0x0;
	s7 =	sshrl.u32 s0, $0x1;
	s4 =	smul.u32 $0x500, s4  }
0xc: {  	[smem:$0x7FF] =	sst s3;
	s8 =	smul.u32 $0x17700, s8;
	s0 =	ssub.s32 s0, s7  }
0xd: {  	s6 =	sadd.s32 s4, s1;
	s4 =	sadd.s32 $0x2A00, s1;
	s1 =	sadd.s32 s5, s1  }
0xe: {  	_ =	strace $0x80000053;
	s7 =	smax.u32 s0, $0x1;
	s31 =	sadd.s32 s8, s1  }
0xf: {  	s5 =	sadd.s32 $0x34200, s6;
	s6 =	sadd.s32 $0x2A200, s6;
	s8 =	sadd.s32 $0x23B000, s31  }
.LBB2_1:
0x10: {  	[tilespmem:s3], [sflag:$0x12] =	stream.linear.gather [hbm4b:s5+s3], $0x2580, $0x38;
	[tilespmem:$0x11800] =	vst v63  }
0x11: {  	_ =	swait.ge [sflag:s9], $0x2580  }
0x12: {  	[sflag:s9] =	ssyncset.done $0x0  }
0x13: {  	s0 =	simm.s32 $0x2800;
	[sflag:s9] =	ssyncadd.s32 $0xFFFFDA80  }
0x14: {  	[tilespmem:s0], [sflag:$0x12] =	stream.linear.gather [hbm4b:s6+s3], $0x2580, $0x38;
	[tilespmem:$0x11800] =	vst v63  }
0x15: {  	_ =	swait.ge [sflag:s9], $0x2580  }
0x16: {  	[sflag:s9] =	ssyncset.done $0x0  }
0x17: {  	s1 =	simm.s32 $0x0;
	[sflag:s9] =	ssyncadd.s32 $0xFFFFDA80  }
0x18: {  	[tilespmem:s12], [sflag:$0x1] =	stream.indirect.gather [hbm4b:s2+s11], $0x80, s1, s11, $0xb8;
	[tilespmem:$0x11800] =	vst v63  }
0x19: {  	s10 =	simm.s32 $0x80  }
0x1a: {  	[tilespmem:s13], [sflag:$0x2] =	stream.indirect.gather [hbm4b:s2+s11], $0x80, s10, s11, $0xb8;
	[tilespmem:$0x11800] =	vst v63  }
0x1b: {  	s1 =	simm.s32 $0x100  }
0x1c: {  	[tilespmem:s14], [sflag:$0x3] =	stream.indirect.gather [hbm4b:s2+s11], $0x80, s1, s11, $0xb8;
	[tilespmem:$0x11800] =	vst v63  }
0x1d: {  	s10 =	simm.s32 $0x180  }
0x1e: {  	[tilespmem:s15], [sflag:$0x4] =	stream.indirect.gather [hbm4b:s2+s11], $0x80, s10, s11, $0xb8;
	[tilespmem:$0x11800] =	vst v63  }
0x1f: {  	s1 =	simm.s32 $0x200  }
0x20: {  	[tilespmem:s16], [sflag:$0x5] =	stream.indirect.gather [hbm4b:s2+s11], $0x80, s1, s11, $0xb8;
	[tilespmem:$0x11800] =	vst v63  }
0x21: {  	_ =	swait.ge [sflag:s17], $0x2800  }
0x22: {  	[sflag:s17] =	ssyncset.done $0x0  }
0x23: {  	s10 =	simm.s32 $0x2800;
	[sflag:s17] =	ssyncadd.s32 $0xFFFFD800  }
0x24: {  	[tilespmem:s12], [sflag:$0x9] =	stream.indirect.gather.add.f32 [hbm:s4], $0x80, s10, s11, $0xb8;
	[tilespmem:$0x11800] =	vst v63  }
0x25: {  	_ =	swait.ge [sflag:s18], $0x2800  }
0x26: {  	[sflag:s18] =	ssyncset.done $0x0  }
0x27: {  	s1 =	simm.s32 $0x2880;
	[sflag:s18] =	ssyncadd.s32 $0xFFFFD800  }
0x28: {  	[tilespmem:s13], [sflag:$0xA] =	stream.indirect.gather.add.f32 [hbm:s4], $0x80, s1, s11, $0xb8;
	[tilespmem:$0x11800] =	vst v63  }
0x29: {  	_ =	swait.ge [sflag:s19], $0x2800  }
0x2a: {  	[sflag:s19] =	ssyncset.done $0x0  }
0x2b: {  	s10 =	simm.s32 $0x2900;
	[sflag:s19] =	ssyncadd.s32 $0xFFFFD800  }
0x2c: {  	[tilespmem:s14], [sflag:$0xB] =	stream.indirect.gather.add.f32 [hbm:s4], $0x80, s10, s11, $0xb8;
	[tilespmem:$0x11800] =	vst v63  }
0x2d: {  	_ =	swait.ge [sflag:s20], $0x2800  }
0x2e: {  	[sflag:s20] =	ssyncset.done $0x0  }
0x2f: {  	s1 =	simm.s32 $0x2980;
	[sflag:s20] =	ssyncadd.s32 $0xFFFFD800  }
0x30: {  	[tilespmem:s15], [sflag:$0xC] =	stream.indirect.gather.add.f32 [hbm:s4], $0x80, s1, s11, $0xb8;
	[tilespmem:$0x11800] =	vst v63  }
0x31: {  	_ =	swait.ge [sflag:s21], $0x2800  }
0x32: {  	[sflag:s21] =	ssyncset.done $0x0  }
0x33: {  	s10 =	simm.s32 $0x2A00;
	[sflag:s21] =	ssyncadd.s32 $0xFFFFD800  }
0x34: {  	[tilespmem:s16], [sflag:$0xD] =	stream.indirect.gather.add.f32 [hbm:s4], $0x80, s10, s11, $0xb8;
	[tilespmem:$0x11800] =	vst v63  }
0x35: {  	_ =	swait.ge [sflag:s22], $0x2800  }
0x36: {  	[sflag:s22] =	ssyncset.done $0x0  }
0x37: {  	[sflag:s22] =	ssyncadd.s32 $0xFFFFD800  }
0x38: {  	[hbm4b:s8+s3] =	stream.linear.scatter [tilespmem:s12], [sflag:$0x11], $0x2800, $0x38;
	[tilespmem:$0x11800] =	vst v63  }
0x39: {  	_ =	swait.ge [sflag:s23], $0x2800  }
0x3a: {  	[sflag:s23] =	ssyncset.done $0x0  }
0x3b: {  	s1 =	sadd.s32 $0x500, s8;
	[sflag:s23] =	ssyncadd.s32 $0xFFFFD800  }
0x3c: {  	[hbm4b:s1+s3] =	stream.linear.scatter [tilespmem:s13], [sflag:$0x11], $0x2800, $0x38;
	[tilespmem:$0x11800] =	vst v63  }
0x3d: {  	_ =	swait.ge [sflag:s24], $0x2800  }
0x3e: {  	[sflag:s24] =	ssyncset.done $0x0  }
0x3f: {  	s10 =	sadd.s32 $0xA00, s8;
	[sflag:s24] =	ssyncadd.s32 $0xFFFFD800  }
0x40: {  	[hbm4b:s10+s3] =	stream.linear.scatter [tilespmem:s14], [sflag:$0x11], $0x2800, $0x38;
	[tilespmem:$0x11800] =	vst v63  }
0x41: {  	_ =	swait.ge [sflag:s25], $0x2800  }
0x42: {  	[sflag:s25] =	ssyncset.done $0x0  }
0x43: {  	s1 =	sadd.s32 $0xF00, s8;
	[sflag:s25] =	ssyncadd.s32 $0xFFFFD800  }
0x44: {  	[hbm4b:s1+s3] =	stream.linear.scatter [tilespmem:s15], [sflag:$0x11], $0x2800, $0x38;
	[tilespmem:$0x11800] =	vst v63  }
0x45: {  	_ =	swait.ge [sflag:s26], $0x2800  }
0x46: {  	[sflag:s26] =	ssyncset.done $0x0  }
0x47: {  	s10 =	sadd.s32 $0x1400, s8;
	[sflag:s26] =	ssyncadd.s32 $0xFFFFD800  }
0x48: {  	[hbm4b:s10+s3] =	stream.linear.scatter [tilespmem:s16], [sflag:$0x11], $0x2800, $0x38;
	[tilespmem:$0x11800] =	vst v63  }
0x49: {  	_ =	swait.ge [sflag:s28], $0x2800  }
0x4a: {  	[sflag:s28] =	ssyncset.done $0x0  }
0x4b: {  	[sflag:s28] =	ssyncadd.s32 $0xFFFFD800  }
0x4c: {  	_ =	swait.ge [sflag:s28], $0x2800  }
0x4d: {  	[sflag:s28] =	ssyncset.done $0x0  }
0x4e: {  	[sflag:s28] =	ssyncadd.s32 $0xFFFFD800  }
0x4f: {  	_ =	swait.ge [sflag:s28], $0x2800  }
0x50: {  	[sflag:s28] =	ssyncset.done $0x0  }
0x51: {  	[sflag:s28] =	ssyncadd.s32 $0xFFFFD800  }
0x52: {  	_ =	swait.ge [sflag:s28], $0x2800  }
0x53: {  	[sflag:s28] =	ssyncset.done $0x0  }
0x54: {  	[sflag:s28] =	ssyncadd.s32 $0xFFFFD800  }
0x55: {  	s31 =	simm.s32 $0xA00;
	_ =	swait.ge [sflag:s28], $0x2800  }
0x56: {  	s30 =	sadd.s32 $0x1900, s8;
	s0 =	simm.s32 $0x1400;
	[sflag:s28] =	ssyncset.done $0x0  }
.LBB2_2:
0x57: {  	s1 =	sshra.s32 s31, $0x2  }
0x58: {  	[sflag:s28] =	ssyncadd.s32 $0xFFFFD800;
	s31 =	smov.u32 s0;
	s10 =	sadd.s32 $0xA00, s0  }
0x59: {  	[tilespmem:s12], [sflag:$0x1] =	stream.indirect.gather [hbm4b:s2+s11], $0x80, s1, s11, $0xb8;
	[tilespmem:$0x11800] =	vst v63  }
0x5a: {  	p0 =	sne.s32 s0, $0x8C00;
	s0 =	sadd.s32 $0x80, s1  }
0x5b: {  	[tilespmem:s13], [sflag:$0x2] =	stream.indirect.gather [hbm4b:s2+s11], $0x80, s0, s11, $0xb8;
	[tilespmem:$0x11800] =	vst v63  }
0x5c: {  	s0 =	sadd.s32 $0x100, s1  }
0x5d: {  	[tilespmem:s14], [sflag:$0x3] =	stream.indirect.gather [hbm4b:s2+s11], $0x80, s0, s11, $0xb8;
	[tilespmem:$0x11800] =	vst v63  }
0x5e: {  	s0 =	sadd.s32 $0x180, s1  }
0x5f: {  	[tilespmem:s15], [sflag:$0x4] =	stream.indirect.gather [hbm4b:s2+s11], $0x80, s0, s11, $0xb8;
	[tilespmem:$0x11800] =	vst v63  }
0x60: {  	s0 =	sadd.s32 $0x200, s1  }
0x61: {  	[tilespmem:s16], [sflag:$0x5] =	stream.indirect.gather [hbm4b:s2+s11], $0x80, s0, s11, $0xb8;
	[tilespmem:$0x11800] =	vst v63  }
0x62: {  	_ =	swait.ge [sflag:s17], $0x2800  }
0x63: {  	[sflag:s17] =	ssyncset.done $0x0  }
0x64: {  	s0 =	sadd.s32 $0x2800, s1;
	[sflag:s17] =	ssyncadd.s32 $0xFFFFD800  }
0x65: {  	[tilespmem:s12], [sflag:$0x9] =	stream.indirect.gather.add.f32 [hbm:s4], $0x80, s0, s11, $0xb8;
	[tilespmem:$0x11800] =	vst v63  }
0x66: {  	_ =	swait.ge [sflag:s18], $0x2800  }
0x67: {  	[sflag:s18] =	ssyncset.done $0x0  }
0x68: {  	s0 =	sadd.s32 $0x2880, s1;
	[sflag:s18] =	ssyncadd.s32 $0xFFFFD800  }
0x69: {  	[tilespmem:s13], [sflag:$0xA] =	stream.indirect.gather.add.f32 [hbm:s4], $0x80, s0, s11, $0xb8;
	[tilespmem:$0x11800] =	vst v63  }
0x6a: {  	_ =	swait.ge [sflag:s19], $0x2800  }
0x6b: {  	[sflag:s19] =	ssyncset.done $0x0  }
0x6c: {  	s0 =	sadd.s32 $0x2900, s1;
	[sflag:s19] =	ssyncadd.s32 $0xFFFFD800  }
0x6d: {  	[tilespmem:s14], [sflag:$0xB] =	stream.indirect.gather.add.f32 [hbm:s4], $0x80, s0, s11, $0xb8;
	[tilespmem:$0x11800] =	vst v63  }
0x6e: {  	_ =	swait.ge [sflag:s20], $0x2800  }
0x6f: {  	[sflag:s20] =	ssyncset.done $0x0  }
0x70: {  	s0 =	sadd.s32 $0x2980, s1;
	[sflag:s20] =	ssyncadd.s32 $0xFFFFD800  }
0x71: {  	[tilespmem:s15], [sflag:$0xC] =	stream.indirect.gather.add.f32 [hbm:s4], $0x80, s0, s11, $0xb8;
	[tilespmem:$0x11800] =	vst v63  }
0x72: {  	_ =	swait.ge [sflag:s21], $0x2800  }
0x73: {  	[sflag:s21] =	ssyncset.done $0x0  }
0x74: {  	s0 =	sadd.s32 $0x2A00, s1;
	[sflag:s21] =	ssyncadd.s32 $0xFFFFD800  }
0x75: {  	[tilespmem:s16], [sflag:$0xD] =	stream.indirect.gather.add.f32 [hbm:s4], $0x80, s0, s11, $0xb8;
	[tilespmem:$0x11800] =	vst v63  }
0x76: {  	_ =	swait.ge [sflag:s22], $0x2800  }
0x77: {  	[sflag:s22] =	ssyncset.done $0x0  }
0x78: {  	[sflag:s22] =	ssyncadd.s32 $0xFFFFD800  }
0x79: {  	[hbm4b:s30+s3] =	stream.linear.scatter [tilespmem:s12], [sflag:$0x11], $0x2800, $0x38;
	[tilespmem:$0x11800] =	vst v63  }
0x7a: {  	_ =	swait.ge [sflag:s23], $0x2800  }
0x7b: {  	[sflag:s23] =	ssyncset.done $0x0  }
0x7c: {  	s0 =	sadd.s32 $0x500, s30;
	[sflag:s23] =	ssyncadd.s32 $0xFFFFD800  }
0x7d: {  	[hbm4b:s0+s3] =	stream.linear.scatter [tilespmem:s13], [sflag:$0x11], $0x2800, $0x38;
	[tilespmem:$0x11800] =	vst v63  }
0x7e: {  	_ =	swait.ge [sflag:s24], $0x2800  }
0x7f: {  	[sflag:s24] =	ssyncset.done $0x0  }
0x80: {  	s0 =	sadd.s32 $0xA00, s30;
	[sflag:s24] =	ssyncadd.s32 $0xFFFFD800  }
0x81: {  	[hbm4b:s0+s3] =	stream.linear.scatter [tilespmem:s14], [sflag:$0x11], $0x2800, $0x38;
	[tilespmem:$0x11800] =	vst v63  }
0x82: {  	_ =	swait.ge [sflag:s25], $0x2800  }
0x83: {  	[sflag:s25] =	ssyncset.done $0x0  }
0x84: {  	s0 =	sadd.s32 $0xF00, s30;
	[sflag:s25] =	ssyncadd.s32 $0xFFFFD800  }
0x85: {  	[hbm4b:s0+s3] =	stream.linear.scatter [tilespmem:s15], [sflag:$0x11], $0x2800, $0x38;
	[tilespmem:$0x11800] =	vst v63  }
0x86: {  	_ =	swait.ge [sflag:s26], $0x2800  }
0x87: {  	[sflag:s26] =	ssyncset.done $0x0  }
0x88: {  	s0 =	sadd.s32 $0x1400, s30;
	[sflag:s26] =	ssyncadd.s32 $0xFFFFD800  }
0x89: {  	[hbm4b:s0+s3] =	stream.linear.scatter [tilespmem:s16], [sflag:$0x11], $0x2800, $0x38;
	[tilespmem:$0x11800] =	vst v63  }
0x8a: {  	_ =	swait.ge [sflag:s28], $0x2800  }
0x8b: {  	[sflag:s28] =	ssyncset.done $0x0  }
0x8c: {  	[sflag:s28] =	ssyncadd.s32 $0xFFFFD800  }
0x8d: {  	_ =	swait.ge [sflag:s28], $0x2800  }
0x8e: {  	[sflag:s28] =	ssyncset.done $0x0  }
0x8f: {  	[sflag:s28] =	ssyncadd.s32 $0xFFFFD800  }
0x90: {  	_ =	swait.ge [sflag:s28], $0x2800  }
0x91: {  	[sflag:s28] =	ssyncset.done $0x0  }
0x92: {  	[sflag:s28] =	ssyncadd.s32 $0xFFFFD800  }
.Ltmp0:
0x93: {  	_ =	swait.ge [sflag:s28], $0x2800;
	(pc) =	sbr.rel @p0 .LBB2_2-.Ltmp0, $4  }
0x94: {  	[sflag:s28] =	ssyncset.done $0x0  }
0x95: {  	[sflag:s28] =	ssyncadd.s32 $0xFFFFD800  }
0x96: {  	_ =	swait.ge [sflag:s28], $0x2800  }
0x97: {  	s30 =	sadd.s32 $0x1900, s30;
	s0 =	smov.u32 s10;
	[sflag:s28] =	ssyncset.done $0x0  }
0x98: {  	s0 =	sshra.s32 s31, $0x2;
	[sflag:s28] =	ssyncadd.s32 $0xFFFFD800  }
0x99: {  	[tilespmem:s12], [sflag:$0x1] =	stream.indirect.gather [hbm4b:s2+s11], $0x80, s0, s11, $0xb8;
	[tilespmem:$0x11800] =	vst v63  }
0x9a: {  	s1 =	sadd.s32 $0x80, s0  }
0x9b: {  	[tilespmem:s13], [sflag:$0x2] =	stream.indirect.gather [hbm4b:s2+s11], $0x80, s1, s11, $0xb8;
	[tilespmem:$0x11800] =	vst v63  }
0x9c: {  	s10 =	sadd.s32 $0x100, s0  }
0x9d: {  	[tilespmem:s14], [sflag:$0x3] =	stream.indirect.gather [hbm4b:s2+s11], $0x80, s10, s11, $0xb8;
	[tilespmem:$0x11800] =	vst v63  }
0x9e: {  	s31 =	sadd.s32 $0x180, s0  }
0x9f: {  	[tilespmem:s15], [sflag:$0x4] =	stream.indirect.gather [hbm4b:s2+s11], $0x80, s31, s11, $0xb8;
	[tilespmem:$0x11800] =	vst v63  }
0xa0: {  	s10 =	sadd.s32 $0x200, s0  }
0xa1: {  	[tilespmem:s16], [sflag:$0x5] =	stream.indirect.gather [hbm4b:s2+s11], $0x80, s10, s11, $0xb8;
	[tilespmem:$0x11800] =	vst v63  }
0xa2: {  	_ =	swait.ge [sflag:s17], $0x2800  }
0xa3: {  	[sflag:s17] =	ssyncset.done $0x0  }
0xa4: {  	s31 =	sadd.s32 $0x2800, s0;
	[sflag:s17] =	ssyncadd.s32 $0xFFFFD800  }
0xa5: {  	[tilespmem:s12], [sflag:$0x9] =	stream.indirect.gather.add.f32 [hbm:s4], $0x80, s31, s11, $0xb8;
	[tilespmem:$0x11800] =	vst v63  }
0xa6: {  	_ =	swait.ge [sflag:s18], $0x2800  }
0xa7: {  	[sflag:s18] =	ssyncset.done $0x0  }
0xa8: {  	s10 =	sadd.s32 $0x2880, s0;
	[sflag:s18] =	ssyncadd.s32 $0xFFFFD800  }
0xa9: {  	[tilespmem:s13], [sflag:$0xA] =	stream.indirect.gather.add.f32 [hbm:s4], $0x80, s10, s11, $0xb8;
	[tilespmem:$0x11800] =	vst v63  }
0xaa: {  	_ =	swait.ge [sflag:s19], $0x2800  }
0xab: {  	[sflag:s19] =	ssyncset.done $0x0  }
0xac: {  	s31 =	sadd.s32 $0x2900, s0;
	[sflag:s19] =	ssyncadd.s32 $0xFFFFD800  }
0xad: {  	[tilespmem:s14], [sflag:$0xB] =	stream.indirect.gather.add.f32 [hbm:s4], $0x80, s31, s11, $0xb8;
	[tilespmem:$0x11800] =	vst v63  }
0xae: {  	_ =	swait.ge [sflag:s20], $0x2800  }
0xaf: {  	[sflag:s20] =	ssyncset.done $0x0  }
0xb0: {  	s10 =	sadd.s32 $0x2980, s0;
	[sflag:s20] =	ssyncadd.s32 $0xFFFFD800  }
0xb1: {  	[tilespmem:s15], [sflag:$0xC] =	stream.indirect.gather.add.f32 [hbm:s4], $0x80, s10, s11, $0xb8;
	[tilespmem:$0x11800] =	vst v63  }
0xb2: {  	_ =	swait.ge [sflag:s21], $0x2800  }
0xb3: {  	[sflag:s21] =	ssyncset.done $0x0  }
0xb4: {  	s0 =	sadd.s32 $0x2A00, s0;
	[sflag:s21] =	ssyncadd.s32 $0xFFFFD800  }
0xb5: {  	[tilespmem:s16], [sflag:$0xD] =	stream.indirect.gather.add.f32 [hbm:s4], $0x80, s0, s11, $0xb8;
	[tilespmem:$0x11800] =	vst v63  }
0xb6: {  	_ =	swait.ge [sflag:s22], $0x2800  }
0xb7: {  	[sflag:s22] =	ssyncset.done $0x0  }
0xb8: {  	[sflag:s22] =	ssyncadd.s32 $0xFFFFD800  }
0xb9: {  	[hbm4b:s30+s3] =	stream.linear.scatter [tilespmem:s12], [sflag:$0x11], $0x2800, $0x38;
	[tilespmem:$0x11800] =	vst v63  }
0xba: {  	_ =	swait.ge [sflag:s23], $0x2800  }
0xbb: {  	[sflag:s23] =	ssyncset.done $0x0  }
0xbc: {  	s31 =	sadd.s32 $0x500, s30;
	[sflag:s23] =	ssyncadd.s32 $0xFFFFD800  }
0xbd: {  	[hbm4b:s31+s3] =	stream.linear.scatter [tilespmem:s13], [sflag:$0x11], $0x2800, $0x38;
	[tilespmem:$0x11800] =	vst v63  }
0xbe: {  	_ =	swait.ge [sflag:s24], $0x2800  }
0xbf: {  	[sflag:s24] =	ssyncset.done $0x0  }
0xc0: {  	s1 =	sadd.s32 $0xA00, s30;
	[sflag:s24] =	ssyncadd.s32 $0xFFFFD800  }
0xc1: {  	[hbm4b:s1+s3] =	stream.linear.scatter [tilespmem:s14], [sflag:$0x11], $0x2800, $0x38;
	[tilespmem:$0x11800] =	vst v63  }
0xc2: {  	_ =	swait.ge [sflag:s25], $0x2800  }
0xc3: {  	[sflag:s25] =	ssyncset.done $0x0  }
0xc4: {  	s10 =	sadd.s32 $0xF00, s30;
	[sflag:s25] =	ssyncadd.s32 $0xFFFFD800  }
0xc5: {  	[hbm4b:s10+s3] =	stream.linear.scatter [tilespmem:s15], [sflag:$0x11], $0x2800, $0x38;
	[tilespmem:$0x11800] =	vst v63  }
0xc6: {  	_ =	swait.ge [sflag:s26], $0x2800  }
0xc7: {  	[sflag:s26] =	ssyncset.done $0x0  }
0xc8: {  	s31 =	sadd.s32 $0x1400, s30;
	[sflag:s26] =	ssyncadd.s32 $0xFFFFD800  }
0xc9: {  	[hbm4b:s31+s3] =	stream.linear.scatter [tilespmem:s16], [sflag:$0x11], $0x2800, $0x38;
	[tilespmem:$0x11800] =	vst v63  }
0xca: {  	_ =	swait.ge [sflag:s28], $0x2800  }
0xcb: {  	[sflag:s28] =	ssyncset.done $0x0  }
0xcc: {  	[sflag:s28] =	ssyncadd.s32 $0xFFFFD800  }
0xcd: {  	_ =	swait.ge [sflag:s28], $0x2800  }
0xce: {  	[sflag:s28] =	ssyncset.done $0x0  }
0xcf: {  	[sflag:s28] =	ssyncadd.s32 $0xFFFFD800  }
0xd0: {  	_ =	swait.ge [sflag:s28], $0x2800  }
0xd1: {  	[sflag:s28] =	ssyncset.done $0x0  }
0xd2: {  	s29 =	sadd.s32 $0x1, s29;
	[sflag:s28] =	ssyncadd.s32 $0xFFFFD800  }
0xd3: {  	p0 =	sne.s32 s29, s7;
	_ =	swait.ge [sflag:s28], $0x2800  }
.Ltmp1:
0xd4: {  	[sflag:s28] =	ssyncset.done $0x0;
	(pc) =	sbr.rel @p0 .LBB2_1-.Ltmp1, $4  }
0xd5: {  	[sflag:s28] =	ssyncadd.s32 $0xFFFFD800  }
0xd6: {  	_ =	swait.ge [sflag:s28], $0x2800  }
0xd7: {  	[sflag:s28] =	ssyncset.done $0x0  }
0xd8: {  	[sflag:s28] =	ssyncadd.s32 $0xFFFFD800  }
0xd9: {  	_ =	sfence.sel $0x180000  }
0xda: {  	[bflag:$0x0] =	sbarrier.arrive $0xFFFF  }
0xdb: {  	_ =	strace $0x90000053  }
0xdc: {  	s0 =	stileid.u32;
	[bflag:$0x2] =	sbarrier.arrive $0xFFFF  }
0xdd: {  	p0 =	sne.s32 s0, $0x0;
	s0 =	rddreg [dreg:$0x2]  }
0xde: {  	s0 =	sadd.s32 @!p0 $0x100000, s0  }
0xdf: {  	[sflag:s0] =	ssyncadd.tile.s32 @!p0 $0x1;
	_ =	shalt  }
.Lfunc_end2:
_tile_overlayer_lowered:
.L_overlay_start_2:
0xe0: {  	(tag) =	ssettag $0x2  }
0xe1: {  	s0 =	rddreg [dreg:$0x0];
	s2 =	stileid.u32  }
0xe2: {  	s1 =	rddreg [dreg:$0x1];
	p0 =	sne.s32 s2, $0x0  }
0xe3: {  	s3 =	rddreg [dreg:$0x2];
	[bflag:$0x3] =	sbarrier.arrive $0xFFFF;
	s2 =	simm.s32 @!p0 $0x1C12  }
0xe4: {  	[timem:s3], [sflag:s2] =	dma.local @!p0 [hbm:s0], s1  }
0xe5: {  	s0 =	simm.s32 @!p0 $0x12  }
0xe6: {  	_ =	swait.ge @!p0 [sflag:s0], s1  }
0xe7: {  	s1 =	ssub.s32 @!p0 $0x0, s1;
	[sflag:s0] =	ssyncset.done @!p0 $0x0  }
0xe8: {  	[sflag:s0] =	ssyncadd.s32 @!p0 s1  }
0xe9: {  	[bflag:$0x3] =	sbarrier.arrive $0xFFFF  }
0xea: {  	_ =	shalt  }

// kernel: kernel.24.cloned.1.call-start
scs
__scs_entry_jumppad:
0x0: {  	(pc) =	sbr.rel $0x88, $3  }
0x1: {  	(tag) =	ssettag $0x0;
	lr =	simm.s32 $0x1  }
0x2: {  	[smem:$0x3F93] =	sst lr;
	_ =	strace $0xD0000000  }
0x3: {  	_ = 	snop  }
0x4: {  	_ = 	snop  }
0x5: {  	_ = 	snop  }
0x6: {  	_ = 	snop  }
0x7: {  	_ = 	snop  }
__scs_overlays_trampoline_lowered:
0x8: {  	[smem:$0x3FA2] =	sst s0  }
0x9: {  	[smem:$0x3FA3] =	sst s1  }
0xa: {  	[smem:$0x3FA4] =	sst s2  }
0xb: {  	[smem:$0x3FA5] =	sst s3  }
0xc: {  	[smem:$0x3FA6] =	sst s4  }
0xd: {  	[smem:$0x3FA7] =	sst s5  }
0xe: {  	[smem:$0x3FA8] =	sst s6  }
0xf: {  	[smem:$0x3FA9] =	sst s7  }
0x10: {  	[smem:$0x3FAA] =	sst s8  }
0x11: {  	[smem:$0x3FAB] =	sst s9;
	s0 =	simm.s32 @!p0 $0x0  }
0x12: {  	s1 =	sld [smem:$0x3F91];
	s0 =	simm.s32 @p0 $0x1  }
0x13: {  	[smem:$0x3FAC] =	sst s0;
	s0 =	simm.s32 @!p1 $0x0  }
0x14: {  	s2 =	sld [smem:$0x3F90];
	s0 =	simm.s32 @p1 $0x1  }
0x15: {  	[smem:$0x3FAD] =	sst s0;
	s0 =	simm.s32 @!p2 $0x0  }
0x16: {  	s3 =	sld [smem:$0x3FDB];
	s0 =	simm.s32 @p2 $0x1  }
0x17: {  	s4 =	simm.s32 $0x1BF5;
	[smem:$0x3FAF] =	sst s0  }
0x18: {  	s0 =	sld [smem:$0x3F92];
	_ =	swait.ge [sflag:s4], $0x0  }
0x19: {  	s7 =	sld [smem:$0x3F93]  }
0x1a: {  	s8 =	sadd.s32 $0xFFFFE003, lr  }
0x1b: {  	s9 =	sadd.s32 $0xFFFFFEF7, lr;
	s5 =	simm.s32 $0xFFFFFFFF;
	p2 =	slt.u32 s8, $0xFFFFF086  }
0x1c: {  	p1 =	slt.u32 s9, $0xF7A;
	s5 =	simm.s32 @!p2 $0x0  }
0x1d: {  	s5 =	simm.s32 @p1 $0x1;
	p0 =	seq.s32 s7, s2  }
0x1e: {  	s7 =	smul.u32 @!p0 $0xF7A, s2;
	p2 =	seq.s32 @!p0 s5, $0x0  }
0x1f: {  	s9 =	smul.u32 $0xF7A, s1;
	s8 =	simm.s32 @!p0 $0x1BF5;
	p2 =	por !p2, p0  }
0x20: {  	[sflag:s8] =	ssyncset.s32 @!p0 $0xFFFFF086;
	s6 =	sadd.s32 @!p0 s3, s7;
	s7 =	simm.s32 @!p0 $0x108  }
0x21: {  	s3 =	sadd.s32 s3, s9;
	s6 =	sadd.s32 @!p0 $0x88, s6;
	s7 =	simm.s32 @p2 $0x1082  }
0x22: {  	[simem:s7], [sflag:s8] =	dma.local @!p0 [hbm:s6], $0xF7A  }
0x23: {  	s9 =	sor.u32 $0xD0000000, s2;
	s6 =	simm.s32 $0x108;
	_ =	swait.ge @!p0 [sflag:s8], $0x0  }
0x24: {  	s3 =	sadd.s32 $0x88, s3;
	s6 =	simm.s32 @!p1 $0x1082;
	[sflag:s4] =	ssyncset.s32 $0xFFFFF086  }
0x25: {  	[simem:s6], [sflag:s4] =	dma.local [hbm:s3], $0xF7A  }
0x26: {  	[smem:$0x3F93] =	sst s1;
	(tag) =	ssettag s2;
	_ =	strace s9  }
0x27: {  	s1 =	sld [smem:$0x3FA3]  }
0x28: {  	s2 =	sld [smem:$0x3FA4]  }
0x29: {  	s4 =	sld [smem:$0x3FA6]  }
0x2a: {  	p0 =	seq.s32 s5, $0x0;
	s5 =	sld [smem:$0x3FA7]  }
0x2b: {  	s6 =	sld [smem:$0x3FA8]  }
0x2c: {  	s7 =	sld [smem:$0x3FA9]  }
0x2d: {  	s3 =	simm.s32 $0x108;
	s8 =	sld [smem:$0x3FAA]  }
0x2e: {  	s3 =	simm.s32 @!p0 $0x1082;
	s9 =	sld [smem:$0x3FAB]  }
0x2f: {  	lr =	sadd.s32 s0, s3;
	s0 =	sld [smem:$0x3FA2]  }
0x30: {  	s3 =	sld [smem:$0x3FA5]  }
0x31: {  	[smem:$0x3FAE] =	sst s10  }
0x32: {  	s10 =	sld [smem:$0x3FAC];
	_ =	sdelay $0x3  }
0x33: {  	p0 =	seq.s32 s10, $0x1;
	s10 =	sld [smem:$0x3FAE];
	_ =	sdelay $0x3  }
0x34: {  	[smem:$0x3FAE] =	sst s10  }
0x35: {  	s10 =	sld [smem:$0x3FAD];
	_ =	sdelay $0x3  }
0x36: {  	p1 =	seq.s32 s10, $0x1;
	s10 =	sld [smem:$0x3FAE];
	_ =	sdelay $0x3  }
0x37: {  	[smem:$0x3FAE] =	sst s10  }
0x38: {  	s10 =	sld [smem:$0x3FAF]  }
0x39: {  	_ = 	snop;
	(pc) =	sbr.ind lr, $3  }
0x3a: {  	_ = 	snop  }
0x3b: {  	_ = 	snop  }
0x3c: {  	p2 =	seq.s32 s10, $0x1;
	s10 =	sld [smem:$0x3FAE]  }
0x3d: {  	_ =	shalt  }
0x3e: {  	_ =	shalt  }
0x3f: {  	_ =	shalt  }
0x40: {  	_ =	shalt  }
0x41: {  	_ =	shalt  }
0x42: {  	_ =	shalt  }
0x43: {  	_ =	shalt  }
0x44: {  	_ =	shalt  }
0x45: {  	_ =	shalt  }
0x46: {  	_ =	shalt  }
0x47: {  	_ =	shalt  }
0x48: {  	_ =	shalt  }
0x49: {  	_ =	shalt  }
0x4a: {  	_ =	shalt  }
0x4b: {  	_ =	shalt  }
0x4c: {  	_ =	shalt  }
0x4d: {  	_ =	shalt  }
0x4e: {  	_ =	shalt  }
0x4f: {  	_ =	shalt  }
0x50: {  	_ =	shalt  }
0x51: {  	_ =	shalt  }
0x52: {  	_ =	shalt  }
0x53: {  	_ =	shalt  }
0x54: {  	_ =	shalt  }
0x55: {  	_ =	shalt  }
0x56: {  	_ =	shalt  }
0x57: {  	_ =	shalt  }
0x58: {  	_ =	shalt  }
0x59: {  	_ =	shalt  }
0x5a: {  	_ =	shalt  }
0x5b: {  	_ =	shalt  }
0x5c: {  	_ =	shalt  }
0x5d: {  	_ =	shalt  }
0x5e: {  	_ =	shalt  }
0x5f: {  	_ =	shalt  }
0x60: {  	_ =	shalt  }
0x61: {  	_ =	shalt  }
0x62: {  	_ =	shalt  }
0x63: {  	_ =	shalt  }
0x64: {  	_ =	shalt  }
0x65: {  	_ =	shalt  }
0x66: {  	_ =	shalt  }
0x67: {  	_ =	shalt  }
0x68: {  	_ =	shalt  }
0x69: {  	_ =	shalt  }
0x6a: {  	_ =	shalt  }
0x6b: {  	_ =	shalt  }
0x6c: {  	_ =	shalt  }
0x6d: {  	_ =	shalt  }
0x6e: {  	_ =	shalt  }
0x6f: {  	_ =	shalt  }
0x70: {  	_ =	shalt  }
0x71: {  	_ =	shalt  }
0x72: {  	_ =	shalt  }
0x73: {  	_ =	shalt  }
0x74: {  	_ =	shalt  }
0x75: {  	_ =	shalt  }
0x76: {  	_ =	shalt  }
0x77: {  	_ =	shalt  }
0x78: {  	_ =	shalt  }
0x79: {  	_ =	shalt  }
0x7a: {  	_ =	shalt  }
0x7b: {  	_ =	shalt  }
0x7c: {  	_ =	shalt  }
0x7d: {  	_ =	shalt  }
0x7e: {  	_ =	shalt  }
0x7f: {  	_ =	shalt  }
0x80: {  	_ =	shalt  }
0x81: {  	_ =	shalt  }
0x82: {  	_ =	shalt  }
0x83: {  	_ =	shalt  }
0x84: {  	_ =	shalt  }
0x85: {  	_ =	shalt  }
0x86: {  	_ =	shalt  }
0x87: {  	_ =	shalt  }
.Lfunc_end0:
.L_simem_size_0:
called_computation.4_lowered:
.L_overlay_start_0:
0x88: {  	s2 =	sld [smem:$0x3FD9]  }
0x89: {  	s3 =	sld [smem:$0x3FFE];
	_ =	sdelay $0x1  }
0x8a: {  	s1 =	srdreg.scid  }
0x8b: {  	s0 =	sand.u32 $0x1, s1  }
0x8c: {  	s14 =	sshll.u32 s0, $0xA;
	s2 =	sadd.s32 s3, s2  }
0x8d: {  	s2 =	sadd.s32 s2, s14  }
0x8e: {  	[smem:$0x3FBA] =	sst s2  }
0x8f: {  	_ = 	snop  }
0x90: {  	s2 =	sld [smem:$0x3FD0];
	_ =	sdelay $0x2  }
0x91: {  	s15 =	simm.s32 $0xB;
	s4 =	simm.s32 $0x10  }
0x92: {  	[smem:s4], [sflag:s15] =	dma.local [hbm:s2], $0x1  }
0x93: {  	_ =	swait.eq [sflag:s15], $0x1  }
0x94: {  	[sflag:s15] =	ssyncset.done $0x0  }
0x95: {  	s16 =	sld [smem:$0x10];
	[sflag:s15] =	ssyncadd.s32 $0xFFFFFFFF  }
0x96: {  	s17 =	sld [smem:$0x11];
	(tm) =	ssettm $0x1  }
0x97: {  	s18 =	sld [smem:$0x3FFB];
	_ =	sdelay $0x3  }
0x98: {  	_ =	strace s18  }
0x99: {  	s4 =	sld [smem:$0x3FFC];
	_ =	sdelay $0x3  }
0x9a: {  	_ =	strace s4  }
0x9b: {  	s4 =	sld [smem:$0x3FFD];
	_ =	sdelay $0x3  }
0x9c: {  	_ =	strace s4  }
0x9d: {  	_ =	strace $0x8FFFFFFF  }
0x9e: {  	s19 =	sld [smem:$0x3FDB];
	_ =	sdelay $0x1  }
0x9f: {  	s5 =	simm.s32 $_scs_section_size  }
0xa0: {  	s6 =	simm.s32 $_size__tile_overlayer_lowered;
	s7 =	simm.s32 $_tile_overlayer_lowered  }
0xa1: {  	s22 =	simm.s32 $0x1BFF;
	s21 =	sshll.u32 s7, $0x1;
	s4 =	sadd.s32 s5, s19  }
0xa2: {  	s8 =	simm.s32 $0x0;
	s20 =	sshll.u32 s6, $0x1;
	s6 =	sadd.s32 s21, s4  }
0xa3: {  	[timem:s8], [sflag:s22] =	dma.local [hbm:s6], s20  }
0xa4: {  	_ =	swait.ge [sflag:s22], s20  }
0xa5: {  	s5 =	ssub.s32 $0x0, s20;
	[sflag:s22] =	ssyncset.done $0x0  }
0xa6: {  	[sflag:s22] =	ssyncadd.s32 s5;
	_ =	sdelay $0x1  }
0xa7: {  	s23 =	simm.s32 $0x1B8B  }
0xa8: {  	_ =	swait.ge [sflag:s23], $0x1  }
0xa9: {  	[sflag:s23] =	ssyncset.done $0x0  }
0xaa: {  	s25 =	simm.s32 $0x1B8E;
	s24 =	sld [smem:$0x3FFE];
	[sflag:s23] =	ssyncadd.s32 $0xFFFFFFFF  }
0xab: {  	s26 =	simm.s32 $execute0_lowered;
	[smem:$0x3FD2] =	sst s25  }
0xac: {  	s6 =	sshll.u32 s26, $0x1;
	_ =	strace $0x8000004F;
	[dreg:$0x1] =	wrdreg $0xFFFFFFFF  }
0xad: {  	s28 =	simm.s32 $_size_execute0_lowered;
	s4 =	sadd.s32 s4, s6;
	[dreg:$0x0] =	wrdreg $0x0  }
0xae: {  	s6 =	sshll.u32 s28, $0x1;
	[dreg:$0x2] =	wrdreg s4  }
0xaf: {  	[dreg:$0x3] =	wrdreg s6  }
0xb0: {  	[dreg:$0x4] =	wrdreg $0xC0  }
0xb1: {  	_ =	task [dreg:s8], $0x5FFFF  }
0xb2: {  	[dreg:$0x1] =	wrdreg $0xFFFFFFFF  }
0xb3: {  	[dreg:$0x0] =	wrdreg $0x60  }
0xb4: {  	[dreg:$0x2] =	wrdreg s17  }
0xb5: {  	[dreg:$0x3] =	wrdreg s24  }
0xb6: {  	[dreg:$0x4] =	wrdreg s16  }
0xb7: {  	[dreg:$0x5] =	wrdreg $0xA  }
0xb8: {  	_ =	task.clear_ibuf [dreg:s8], $0x6FFFF;
	_ =	strace $0x9000004F  }
0xb9: {  	s29 =	simm.s32 $0xA;
	_ =	strace $0x80000051  }
0xba: {  	_ =	swait.ge [sflag:s29], $0x1  }
0xbb: {  	[sflag:s29] =	ssyncadd.s32 $0xFFFFFFFF  }
0xbc: {  	_ =	strace $0x90000051  }
0xbd: {  	_ =	sfence  }
0xbe: {  	s30 =	sld [smem:$0x0];
	_ =	sdelay $0x2  }
0xbf: {  	s31 =	sshll.u32 s1, $0xD;
	s1 =	sshrl.u32 s1, $0x2  }
0xc0: {  	s3 =	sand.u32 $0x4000, s31;
	s1 =	sadd.s32 s1, s30  }
0xc1: {  	s0 =	sor.u32 s3, s0;
	s1 =	sshll.u32 s1, $0x11  }
0xc2: {  	s0 =	sor.u32 s1, s0  }
0xc3: {  	s0 =	sadd.s32 $0x8F2B, s0  }
0xc4: {  	[sflag:s0] =	ssyncadd.remote.s32 $0x1  }
0xc5: {  	_ =	sfence.sel $0xFFFF  }
0xc6: {  	[dreg:$0x0] =	wrdreg $0xFFFFFFFF;
	(pc) =	sbr.abs _section_cstart, $3  }
0xc7: {  	[dreg:$0x1] =	wrdreg $0xFFFFFFFF  }
0xc8: {  	_ =	task.clear_ibuf [dreg:s8], $0x2FFFF;
	_ =	strace $0x9FFFFFFF  }
0xc9: {  	(tm) =	ssettm $0x7FFFFFFF  }
tec
execute0_lowered:
.L_overlay_start_1:
0x0: {  	(tag) =	ssettag $0x1  }
0x1: {  	s0 =	rddreg [dreg:$0x0]  }
0x2: {  	s1 =	srdreg.scid;
	s5 =	rddreg [dreg:$0x1]  }
0x3: {  	s2 =	rddreg [dreg:$0x2];
	s10 =	stileid.u32  }
0x4: {  	s3 =	simm.s32 $0x0;
	s11 =	simm.s32 $0x50;
	s12 =	simm.s32 $0x3800  }
0x5: {  	s13 =	simm.s32 $0x6000;
	s14 =	simm.s32 $0x8800;
	s15 =	simm.s32 $0xB000  }
0x6: {  	s16 =	simm.s32 $0xD800;
	s17 =	simm.s32 $0x1;
	s18 =	simm.s32 $0x2  }
0x7: {  	s19 =	simm.s32 $0x3;
	s20 =	simm.s32 $0x4;
	s21 =	simm.s32 $0x5  }
0x8: {  	s22 =	simm.s32 $0x9;
	s23 =	simm.s32 $0xA;
	s24 =	simm.s32 $0xB  }
0x9: {  	s25 =	simm.s32 $0xC;
	s26 =	simm.s32 $0xD;
	s28 =	simm.s32 $0x11  }
0xa: {  	s29 =	simm.s32 $0x0;
	s1 =	sand.u32 $0x1, s1;
	[smem:$0x7FF] =	sst s3  }
0xb: {  	s4 =	sshll.u32 s1, $0x4;
	_ =	strace $0x80000050;
	s8 =	smul.u32 $0xFA000, s1  }
0xc: {  	s1 =	ssub.s32 $0x2, s1;
	s4 =	sor.u32 s10, s4;
	s10 =	smul.u32 $0xFA00, s10  }
0xd: {  	s9 =	sshrl.u32 s1, $0x1;
	s6 =	smul.u32 $0x380, s4;
	s4 =	sadd.s32 $0x2A00, s5  }
0xe: {  	s8 =	sadd.s32 s8, s5;
	s1 =	ssub.s32 s1, s9;
	s9 =	simm.s32 $0x12  }
0xf: {  	s31 =	sadd.s32 s10, s8;
	s7 =	sadd.s32 s6, s5;
	s5 =	sadd.s32 s0, s6  }
0x10: {  	s8 =	sadd.s32 $0x47000, s31;
	s6 =	sadd.s32 $0x40000, s7;
	s7 =	smax.u32 s1, $0x1  }
.LBB2_1:
0x11: {  	[tilespmem:s3], [sflag:$0x12] =	stream.linear.gather [hbm4b:s5+s3], $0x1900, $0x38;
	[tilespmem:$0x10000] =	vst v63  }
0x12: {  	_ =	swait.ge [sflag:s9], $0x1900  }
0x13: {  	[sflag:s9] =	ssyncset.done $0x0  }
0x14: {  	s0 =	simm.s32 $0x1C00;
	[sflag:s9] =	ssyncadd.s32 $0xFFFFE700  }
0x15: {  	[tilespmem:s0], [sflag:$0x12] =	stream.linear.gather [hbm4b:s6+s3], $0x1900, $0x38;
	[tilespmem:$0x10000] =	vst v63  }
0x16: {  	_ =	swait.ge [sflag:s9], $0x1900  }
0x17: {  	[sflag:s9] =	ssyncset.done $0x0  }
0x18: {  	s1 =	simm.s32 $0x0;
	[sflag:s9] =	ssyncadd.s32 $0xFFFFE700  }
0x19: {  	[tilespmem:s12], [sflag:$0x1] =	stream.indirect.gather [hbm4b:s2+s11], $0x80, s1, s11, $0xb8;
	[tilespmem:$0x10000] =	vst v63  }
0x1a: {  	s10 =	simm.s32 $0x80  }
0x1b: {  	[tilespmem:s13], [sflag:$0x2] =	stream.indirect.gather [hbm4b:s2+s11], $0x80, s10, s11, $0xb8;
	[tilespmem:$0x10000] =	vst v63  }
0x1c: {  	s1 =	simm.s32 $0x100  }
0x1d: {  	[tilespmem:s14], [sflag:$0x3] =	stream.indirect.gather [hbm4b:s2+s11], $0x80, s1, s11, $0xb8;
	[tilespmem:$0x10000] =	vst v63  }
0x1e: {  	s10 =	simm.s32 $0x180  }
0x1f: {  	[tilespmem:s15], [sflag:$0x4] =	stream.indirect.gather [hbm4b:s2+s11], $0x80, s10, s11, $0xb8;
	[tilespmem:$0x10000] =	vst v63  }
0x20: {  	s1 =	simm.s32 $0x200  }
0x21: {  	[tilespmem:s16], [sflag:$0x5] =	stream.indirect.gather [hbm4b:s2+s11], $0x80, s1, s11, $0xb8;
	[tilespmem:$0x10000] =	vst v63  }
0x22: {  	_ =	swait.ge [sflag:s17], $0x2800  }
0x23: {  	[sflag:s17] =	ssyncset.done $0x0  }
0x24: {  	s10 =	simm.s32 $0x1C00;
	[sflag:s17] =	ssyncadd.s32 $0xFFFFD800  }
0x25: {  	[tilespmem:s12], [sflag:$0x9] =	stream.indirect.gather.add.f32 [hbm:s4], $0x80, s10, s11, $0xb8;
	[tilespmem:$0x10000] =	vst v63  }
0x26: {  	_ =	swait.ge [sflag:s18], $0x2800  }
0x27: {  	[sflag:s18] =	ssyncset.done $0x0  }
0x28: {  	s1 =	simm.s32 $0x1C80;
	[sflag:s18] =	ssyncadd.s32 $0xFFFFD800  }
0x29: {  	[tilespmem:s13], [sflag:$0xA] =	stream.indirect.gather.add.f32 [hbm:s4], $0x80, s1, s11, $0xb8;
	[tilespmem:$0x10000] =	vst v63  }
0x2a: {  	_ =	swait.ge [sflag:s19], $0x2800  }
0x2b: {  	[sflag:s19] =	ssyncset.done $0x0  }
0x2c: {  	s10 =	simm.s32 $0x1D00;
	[sflag:s19] =	ssyncadd.s32 $0xFFFFD800  }
0x2d: {  	[tilespmem:s14], [sflag:$0xB] =	stream.indirect.gather.add.f32 [hbm:s4], $0x80, s10, s11, $0xb8;
	[tilespmem:$0x10000] =	vst v63  }
0x2e: {  	_ =	swait.ge [sflag:s20], $0x2800  }
0x2f: {  	[sflag:s20] =	ssyncset.done $0x0  }
0x30: {  	s1 =	simm.s32 $0x1D80;
	[sflag:s20] =	ssyncadd.s32 $0xFFFFD800  }
0x31: {  	[tilespmem:s15], [sflag:$0xC] =	stream.indirect.gather.add.f32 [hbm:s4], $0x80, s1, s11, $0xb8;
	[tilespmem:$0x10000] =	vst v63  }
0x32: {  	_ =	swait.ge [sflag:s21], $0x2800  }
0x33: {  	[sflag:s21] =	ssyncset.done $0x0  }
0x34: {  	s10 =	simm.s32 $0x1E00;
	[sflag:s21] =	ssyncadd.s32 $0xFFFFD800  }
0x35: {  	[tilespmem:s16], [sflag:$0xD] =	stream.indirect.gather.add.f32 [hbm:s4], $0x80, s10, s11, $0xb8;
	[tilespmem:$0x10000] =	vst v63  }
0x36: {  	_ =	swait.ge [sflag:s22], $0x2800  }
0x37: {  	[sflag:s22] =	ssyncset.done $0x0  }
0x38: {  	[sflag:s22] =	ssyncadd.s32 $0xFFFFD800  }
0x39: {  	[hbm4b:s8+s3] =	stream.linear.scatter [tilespmem:s12], [sflag:$0x11], $0x2800, $0x38;
	[tilespmem:$0x10000] =	vst v63  }
0x3a: {  	_ =	swait.ge [sflag:s23], $0x2800  }
0x3b: {  	[sflag:s23] =	ssyncset.done $0x0  }
0x3c: {  	s1 =	sadd.s32 $0x500, s8;
	[sflag:s23] =	ssyncadd.s32 $0xFFFFD800  }
0x3d: {  	[hbm4b:s1+s3] =	stream.linear.scatter [tilespmem:s13], [sflag:$0x11], $0x2800, $0x38;
	[tilespmem:$0x10000] =	vst v63  }
0x3e: {  	_ =	swait.ge [sflag:s24], $0x2800  }
0x3f: {  	[sflag:s24] =	ssyncset.done $0x0  }
0x40: {  	s10 =	sadd.s32 $0xA00, s8;
	[sflag:s24] =	ssyncadd.s32 $0xFFFFD800  }
0x41: {  	[hbm4b:s10+s3] =	stream.linear.scatter [tilespmem:s14], [sflag:$0x11], $0x2800, $0x38;
	[tilespmem:$0x10000] =	vst v63  }
0x42: {  	_ =	swait.ge [sflag:s25], $0x2800  }
0x43: {  	[sflag:s25] =	ssyncset.done $0x0  }
0x44: {  	s1 =	sadd.s32 $0xF00, s8;
	[sflag:s25] =	ssyncadd.s32 $0xFFFFD800  }
0x45: {  	[hbm4b:s1+s3] =	stream.linear.scatter [tilespmem:s15], [sflag:$0x11], $0x2800, $0x38;
	[tilespmem:$0x10000] =	vst v63  }
0x46: {  	_ =	swait.ge [sflag:s26], $0x2800  }
0x47: {  	[sflag:s26] =	ssyncset.done $0x0  }
0x48: {  	s10 =	sadd.s32 $0x1400, s8;
	[sflag:s26] =	ssyncadd.s32 $0xFFFFD800  }
0x49: {  	[hbm4b:s10+s3] =	stream.linear.scatter [tilespmem:s16], [sflag:$0x11], $0x2800, $0x38;
	[tilespmem:$0x10000] =	vst v63  }
0x4a: {  	_ =	swait.ge [sflag:s28], $0x2800  }
0x4b: {  	[sflag:s28] =	ssyncset.done $0x0  }
0x4c: {  	[sflag:s28] =	ssyncadd.s32 $0xFFFFD800  }
0x4d: {  	_ =	swait.ge [sflag:s28], $0x2800  }
0x4e: {  	[sflag:s28] =	ssyncset.done $0x0  }
0x4f: {  	[sflag:s28] =	ssyncadd.s32 $0xFFFFD800  }
0x50: {  	_ =	swait.ge [sflag:s28], $0x2800  }
0x51: {  	[sflag:s28] =	ssyncset.done $0x0  }
0x52: {  	[sflag:s28] =	ssyncadd.s32 $0xFFFFD800  }
0x53: {  	_ =	swait.ge [sflag:s28], $0x2800  }
0x54: {  	[sflag:s28] =	ssyncset.done $0x0  }
0x55: {  	[sflag:s28] =	ssyncadd.s32 $0xFFFFD800  }
0x56: {  	s31 =	simm.s32 $0xA00;
	_ =	swait.ge [sflag:s28], $0x2800  }
0x57: {  	s30 =	sadd.s32 $0x1900, s8;
	s0 =	simm.s32 $0x1400;
	[sflag:s28] =	ssyncset.done $0x0  }
.LBB2_2:
0x58: {  	s1 =	sshra.s32 s31, $0x2  }
0x59: {  	[sflag:s28] =	ssyncadd.s32 $0xFFFFD800;
	s31 =	smov.u32 s0;
	s10 =	sadd.s32 $0xA00, s0  }
0x5a: {  	[tilespmem:s12], [sflag:$0x1] =	stream.indirect.gather [hbm4b:s2+s11], $0x80, s1, s11, $0xb8;
	[tilespmem:$0x10000] =	vst v63  }
0x5b: {  	p0 =	sne.s32 s0, $0x5A00;
	s0 =	sadd.s32 $0x80, s1  }
0x5c: {  	[tilespmem:s13], [sflag:$0x2] =	stream.indirect.gather [hbm4b:s2+s11], $0x80, s0, s11, $0xb8;
	[tilespmem:$0x10000] =	vst v63  }
0x5d: {  	s0 =	sadd.s32 $0x100, s1  }
0x5e: {  	[tilespmem:s14], [sflag:$0x3] =	stream.indirect.gather [hbm4b:s2+s11], $0x80, s0, s11, $0xb8;
	[tilespmem:$0x10000] =	vst v63  }
0x5f: {  	s0 =	sadd.s32 $0x180, s1  }
0x60: {  	[tilespmem:s15], [sflag:$0x4] =	stream.indirect.gather [hbm4b:s2+s11], $0x80, s0, s11, $0xb8;
	[tilespmem:$0x10000] =	vst v63  }
0x61: {  	s0 =	sadd.s32 $0x200, s1  }
0x62: {  	[tilespmem:s16], [sflag:$0x5] =	stream.indirect.gather [hbm4b:s2+s11], $0x80, s0, s11, $0xb8;
	[tilespmem:$0x10000] =	vst v63  }
0x63: {  	_ =	swait.ge [sflag:s17], $0x2800  }
0x64: {  	[sflag:s17] =	ssyncset.done $0x0  }
0x65: {  	s0 =	sadd.s32 $0x1C00, s1;
	[sflag:s17] =	ssyncadd.s32 $0xFFFFD800  }
0x66: {  	[tilespmem:s12], [sflag:$0x9] =	stream.indirect.gather.add.f32 [hbm:s4], $0x80, s0, s11, $0xb8;
	[tilespmem:$0x10000] =	vst v63  }
0x67: {  	_ =	swait.ge [sflag:s18], $0x2800  }
0x68: {  	[sflag:s18] =	ssyncset.done $0x0  }
0x69: {  	s0 =	sadd.s32 $0x1C80, s1;
	[sflag:s18] =	ssyncadd.s32 $0xFFFFD800  }
0x6a: {  	[tilespmem:s13], [sflag:$0xA] =	stream.indirect.gather.add.f32 [hbm:s4], $0x80, s0, s11, $0xb8;
	[tilespmem:$0x10000] =	vst v63  }
0x6b: {  	_ =	swait.ge [sflag:s19], $0x2800  }
0x6c: {  	[sflag:s19] =	ssyncset.done $0x0  }
0x6d: {  	s0 =	sadd.s32 $0x1D00, s1;
	[sflag:s19] =	ssyncadd.s32 $0xFFFFD800  }
0x6e: {  	[tilespmem:s14], [sflag:$0xB] =	stream.indirect.gather.add.f32 [hbm:s4], $0x80, s0, s11, $0xb8;
	[tilespmem:$0x10000] =	vst v63  }
0x6f: {  	_ =	swait.ge [sflag:s20], $0x2800  }
0x70: {  	[sflag:s20] =	ssyncset.done $0x0  }
0x71: {  	s0 =	sadd.s32 $0x1D80, s1;
	[sflag:s20] =	ssyncadd.s32 $0xFFFFD800  }
0x72: {  	[tilespmem:s15], [sflag:$0xC] =	stream.indirect.gather.add.f32 [hbm:s4], $0x80, s0, s11, $0xb8;
	[tilespmem:$0x10000] =	vst v63  }
0x73: {  	_ =	swait.ge [sflag:s21], $0x2800  }
0x74: {  	[sflag:s21] =	ssyncset.done $0x0  }
0x75: {  	s0 =	sadd.s32 $0x1E00, s1;
	[sflag:s21] =	ssyncadd.s32 $0xFFFFD800  }
0x76: {  	[tilespmem:s16], [sflag:$0xD] =	stream.indirect.gather.add.f32 [hbm:s4], $0x80, s0, s11, $0xb8;
	[tilespmem:$0x10000] =	vst v63  }
0x77: {  	_ =	swait.ge [sflag:s22], $0x2800  }
0x78: {  	[sflag:s22] =	ssyncset.done $0x0  }
0x79: {  	[sflag:s22] =	ssyncadd.s32 $0xFFFFD800  }
0x7a: {  	[hbm4b:s30+s3] =	stream.linear.scatter [tilespmem:s12], [sflag:$0x11], $0x2800, $0x38;
	[tilespmem:$0x10000] =	vst v63  }
0x7b: {  	_ =	swait.ge [sflag:s23], $0x2800  }
0x7c: {  	[sflag:s23] =	ssyncset.done $0x0  }
0x7d: {  	s0 =	sadd.s32 $0x500, s30;
	[sflag:s23] =	ssyncadd.s32 $0xFFFFD800  }
0x7e: {  	[hbm4b:s0+s3] =	stream.linear.scatter [tilespmem:s13], [sflag:$0x11], $0x2800, $0x38;
	[tilespmem:$0x10000] =	vst v63  }
0x7f: {  	_ =	swait.ge [sflag:s24], $0x2800  }
0x80: {  	[sflag:s24] =	ssyncset.done $0x0  }
0x81: {  	s0 =	sadd.s32 $0xA00, s30;
	[sflag:s24] =	ssyncadd.s32 $0xFFFFD800  }
0x82: {  	[hbm4b:s0+s3] =	stream.linear.scatter [tilespmem:s14], [sflag:$0x11], $0x2800, $0x38;
	[tilespmem:$0x10000] =	vst v63  }
0x83: {  	_ =	swait.ge [sflag:s25], $0x2800  }
0x84: {  	[sflag:s25] =	ssyncset.done $0x0  }
0x85: {  	s0 =	sadd.s32 $0xF00, s30;
	[sflag:s25] =	ssyncadd.s32 $0xFFFFD800  }
0x86: {  	[hbm4b:s0+s3] =	stream.linear.scatter [tilespmem:s15], [sflag:$0x11], $0x2800, $0x38;
	[tilespmem:$0x10000] =	vst v63  }
0x87: {  	_ =	swait.ge [sflag:s26], $0x2800  }
0x88: {  	[sflag:s26] =	ssyncset.done $0x0  }
0x89: {  	s0 =	sadd.s32 $0x1400, s30;
	[sflag:s26] =	ssyncadd.s32 $0xFFFFD800  }
0x8a: {  	[hbm4b:s0+s3] =	stream.linear.scatter [tilespmem:s16], [sflag:$0x11], $0x2800, $0x38;
	[tilespmem:$0x10000] =	vst v63  }
0x8b: {  	_ =	swait.ge [sflag:s28], $0x2800  }
0x8c: {  	[sflag:s28] =	ssyncset.done $0x0  }
0x8d: {  	[sflag:s28] =	ssyncadd.s32 $0xFFFFD800  }
0x8e: {  	_ =	swait.ge [sflag:s28], $0x2800  }
0x8f: {  	[sflag:s28] =	ssyncset.done $0x0  }
0x90: {  	[sflag:s28] =	ssyncadd.s32 $0xFFFFD800  }
0x91: {  	_ =	swait.ge [sflag:s28], $0x2800  }
0x92: {  	[sflag:s28] =	ssyncset.done $0x0  }
0x93: {  	[sflag:s28] =	ssyncadd.s32 $0xFFFFD800  }
.Ltmp0:
0x94: {  	_ =	swait.ge [sflag:s28], $0x2800;
	(pc) =	sbr.rel @p0 .LBB2_2-.Ltmp0, $4  }
0x95: {  	[sflag:s28] =	ssyncset.done $0x0  }
0x96: {  	[sflag:s28] =	ssyncadd.s32 $0xFFFFD800  }
0x97: {  	_ =	swait.ge [sflag:s28], $0x2800  }
0x98: {  	s30 =	sadd.s32 $0x1900, s30;
	s0 =	smov.u32 s10;
	[sflag:s28] =	ssyncset.done $0x0  }
0x99: {  	s0 =	sshra.s32 s31, $0x2;
	[sflag:s28] =	ssyncadd.s32 $0xFFFFD800  }
0x9a: {  	[tilespmem:s12], [sflag:$0x1] =	stream.indirect.gather [hbm4b:s2+s11], $0x80, s0, s11, $0xb8;
	[tilespmem:$0x10000] =	vst v63  }
0x9b: {  	s1 =	sadd.s32 $0x80, s0  }
0x9c: {  	[tilespmem:s13], [sflag:$0x2] =	stream.indirect.gather [hbm4b:s2+s11], $0x80, s1, s11, $0xb8;
	[tilespmem:$0x10000] =	vst v63  }
0x9d: {  	s10 =	sadd.s32 $0x100, s0  }
0x9e: {  	[tilespmem:s14], [sflag:$0x3] =	stream.indirect.gather [hbm4b:s2+s11], $0x80, s10, s11, $0xb8;
	[tilespmem:$0x10000] =	vst v63  }
0x9f: {  	s31 =	sadd.s32 $0x180, s0  }
0xa0: {  	[tilespmem:s15], [sflag:$0x4] =	stream.indirect.gather [hbm4b:s2+s11], $0x80, s31, s11, $0xb8;
	[tilespmem:$0x10000] =	vst v63  }
0xa1: {  	s10 =	sadd.s32 $0x200, s0  }
0xa2: {  	[tilespmem:s16], [sflag:$0x5] =	stream.indirect.gather [hbm4b:s2+s11], $0x80, s10, s11, $0xb8;
	[tilespmem:$0x10000] =	vst v63  }
0xa3: {  	_ =	swait.ge [sflag:s17], $0x2800  }
0xa4: {  	[sflag:s17] =	ssyncset.done $0x0  }
0xa5: {  	s31 =	sadd.s32 $0x1C00, s0;
	[sflag:s17] =	ssyncadd.s32 $0xFFFFD800  }
0xa6: {  	[tilespmem:s12], [sflag:$0x9] =	stream.indirect.gather.add.f32 [hbm:s4], $0x80, s31, s11, $0xb8;
	[tilespmem:$0x10000] =	vst v63  }
0xa7: {  	_ =	swait.ge [sflag:s18], $0x2800  }
0xa8: {  	[sflag:s18] =	ssyncset.done $0x0  }
0xa9: {  	s10 =	sadd.s32 $0x1C80, s0;
	[sflag:s18] =	ssyncadd.s32 $0xFFFFD800  }
0xaa: {  	[tilespmem:s13], [sflag:$0xA] =	stream.indirect.gather.add.f32 [hbm:s4], $0x80, s10, s11, $0xb8;
	[tilespmem:$0x10000] =	vst v63  }
0xab: {  	_ =	swait.ge [sflag:s19], $0x2800  }
0xac: {  	[sflag:s19] =	ssyncset.done $0x0  }
0xad: {  	s31 =	sadd.s32 $0x1D00, s0;
	[sflag:s19] =	ssyncadd.s32 $0xFFFFD800  }
0xae: {  	[tilespmem:s14], [sflag:$0xB] =	stream.indirect.gather.add.f32 [hbm:s4], $0x80, s31, s11, $0xb8;
	[tilespmem:$0x10000] =	vst v63  }
0xaf: {  	_ =	swait.ge [sflag:s20], $0x2800  }
0xb0: {  	[sflag:s20] =	ssyncset.done $0x0  }
0xb1: {  	s10 =	sadd.s32 $0x1D80, s0;
	[sflag:s20] =	ssyncadd.s32 $0xFFFFD800  }
0xb2: {  	[tilespmem:s15], [sflag:$0xC] =	stream.indirect.gather.add.f32 [hbm:s4], $0x80, s10, s11, $0xb8;
	[tilespmem:$0x10000] =	vst v63  }
0xb3: {  	_ =	swait.ge [sflag:s21], $0x2800  }
0xb4: {  	[sflag:s21] =	ssyncset.done $0x0  }
0xb5: {  	s0 =	sadd.s32 $0x1E00, s0;
	[sflag:s21] =	ssyncadd.s32 $0xFFFFD800  }
0xb6: {  	[tilespmem:s16], [sflag:$0xD] =	stream.indirect.gather.add.f32 [hbm:s4], $0x80, s0, s11, $0xb8;
	[tilespmem:$0x10000] =	vst v63  }
0xb7: {  	_ =	swait.ge [sflag:s22], $0x2800  }
0xb8: {  	[sflag:s22] =	ssyncset.done $0x0  }
0xb9: {  	[sflag:s22] =	ssyncadd.s32 $0xFFFFD800  }
0xba: {  	[hbm4b:s30+s3] =	stream.linear.scatter [tilespmem:s12], [sflag:$0x11], $0x2800, $0x38;
	[tilespmem:$0x10000] =	vst v63  }
0xbb: {  	_ =	swait.ge [sflag:s23], $0x2800  }
0xbc: {  	[sflag:s23] =	ssyncset.done $0x0  }
0xbd: {  	s31 =	sadd.s32 $0x500, s30;
	[sflag:s23] =	ssyncadd.s32 $0xFFFFD800  }
0xbe: {  	[hbm4b:s31+s3] =	stream.linear.scatter [tilespmem:s13], [sflag:$0x11], $0x2800, $0x38;
	[tilespmem:$0x10000] =	vst v63  }
0xbf: {  	_ =	swait.ge [sflag:s24], $0x2800  }
0xc0: {  	[sflag:s24] =	ssyncset.done $0x0  }
0xc1: {  	s1 =	sadd.s32 $0xA00, s30;
	[sflag:s24] =	ssyncadd.s32 $0xFFFFD800  }
0xc2: {  	[hbm4b:s1+s3] =	stream.linear.scatter [tilespmem:s14], [sflag:$0x11], $0x2800, $0x38;
	[tilespmem:$0x10000] =	vst v63  }
0xc3: {  	_ =	swait.ge [sflag:s25], $0x2800  }
0xc4: {  	[sflag:s25] =	ssyncset.done $0x0  }
0xc5: {  	s10 =	sadd.s32 $0xF00, s30;
	[sflag:s25] =	ssyncadd.s32 $0xFFFFD800  }
0xc6: {  	[hbm4b:s10+s3] =	stream.linear.scatter [tilespmem:s15], [sflag:$0x11], $0x2800, $0x38;
	[tilespmem:$0x10000] =	vst v63  }
0xc7: {  	_ =	swait.ge [sflag:s26], $0x2800  }
0xc8: {  	[sflag:s26] =	ssyncset.done $0x0  }
0xc9: {  	s31 =	sadd.s32 $0x1400, s30;
	[sflag:s26] =	ssyncadd.s32 $0xFFFFD800  }
0xca: {  	[hbm4b:s31+s3] =	stream.linear.scatter [tilespmem:s16], [sflag:$0x11], $0x2800, $0x38;
	[tilespmem:$0x10000] =	vst v63  }
0xcb: {  	_ =	swait.ge [sflag:s28], $0x2800  }
0xcc: {  	[sflag:s28] =	ssyncset.done $0x0  }
0xcd: {  	[sflag:s28] =	ssyncadd.s32 $0xFFFFD800  }
0xce: {  	_ =	swait.ge [sflag:s28], $0x2800  }
0xcf: {  	[sflag:s28] =	ssyncset.done $0x0  }
0xd0: {  	[sflag:s28] =	ssyncadd.s32 $0xFFFFD800  }
0xd1: {  	_ =	swait.ge [sflag:s28], $0x2800  }
0xd2: {  	[sflag:s28] =	ssyncset.done $0x0  }
0xd3: {  	s29 =	sadd.s32 $0x1, s29;
	[sflag:s28] =	ssyncadd.s32 $0xFFFFD800  }
0xd4: {  	p0 =	sne.s32 s29, s7;
	_ =	swait.ge [sflag:s28], $0x2800  }
.Ltmp1:
0xd5: {  	[sflag:s28] =	ssyncset.done $0x0;
	(pc) =	sbr.rel @p0 .LBB2_1-.Ltmp1, $4  }
0xd6: {  	[sflag:s28] =	ssyncadd.s32 $0xFFFFD800  }
0xd7: {  	_ =	swait.ge [sflag:s28], $0x2800  }
0xd8: {  	[sflag:s28] =	ssyncset.done $0x0  }
0xd9: {  	[sflag:s28] =	ssyncadd.s32 $0xFFFFD800  }
0xda: {  	_ =	sfence.sel $0x180000  }
0xdb: {  	[bflag:$0x0] =	sbarrier.arrive $0xFFFF  }
0xdc: {  	_ =	strace $0x90000050  }
0xdd: {  	s0 =	stileid.u32;
	[bflag:$0x2] =	sbarrier.arrive $0xFFFF  }
0xde: {  	p0 =	sne.s32 s0, $0x0;
	s0 =	rddreg [dreg:$0x3]  }
0xdf: {  	s0 =	sadd.s32 @!p0 $0x100000, s0  }
0xe0: {  	[sflag:s0] =	ssyncadd.tile.s32 @!p0 $0x1;
	_ =	shalt  }
.Lfunc_end2:
_tile_overlayer_lowered:
.L_overlay_start_2:
0xe1: {  	(tag) =	ssettag $0x2  }
0xe2: {  	s0 =	rddreg [dreg:$0x0];
	s2 =	stileid.u32  }
0xe3: {  	s1 =	rddreg [dreg:$0x1];
	p0 =	sne.s32 s2, $0x0  }
0xe4: {  	s3 =	rddreg [dreg:$0x2];
	[bflag:$0x3] =	sbarrier.arrive $0xFFFF;
	s2 =	simm.s32 @!p0 $0x1C12  }
0xe5: {  	[timem:s3], [sflag:s2] =	dma.local @!p0 [hbm:s0], s1  }
0xe6: {  	s0 =	simm.s32 @!p0 $0x12  }
0xe7: {  	_ =	swait.ge @!p0 [sflag:s0], s1  }
0xe8: {  	s1 =	ssub.s32 @!p0 $0x0, s1;
	[sflag:s0] =	ssyncset.done @!p0 $0x0  }
0xe9: {  	[sflag:s0] =	ssyncadd.s32 @!p0 s1  }
0xea: {  	[bflag:$0x3] =	sbarrier.arrive $0xFFFF  }
0xeb: {  	_ =	shalt  }

</sc_bundles>
